<compile_context>
chip_gen: v7x
topology: tpu7x:2x2x1
jax: 0.10.2.dev20260603
libtpu: 0.0.44.dev20260713+nightly
codegen_flags: <defaults>
</compile_context>

<pallas_src>
import functools

import jax
import jax.numpy as jnp
from jax import lax
from jax.experimental import pallas as pl
from jax.experimental.pallas import tpu as pltpu
from jax.experimental.pallas import tpu_sc as plsc

F32 = jnp.float32
_TN = 1024
_K1 = 6
_K2 = 4
_TW = 128
_NW = 32
_CHUNK = 128


def _first_step():
    return (pl.program_id(0) == 0) & (pl.program_id(1) == 0)


_TNK = 512


def _topk_idx(q, xt, k, m):
    d = -2.0 * jnp.dot(q, xt, preferred_element_type=F32)
    d = d + jnp.sum(q * q, axis=1, keepdims=True)
    d = d + jnp.sum(xt * xt, axis=0, keepdims=True)
    iota = lax.broadcasted_iota(jnp.int32, d.shape, 1)
    cols = []
    for _ in range(k):
        am = jnp.argmin(d, axis=1)[:, None]
        cols.append(am)
        d = jnp.where(iota == am, jnp.inf, d)
    return jnp.concatenate(cols, axis=1) + pl.program_id(0) * m


def _knn_body(q_ref, fxt_ref, wxt_ref, fp_ref, fx_ref,
              idx1_ref, idx2_ref, tab_ref, *, m):
    q = q_ref[0]
    idx1_ref[0] = _topk_idx(q, fxt_ref[0], _K1, m)
    idx2_ref[0] = _topk_idx(q, wxt_ref[0], _K2, m)
    fp = fp_ref[0]
    fx = fx_ref[0]
    pad = jnp.zeros((fp.shape[0], _TW - 72), F32)
    tab_ref[...] = jnp.concatenate([fp, fx, pad], axis=1)


def _knn_call(wxyz8, fxyzT, wxyzT, f2_points, fxyz8):
    b, n, _ = wxyz8.shape
    m = fxyzT.shape[2]
    nt = n // _TNK
    return pl.pallas_call(
        functools.partial(_knn_body, m=m),
        grid=(b, nt),
        in_specs=[
            pl.BlockSpec((1, _TNK, 8), lambda bb, i: (bb, i, 0)),
            pl.BlockSpec((1, 8, m), lambda bb, i: (bb, 0, 0)),
            pl.BlockSpec((1, 8, m), lambda bb, i: (bb, 0, 0)),
            pl.BlockSpec((1, _TNK, 64), lambda bb, i: (bb, i, 0)),
            pl.BlockSpec((1, _TNK, 8), lambda bb, i: (bb, i, 0)),
        ],
        out_specs=[
            pl.BlockSpec((1, _TNK, _K1), lambda bb, i: (bb, i, 0)),
            pl.BlockSpec((1, _TNK, _K2), lambda bb, i: (bb, i, 0)),
            pl.BlockSpec((_TNK, _TW), lambda bb, i, _nt=nt: (bb * _nt + i, 0)),
        ],
        out_shape=[
            jax.ShapeDtypeStruct((b, n, _K1), jnp.int32),
            jax.ShapeDtypeStruct((b, n, _K2), jnp.int32),
            jax.ShapeDtypeStruct((b * m, _TW), F32),
        ],
    )(wxyz8, fxyzT, wxyzT, f2_points, fxyz8)


def _gather_rows(table, idx):
    rows = idx.shape[0]
    per_w = rows // _NW
    chunks = per_w // _CHUNK
    idx3 = idx.reshape(_NW, chunks, _CHUNK)
    mesh = plsc.VectorSubcoreMesh(core_axis_name="c", subcore_axis_name="s",
                                  num_cores=2)

    @functools.partial(
        pl.kernel, mesh=mesh,
        out_type=jax.ShapeDtypeStruct((rows, _TW), F32),
        scratch_types=[
            pltpu.VMEM((chunks, _CHUNK), jnp.int32),
            pltpu.VMEM((2, _CHUNK, _TW), F32),
            pltpu.SemaphoreType.DMA,
            pltpu.SemaphoreType.DMA,
        ],
    )
    def gk(table_hbm, idx_hbm, out_hbm, idx_v, rows_v, sem0, sem1):
        wid = lax.axis_index("s") * 2 + lax.axis_index("c")
        base = wid * per_w
        pltpu.sync_copy(idx_hbm.at[wid], idx_v)
        sems = (sem0, sem1)
        prev = None
        for j in range(chunks):
            cp = pltpu.async_copy(table_hbm.at[idx_v.at[j]],
                                  rows_v.at[j % 2], sems[j % 2])
            if prev is not None:
                pj, pcp = prev
                pcp.wait()
                pltpu.sync_copy(
                    rows_v.at[pj % 2],
                    out_hbm.at[pl.ds(base + pj * _CHUNK, _CHUNK)])
            prev = (j, cp)
        pj, pcp = prev
        pcp.wait()
        pltpu.sync_copy(rows_v.at[pj % 2],
                        out_hbm.at[pl.ds(base + pj * _CHUNK, _CHUNK)])

    return gk(table, idx3)


def _p1_body(xyz_ref, wp_ref, g_ref, w1a_ref, w1b_ref, w1c_ref, we_ref,
             y1_ref, ye_ref, s1_ref, se_ref):
    @pl.when(_first_step())
    def _():
        s1_ref[...] = jnp.zeros_like(s1_ref)
        se_ref[...] = jnp.zeros_like(se_ref)

    q3 = xyz_ref[0][:, 0:3]
    wp = wp_ref[0]
    s1s = jnp.zeros((1, y1_ref.shape[-1]), F32)
    s1q = jnp.zeros((1, y1_ref.shape[-1]), F32)
    ses = jnp.zeros((1, ye_ref.shape[-1]), F32)
    seq = jnp.zeros((1, ye_ref.shape[-1]), F32)
    for j in range(_K1):
        g = g_ref[0, j]
        gp = g[:, 0:64]
        gx = g[:, 64:67]
        dx = gx - q3
        euc = jnp.sqrt(jnp.sum(dx * dx, axis=1, keepdims=True) + 1e-20)
        xyzfeat = jnp.concatenate([q3, gx, dx, euc], axis=1)
        y = (jnp.dot(xyzfeat, w1a_ref[...], preferred_element_type=F32)
             + jnp.dot(wp, w1b_ref[...], preferred_element_type=F32)
             + jnp.dot(gp, w1c_ref[...], preferred_element_type=F32))
        ye = jnp.dot(xyzfeat, we_ref[...], preferred_element_type=F32)
        y1_ref[0, j] = y
        ye_ref[0, j] = ye
        s1s = s1s + jnp.sum(y, axis=0, keepdims=True)
        s1q = s1q + jnp.sum(y * y, axis=0, keepdims=True)
        ses = ses + jnp.sum(ye, axis=0, keepdims=True)
        seq = seq + jnp.sum(ye * ye, axis=0, keepdims=True)
    s1_ref[0:1, :] = s1_ref[0:1, :] + s1s
    s1_ref[1:2, :] = s1_ref[1:2, :] + s1q
    se_ref[0:1, :] = se_ref[0:1, :] + ses
    se_ref[1:2, :] = se_ref[1:2, :] + seq


def _p1_call(xyz8, wpoints, g1, w1a, w1b, w1c, we):
    b, k, n, _ = g1.shape
    co, ce = w1a.shape[1], we.shape[1]
    small = [w1a, w1b, w1c, we]
    return pl.pallas_call(
        _p1_body,
        grid=(b, n // _TN),
        in_specs=[
            pl.BlockSpec((1, _TN, 8), lambda bb, i: (bb, i, 0)),
            pl.BlockSpec((1, _TN, wpoints.shape[2]), lambda bb, i: (bb, i, 0)),
            pl.BlockSpec((1, k, _TN, _TW), lambda bb, i: (bb, 0, i, 0)),
        ] + [pl.BlockSpec(w.shape, lambda bb, i: (0, 0)) for w in small],
        out_specs=[
            pl.BlockSpec((1, k, _TN, co), lambda bb, i: (bb, 0, i, 0)),
            pl.BlockSpec((1, k, _TN, ce), lambda bb, i: (bb, 0, i, 0)),
            pl.BlockSpec((8, co), lambda bb, i: (0, 0)),
            pl.BlockSpec((8, ce), lambda bb, i: (0, 0)),
        ],
        out_shape=[
            jax.ShapeDtypeStruct((b, k, n, co), F32),
            jax.ShapeDtypeStruct((b, k, n, ce), F32),
            jax.ShapeDtypeStruct((8, co), F32),
            jax.ShapeDtypeStruct((8, ce), F32),
        ],
    )(xyz8, wpoints, g1, *small)


def _bn_fold(s_ref, gb_ref, cnt):
    mean = s_ref[0:1, :] / cnt
    var = s_ref[1:2, :] / cnt - mean * mean
    sc = gb_ref[0:1, :] / jnp.sqrt(var + 1e-5)
    sh = gb_ref[1:2, :] - mean * sc
    return sc, sh


def _layer_body(yin_ref, sin_ref, gb_ref, w_ref, yout_ref, s_ref, *, k, cnt):
    @pl.when(_first_step())
    def _():
        s_ref[...] = jnp.zeros_like(s_ref)

    sc, sh = _bn_fold(sin_ref, gb_ref, cnt)
    ss = jnp.zeros((1, w_ref.shape[1]), F32)
    sq = jnp.zeros((1, w_ref.shape[1]), F32)
    for j in range(k):
        x = jnp.maximum(yin_ref[0, j] * sc + sh, 0.0)
        y = jnp.dot(x, w_ref[...], preferred_element_type=F32)
        yout_ref[0, j] = y
        ss = ss + jnp.sum(y, axis=0, keepdims=True)
        sq = sq + jnp.sum(y * y, axis=0, keepdims=True)
    s_ref[0:1, :] = s_ref[0:1, :] + ss
    s_ref[1:2, :] = s_ref[1:2, :] + sq


def _layer_call(yin, sin, gb, w, cnt):
    b, k, n, cin = yin.shape
    co = w.shape[1]
    return pl.pallas_call(
        functools.partial(_layer_body, k=k, cnt=cnt),
        grid=(b, n // _TN),
        in_specs=[
            pl.BlockSpec((1, k, _TN, cin), lambda bb, i: (bb, 0, i, 0)),
            pl.BlockSpec((8, cin), lambda bb, i: (0, 0)),
            pl.BlockSpec((8, cin), lambda bb, i: (0, 0)),
            pl.BlockSpec(w.shape, lambda bb, i: (0, 0)),
        ],
        out_specs=[
            pl.BlockSpec((1, k, _TN, co), lambda bb, i: (bb, 0, i, 0)),
            pl.BlockSpec((8, co), lambda bb, i: (0, 0)),
        ],
        out_shape=[
            jax.ShapeDtypeStruct((b, k, n, co), F32),
            jax.ShapeDtypeStruct((8, co), F32),
        ],
    )(yin, sin, gb, w)


def _p4_body(ye_ref, se_ref, gbe_ref, y3_ref, s3_ref, gb3_ref, wa_ref, wb_ref,
             y4_ref, s4_ref, *, k, cnt):
    @pl.when(_first_step())
    def _():
        s4_ref[...] = jnp.zeros_like(s4_ref)

    esc, esh = _bn_fold(se_ref, gbe_ref, cnt)
    xsc, xsh = _bn_fold(s3_ref, gb3_ref, cnt)
    ss = jnp.zeros((1, wa_ref.shape[1]), F32)
    sq = jnp.zeros((1, wa_ref.shape[1]), F32)
    for j in range(k):
        xe = jnp.maximum(ye_ref[0, j] * esc + esh, 0.0)
        x3 = jnp.maximum(y3_ref[0, j] * xsc + xsh, 0.0)
        y = (jnp.dot(xe, wa_ref[...], preferred_element_type=F32)
             + jnp.dot(x3, wb_ref[...], preferred_element_type=F32))
        y4_ref[0, j] = y
        ss = ss + jnp.sum(y, axis=0, keepdims=True)
        sq = sq + jnp.sum(y * y, axis=0, keepdims=True)
    s4_ref[0:1, :] = s4_ref[0:1, :] + ss
    s4_ref[1:2, :] = s4_ref[1:2, :] + sq


def _p4_call(ye, se, gbe, y3, s3, gb3, wa, wb, cnt):
    b, k, n, ce = ye.shape
    co = wa.shape[1]
    return pl.pallas_call(
        functools.partial(_p4_body, k=k, cnt=cnt),
        grid=(b, n // _TN),
        in_specs=[
            pl.BlockSpec((1, k, _TN, ce), lambda bb, i: (bb, 0, i, 0)),
            pl.BlockSpec((8, ce), lambda bb, i: (0, 0)),
            pl.BlockSpec((8, ce), lambda bb, i: (0, 0)),
            pl.BlockSpec((1, k, _TN, y3.shape[3]), lambda bb, i: (bb, 0, i, 0)),
            pl.BlockSpec((8, y3.shape[3]), lambda bb, i: (0, 0)),
            pl.BlockSpec((8, y3.shape[3]), lambda bb, i: (0, 0)),
            pl.BlockSpec(wa.shape, lambda bb, i: (0, 0)),
            pl.BlockSpec(wb.shape, lambda bb, i: (0, 0)),
        ],
        out_specs=[
            pl.BlockSpec((1, k, _TN, co), lambda bb, i: (bb, 0, i, 0)),
            pl.BlockSpec((8, co), lambda bb, i: (0, 0)),
        ],
        out_shape=[
            jax.ShapeDtypeStruct((b, k, n, co), F32),
            jax.ShapeDtypeStruct((8, co), F32),
        ],
    )(ye, se, gbe, y3, s3, gb3, wa, wb)


def _p6_body(y5_ref, s5_ref, gb5_ref, y3_ref, s3_ref, gb3_ref, out_ref,
             *, k, cnt):
    wsc, wsh = _bn_fold(s5_ref, gb5_ref, cnt)
    xsc, xsh = _bn_fold(s3_ref, gb3_ref, cnt)
    zs = [jnp.maximum(y5_ref[0, j] * wsc + wsh, 0.0) for j in range(k)]
    xs = [jnp.maximum(y3_ref[0, j] * xsc + xsh, 0.0) for j in range(k)]
    m = zs[0]
    for j in range(1, k):
        m = jnp.maximum(m, zs[j])
    es = [jnp.exp(z - m) for z in zs]
    tot = es[0]
    for j in range(1, k):
        tot = tot + es[j]
    acc = es[0] * xs[0]
    for j in range(1, k):
        acc = acc + es[j] * xs[j]
    out_ref[0] = acc / tot


def _p6_call(y5, s5, gb5, y3, s3, gb3, cnt):
    b, k, n, c = y5.shape
    return pl.pallas_call(
        functools.partial(_p6_body, k=k, cnt=cnt),
        grid=(b, n // _TN),
        in_specs=[
            pl.BlockSpec((1, k, _TN, c), lambda bb, i: (bb, 0, i, 0)),
            pl.BlockSpec((8, c), lambda bb, i: (0, 0)),
            pl.BlockSpec((8, c), lambda bb, i: (0, 0)),
            pl.BlockSpec((1, k, _TN, y3.shape[3]), lambda bb, i: (bb, 0, i, 0)),
            pl.BlockSpec((8, y3.shape[3]), lambda bb, i: (0, 0)),
            pl.BlockSpec((8, y3.shape[3]), lambda bb, i: (0, 0)),
        ],
        out_specs=pl.BlockSpec((1, _TN, y3.shape[3]), lambda bb, i: (bb, i, 0)),
        out_shape=jax.ShapeDtypeStruct((b, n, y3.shape[3]), F32),
    )(y5, s5, gb5, y3, s3, gb3)


def _q1_body(xyz_ref, g_ref, we_ref, ye_ref, se_ref, *, k):
    @pl.when(_first_step())
    def _():
        se_ref[...] = jnp.zeros_like(se_ref)

    q3 = xyz_ref[0][:, 0:3]
    ss = jnp.zeros((1, we_ref.shape[1]), F32)
    sq = jnp.zeros((1, we_ref.shape[1]), F32)
    for j in range(k):
        g = g_ref[0, j]
        gx = g[:, 64:67]
        dx = gx - q3
        euc = jnp.sqrt(jnp.sum(dx * dx, axis=1, keepdims=True) + 1e-20)
        xyzfeat = jnp.concatenate([q3, gx, dx, euc], axis=1)
        y = jnp.dot(xyzfeat, we_ref[...], preferred_element_type=F32)
        ye_ref[0, j] = y
        ss = ss + jnp.sum(y, axis=0, keepdims=True)
        sq = sq + jnp.sum(y * y, axis=0, keepdims=True)
    se_ref[0:1, :] = se_ref[0:1, :] + ss
    se_ref[1:2, :] = se_ref[1:2, :] + sq


def _q1_call(xyz8, g2, we):
    b, k, n, _ = g2.shape
    co = we.shape[1]
    return pl.pallas_call(
        functools.partial(_q1_body, k=k),
        grid=(b, n // _TN),
        in_specs=[
            pl.BlockSpec((1, _TN, 8), lambda bb, i: (bb, i, 0)),
            pl.BlockSpec((1, k, _TN, _TW), lambda bb, i: (bb, 0, i, 0)),
            pl.BlockSpec(we.shape, lambda bb, i: (0, 0)),
        ],
        out_specs=[
            pl.BlockSpec((1, k, _TN, co), lambda bb, i: (bb, 0, i, 0)),
            pl.BlockSpec((8, co), lambda bb, i: (0, 0)),
        ],
        out_shape=[
            jax.ShapeDtypeStruct((b, k, n, co), F32),
            jax.ShapeDtypeStruct((8, co), F32),
        ],
    )(xyz8, g2, we)


def _q2_body(ye_ref, se_ref, gbe_ref, wp_ref, g_ref, wa_ref, wb_ref, wc_ref,
             y6_ref, s6_ref, *, k, cnt):
    @pl.when(_first_step())
    def _():
        s6_ref[...] = jnp.zeros_like(s6_ref)

    esc, esh = _bn_fold(se_ref, gbe_ref, cnt)
    wp = wp_ref[0]
    wpy = jnp.dot(wp, wb_ref[...], preferred_element_type=F32)
    ss = jnp.zeros((1, wa_ref.shape[1]), F32)
    sq = jnp.zeros((1, wa_ref.shape[1]), F32)
    for j in range(k):
        xe = jnp.maximum(ye_ref[0, j] * esc + esh, 0.0)
        gp = g_ref[0, j][:, 0:64]
        y = (jnp.dot(xe, wa_ref[...], preferred_element_type=F32)
             + wpy
             + jnp.dot(gp, wc_ref[...], preferred_element_type=F32))
        y6_ref[0, j] = y
        ss = ss + jnp.sum(y, axis=0, keepdims=True)
        sq = sq + jnp.sum(y * y, axis=0, keepdims=True)
    s6_ref[0:1, :] = s6_ref[0:1, :] + ss
    s6_ref[1:2, :] = s6_ref[1:2, :] + sq


def _q2_call(ye2, se2, gbe2, wpoints, g2, wa, wb, wc, cnt):
    b, k, n, ce = ye2.shape
    co = wa.shape[1]
    return pl.pallas_call(
        functools.partial(_q2_body, k=k, cnt=cnt),
        grid=(b, n // _TN),
        in_specs=[
            pl.BlockSpec((1, k, _TN, ce), lambda bb, i: (bb, 0, i, 0)),
            pl.BlockSpec((8, ce), lambda bb, i: (0, 0)),
            pl.BlockSpec((8, ce), lambda bb, i: (0, 0)),
            pl.BlockSpec((1, _TN, wpoints.shape[2]), lambda bb, i: (bb, i, 0)),
            pl.BlockSpec((1, k, _TN, _TW), lambda bb, i: (bb, 0, i, 0)),
            pl.BlockSpec(wa.shape, lambda bb, i: (0, 0)),
            pl.BlockSpec(wb.shape, lambda bb, i: (0, 0)),
            pl.BlockSpec(wc.shape, lambda bb, i: (0, 0)),
        ],
        out_specs=[
            pl.BlockSpec((1, k, _TN, co), lambda bb, i: (bb, 0, i, 0)),
            pl.BlockSpec((8, co), lambda bb, i: (0, 0)),
        ],
        out_shape=[
            jax.ShapeDtypeStruct((b, k, n, co), F32),
            jax.ShapeDtypeStruct((8, co), F32),
        ],
    )(ye2, se2, gbe2, wpoints, g2, wa, wb, wc)


def _q4_body(y7_ref, s7_ref, gb7_ref, g_ref, out_ref, *, k, cnt):
    wsc, wsh = _bn_fold(s7_ref, gb7_ref, cnt)
    zs = [jnp.maximum(y7_ref[0, j] * wsc + wsh, 0.0) for j in range(k)]
    xs = [g_ref[0, j][:, 0:64] for j in range(k)]
    m = zs[0]
    for j in range(1, k):
        m = jnp.maximum(m, zs[j])
    es = [jnp.exp(z - m) for z in zs]
    tot = es[0]
    for j in range(1, k):
        tot = tot + es[j]
    acc = es[0] * xs[0]
    for j in range(1, k):
        acc = acc + es[j] * xs[j]
    out_ref[0] = acc / tot


def _q4_call(y7, s7, gb7, g2, cnt):
    b, k, n, c = y7.shape
    return pl.pallas_call(
        functools.partial(_q4_body, k=k, cnt=cnt),
        grid=(b, n // _TN),
        in_specs=[
            pl.BlockSpec((1, k, _TN, c), lambda bb, i: (bb, 0, i, 0)),
            pl.BlockSpec((8, c), lambda bb, i: (0, 0)),
            pl.BlockSpec((8, c), lambda bb, i: (0, 0)),
            pl.BlockSpec((1, k, _TN, _TW), lambda bb, i: (bb, 0, i, 0)),
        ],
        out_specs=pl.BlockSpec((1, _TN, c), lambda bb, i: (bb, i, 0)),
        out_shape=jax.ShapeDtypeStruct((b, n, c), F32),
    )(y7, s7, gb7, g2)


def _gb(gb_pair):
    gamma, beta = gb_pair
    return jnp.concatenate(
        [gamma[None], beta[None], jnp.zeros((6,) + gamma.shape, F32)], axis=0)


def kernel(warped_xyz, f2_xyz, warped_points, f2_points, params):
    b, n, _ = warped_xyz.shape
    m = f2_xyz.shape[1]

    pad_n = jnp.zeros((b, n, 5), F32)
    pad_m = jnp.zeros((b, m, 5), F32)
    wxyz8 = jnp.concatenate([warped_xyz, pad_n], axis=-1)
    fxyz8 = jnp.concatenate([f2_xyz, pad_m], axis=-1)
    fxyzT = jnp.swapaxes(fxyz8, 1, 2)
    wxyzT = jnp.swapaxes(wxyz8, 1, 2)

    idx1, idx2, table1 = _knn_call(wxyz8, fxyzT, wxyzT, f2_points, fxyz8)
    idxq = jnp.swapaxes(idx1, 1, 2).reshape(-1)
    g1 = _gather_rows(table1, idxq).reshape(b, _K1, n, _TW)

    w1 = params['conv1'][0][0]
    y1, ye, s1, se = _p1_call(wxyz8, warped_points, g1,
                              w1[0:10], w1[10:74], w1[74:138],
                              params['enc1'][0])
    cnt1 = float(b * n * _K1)
    y2, s2 = _layer_call(y1, s1, _gb(params['bn1s'][0]),
                         params['conv1'][1][0], cnt1)
    y3, s3 = _layer_call(y2, s2, _gb(params['bn1s'][1]),
                         params['conv1'][2][0], cnt1)
    gb3 = _gb(params['bn1s'][2])
    gbe = _gb(params['bn_e1'])
    w4 = params['conv2'][0][0]
    y4, s4 = _p4_call(ye, se, gbe, y3, s3, gb3, w4[0:64], w4[64:128], cnt1)
    y5, s5 = _layer_call(y4, s4, _gb(params['bn2s'][0]),
                         params['conv2'][1][0], cnt1)
    feat1 = _p6_call(y5, s5, _gb(params['bn2s'][1]), y3, s3, gb3, cnt1)

    idxp = jnp.swapaxes(idx2, 1, 2).reshape(-1)
    table2 = jnp.concatenate(
        [feat1, wxyz8, jnp.zeros((b, n, _TW - 72), F32)],
        axis=-1).reshape(b * n, _TW)
    g2 = _gather_rows(table2, idxp).reshape(b, _K2, n, _TW)

    ye2, se2 = _q1_call(wxyz8, g2, params['enc2'][0])
    cnt2 = float(b * n * _K2)
    w6 = params['conv3'][0][0]
    y6, s6 = _q2_call(ye2, se2, _gb(params['bn_e2']), warped_points, g2,
                      w6[0:64], w6[64:128], w6[128:192], cnt2)
    y7, s7 = _layer_call(y6, s6, _gb(params['bn2s'][0]),
                         params['conv3'][1][0], cnt2)
    return _q4_call(y7, s7, _gb(params['bn2s'][1]), g2, cnt2)

# --- scband reference (transcript-rebuilt; emitter-appended) ---
"""Pipeline reference for scband-cost-volume-62062277427554 (READ-ONLY COPY).

The authoritative reference and input builder live on the scoring server;
editing this copy changes nothing except your own understanding.
"""

import jax, jax.numpy as jnp
import numpy as np

NSAMPLE = 4
NSAMPLE_Q = 6

def knn_idx(nsample, xyz, new_xyz):
    dist = -2.0 * jnp.einsum('bsc,bnc->bsn', new_xyz, xyz)
    dist = dist + jnp.sum(new_xyz ** 2, axis=-1)[:, :, None]
    dist = dist + jnp.sum(xyz ** 2, axis=-1)[:, None, :]
    _, idx = jax.lax.top_k(-dist, nsample)
    return idx

def gather_points(points, idx):
    return jax.vmap(lambda p, i: p[i])(points, idx)

def conv_bn_relu(x, w, b, gamma, beta):
    y = x @ w + b
    mean = jnp.mean(y, axis=(0, 1, 2), keepdims=True)
    var = jnp.var(y, axis=(0, 1, 2), keepdims=True)
    y = (y - mean) / jnp.sqrt(var + 1e-5) * gamma + beta
    return jax.nn.relu(y)

def setup_inputs(seed: int = 0):
    key = jax.random.key(seed)
    B, N, M, C = 2, 4096, 4096, 64
    mlp1 = [128, 64, 64]
    mlp2 = [128, 64]
    keys = iter(jax.random.split(key, 64))
    def lin(cin, cout):
        w = jax.random.normal(next(keys), (cin, cout), dtype=jnp.float32) * (1.0 / np.sqrt(cin))
        return (w, jnp.zeros((cout,), jnp.float32))
    def bn(c):
        return (jnp.ones((c,), jnp.float32), jnp.zeros((c,), jnp.float32))
    params = {}
    c = 10 + 2 * C
    params['conv1'] = []
    for oc in mlp1:
        params['conv1'].append(lin(c, oc)); c = oc
    params['bn1s'] = [bn(oc) for oc in mlp1]
    params['enc1'] = lin(10, mlp1[-1])
    params['bn_e1'] = bn(mlp1[-1])
    c = mlp1[-1] * 2
    params['conv2'] = []
    for oc in mlp2:
        params['conv2'].append(lin(c, oc)); c = oc
    params['bn2s'] = [bn(oc) for oc in mlp2]
    params['enc2'] = lin(10, mlp2[-1])
    params['bn_e2'] = bn(mlp2[-1])
    c = mlp1[-1] + mlp2[-1] + C
    params['conv3'] = []
    for oc in mlp2:
        params['conv3'].append(lin(c, oc)); c = oc
    warped_xyz = jax.random.normal(next(keys), (B, N, 3), dtype=jnp.float32)
    f2_xyz = jax.random.normal(next(keys), (B, M, 3), dtype=jnp.float32)
    warped_points = jax.random.normal(next(keys), (B, N, C), dtype=jnp.float32)
    f2_points = jax.random.normal(next(keys), (B, M, C), dtype=jnp.float32)
    return {'warped_xyz': warped_xyz, 'f2_xyz': f2_xyz, 'warped_points': warped_points, 'f2_points': f2_points, 'params': params}

def reference(warped_xyz, f2_xyz, warped_points, f2_points, params):
    nsq = NSAMPLE_Q
    ns = NSAMPLE
    idx_q = knn_idx(nsq, f2_xyz, warped_xyz)
    qi_xyz_grouped = gather_points(f2_xyz, idx_q)
    qi_points_grouped = gather_points(f2_points, idx_q)
    pi_xyz_expanded = jnp.repeat(warped_xyz[:, :, None, :], nsq, axis=2)
    pi_points_expanded = jnp.repeat(warped_points[:, :, None, :], nsq, axis=2)
    pi_xyz_diff = qi_xyz_grouped - pi_xyz_expanded
    pi_euc_diff = jnp.sqrt(jnp.sum(jnp.square(pi_xyz_diff), axis=-1, keepdims=True) + 1e-20)
    pi_xyz_diff_concat = jnp.concatenate([pi_xyz_expanded, qi_xyz_grouped, pi_xyz_diff, pi_euc_diff], axis=3)
    pi_feat_diff = jnp.concatenate([pi_points_expanded, qi_points_grouped], axis=-1)
    x = jnp.concatenate([pi_xyz_diff_concat, pi_feat_diff], axis=3)
    for (w, b), (g, be) in zip(params['conv1'], params['bn1s']):
        x = conv_bn_relu(x, w, b, g, be)
    we, bb = params['enc1']
    g, be = params['bn_e1']
    pi_xyz_encoding = conv_bn_relu(pi_xyz_diff_concat, we, bb, g, be)
    pi_concat = jnp.concatenate([pi_xyz_encoding, x], axis=-1)
    for (w, b), (g, be) in zip(params['conv2'], params['bn2s']):
        pi_concat = conv_bn_relu(pi_concat, w, b, g, be)
    WQ = jax.nn.softmax(pi_concat, axis=2)
    pi_feat1_new = jnp.sum(WQ * x, axis=2)
    idx = knn_idx(ns, warped_xyz, warped_xyz)
    pc_xyz_grouped = gather_points(warped_xyz, idx)
    pc_points_grouped = gather_points(pi_feat1_new, idx)
    pc_xyz_new = jnp.repeat(warped_xyz[:, :, None, :], ns, axis=2)
    pc_points_new = jnp.repeat(warped_points[:, :, None, :], ns, axis=2)
    pc_xyz_diff = pc_xyz_grouped - pc_xyz_new
    pc_euc_diff = jnp.sqrt(jnp.sum(jnp.square(pc_xyz_diff), axis=3, keepdims=True) + 1e-20)
    pc_xyz_diff_concat = jnp.concatenate([pc_xyz_new, pc_xyz_grouped, pc_xyz_diff, pc_euc_diff], axis=3)
    we, bb = params['enc2']
    g, be = params['bn_e2']
    pc_xyz_encoding = conv_bn_relu(pc_xyz_diff_concat, we, bb, g, be)
    pc_concat = jnp.concatenate([pc_xyz_encoding, pc_points_new, pc_points_grouped], axis=-1)
    for (w, b), (g, be) in zip(params['conv3'], params['bn2s']):
        pc_concat = conv_bn_relu(pc_concat, w, b, g, be)
    WP = jax.nn.softmax(pc_concat, axis=2)
    pc_feat1_new = jnp.sum(WP * pc_points_grouped, axis=2)
    return pc_feat1_new

if __name__ == "__main__":
    import jax
    _d = setup_inputs()
    print(jax.jit(kernel)(*tuple(_d.values())))

</pallas_src>

<mosaic_0001>
#map = affine_map<(d0, d1) -> (0, 0)>
#map1 = affine_map<(d0, d1) -> (0, 0, 0)>
module attributes {stable_mosaic.version = 14 : i64} {
  func.func @gk(%arg0: i32, %arg1: i32, %arg2: memref<8192x128xf32, #tpu.memory_space<hbm>>, %arg3: memref<32x8x128xi32, #tpu.memory_space<hbm>>, %arg4: memref<32768x128xf32, #tpu.memory_space<hbm>>, %arg5: memref<8x128xi32, #tpu.memory_space<vmem>>, %arg6: memref<2x128x128xf32, #tpu.memory_space<vmem>>, %arg7: memref<!tpu.dma_semaphore, #tpu.memory_space<semaphore_mem>>, %arg8: memref<!tpu.dma_semaphore, #tpu.memory_space<semaphore_mem>>) attributes {dimension_semantics = [#tpu.dimension_semantics<core_parallel>, #tpu.dimension_semantics<subcore_parallel>], iteration_bounds = array<i64: 2, 16>, scalar_prefetch = 0 : i64, scratch_operands = 4 : i64, tpu.core_type = #tpu.core_type<sc_vector_subcore>, window_params = [{transform_indices = #map}, {transform_indices = #map1}, {transform_indices = #map}]} {
    %mul3A = arith.constant 2 : i32
    %mul3A_0 = arith.muli %arg1, %mul3A : i32
    %add3A = arith.addi %mul3A_0, %arg0 : i32
    %mul3A_1 = arith.constant 1024 : i32
    %mul3A_2 = arith.muli %add3A, %mul3A_1 : i32
    "tpu.region"() ({
      %run_scoped3A_216 = tpu.sem_alloc : memref<!tpu.dma_semaphore, #tpu.memory_space<semaphore_mem>>
      %dma_start3A_217 = arith.constant 0 : i32
      %dma_start3A_218 = arith.constant 0 : i32
      %dma_start3A_219 = tpu.memref_slice %arg3[%add3A, %dma_start3A_217, %dma_start3A_218] : memref<32x8x128xi32, #tpu.memory_space<hbm>> -> memref<1x8x128xi32, #tpu.memory_space<hbm>>
      %dma_start3A_220 = tpu.memref_squeeze %dma_start3A_219 : memref<1x8x128xi32, #tpu.memory_space<hbm>> -> memref<8x128xi32, #tpu.memory_space<hbm>>
      %dma_start3A_221 = arith.constant 0 : i32
      %dma_start3A_222 = arith.constant 0 : i32
      %dma_start3A_223 = tpu.memref_slice %arg3[%add3A, %dma_start3A_221, %dma_start3A_222] : memref<32x8x128xi32, #tpu.memory_space<hbm>> -> memref<1x8x128xi32, #tpu.memory_space<hbm>>
      %dma_start3A_224 = tpu.memref_squeeze %dma_start3A_223 : memref<1x8x128xi32, #tpu.memory_space<hbm>> -> memref<8x128xi32, #tpu.memory_space<hbm>>
      tpu.enqueue_dma source(%dma_start3A_224 : memref<8x128xi32, #tpu.memory_space<hbm>>) target(%arg5 : memref<8x128xi32, #tpu.memory_space<vmem>>) target_semaphore(%run_scoped3A_216 : memref<!tpu.dma_semaphore, #tpu.memory_space<semaphore_mem>>)
      %dma_wait3A_225 = arith.constant 0 : i32
      %dma_wait3A_226 = arith.constant 0 : i32
      %dma_wait3A_227 = tpu.memref_slice %arg3[%add3A, %dma_wait3A_225, %dma_wait3A_226] : memref<32x8x128xi32, #tpu.memory_space<hbm>> -> memref<1x8x128xi32, #tpu.memory_space<hbm>>
      %dma_wait3A_228 = tpu.memref_squeeze %dma_wait3A_227 : memref<1x8x128xi32, #tpu.memory_space<hbm>> -> memref<8x128xi32, #tpu.memory_space<hbm>>
      %dma_wait3A_229 = arith.constant 0 : i32
      %dma_wait3A_230 = arith.constant 0 : i32
      %dma_wait3A_231 = tpu.memref_slice %arg3[%add3A, %dma_wait3A_229, %dma_wait3A_230] : memref<32x8x128xi32, #tpu.memory_space<hbm>> -> memref<1x8x128xi32, #tpu.memory_space<hbm>>
      %dma_wait3A_232 = tpu.memref_squeeze %dma_wait3A_231 : memref<1x8x128xi32, #tpu.memory_space<hbm>> -> memref<8x128xi32, #tpu.memory_space<hbm>>
      tpu.wait_dma2 semaphore(%run_scoped3A_216 : memref<!tpu.dma_semaphore, #tpu.memory_space<semaphore_mem>>) src(%dma_wait3A_232 : memref<8x128xi32, #tpu.memory_space<hbm>>) dst(%arg5 : memref<8x128xi32, #tpu.memory_space<vmem>>)
      tpu.yield
    }) : () -> ()
    %dma_start3A = arith.constant 0 : i32
    %dma_start3A_3 = arith.constant 0 : i32
    %dma_start3A_4 = arith.constant 0 : i32
    %dma_start3A_5 = arith.constant 0 : i32
    %dma_start3A_6 = tpu.memref_slice %arg6[%dma_start3A_3, %dma_start3A_4, %dma_start3A_5] : memref<2x128x128xf32, #tpu.memory_space<vmem>> -> memref<1x128x128xf32, #tpu.memory_space<vmem>>
    %dma_start3A_7 = tpu.memref_squeeze %dma_start3A_6 : memref<1x128x128xf32, #tpu.memory_space<vmem>> -> memref<128x128xf32, #tpu.memory_space<vmem>>
    %dma_start3A_8 = arith.constant 0 : i32
    %dma_start3A_9 = tpu.memref_slice %arg5[%dma_start3A, %dma_start3A_8] : memref<8x128xi32, #tpu.memory_space<vmem>> -> memref<1x128xi32, #tpu.memory_space<vmem>>
    %dma_start3A_10 = tpu.memref_squeeze %dma_start3A_9 : memref<1x128xi32, #tpu.memory_space<vmem>> -> memref<128xi32, #tpu.memory_space<vmem>>
    %dma_start3A_11 = arith.constant 0 : i32
    %dma_start3A_12 = arith.constant 0 : i32
    %dma_start3A_13 = tpu.memref_slice %arg2[%dma_start3A_11, %dma_start3A_12] : memref<8192x128xf32, #tpu.memory_space<hbm>> -> memref<8192x128xf32, #tpu.memory_space<hbm>>
    tpu.enqueue_indirect_dma source(%dma_start3A_13 : memref<8192x128xf32, #tpu.memory_space<hbm>>) target(%dma_start3A_7 : memref<128x128xf32, #tpu.memory_space<vmem>>) offsets(%dma_start3A_10 : memref<128xi32, #tpu.memory_space<vmem>>) semaphore(%arg7 : memref<!tpu.dma_semaphore, #tpu.memory_space<semaphore_mem>>)
    %dma_start3A_14 = arith.constant 1 : i32
    %dma_start3A_15 = arith.constant 1 : i32
    %dma_start3A_16 = arith.constant 0 : i32
    %dma_start3A_17 = arith.constant 0 : i32
    %dma_start3A_18 = tpu.memref_slice %arg6[%dma_start3A_15, %dma_start3A_16, %dma_start3A_17] : memref<2x128x128xf32, #tpu.memory_space<vmem>> -> memref<1x128x128xf32, #tpu.memory_space<vmem>>
    %dma_start3A_19 = tpu.memref_squeeze %dma_start3A_18 : memref<1x128x128xf32, #tpu.memory_space<vmem>> -> memref<128x128xf32, #tpu.memory_space<vmem>>
    %dma_start3A_20 = arith.constant 0 : i32
    %dma_start3A_21 = tpu.memref_slice %arg5[%dma_start3A_14, %dma_start3A_20] : memref<8x128xi32, #tpu.memory_space<vmem>> -> memref<1x128xi32, #tpu.memory_space<vmem>>
    %dma_start3A_22 = tpu.memref_squeeze %dma_start3A_21 : memref<1x128xi32, #tpu.memory_space<vmem>> -> memref<128xi32, #tpu.memory_space<vmem>>
    %dma_start3A_23 = arith.constant 0 : i32
    %dma_start3A_24 = arith.constant 0 : i32
    %dma_start3A_25 = tpu.memref_slice %arg2[%dma_start3A_23, %dma_start3A_24] : memref<8192x128xf32, #tpu.memory_space<hbm>> -> memref<8192x128xf32, #tpu.memory_space<hbm>>
    tpu.enqueue_indirect_dma source(%dma_start3A_25 : memref<8192x128xf32, #tpu.memory_space<hbm>>) target(%dma_start3A_19 : memref<128x128xf32, #tpu.memory_space<vmem>>) offsets(%dma_start3A_22 : memref<128xi32, #tpu.memory_space<vmem>>) semaphore(%arg8 : memref<!tpu.dma_semaphore, #tpu.memory_space<semaphore_mem>>)
    %dma_wait3A = arith.constant 0 : i32
    %dma_wait3A_26 = arith.constant 0 : i32
    %dma_wait3A_27 = arith.constant 0 : i32
    %dma_wait3A_28 = arith.constant 0 : i32
    %dma_wait3A_29 = tpu.memref_slice %arg6[%dma_wait3A_26, %dma_wait3A_27, %dma_wait3A_28] : memref<2x128x128xf32, #tpu.memory_space<vmem>> -> memref<1x128x128xf32, #tpu.memory_space<vmem>>
    %dma_wait3A_30 = tpu.memref_squeeze %dma_wait3A_29 : memref<1x128x128xf32, #tpu.memory_space<vmem>> -> memref<128x128xf32, #tpu.memory_space<vmem>>
    %dma_wait3A_31 = arith.constant 0 : i32
    %dma_wait3A_32 = tpu.memref_slice %arg5[%dma_wait3A, %dma_wait3A_31] : memref<8x128xi32, #tpu.memory_space<vmem>> -> memref<1x128xi32, #tpu.memory_space<vmem>>
    %dma_wait3A_33 = tpu.memref_squeeze %dma_wait3A_32 : memref<1x128xi32, #tpu.memory_space<vmem>> -> memref<128xi32, #tpu.memory_space<vmem>>
    %dma_wait3A_34 = arith.constant 0 : i32
    %dma_wait3A_35 = arith.constant 0 : i32
    %dma_wait3A_36 = tpu.memref_slice %arg2[%dma_wait3A_34, %dma_wait3A_35] : memref<8192x128xf32, #tpu.memory_space<hbm>> -> memref<8192x128xf32, #tpu.memory_space<hbm>>
    tpu.wait_indirect_dma semaphore(%arg7 : memref<!tpu.dma_semaphore, #tpu.memory_space<semaphore_mem>>) src(%dma_wait3A_36 : memref<8192x128xf32, #tpu.memory_space<hbm>>) dst(%dma_wait3A_30 : memref<128x128xf32, #tpu.memory_space<vmem>>)
    %add3A_37 = arith.constant 0 : i32
    %add3A_38 = arith.addi %mul3A_2, %add3A_37 : i32
    %run_scoped3A = arith.constant 0 : i32
    "tpu.region"() ({
      %run_scoped3A_216 = tpu.sem_alloc : memref<!tpu.dma_semaphore, #tpu.memory_space<semaphore_mem>>
      %dma_start3A_217 = arith.constant 0 : i32
      %dma_start3A_218 = arith.constant 0 : i32
      %dma_start3A_219 = tpu.memref_slice %arg6[%run_scoped3A, %dma_start3A_217, %dma_start3A_218] : memref<2x128x128xf32, #tpu.memory_space<vmem>> -> memref<1x128x128xf32, #tpu.memory_space<vmem>>
      %dma_start3A_220 = tpu.memref_squeeze %dma_start3A_219 : memref<1x128x128xf32, #tpu.memory_space<vmem>> -> memref<128x128xf32, #tpu.memory_space<vmem>>
      %dma_start3A_221 = arith.constant 0 : i32
      %dma_start3A_222 = tpu.memref_slice %arg4[%add3A_38, %dma_start3A_221] : memref<32768x128xf32, #tpu.memory_space<hbm>> -> memref<128x128xf32, #tpu.memory_space<hbm>>
      %dma_start3A_223 = arith.constant 0 : i32
      %dma_start3A_224 = tpu.memref_slice %arg4[%add3A_38, %dma_start3A_223] : memref<32768x128xf32, #tpu.memory_space<hbm>> -> memref<128x128xf32, #tpu.memory_space<hbm>>
      %dma_start3A_225 = arith.constant 0 : i32
      %dma_start3A_226 = arith.constant 0 : i32
      %dma_start3A_227 = tpu.memref_slice %arg6[%run_scoped3A, %dma_start3A_225, %dma_start3A_226] : memref<2x128x128xf32, #tpu.memory_space<vmem>> -> memref<1x128x128xf32, #tpu.memory_space<vmem>>
      %dma_start3A_228 = tpu.memref_squeeze %dma_start3A_227 : memref<1x128x128xf32, #tpu.memory_space<vmem>> -> memref<128x128xf32, #tpu.memory_space<vmem>>
      tpu.enqueue_dma source(%dma_start3A_228 : memref<128x128xf32, #tpu.memory_space<vmem>>) target(%dma_start3A_224 : memref<128x128xf32, #tpu.memory_space<hbm>>) target_semaphore(%run_scoped3A_216 : memref<!tpu.dma_semaphore, #tpu.memory_space<semaphore_mem>>)
      %dma_wait3A_229 = arith.constant 0 : i32
      %dma_wait3A_230 = arith.constant 0 : i32
      %dma_wait3A_231 = tpu.memref_slice %arg6[%run_scoped3A, %dma_wait3A_229, %dma_wait3A_230] : memref<2x128x128xf32, #tpu.memory_space<vmem>> -> memref<1x128x128xf32, #tpu.memory_space<vmem>>
      %dma_wait3A_232 = tpu.memref_squeeze %dma_wait3A_231 : memref<1x128x128xf32, #tpu.memory_space<vmem>> -> memref<128x128xf32, #tpu.memory_space<vmem>>
      %dma_wait3A_233 = arith.constant 0 : i32
      %dma_wait3A_234 = tpu.memref_slice %arg4[%add3A_38, %dma_wait3A_233] : memref<32768x128xf32, #tpu.memory_space<hbm>> -> memref<128x128xf32, #tpu.memory_space<hbm>>
      %dma_wait3A_235 = arith.constant 0 : i32
      %dma_wait3A_236 = tpu.memref_slice %arg4[%add3A_38, %dma_wait3A_235] : memref<32768x128xf32, #tpu.memory_space<hbm>> -> memref<128x128xf32, #tpu.memory_space<hbm>>
      %dma_wait3A_237 = arith.constant 0 : i32
      %dma_wait3A_238 = arith.constant 0 : i32
      %dma_wait3A_239 = tpu.memref_slice %arg6[%run_scoped3A, %dma_wait3A_237, %dma_wait3A_238] : memref<2x128x128xf32, #tpu.memory_space<vmem>> -> memref<1x128x128xf32, #tpu.memory_space<vmem>>
      %dma_wait3A_240 = tpu.memref_squeeze %dma_wait3A_239 : memref<1x128x128xf32, #tpu.memory_space<vmem>> -> memref<128x128xf32, #tpu.memory_space<vmem>>
      tpu.wait_dma2 semaphore(%run_scoped3A_216 : memref<!tpu.dma_semaphore, #tpu.memory_space<semaphore_mem>>) src(%dma_wait3A_240 : memref<128x128xf32, #tpu.memory_space<vmem>>) dst(%dma_wait3A_236 : memref<128x128xf32, #tpu.memory_space<hbm>>)
      tpu.yield
    }) : () -> ()
    %dma_start3A_39 = arith.constant 2 : i32
    %dma_start3A_40 = arith.constant 0 : i32
    %dma_start3A_41 = arith.constant 0 : i32
    %dma_start3A_42 = arith.constant 0 : i32
    %dma_start3A_43 = tpu.memref_slice %arg6[%dma_start3A_40, %dma_start3A_41, %dma_start3A_42] : memref<2x128x128xf32, #tpu.memory_space<vmem>> -> memref<1x128x128xf32, #tpu.memory_space<vmem>>
    %dma_start3A_44 = tpu.memref_squeeze %dma_start3A_43 : memref<1x128x128xf32, #tpu.memory_space<vmem>> -> memref<128x128xf32, #tpu.memory_space<vmem>>
    %dma_start3A_45 = arith.constant 0 : i32
    %dma_start3A_46 = tpu.memref_slice %arg5[%dma_start3A_39, %dma_start3A_45] : memref<8x128xi32, #tpu.memory_space<vmem>> -> memref<1x128xi32, #tpu.memory_space<vmem>>
    %dma_start3A_47 = tpu.memref_squeeze %dma_start3A_46 : memref<1x128xi32, #tpu.memory_space<vmem>> -> memref<128xi32, #tpu.memory_space<vmem>>
    %dma_start3A_48 = arith.constant 0 : i32
    %dma_start3A_49 = arith.constant 0 : i32
    %dma_start3A_50 = tpu.memref_slice %arg2[%dma_start3A_48, %dma_start3A_49] : memref<8192x128xf32, #tpu.memory_space<hbm>> -> memref<8192x128xf32, #tpu.memory_space<hbm>>
    tpu.enqueue_indirect_dma source(%dma_start3A_50 : memref<8192x128xf32, #tpu.memory_space<hbm>>) target(%dma_start3A_44 : memref<128x128xf32, #tpu.memory_space<vmem>>) offsets(%dma_start3A_47 : memref<128xi32, #tpu.memory_space<vmem>>) semaphore(%arg7 : memref<!tpu.dma_semaphore, #tpu.memory_space<semaphore_mem>>)
    %dma_wait3A_51 = arith.constant 1 : i32
    %dma_wait3A_52 = arith.constant 1 : i32
    %dma_wait3A_53 = arith.constant 0 : i32
    %dma_wait3A_54 = arith.constant 0 : i32
    %dma_wait3A_55 = tpu.memref_slice %arg6[%dma_wait3A_52, %dma_wait3A_53, %dma_wait3A_54] : memref<2x128x128xf32, #tpu.memory_space<vmem>> -> memref<1x128x128xf32, #tpu.memory_space<vmem>>
    %dma_wait3A_56 = tpu.memref_squeeze %dma_wait3A_55 : memref<1x128x128xf32, #tpu.memory_space<vmem>> -> memref<128x128xf32, #tpu.memory_space<vmem>>
    %dma_wait3A_57 = arith.constant 0 : i32
    %dma_wait3A_58 = tpu.memref_slice %arg5[%dma_wait3A_51, %dma_wait3A_57] : memref<8x128xi32, #tpu.memory_space<vmem>> -> memref<1x128xi32, #tpu.memory_space<vmem>>
    %dma_wait3A_59 = tpu.memref_squeeze %dma_wait3A_58 : memref<1x128xi32, #tpu.memory_space<vmem>> -> memref<128xi32, #tpu.memory_space<vmem>>
    %dma_wait3A_60 = arith.constant 0 : i32
    %dma_wait3A_61 = arith.constant 0 : i32
    %dma_wait3A_62 = tpu.memref_slice %arg2[%dma_wait3A_60, %dma_wait3A_61] : memref<8192x128xf32, #tpu.memory_space<hbm>> -> memref<8192x128xf32, #tpu.memory_space<hbm>>
    tpu.wait_indirect_dma semaphore(%arg8 : memref<!tpu.dma_semaphore, #tpu.memory_space<semaphore_mem>>) src(%dma_wait3A_62 : memref<8192x128xf32, #tpu.memory_space<hbm>>) dst(%dma_wait3A_56 : memref<128x128xf32, #tpu.memory_space<vmem>>)
    %add3A_63 = arith.constant 128 : i32
    %add3A_64 = arith.addi %mul3A_2, %add3A_63 : i32
    %run_scoped3A_65 = arith.constant 1 : i32
    "tpu.region"() ({
      %run_scoped3A_216 = tpu.sem_alloc : memref<!tpu.dma_semaphore, #tpu.memory_space<semaphore_mem>>
      %dma_start3A_217 = arith.constant 0 : i32
      %dma_start3A_218 = arith.constant 0 : i32
      %dma_start3A_219 = tpu.memref_slice %arg6[%run_scoped3A_65, %dma_start3A_217, %dma_start3A_218] : memref<2x128x128xf32, #tpu.memory_space<vmem>> -> memref<1x128x128xf32, #tpu.memory_space<vmem>>
      %dma_start3A_220 = tpu.memref_squeeze %dma_start3A_219 : memref<1x128x128xf32, #tpu.memory_space<vmem>> -> memref<128x128xf32, #tpu.memory_space<vmem>>
      %dma_start3A_221 = arith.constant 0 : i32
      %dma_start3A_222 = tpu.memref_slice %arg4[%add3A_64, %dma_start3A_221] : memref<32768x128xf32, #tpu.memory_space<hbm>> -> memref<128x128xf32, #tpu.memory_space<hbm>>
      %dma_start3A_223 = arith.constant 0 : i32
      %dma_start3A_224 = tpu.memref_slice %arg4[%add3A_64, %dma_start3A_223] : memref<32768x128xf32, #tpu.memory_space<hbm>> -> memref<128x128xf32, #tpu.memory_space<hbm>>
      %dma_start3A_225 = arith.constant 0 : i32
      %dma_start3A_226 = arith.constant 0 : i32
      %dma_start3A_227 = tpu.memref_slice %arg6[%run_scoped3A_65, %dma_start3A_225, %dma_start3A_226] : memref<2x128x128xf32, #tpu.memory_space<vmem>> -> memref<1x128x128xf32, #tpu.memory_space<vmem>>
      %dma_start3A_228 = tpu.memref_squeeze %dma_start3A_227 : memref<1x128x128xf32, #tpu.memory_space<vmem>> -> memref<128x128xf32, #tpu.memory_space<vmem>>
      tpu.enqueue_dma source(%dma_start3A_228 : memref<128x128xf32, #tpu.memory_space<vmem>>) target(%dma_start3A_224 : memref<128x128xf32, #tpu.memory_space<hbm>>) target_semaphore(%run_scoped3A_216 : memref<!tpu.dma_semaphore, #tpu.memory_space<semaphore_mem>>)
      %dma_wait3A_229 = arith.constant 0 : i32
      %dma_wait3A_230 = arith.constant 0 : i32
      %dma_wait3A_231 = tpu.memref_slice %arg6[%run_scoped3A_65, %dma_wait3A_229, %dma_wait3A_230] : memref<2x128x128xf32, #tpu.memory_space<vmem>> -> memref<1x128x128xf32, #tpu.memory_space<vmem>>
      %dma_wait3A_232 = tpu.memref_squeeze %dma_wait3A_231 : memref<1x128x128xf32, #tpu.memory_space<vmem>> -> memref<128x128xf32, #tpu.memory_space<vmem>>
      %dma_wait3A_233 = arith.constant 0 : i32
      %dma_wait3A_234 = tpu.memref_slice %arg4[%add3A_64, %dma_wait3A_233] : memref<32768x128xf32, #tpu.memory_space<hbm>> -> memref<128x128xf32, #tpu.memory_space<hbm>>
      %dma_wait3A_235 = arith.constant 0 : i32
      %dma_wait3A_236 = tpu.memref_slice %arg4[%add3A_64, %dma_wait3A_235] : memref<32768x128xf32, #tpu.memory_space<hbm>> -> memref<128x128xf32, #tpu.memory_space<hbm>>
      %dma_wait3A_237 = arith.constant 0 : i32
      %dma_wait3A_238 = arith.constant 0 : i32
      %dma_wait3A_239 = tpu.memref_slice %arg6[%run_scoped3A_65, %dma_wait3A_237, %dma_wait3A_238] : memref<2x128x128xf32, #tpu.memory_space<vmem>> -> memref<1x128x128xf32, #tpu.memory_space<vmem>>
      %dma_wait3A_240 = tpu.memref_squeeze %dma_wait3A_239 : memref<1x128x128xf32, #tpu.memory_space<vmem>> -> memref<128x128xf32, #tpu.memory_space<vmem>>
      tpu.wait_dma2 semaphore(%run_scoped3A_216 : memref<!tpu.dma_semaphore, #tpu.memory_space<semaphore_mem>>) src(%dma_wait3A_240 : memref<128x128xf32, #tpu.memory_space<vmem>>) dst(%dma_wait3A_236 : memref<128x128xf32, #tpu.memory_space<hbm>>)
      tpu.yield
    }) : () -> ()
    %dma_start3A_66 = arith.constant 3 : i32
    %dma_start3A_67 = arith.constant 1 : i32
    %dma_start3A_68 = arith.constant 0 : i32
    %dma_start3A_69 = arith.constant 0 : i32
    %dma_start3A_70 = tpu.memref_slice %arg6[%dma_start3A_67, %dma_start3A_68, %dma_start3A_69] : memref<2x128x128xf32, #tpu.memory_space<vmem>> -> memref<1x128x128xf32, #tpu.memory_space<vmem>>
    %dma_start3A_71 = tpu.memref_squeeze %dma_start3A_70 : memref<1x128x128xf32, #tpu.memory_space<vmem>> -> memref<128x128xf32, #tpu.memory_space<vmem>>
    %dma_start3A_72 = arith.constant 0 : i32
    %dma_start3A_73 = tpu.memref_slice %arg5[%dma_start3A_66, %dma_start3A_72] : memref<8x128xi32, #tpu.memory_space<vmem>> -> memref<1x128xi32, #tpu.memory_space<vmem>>
    %dma_start3A_74 = tpu.memref_squeeze %dma_start3A_73 : memref<1x128xi32, #tpu.memory_space<vmem>> -> memref<128xi32, #tpu.memory_space<vmem>>
    %dma_start3A_75 = arith.constant 0 : i32
    %dma_start3A_76 = arith.constant 0 : i32
    %dma_start3A_77 = tpu.memref_slice %arg2[%dma_start3A_75, %dma_start3A_76] : memref<8192x128xf32, #tpu.memory_space<hbm>> -> memref<8192x128xf32, #tpu.memory_space<hbm>>
    tpu.enqueue_indirect_dma source(%dma_start3A_77 : memref<8192x128xf32, #tpu.memory_space<hbm>>) target(%dma_start3A_71 : memref<128x128xf32, #tpu.memory_space<vmem>>) offsets(%dma_start3A_74 : memref<128xi32, #tpu.memory_space<vmem>>) semaphore(%arg8 : memref<!tpu.dma_semaphore, #tpu.memory_space<semaphore_mem>>)
    %dma_wait3A_78 = arith.constant 2 : i32
    %dma_wait3A_79 = arith.constant 0 : i32
    %dma_wait3A_80 = arith.constant 0 : i32
    %dma_wait3A_81 = arith.constant 0 : i32
    %dma_wait3A_82 = tpu.memref_slice %arg6[%dma_wait3A_79, %dma_wait3A_80, %dma_wait3A_81] : memref<2x128x128xf32, #tpu.memory_space<vmem>> -> memref<1x128x128xf32, #tpu.memory_space<vmem>>
    %dma_wait3A_83 = tpu.memref_squeeze %dma_wait3A_82 : memref<1x128x128xf32, #tpu.memory_space<vmem>> -> memref<128x128xf32, #tpu.memory_space<vmem>>
    %dma_wait3A_84 = arith.constant 0 : i32
    %dma_wait3A_85 = tpu.memref_slice %arg5[%dma_wait3A_78, %dma_wait3A_84] : memref<8x128xi32, #tpu.memory_space<vmem>> -> memref<1x128xi32, #tpu.memory_space<vmem>>
    %dma_wait3A_86 = tpu.memref_squeeze %dma_wait3A_85 : memref<1x128xi32, #tpu.memory_space<vmem>> -> memref<128xi32, #tpu.memory_space<vmem>>
    %dma_wait3A_87 = arith.constant 0 : i32
    %dma_wait3A_88 = arith.constant 0 : i32
    %dma_wait3A_89 = tpu.memref_slice %arg2[%dma_wait3A_87, %dma_wait3A_88] : memref<8192x128xf32, #tpu.memory_space<hbm>> -> memref<8192x128xf32, #tpu.memory_space<hbm>>
    tpu.wait_indirect_dma semaphore(%arg7 : memref<!tpu.dma_semaphore, #tpu.memory_space<semaphore_mem>>) src(%dma_wait3A_89 : memref<8192x128xf32, #tpu.memory_space<hbm>>) dst(%dma_wait3A_83 : memref<128x128xf32, #tpu.memory_space<vmem>>)
    %add3A_90 = arith.constant 256 : i32
    %add3A_91 = arith.addi %mul3A_2, %add3A_90 : i32
    %run_scoped3A_92 = arith.constant 0 : i32
    "tpu.region"() ({
      %run_scoped3A_216 = tpu.sem_alloc : memref<!tpu.dma_semaphore, #tpu.memory_space<semaphore_mem>>
      %dma_start3A_217 = arith.constant 0 : i32
      %dma_start3A_218 = arith.constant 0 : i32
      %dma_start3A_219 = tpu.memref_slice %arg6[%run_scoped3A_92, %dma_start3A_217, %dma_start3A_218] : memref<2x128x128xf32, #tpu.memory_space<vmem>> -> memref<1x128x128xf32, #tpu.memory_space<vmem>>
      %dma_start3A_220 = tpu.memref_squeeze %dma_start3A_219 : memref<1x128x128xf32, #tpu.memory_space<vmem>> -> memref<128x128xf32, #tpu.memory_space<vmem>>
      %dma_start3A_221 = arith.constant 0 : i32
      %dma_start3A_222 = tpu.memref_slice %arg4[%add3A_91, %dma_start3A_221] : memref<32768x128xf32, #tpu.memory_space<hbm>> -> memref<128x128xf32, #tpu.memory_space<hbm>>
      %dma_start3A_223 = arith.constant 0 : i32
      %dma_start3A_224 = tpu.memref_slice %arg4[%add3A_91, %dma_start3A_223] : memref<32768x128xf32, #tpu.memory_space<hbm>> -> memref<128x128xf32, #tpu.memory_space<hbm>>
      %dma_start3A_225 = arith.constant 0 : i32
      %dma_start3A_226 = arith.constant 0 : i32
      %dma_start3A_227 = tpu.memref_slice %arg6[%run_scoped3A_92, %dma_start3A_225, %dma_start3A_226] : memref<2x128x128xf32, #tpu.memory_space<vmem>> -> memref<1x128x128xf32, #tpu.memory_space<vmem>>
      %dma_start3A_228 = tpu.memref_squeeze %dma_start3A_227 : memref<1x128x128xf32, #tpu.memory_space<vmem>> -> memref<128x128xf32, #tpu.memory_space<vmem>>
      tpu.enqueue_dma source(%dma_start3A_228 : memref<128x128xf32, #tpu.memory_space<vmem>>) target(%dma_start3A_224 : memref<128x128xf32, #tpu.memory_space<hbm>>) target_semaphore(%run_scoped3A_216 : memref<!tpu.dma_semaphore, #tpu.memory_space<semaphore_mem>>)
      %dma_wait3A_229 = arith.constant 0 : i32
      %dma_wait3A_230 = arith.constant 0 : i32
      %dma_wait3A_231 = tpu.memref_slice %arg6[%run_scoped3A_92, %dma_wait3A_229, %dma_wait3A_230] : memref<2x128x128xf32, #tpu.memory_space<vmem>> -> memref<1x128x128xf32, #tpu.memory_space<vmem>>
      %dma_wait3A_232 = tpu.memref_squeeze %dma_wait3A_231 : memref<1x128x128xf32, #tpu.memory_space<vmem>> -> memref<128x128xf32, #tpu.memory_space<vmem>>
      %dma_wait3A_233 = arith.constant 0 : i32
      %dma_wait3A_234 = tpu.memref_slice %arg4[%add3A_91, %dma_wait3A_233] : memref<32768x128xf32, #tpu.memory_space<hbm>> -> memref<128x128xf32, #tpu.memory_space<hbm>>
      %dma_wait3A_235 = arith.constant 0 : i32
      %dma_wait3A_236 = tpu.memref_slice %arg4[%add3A_91, %dma_wait3A_235] : memref<32768x128xf32, #tpu.memory_space<hbm>> -> memref<128x128xf32, #tpu.memory_space<hbm>>
      %dma_wait3A_237 = arith.constant 0 : i32
      %dma_wait3A_238 = arith.constant 0 : i32
      %dma_wait3A_239 = tpu.memref_slice %arg6[%run_scoped3A_92, %dma_wait3A_237, %dma_wait3A_238] : memref<2x128x128xf32, #tpu.memory_space<vmem>> -> memref<1x128x128xf32, #tpu.memory_space<vmem>>
      %dma_wait3A_240 = tpu.memref_squeeze %dma_wait3A_239 : memref<1x128x128xf32, #tpu.memory_space<vmem>> -> memref<128x128xf32, #tpu.memory_space<vmem>>
      tpu.wait_dma2 semaphore(%run_scoped3A_216 : memref<!tpu.dma_semaphore, #tpu.memory_space<semaphore_mem>>) src(%dma_wait3A_240 : memref<128x128xf32, #tpu.memory_space<vmem>>) dst(%dma_wait3A_236 : memref<128x128xf32, #tpu.memory_space<hbm>>)
      tpu.yield
    }) : () -> ()
    %dma_start3A_93 = arith.constant 4 : i32
    %dma_start3A_94 = arith.constant 0 : i32
    %dma_start3A_95 = arith.constant 0 : i32
    %dma_start3A_96 = arith.constant 0 : i32
    %dma_start3A_97 = tpu.memref_slice %arg6[%dma_start3A_94, %dma_start3A_95, %dma_start3A_96] : memref<2x128x128xf32, #tpu.memory_space<vmem>> -> memref<1x128x128xf32, #tpu.memory_space<vmem>>
    %dma_start3A_98 = tpu.memref_squeeze %dma_start3A_97 : memref<1x128x128xf32, #tpu.memory_space<vmem>> -> memref<128x128xf32, #tpu.memory_space<vmem>>
    %dma_start3A_99 = arith.constant 0 : i32
    %dma_start3A_100 = tpu.memref_slice %arg5[%dma_start3A_93, %dma_start3A_99] : memref<8x128xi32, #tpu.memory_space<vmem>> -> memref<1x128xi32, #tpu.memory_space<vmem>>
    %dma_start3A_101 = tpu.memref_squeeze %dma_start3A_100 : memref<1x128xi32, #tpu.memory_space<vmem>> -> memref<128xi32, #tpu.memory_space<vmem>>
    %dma_start3A_102 = arith.constant 0 : i32
    %dma_start3A_103 = arith.constant 0 : i32
    %dma_start3A_104 = tpu.memref_slice %arg2[%dma_start3A_102, %dma_start3A_103] : memref<8192x128xf32, #tpu.memory_space<hbm>> -> memref<8192x128xf32, #tpu.memory_space<hbm>>
    tpu.enqueue_indirect_dma source(%dma_start3A_104 : memref<8192x128xf32, #tpu.memory_space<hbm>>) target(%dma_start3A_98 : memref<128x128xf32, #tpu.memory_space<vmem>>) offsets(%dma_start3A_101 : memref<128xi32, #tpu.memory_space<vmem>>) semaphore(%arg7 : memref<!tpu.dma_semaphore, #tpu.memory_space<semaphore_mem>>)
    %dma_wait3A_105 = arith.constant 3 : i32
    %dma_wait3A_106 = arith.constant 1 : i32
    %dma_wait3A_107 = arith.constant 0 : i32
    %dma_wait3A_108 = arith.constant 0 : i32
    %dma_wait3A_109 = tpu.memref_slice %arg6[%dma_wait3A_106, %dma_wait3A_107, %dma_wait3A_108] : memref<2x128x128xf32, #tpu.memory_space<vmem>> -> memref<1x128x128xf32, #tpu.memory_space<vmem>>
    %dma_wait3A_110 = tpu.memref_squeeze %dma_wait3A_109 : memref<1x128x128xf32, #tpu.memory_space<vmem>> -> memref<128x128xf32, #tpu.memory_space<vmem>>
    %dma_wait3A_111 = arith.constant 0 : i32
    %dma_wait3A_112 = tpu.memref_slice %arg5[%dma_wait3A_105, %dma_wait3A_111] : memref<8x128xi32, #tpu.memory_space<vmem>> -> memref<1x128xi32, #tpu.memory_space<vmem>>
    %dma_wait3A_113 = tpu.memref_squeeze %dma_wait3A_112 : memref<1x128xi32, #tpu.memory_space<vmem>> -> memref<128xi32, #tpu.memory_space<vmem>>
    %dma_wait3A_114 = arith.constant 0 : i32
    %dma_wait3A_115 = arith.constant 0 : i32
    %dma_wait3A_116 = tpu.memref_slice %arg2[%dma_wait3A_114, %dma_wait3A_115] : memref<8192x128xf32, #tpu.memory_space<hbm>> -> memref<8192x128xf32, #tpu.memory_space<hbm>>
    tpu.wait_indirect_dma semaphore(%arg8 : memref<!tpu.dma_semaphore, #tpu.memory_space<semaphore_mem>>) src(%dma_wait3A_116 : memref<8192x128xf32, #tpu.memory_space<hbm>>) dst(%dma_wait3A_110 : memref<128x128xf32, #tpu.memory_space<vmem>>)
    %add3A_117 = arith.constant 384 : i32
    %add3A_118 = arith.addi %mul3A_2, %add3A_117 : i32
    %run_scoped3A_119 = arith.constant 1 : i32
    "tpu.region"() ({
      %run_scoped3A_216 = tpu.sem_alloc : memref<!tpu.dma_semaphore, #tpu.memory_space<semaphore_mem>>
      %dma_start3A_217 = arith.constant 0 : i32
      %dma_start3A_218 = arith.constant 0 : i32
      %dma_start3A_219 = tpu.memref_slice %arg6[%run_scoped3A_119, %dma_start3A_217, %dma_start3A_218] : memref<2x128x128xf32, #tpu.memory_space<vmem>> -> memref<1x128x128xf32, #tpu.memory_space<vmem>>
      %dma_start3A_220 = tpu.memref_squeeze %dma_start3A_219 : memref<1x128x128xf32, #tpu.memory_space<vmem>> -> memref<128x128xf32, #tpu.memory_space<vmem>>
      %dma_start3A_221 = arith.constant 0 : i32
      %dma_start3A_222 = tpu.memref_slice %arg4[%add3A_118, %dma_start3A_221] : memref<32768x128xf32, #tpu.memory_space<hbm>> -> memref<128x128xf32, #tpu.memory_space<hbm>>
      %dma_start3A_223 = arith.constant 0 : i32
      %dma_start3A_224 = tpu.memref_slice %arg4[%add3A_118, %dma_start3A_223] : memref<32768x128xf32, #tpu.memory_space<hbm>> -> memref<128x128xf32, #tpu.memory_space<hbm>>
      %dma_start3A_225 = arith.constant 0 : i32
      %dma_start3A_226 = arith.constant 0 : i32
      %dma_start3A_227 = tpu.memref_slice %arg6[%run_scoped3A_119, %dma_start3A_225, %dma_start3A_226] : memref<2x128x128xf32, #tpu.memory_space<vmem>> -> memref<1x128x128xf32, #tpu.memory_space<vmem>>
      %dma_start3A_228 = tpu.memref_squeeze %dma_start3A_227 : memref<1x128x128xf32, #tpu.memory_space<vmem>> -> memref<128x128xf32, #tpu.memory_space<vmem>>
      tpu.enqueue_dma source(%dma_start3A_228 : memref<128x128xf32, #tpu.memory_space<vmem>>) target(%dma_start3A_224 : memref<128x128xf32, #tpu.memory_space<hbm>>) target_semaphore(%run_scoped3A_216 : memref<!tpu.dma_semaphore, #tpu.memory_space<semaphore_mem>>)
      %dma_wait3A_229 = arith.constant 0 : i32
      %dma_wait3A_230 = arith.constant 0 : i32
      %dma_wait3A_231 = tpu.memref_slice %arg6[%run_scoped3A_119, %dma_wait3A_229, %dma_wait3A_230] : memref<2x128x128xf32, #tpu.memory_space<vmem>> -> memref<1x128x128xf32, #tpu.memory_space<vmem>>
      %dma_wait3A_232 = tpu.memref_squeeze %dma_wait3A_231 : memref<1x128x128xf32, #tpu.memory_space<vmem>> -> memref<128x128xf32, #tpu.memory_space<vmem>>
      %dma_wait3A_233 = arith.constant 0 : i32
      %dma_wait3A_234 = tpu.memref_slice %arg4[%add3A_118, %dma_wait3A_233] : memref<32768x128xf32, #tpu.memory_space<hbm>> -> memref<128x128xf32, #tpu.memory_space<hbm>>
      %dma_wait3A_235 = arith.constant 0 : i32
      %dma_wait3A_236 = tpu.memref_slice %arg4[%add3A_118, %dma_wait3A_235] : memref<32768x128xf32, #tpu.memory_space<hbm>> -> memref<128x128xf32, #tpu.memory_space<hbm>>
      %dma_wait3A_237 = arith.constant 0 : i32
      %dma_wait3A_238 = arith.constant 0 : i32
      %dma_wait3A_239 = tpu.memref_slice %arg6[%run_scoped3A_119, %dma_wait3A_237, %dma_wait3A_238] : memref<2x128x128xf32, #tpu.memory_space<vmem>> -> memref<1x128x128xf32, #tpu.memory_space<vmem>>
      %dma_wait3A_240 = tpu.memref_squeeze %dma_wait3A_239 : memref<1x128x128xf32, #tpu.memory_space<vmem>> -> memref<128x128xf32, #tpu.memory_space<vmem>>
      tpu.wait_dma2 semaphore(%run_scoped3A_216 : memref<!tpu.dma_semaphore, #tpu.memory_space<semaphore_mem>>) src(%dma_wait3A_240 : memref<128x128xf32, #tpu.memory_space<vmem>>) dst(%dma_wait3A_236 : memref<128x128xf32, #tpu.memory_space<hbm>>)
      tpu.yield
    }) : () -> ()
    %dma_start3A_120 = arith.constant 5 : i32
    %dma_start3A_121 = arith.constant 1 : i32
    %dma_start3A_122 = arith.constant 0 : i32
    %dma_start3A_123 = arith.constant 0 : i32
    %dma_start3A_124 = tpu.memref_slice %arg6[%dma_start3A_121, %dma_start3A_122, %dma_start3A_123] : memref<2x128x128xf32, #tpu.memory_space<vmem>> -> memref<1x128x128xf32, #tpu.memory_space<vmem>>
    %dma_start3A_125 = tpu.memref_squeeze %dma_start3A_124 : memref<1x128x128xf32, #tpu.memory_space<vmem>> -> memref<128x128xf32, #tpu.memory_space<vmem>>
    %dma_start3A_126 = arith.constant 0 : i32
    %dma_start3A_127 = tpu.memref_slice %arg5[%dma_start3A_120, %dma_start3A_126] : memref<8x128xi32, #tpu.memory_space<vmem>> -> memref<1x128xi32, #tpu.memory_space<vmem>>
    %dma_start3A_128 = tpu.memref_squeeze %dma_start3A_127 : memref<1x128xi32, #tpu.memory_space<vmem>> -> memref<128xi32, #tpu.memory_space<vmem>>
    %dma_start3A_129 = arith.constant 0 : i32
    %dma_start3A_130 = arith.constant 0 : i32
    %dma_start3A_131 = tpu.memref_slice %arg2[%dma_start3A_129, %dma_start3A_130] : memref<8192x128xf32, #tpu.memory_space<hbm>> -> memref<8192x128xf32, #tpu.memory_space<hbm>>
    tpu.enqueue_indirect_dma source(%dma_start3A_131 : memref<8192x128xf32, #tpu.memory_space<hbm>>) target(%dma_start3A_125 : memref<128x128xf32, #tpu.memory_space<vmem>>) offsets(%dma_start3A_128 : memref<128xi32, #tpu.memory_space<vmem>>) semaphore(%arg8 : memref<!tpu.dma_semaphore, #tpu.memory_space<semaphore_mem>>)
    %dma_wait3A_132 = arith.constant 4 : i32
    %dma_wait3A_133 = arith.constant 0 : i32
    %dma_wait3A_134 = arith.constant 0 : i32
    %dma_wait3A_135 = arith.constant 0 : i32
    %dma_wait3A_136 = tpu.memref_slice %arg6[%dma_wait3A_133, %dma_wait3A_134, %dma_wait3A_135] : memref<2x128x128xf32, #tpu.memory_space<vmem>> -> memref<1x128x128xf32, #tpu.memory_space<vmem>>
    %dma_wait3A_137 = tpu.memref_squeeze %dma_wait3A_136 : memref<1x128x128xf32, #tpu.memory_space<vmem>> -> memref<128x128xf32, #tpu.memory_space<vmem>>
    %dma_wait3A_138 = arith.constant 0 : i32
    %dma_wait3A_139 = tpu.memref_slice %arg5[%dma_wait3A_132, %dma_wait3A_138] : memref<8x128xi32, #tpu.memory_space<vmem>> -> memref<1x128xi32, #tpu.memory_space<vmem>>
    %dma_wait3A_140 = tpu.memref_squeeze %dma_wait3A_139 : memref<1x128xi32, #tpu.memory_space<vmem>> -> memref<128xi32, #tpu.memory_space<vmem>>
    %dma_wait3A_141 = arith.constant 0 : i32
    %dma_wait3A_142 = arith.constant 0 : i32
    %dma_wait3A_143 = tpu.memref_slice %arg2[%dma_wait3A_141, %dma_wait3A_142] : memref<8192x128xf32, #tpu.memory_space<hbm>> -> memref<8192x128xf32, #tpu.memory_space<hbm>>
    tpu.wait_indirect_dma semaphore(%arg7 : memref<!tpu.dma_semaphore, #tpu.memory_space<semaphore_mem>>) src(%dma_wait3A_143 : memref<8192x128xf32, #tpu.memory_space<hbm>>) dst(%dma_wait3A_137 : memref<128x128xf32, #tpu.memory_space<vmem>>)
    %add3A_144 = arith.constant 512 : i32
    %add3A_145 = arith.addi %mul3A_2, %add3A_144 : i32
    %run_scoped3A_146 = arith.constant 0 : i32
    "tpu.region"() ({
      %run_scoped3A_216 = tpu.sem_alloc : memref<!tpu.dma_semaphore, #tpu.memory_space<semaphore_mem>>
      %dma_start3A_217 = arith.constant 0 : i32
      %dma_start3A_218 = arith.constant 0 : i32
      %dma_start3A_219 = tpu.memref_slice %arg6[%run_scoped3A_146, %dma_start3A_217, %dma_start3A_218] : memref<2x128x128xf32, #tpu.memory_space<vmem>> -> memref<1x128x128xf32, #tpu.memory_space<vmem>>
      %dma_start3A_220 = tpu.memref_squeeze %dma_start3A_219 : memref<1x128x128xf32, #tpu.memory_space<vmem>> -> memref<128x128xf32, #tpu.memory_space<vmem>>
      %dma_start3A_221 = arith.constant 0 : i32
      %dma_start3A_222 = tpu.memref_slice %arg4[%add3A_145, %dma_start3A_221] : memref<32768x128xf32, #tpu.memory_space<hbm>> -> memref<128x128xf32, #tpu.memory_space<hbm>>
      %dma_start3A_223 = arith.constant 0 : i32
      %dma_start3A_224 = tpu.memref_slice %arg4[%add3A_145, %dma_start3A_223] : memref<32768x128xf32, #tpu.memory_space<hbm>> -> memref<128x128xf32, #tpu.memory_space<hbm>>
      %dma_start3A_225 = arith.constant 0 : i32
      %dma_start3A_226 = arith.constant 0 : i32
      %dma_start3A_227 = tpu.memref_slice %arg6[%run_scoped3A_146, %dma_start3A_225, %dma_start3A_226] : memref<2x128x128xf32, #tpu.memory_space<vmem>> -> memref<1x128x128xf32, #tpu.memory_space<vmem>>
      %dma_start3A_228 = tpu.memref_squeeze %dma_start3A_227 : memref<1x128x128xf32, #tpu.memory_space<vmem>> -> memref<128x128xf32, #tpu.memory_space<vmem>>
      tpu.enqueue_dma source(%dma_start3A_228 : memref<128x128xf32, #tpu.memory_space<vmem>>) target(%dma_start3A_224 : memref<128x128xf32, #tpu.memory_space<hbm>>) target_semaphore(%run_scoped3A_216 : memref<!tpu.dma_semaphore, #tpu.memory_space<semaphore_mem>>)
      %dma_wait3A_229 = arith.constant 0 : i32
      %dma_wait3A_230 = arith.constant 0 : i32
      %dma_wait3A_231 = tpu.memref_slice %arg6[%run_scoped3A_146, %dma_wait3A_229, %dma_wait3A_230] : memref<2x128x128xf32, #tpu.memory_space<vmem>> -> memref<1x128x128xf32, #tpu.memory_space<vmem>>
      %dma_wait3A_232 = tpu.memref_squeeze %dma_wait3A_231 : memref<1x128x128xf32, #tpu.memory_space<vmem>> -> memref<128x128xf32, #tpu.memory_space<vmem>>
      %dma_wait3A_233 = arith.constant 0 : i32
      %dma_wait3A_234 = tpu.memref_slice %arg4[%add3A_145, %dma_wait3A_233] : memref<32768x128xf32, #tpu.memory_space<hbm>> -> memref<128x128xf32, #tpu.memory_space<hbm>>
      %dma_wait3A_235 = arith.constant 0 : i32
      %dma_wait3A_236 = tpu.memref_slice %arg4[%add3A_145, %dma_wait3A_235] : memref<32768x128xf32, #tpu.memory_space<hbm>> -> memref<128x128xf32, #tpu.memory_space<hbm>>
      %dma_wait3A_237 = arith.constant 0 : i32
      %dma_wait3A_238 = arith.constant 0 : i32
      %dma_wait3A_239 = tpu.memref_slice %arg6[%run_scoped3A_146, %dma_wait3A_237, %dma_wait3A_238] : memref<2x128x128xf32, #tpu.memory_space<vmem>> -> memref<1x128x128xf32, #tpu.memory_space<vmem>>
      %dma_wait3A_240 = tpu.memref_squeeze %dma_wait3A_239 : memref<1x128x128xf32, #tpu.memory_space<vmem>> -> memref<128x128xf32, #tpu.memory_space<vmem>>
      tpu.wait_dma2 semaphore(%run_scoped3A_216 : memref<!tpu.dma_semaphore, #tpu.memory_space<semaphore_mem>>) src(%dma_wait3A_240 : memref<128x128xf32, #tpu.memory_space<vmem>>) dst(%dma_wait3A_236 : memref<128x128xf32, #tpu.memory_space<hbm>>)
      tpu.yield
    }) : () -> ()
    %dma_start3A_147 = arith.constant 6 : i32
    %dma_start3A_148 = arith.constant 0 : i32
    %dma_start3A_149 = arith.constant 0 : i32
    %dma_start3A_150 = arith.constant 0 : i32
    %dma_start3A_151 = tpu.memref_slice %arg6[%dma_start3A_148, %dma_start3A_149, %dma_start3A_150] : memref<2x128x128xf32, #tpu.memory_space<vmem>> -> memref<1x128x128xf32, #tpu.memory_space<vmem>>
    %dma_start3A_152 = tpu.memref_squeeze %dma_start3A_151 : memref<1x128x128xf32, #tpu.memory_space<vmem>> -> memref<128x128xf32, #tpu.memory_space<vmem>>
    %dma_start3A_153 = arith.constant 0 : i32
    %dma_start3A_154 = tpu.memref_slice %arg5[%dma_start3A_147, %dma_start3A_153] : memref<8x128xi32, #tpu.memory_space<vmem>> -> memref<1x128xi32, #tpu.memory_space<vmem>>
    %dma_start3A_155 = tpu.memref_squeeze %dma_start3A_154 : memref<1x128xi32, #tpu.memory_space<vmem>> -> memref<128xi32, #tpu.memory_space<vmem>>
    %dma_start3A_156 = arith.constant 0 : i32
    %dma_start3A_157 = arith.constant 0 : i32
    %dma_start3A_158 = tpu.memref_slice %arg2[%dma_start3A_156, %dma_start3A_157] : memref<8192x128xf32, #tpu.memory_space<hbm>> -> memref<8192x128xf32, #tpu.memory_space<hbm>>
    tpu.enqueue_indirect_dma source(%dma_start3A_158 : memref<8192x128xf32, #tpu.memory_space<hbm>>) target(%dma_start3A_152 : memref<128x128xf32, #tpu.memory_space<vmem>>) offsets(%dma_start3A_155 : memref<128xi32, #tpu.memory_space<vmem>>) semaphore(%arg7 : memref<!tpu.dma_semaphore, #tpu.memory_space<semaphore_mem>>)
    %dma_wait3A_159 = arith.constant 5 : i32
    %dma_wait3A_160 = arith.constant 1 : i32
    %dma_wait3A_161 = arith.constant 0 : i32
    %dma_wait3A_162 = arith.constant 0 : i32
    %dma_wait3A_163 = tpu.memref_slice %arg6[%dma_wait3A_160, %dma_wait3A_161, %dma_wait3A_162] : memref<2x128x128xf32, #tpu.memory_space<vmem>> -> memref<1x128x128xf32, #tpu.memory_space<vmem>>
    %dma_wait3A_164 = tpu.memref_squeeze %dma_wait3A_163 : memref<1x128x128xf32, #tpu.memory_space<vmem>> -> memref<128x128xf32, #tpu.memory_space<vmem>>
    %dma_wait3A_165 = arith.constant 0 : i32
    %dma_wait3A_166 = tpu.memref_slice %arg5[%dma_wait3A_159, %dma_wait3A_165] : memref<8x128xi32, #tpu.memory_space<vmem>> -> memref<1x128xi32, #tpu.memory_space<vmem>>
    %dma_wait3A_167 = tpu.memref_squeeze %dma_wait3A_166 : memref<1x128xi32, #tpu.memory_space<vmem>> -> memref<128xi32, #tpu.memory_space<vmem>>
    %dma_wait3A_168 = arith.constant 0 : i32
    %dma_wait3A_169 = arith.constant 0 : i32
    %dma_wait3A_170 = tpu.memref_slice %arg2[%dma_wait3A_168, %dma_wait3A_169] : memref<8192x128xf32, #tpu.memory_space<hbm>> -> memref<8192x128xf32, #tpu.memory_space<hbm>>
    tpu.wait_indirect_dma semaphore(%arg8 : memref<!tpu.dma_semaphore, #tpu.memory_space<semaphore_mem>>) src(%dma_wait3A_170 : memref<8192x128xf32, #tpu.memory_space<hbm>>) dst(%dma_wait3A_164 : memref<128x128xf32, #tpu.memory_space<vmem>>)
    %add3A_171 = arith.constant 640 : i32
    %add3A_172 = arith.addi %mul3A_2, %add3A_171 : i32
    %run_scoped3A_173 = arith.constant 1 : i32
    "tpu.region"() ({
      %run_scoped3A_216 = tpu.sem_alloc : memref<!tpu.dma_semaphore, #tpu.memory_space<semaphore_mem>>
      %dma_start3A_217 = arith.constant 0 : i32
      %dma_start3A_218 = arith.constant 0 : i32
      %dma_start3A_219 = tpu.memref_slice %arg6[%run_scoped3A_173, %dma_start3A_217, %dma_start3A_218] : memref<2x128x128xf32, #tpu.memory_space<vmem>> -> memref<1x128x128xf32, #tpu.memory_space<vmem>>
      %dma_start3A_220 = tpu.memref_squeeze %dma_start3A_219 : memref<1x128x128xf32, #tpu.memory_space<vmem>> -> memref<128x128xf32, #tpu.memory_space<vmem>>
      %dma_start3A_221 = arith.constant 0 : i32
      %dma_start3A_222 = tpu.memref_slice %arg4[%add3A_172, %dma_start3A_221] : memref<32768x128xf32, #tpu.memory_space<hbm>> -> memref<128x128xf32, #tpu.memory_space<hbm>>
      %dma_start3A_223 = arith.constant 0 : i32
      %dma_start3A_224 = tpu.memref_slice %arg4[%add3A_172, %dma_start3A_223] : memref<32768x128xf32, #tpu.memory_space<hbm>> -> memref<128x128xf32, #tpu.memory_space<hbm>>
      %dma_start3A_225 = arith.constant 0 : i32
      %dma_start3A_226 = arith.constant 0 : i32
      %dma_start3A_227 = tpu.memref_slice %arg6[%run_scoped3A_173, %dma_start3A_225, %dma_start3A_226] : memref<2x128x128xf32, #tpu.memory_space<vmem>> -> memref<1x128x128xf32, #tpu.memory_space<vmem>>
      %dma_start3A_228 = tpu.memref_squeeze %dma_start3A_227 : memref<1x128x128xf32, #tpu.memory_space<vmem>> -> memref<128x128xf32, #tpu.memory_space<vmem>>
      tpu.enqueue_dma source(%dma_start3A_228 : memref<128x128xf32, #tpu.memory_space<vmem>>) target(%dma_start3A_224 : memref<128x128xf32, #tpu.memory_space<hbm>>) target_semaphore(%run_scoped3A_216 : memref<!tpu.dma_semaphore, #tpu.memory_space<semaphore_mem>>)
      %dma_wait3A_229 = arith.constant 0 : i32
      %dma_wait3A_230 = arith.constant 0 : i32
      %dma_wait3A_231 = tpu.memref_slice %arg6[%run_scoped3A_173, %dma_wait3A_229, %dma_wait3A_230] : memref<2x128x128xf32, #tpu.memory_space<vmem>> -> memref<1x128x128xf32, #tpu.memory_space<vmem>>
      %dma_wait3A_232 = tpu.memref_squeeze %dma_wait3A_231 : memref<1x128x128xf32, #tpu.memory_space<vmem>> -> memref<128x128xf32, #tpu.memory_space<vmem>>
      %dma_wait3A_233 = arith.constant 0 : i32
      %dma_wait3A_234 = tpu.memref_slice %arg4[%add3A_172, %dma_wait3A_233] : memref<32768x128xf32, #tpu.memory_space<hbm>> -> memref<128x128xf32, #tpu.memory_space<hbm>>
      %dma_wait3A_235 = arith.constant 0 : i32
      %dma_wait3A_236 = tpu.memref_slice %arg4[%add3A_172, %dma_wait3A_235] : memref<32768x128xf32, #tpu.memory_space<hbm>> -> memref<128x128xf32, #tpu.memory_space<hbm>>
      %dma_wait3A_237 = arith.constant 0 : i32
      %dma_wait3A_238 = arith.constant 0 : i32
      %dma_wait3A_239 = tpu.memref_slice %arg6[%run_scoped3A_173, %dma_wait3A_237, %dma_wait3A_238] : memref<2x128x128xf32, #tpu.memory_space<vmem>> -> memref<1x128x128xf32, #tpu.memory_space<vmem>>
      %dma_wait3A_240 = tpu.memref_squeeze %dma_wait3A_239 : memref<1x128x128xf32, #tpu.memory_space<vmem>> -> memref<128x128xf32, #tpu.memory_space<vmem>>
      tpu.wait_dma2 semaphore(%run_scoped3A_216 : memref<!tpu.dma_semaphore, #tpu.memory_space<semaphore_mem>>) src(%dma_wait3A_240 : memref<128x128xf32, #tpu.memory_space<vmem>>) dst(%dma_wait3A_236 : memref<128x128xf32, #tpu.memory_space<hbm>>)
      tpu.yield
    }) : () -> ()
    %dma_start3A_174 = arith.constant 7 : i32
    %dma_start3A_175 = arith.constant 1 : i32
    %dma_start3A_176 = arith.constant 0 : i32
    %dma_start3A_177 = arith.constant 0 : i32
    %dma_start3A_178 = tpu.memref_slice %arg6[%dma_start3A_175, %dma_start3A_176, %dma_start3A_177] : memref<2x128x128xf32, #tpu.memory_space<vmem>> -> memref<1x128x128xf32, #tpu.memory_space<vmem>>
    %dma_start3A_179 = tpu.memref_squeeze %dma_start3A_178 : memref<1x128x128xf32, #tpu.memory_space<vmem>> -> memref<128x128xf32, #tpu.memory_space<vmem>>
    %dma_start3A_180 = arith.constant 0 : i32
    %dma_start3A_181 = tpu.memref_slice %arg5[%dma_start3A_174, %dma_start3A_180] : memref<8x128xi32, #tpu.memory_space<vmem>> -> memref<1x128xi32, #tpu.memory_space<vmem>>
    %dma_start3A_182 = tpu.memref_squeeze %dma_start3A_181 : memref<1x128xi32, #tpu.memory_space<vmem>> -> memref<128xi32, #tpu.memory_space<vmem>>
    %dma_start3A_183 = arith.constant 0 : i32
    %dma_start3A_184 = arith.constant 0 : i32
    %dma_start3A_185 = tpu.memref_slice %arg2[%dma_start3A_183, %dma_start3A_184] : memref<8192x128xf32, #tpu.memory_space<hbm>> -> memref<8192x128xf32, #tpu.memory_space<hbm>>
    tpu.enqueue_indirect_dma source(%dma_start3A_185 : memref<8192x128xf32, #tpu.memory_space<hbm>>) target(%dma_start3A_179 : memref<128x128xf32, #tpu.memory_space<vmem>>) offsets(%dma_start3A_182 : memref<128xi32, #tpu.memory_space<vmem>>) semaphore(%arg8 : memref<!tpu.dma_semaphore, #tpu.memory_space<semaphore_mem>>)
    %dma_wait3A_186 = arith.constant 6 : i32
    %dma_wait3A_187 = arith.constant 0 : i32
    %dma_wait3A_188 = arith.constant 0 : i32
    %dma_wait3A_189 = arith.constant 0 : i32
    %dma_wait3A_190 = tpu.memref_slice %arg6[%dma_wait3A_187, %dma_wait3A_188, %dma_wait3A_189] : memref<2x128x128xf32, #tpu.memory_space<vmem>> -> memref<1x128x128xf32, #tpu.memory_space<vmem>>
    %dma_wait3A_191 = tpu.memref_squeeze %dma_wait3A_190 : memref<1x128x128xf32, #tpu.memory_space<vmem>> -> memref<128x128xf32, #tpu.memory_space<vmem>>
    %dma_wait3A_192 = arith.constant 0 : i32
    %dma_wait3A_193 = tpu.memref_slice %arg5[%dma_wait3A_186, %dma_wait3A_192] : memref<8x128xi32, #tpu.memory_space<vmem>> -> memref<1x128xi32, #tpu.memory_space<vmem>>
    %dma_wait3A_194 = tpu.memref_squeeze %dma_wait3A_193 : memref<1x128xi32, #tpu.memory_space<vmem>> -> memref<128xi32, #tpu.memory_space<vmem>>
    %dma_wait3A_195 = arith.constant 0 : i32
    %dma_wait3A_196 = arith.constant 0 : i32
    %dma_wait3A_197 = tpu.memref_slice %arg2[%dma_wait3A_195, %dma_wait3A_196] : memref<8192x128xf32, #tpu.memory_space<hbm>> -> memref<8192x128xf32, #tpu.memory_space<hbm>>
    tpu.wait_indirect_dma semaphore(%arg7 : memref<!tpu.dma_semaphore, #tpu.memory_space<semaphore_mem>>) src(%dma_wait3A_197 : memref<8192x128xf32, #tpu.memory_space<hbm>>) dst(%dma_wait3A_191 : memref<128x128xf32, #tpu.memory_space<vmem>>)
    %add3A_198 = arith.constant 768 : i32
    %add3A_199 = arith.addi %mul3A_2, %add3A_198 : i32
    %run_scoped3A_200 = arith.constant 0 : i32
    "tpu.region"() ({
      %run_scoped3A_216 = tpu.sem_alloc : memref<!tpu.dma_semaphore, #tpu.memory_space<semaphore_mem>>
      %dma_start3A_217 = arith.constant 0 : i32
      %dma_start3A_218 = arith.constant 0 : i32
      %dma_start3A_219 = tpu.memref_slice %arg6[%run_scoped3A_200, %dma_start3A_217, %dma_start3A_218] : memref<2x128x128xf32, #tpu.memory_space<vmem>> -> memref<1x128x128xf32, #tpu.memory_space<vmem>>
      %dma_start3A_220 = tpu.memref_squeeze %dma_start3A_219 : memref<1x128x128xf32, #tpu.memory_space<vmem>> -> memref<128x128xf32, #tpu.memory_space<vmem>>
      %dma_start3A_221 = arith.constant 0 : i32
      %dma_start3A_222 = tpu.memref_slice %arg4[%add3A_199, %dma_start3A_221] : memref<32768x128xf32, #tpu.memory_space<hbm>> -> memref<128x128xf32, #tpu.memory_space<hbm>>
      %dma_start3A_223 = arith.constant 0 : i32
      %dma_start3A_224 = tpu.memref_slice %arg4[%add3A_199, %dma_start3A_223] : memref<32768x128xf32, #tpu.memory_space<hbm>> -> memref<128x128xf32, #tpu.memory_space<hbm>>
      %dma_start3A_225 = arith.constant 0 : i32
      %dma_start3A_226 = arith.constant 0 : i32
      %dma_start3A_227 = tpu.memref_slice %arg6[%run_scoped3A_200, %dma_start3A_225, %dma_start3A_226] : memref<2x128x128xf32, #tpu.memory_space<vmem>> -> memref<1x128x128xf32, #tpu.memory_space<vmem>>
      %dma_start3A_228 = tpu.memref_squeeze %dma_start3A_227 : memref<1x128x128xf32, #tpu.memory_space<vmem>> -> memref<128x128xf32, #tpu.memory_space<vmem>>
      tpu.enqueue_dma source(%dma_start3A_228 : memref<128x128xf32, #tpu.memory_space<vmem>>) target(%dma_start3A_224 : memref<128x128xf32, #tpu.memory_space<hbm>>) target_semaphore(%run_scoped3A_216 : memref<!tpu.dma_semaphore, #tpu.memory_space<semaphore_mem>>)
      %dma_wait3A_229 = arith.constant 0 : i32
      %dma_wait3A_230 = arith.constant 0 : i32
      %dma_wait3A_231 = tpu.memref_slice %arg6[%run_scoped3A_200, %dma_wait3A_229, %dma_wait3A_230] : memref<2x128x128xf32, #tpu.memory_space<vmem>> -> memref<1x128x128xf32, #tpu.memory_space<vmem>>
      %dma_wait3A_232 = tpu.memref_squeeze %dma_wait3A_231 : memref<1x128x128xf32, #tpu.memory_space<vmem>> -> memref<128x128xf32, #tpu.memory_space<vmem>>
      %dma_wait3A_233 = arith.constant 0 : i32
      %dma_wait3A_234 = tpu.memref_slice %arg4[%add3A_199, %dma_wait3A_233] : memref<32768x128xf32, #tpu.memory_space<hbm>> -> memref<128x128xf32, #tpu.memory_space<hbm>>
      %dma_wait3A_235 = arith.constant 0 : i32
      %dma_wait3A_236 = tpu.memref_slice %arg4[%add3A_199, %dma_wait3A_235] : memref<32768x128xf32, #tpu.memory_space<hbm>> -> memref<128x128xf32, #tpu.memory_space<hbm>>
      %dma_wait3A_237 = arith.constant 0 : i32
      %dma_wait3A_238 = arith.constant 0 : i32
      %dma_wait3A_239 = tpu.memref_slice %arg6[%run_scoped3A_200, %dma_wait3A_237, %dma_wait3A_238] : memref<2x128x128xf32, #tpu.memory_space<vmem>> -> memref<1x128x128xf32, #tpu.memory_space<vmem>>
      %dma_wait3A_240 = tpu.memref_squeeze %dma_wait3A_239 : memref<1x128x128xf32, #tpu.memory_space<vmem>> -> memref<128x128xf32, #tpu.memory_space<vmem>>
      tpu.wait_dma2 semaphore(%run_scoped3A_216 : memref<!tpu.dma_semaphore, #tpu.memory_space<semaphore_mem>>) src(%dma_wait3A_240 : memref<128x128xf32, #tpu.memory_space<vmem>>) dst(%dma_wait3A_236 : memref<128x128xf32, #tpu.memory_space<hbm>>)
      tpu.yield
    }) : () -> ()
    %dma_wait3A_201 = arith.constant 7 : i32
    %dma_wait3A_202 = arith.constant 1 : i32
    %dma_wait3A_203 = arith.constant 0 : i32
    %dma_wait3A_204 = arith.constant 0 : i32
    %dma_wait3A_205 = tpu.memref_slice %arg6[%dma_wait3A_202, %dma_wait3A_203, %dma_wait3A_204] : memref<2x128x128xf32, #tpu.memory_space<vmem>> -> memref<1x128x128xf32, #tpu.memory_space<vmem>>
    %dma_wait3A_206 = tpu.memref_squeeze %dma_wait3A_205 : memref<1x128x128xf32, #tpu.memory_space<vmem>> -> memref<128x128xf32, #tpu.memory_space<vmem>>
    %dma_wait3A_207 = arith.constant 0 : i32
    %dma_wait3A_208 = tpu.memref_slice %arg5[%dma_wait3A_201, %dma_wait3A_207] : memref<8x128xi32, #tpu.memory_space<vmem>> -> memref<1x128xi32, #tpu.memory_space<vmem>>
    %dma_wait3A_209 = tpu.memref_squeeze %dma_wait3A_208 : memref<1x128xi32, #tpu.memory_space<vmem>> -> memref<128xi32, #tpu.memory_space<vmem>>
    %dma_wait3A_210 = arith.constant 0 : i32
    %dma_wait3A_211 = arith.constant 0 : i32
    %dma_wait3A_212 = tpu.memref_slice %arg2[%dma_wait3A_210, %dma_wait3A_211] : memref<8192x128xf32, #tpu.memory_space<hbm>> -> memref<8192x128xf32, #tpu.memory_space<hbm>>
    tpu.wait_indirect_dma semaphore(%arg8 : memref<!tpu.dma_semaphore, #tpu.memory_space<semaphore_mem>>) src(%dma_wait3A_212 : memref<8192x128xf32, #tpu.memory_space<hbm>>) dst(%dma_wait3A_206 : memref<128x128xf32, #tpu.memory_space<vmem>>)
    %add3A_213 = arith.constant 896 : i32
    %add3A_214 = arith.addi %mul3A_2, %add3A_213 : i32
    %run_scoped3A_215 = arith.constant 1 : i32
    "tpu.region"() ({
      %run_scoped3A_216 = tpu.sem_alloc : memref<!tpu.dma_semaphore, #tpu.memory_space<semaphore_mem>>
      %dma_start3A_217 = arith.constant 0 : i32
      %dma_start3A_218 = arith.constant 0 : i32
      %dma_start3A_219 = tpu.memref_slice %arg6[%run_scoped3A_215, %dma_start3A_217, %dma_start3A_218] : memref<2x128x128xf32, #tpu.memory_space<vmem>> -> memref<1x128x128xf32, #tpu.memory_space<vmem>>
      %dma_start3A_220 = tpu.memref_squeeze %dma_start3A_219 : memref<1x128x128xf32, #tpu.memory_space<vmem>> -> memref<128x128xf32, #tpu.memory_space<vmem>>
      %dma_start3A_221 = arith.constant 0 : i32
      %dma_start3A_222 = tpu.memref_slice %arg4[%add3A_214, %dma_start3A_221] : memref<32768x128xf32, #tpu.memory_space<hbm>> -> memref<128x128xf32, #tpu.memory_space<hbm>>
      %dma_start3A_223 = arith.constant 0 : i32
      %dma_start3A_224 = tpu.memref_slice %arg4[%add3A_214, %dma_start3A_223] : memref<32768x128xf32, #tpu.memory_space<hbm>> -> memref<128x128xf32, #tpu.memory_space<hbm>>
      %dma_start3A_225 = arith.constant 0 : i32
      %dma_start3A_226 = arith.constant 0 : i32
      %dma_start3A_227 = tpu.memref_slice %arg6[%run_scoped3A_215, %dma_start3A_225, %dma_start3A_226] : memref<2x128x128xf32, #tpu.memory_space<vmem>> -> memref<1x128x128xf32, #tpu.memory_space<vmem>>
      %dma_start3A_228 = tpu.memref_squeeze %dma_start3A_227 : memref<1x128x128xf32, #tpu.memory_space<vmem>> -> memref<128x128xf32, #tpu.memory_space<vmem>>
      tpu.enqueue_dma source(%dma_start3A_228 : memref<128x128xf32, #tpu.memory_space<vmem>>) target(%dma_start3A_224 : memref<128x128xf32, #tpu.memory_space<hbm>>) target_semaphore(%run_scoped3A_216 : memref<!tpu.dma_semaphore, #tpu.memory_space<semaphore_mem>>)
      %dma_wait3A_229 = arith.constant 0 : i32
      %dma_wait3A_230 = arith.constant 0 : i32
      %dma_wait3A_231 = tpu.memref_slice %arg6[%run_scoped3A_215, %dma_wait3A_229, %dma_wait3A_230] : memref<2x128x128xf32, #tpu.memory_space<vmem>> -> memref<1x128x128xf32, #tpu.memory_space<vmem>>
      %dma_wait3A_232 = tpu.memref_squeeze %dma_wait3A_231 : memref<1x128x128xf32, #tpu.memory_space<vmem>> -> memref<128x128xf32, #tpu.memory_space<vmem>>
      %dma_wait3A_233 = arith.constant 0 : i32
      %dma_wait3A_234 = tpu.memref_slice %arg4[%add3A_214, %dma_wait3A_233] : memref<32768x128xf32, #tpu.memory_space<hbm>> -> memref<128x128xf32, #tpu.memory_space<hbm>>
      %dma_wait3A_235 = arith.constant 0 : i32
      %dma_wait3A_236 = tpu.memref_slice %arg4[%add3A_214, %dma_wait3A_235] : memref<32768x128xf32, #tpu.memory_space<hbm>> -> memref<128x128xf32, #tpu.memory_space<hbm>>
      %dma_wait3A_237 = arith.constant 0 : i32
      %dma_wait3A_238 = arith.constant 0 : i32
      %dma_wait3A_239 = tpu.memref_slice %arg6[%run_scoped3A_215, %dma_wait3A_237, %dma_wait3A_238] : memref<2x128x128xf32, #tpu.memory_space<vmem>> -> memref<1x128x128xf32, #tpu.memory_space<vmem>>
      %dma_wait3A_240 = tpu.memref_squeeze %dma_wait3A_239 : memref<1x128x128xf32, #tpu.memory_space<vmem>> -> memref<128x128xf32, #tpu.memory_space<vmem>>
      tpu.wait_dma2 semaphore(%run_scoped3A_216 : memref<!tpu.dma_semaphore, #tpu.memory_space<semaphore_mem>>) src(%dma_wait3A_240 : memref<128x128xf32, #tpu.memory_space<vmem>>) dst(%dma_wait3A_236 : memref<128x128xf32, #tpu.memory_space<hbm>>)
      tpu.yield
    }) : () -> ()
    return
  }
}

#map = affine_map<(d0, d1) -> (0, 0)>
#map1 = affine_map<(d0, d1) -> (0, 0, 0)>
module attributes {stable_mosaic.version = 14 : i64} {
  func.func @gk(%arg0: i32, %arg1: i32, %arg2: memref<8192x128xf32, #tpu.memory_space<hbm>>, %arg3: memref<32x12x128xi32, #tpu.memory_space<hbm>>, %arg4: memref<49152x128xf32, #tpu.memory_space<hbm>>, %arg5: memref<12x128xi32, #tpu.memory_space<vmem>>, %arg6: memref<2x128x128xf32, #tpu.memory_space<vmem>>, %arg7: memref<!tpu.dma_semaphore, #tpu.memory_space<semaphore_mem>>, %arg8: memref<!tpu.dma_semaphore, #tpu.memory_space<semaphore_mem>>) attributes {dimension_semantics = [#tpu.dimension_semantics<core_parallel>, #tpu.dimension_semantics<subcore_parallel>], iteration_bounds = array<i64: 2, 16>, scalar_prefetch = 0 : i64, scratch_operands = 4 : i64, tpu.core_type = #tpu.core_type<sc_vector_subcore>, window_params = [{transform_indices = #map}, {transform_indices = #map1}, {transform_indices = #map}]} {
    %mul3A = arith.constant 2 : i32
    %mul3A_0 = arith.muli %arg1, %mul3A : i32
    %add3A = arith.addi %mul3A_0, %arg0 : i32
    %mul3A_1 = arith.constant 1536 : i32
    %mul3A_2 = arith.muli %add3A, %mul3A_1 : i32
    "tpu.region"() ({
      %run_scoped3A_324 = tpu.sem_alloc : memref<!tpu.dma_semaphore, #tpu.memory_space<semaphore_mem>>
      %dma_start3A_325 = arith.constant 0 : i32
      %dma_start3A_326 = arith.constant 0 : i32
      %dma_start3A_327 = tpu.memref_slice %arg3[%add3A, %dma_start3A_325, %dma_start3A_326] : memref<32x12x128xi32, #tpu.memory_space<hbm>> -> memref<1x12x128xi32, #tpu.memory_space<hbm>>
      %dma_start3A_328 = tpu.memref_squeeze %dma_start3A_327 : memref<1x12x128xi32, #tpu.memory_space<hbm>> -> memref<12x128xi32, #tpu.memory_space<hbm>>
      %dma_start3A_329 = arith.constant 0 : i32
      %dma_start3A_330 = arith.constant 0 : i32
      %dma_start3A_331 = tpu.memref_slice %arg3[%add3A, %dma_start3A_329, %dma_start3A_330] : memref<32x12x128xi32, #tpu.memory_space<hbm>> -> memref<1x12x128xi32, #tpu.memory_space<hbm>>
      %dma_start3A_332 = tpu.memref_squeeze %dma_start3A_331 : memref<1x12x128xi32, #tpu.memory_space<hbm>> -> memref<12x128xi32, #tpu.memory_space<hbm>>
      tpu.enqueue_dma source(%dma_start3A_332 : memref<12x128xi32, #tpu.memory_space<hbm>>) target(%arg5 : memref<12x128xi32, #tpu.memory_space<vmem>>) target_semaphore(%run_scoped3A_324 : memref<!tpu.dma_semaphore, #tpu.memory_space<semaphore_mem>>)
      %dma_wait3A_333 = arith.constant 0 : i32
      %dma_wait3A_334 = arith.constant 0 : i32
      %dma_wait3A_335 = tpu.memref_slice %arg3[%add3A, %dma_wait3A_333, %dma_wait3A_334] : memref<32x12x128xi32, #tpu.memory_space<hbm>> -> memref<1x12x128xi32, #tpu.memory_space<hbm>>
      %dma_wait3A_336 = tpu.memref_squeeze %dma_wait3A_335 : memref<1x12x128xi32, #tpu.memory_space<hbm>> -> memref<12x128xi32, #tpu.memory_space<hbm>>
      %dma_wait3A_337 = arith.constant 0 : i32
      %dma_wait3A_338 = arith.constant 0 : i32
      %dma_wait3A_339 = tpu.memref_slice %arg3[%add3A, %dma_wait3A_337, %dma_wait3A_338] : memref<32x12x128xi32, #tpu.memory_space<hbm>> -> memref<1x12x128xi32, #tpu.memory_space<hbm>>
      %dma_wait3A_340 = tpu.memref_squeeze %dma_wait3A_339 : memref<1x12x128xi32, #tpu.memory_space<hbm>> -> memref<12x128xi32, #tpu.memory_space<hbm>>
      tpu.wait_dma2 semaphore(%run_scoped3A_324 : memref<!tpu.dma_semaphore, #tpu.memory_space<semaphore_mem>>) src(%dma_wait3A_340 : memref<12x128xi32, #tpu.memory_space<hbm>>) dst(%arg5 : memref<12x128xi32, #tpu.memory_space<vmem>>)
      tpu.yield
    }) : () -> ()
    %dma_start3A = arith.constant 0 : i32
    %dma_start3A_3 = arith.constant 0 : i32
    %dma_start3A_4 = arith.constant 0 : i32
    %dma_start3A_5 = arith.constant 0 : i32
    %dma_start3A_6 = tpu.memref_slice %arg6[%dma_start3A_3, %dma_start3A_4, %dma_start3A_5] : memref<2x128x128xf32, #tpu.memory_space<vmem>> -> memref<1x128x128xf32, #tpu.memory_space<vmem>>
    %dma_start3A_7 = tpu.memref_squeeze %dma_start3A_6 : memref<1x128x128xf32, #tpu.memory_space<vmem>> -> memref<128x128xf32, #tpu.memory_space<vmem>>
    %dma_start3A_8 = arith.constant 0 : i32
    %dma_start3A_9 = tpu.memref_slice %arg5[%dma_start3A, %dma_start3A_8] : memref<12x128xi32, #tpu.memory_space<vmem>> -> memref<1x128xi32, #tpu.memory_space<vmem>>
    %dma_start3A_10 = tpu.memref_squeeze %dma_start3A_9 : memref<1x128xi32, #tpu.memory_space<vmem>> -> memref<128xi32, #tpu.memory_space<vmem>>
    %dma_start3A_11 = arith.constant 0 : i32
    %dma_start3A_12 = arith.constant 0 : i32
    %dma_start3A_13 = tpu.memref_slice %arg2[%dma_start3A_11, %dma_start3A_12] : memref<8192x128xf32, #tpu.memory_space<hbm>> -> memref<8192x128xf32, #tpu.memory_space<hbm>>
    tpu.enqueue_indirect_dma source(%dma_start3A_13 : memref<8192x128xf32, #tpu.memory_space<hbm>>) target(%dma_start3A_7 : memref<128x128xf32, #tpu.memory_space<vmem>>) offsets(%dma_start3A_10 : memref<128xi32, #tpu.memory_space<vmem>>) semaphore(%arg7 : memref<!tpu.dma_semaphore, #tpu.memory_space<semaphore_mem>>)
    %dma_start3A_14 = arith.constant 1 : i32
    %dma_start3A_15 = arith.constant 1 : i32
    %dma_start3A_16 = arith.constant 0 : i32
    %dma_start3A_17 = arith.constant 0 : i32
    %dma_start3A_18 = tpu.memref_slice %arg6[%dma_start3A_15, %dma_start3A_16, %dma_start3A_17] : memref<2x128x128xf32, #tpu.memory_space<vmem>> -> memref<1x128x128xf32, #tpu.memory_space<vmem>>
    %dma_start3A_19 = tpu.memref_squeeze %dma_start3A_18 : memref<1x128x128xf32, #tpu.memory_space<vmem>> -> memref<128x128xf32, #tpu.memory_space<vmem>>
    %dma_start3A_20 = arith.constant 0 : i32
    %dma_start3A_21 = tpu.memref_slice %arg5[%dma_start3A_14, %dma_start3A_20] : memref<12x128xi32, #tpu.memory_space<vmem>> -> memref<1x128xi32, #tpu.memory_space<vmem>>
    %dma_start3A_22 = tpu.memref_squeeze %dma_start3A_21 : memref<1x128xi32, #tpu.memory_space<vmem>> -> memref<128xi32, #tpu.memory_space<vmem>>
    %dma_start3A_23 = arith.constant 0 : i32
    %dma_start3A_24 = arith.constant 0 : i32
    %dma_start3A_25 = tpu.memref_slice %arg2[%dma_start3A_23, %dma_start3A_24] : memref<8192x128xf32, #tpu.memory_space<hbm>> -> memref<8192x128xf32, #tpu.memory_space<hbm>>
    tpu.enqueue_indirect_dma source(%dma_start3A_25 : memref<8192x128xf32, #tpu.memory_space<hbm>>) target(%dma_start3A_19 : memref<128x128xf32, #tpu.memory_space<vmem>>) offsets(%dma_start3A_22 : memref<128xi32, #tpu.memory_space<vmem>>) semaphore(%arg8 : memref<!tpu.dma_semaphore, #tpu.memory_space<semaphore_mem>>)
    %dma_wait3A = arith.constant 0 : i32
    %dma_wait3A_26 = arith.constant 0 : i32
    %dma_wait3A_27 = arith.constant 0 : i32
    %dma_wait3A_28 = arith.constant 0 : i32
    %dma_wait3A_29 = tpu.memref_slice %arg6[%dma_wait3A_26, %dma_wait3A_27, %dma_wait3A_28] : memref<2x128x128xf32, #tpu.memory_space<vmem>> -> memref<1x128x128xf32, #tpu.memory_space<vmem>>
    %dma_wait3A_30 = tpu.memref_squeeze %dma_wait3A_29 : memref<1x128x128xf32, #tpu.memory_space<vmem>> -> memref<128x128xf32, #tpu.memory_space<vmem>>
    %dma_wait3A_31 = arith.constant 0 : i32
    %dma_wait3A_32 = tpu.memref_slice %arg5[%dma_wait3A, %dma_wait3A_31] : memref<12x128xi32, #tpu.memory_space<vmem>> -> memref<1x128xi32, #tpu.memory_space<vmem>>
    %dma_wait3A_33 = tpu.memref_squeeze %dma_wait3A_32 : memref<1x128xi32, #tpu.memory_space<vmem>> -> memref<128xi32, #tpu.memory_space<vmem>>
    %dma_wait3A_34 = arith.constant 0 : i32
    %dma_wait3A_35 = arith.constant 0 : i32
    %dma_wait3A_36 = tpu.memref_slice %arg2[%dma_wait3A_34, %dma_wait3A_35] : memref<8192x128xf32, #tpu.memory_space<hbm>> -> memref<8192x128xf32, #tpu.memory_space<hbm>>
    tpu.wait_indirect_dma semaphore(%arg7 : memref<!tpu.dma_semaphore, #tpu.memory_space<semaphore_mem>>) src(%dma_wait3A_36 : memref<8192x128xf32, #tpu.memory_space<hbm>>) dst(%dma_wait3A_30 : memref<128x128xf32, #tpu.memory_space<vmem>>)
    %add3A_37 = arith.constant 0 : i32
    %add3A_38 = arith.addi %mul3A_2, %add3A_37 : i32
    %run_scoped3A = arith.constant 0 : i32
    "tpu.region"() ({
      %run_scoped3A_324 = tpu.sem_alloc : memref<!tpu.dma_semaphore, #tpu.memory_space<semaphore_mem>>
      %dma_start3A_325 = arith.constant 0 : i32
      %dma_start3A_326 = arith.constant 0 : i32
      %dma_start3A_327 = tpu.memref_slice %arg6[%run_scoped3A, %dma_start3A_325, %dma_start3A_326] : memref<2x128x128xf32, #tpu.memory_space<vmem>> -> memref<1x128x128xf32, #tpu.memory_space<vmem>>
      %dma_start3A_328 = tpu.memref_squeeze %dma_start3A_327 : memref<1x128x128xf32, #tpu.memory_space<vmem>> -> memref<128x128xf32, #tpu.memory_space<vmem>>
      %dma_start3A_329 = arith.constant 0 : i32
      %dma_start3A_330 = tpu.memref_slice %arg4[%add3A_38, %dma_start3A_329] : memref<49152x128xf32, #tpu.memory_space<hbm>> -> memref<128x128xf32, #tpu.memory_space<hbm>>
      %dma_start3A_331 = arith.constant 0 : i32
      %dma_start3A_332 = tpu.memref_slice %arg4[%add3A_38, %dma_start3A_331] : memref<49152x128xf32, #tpu.memory_space<hbm>> -> memref<128x128xf32, #tpu.memory_space<hbm>>
      %dma_start3A_333 = arith.constant 0 : i32
      %dma_start3A_334 = arith.constant 0 : i32
      %dma_start3A_335 = tpu.memref_slice %arg6[%run_scoped3A, %dma_start3A_333, %dma_start3A_334] : memref<2x128x128xf32, #tpu.memory_space<vmem>> -> memref<1x128x128xf32, #tpu.memory_space<vmem>>
      %dma_start3A_336 = tpu.memref_squeeze %dma_start3A_335 : memref<1x128x128xf32, #tpu.memory_space<vmem>> -> memref<128x128xf32, #tpu.memory_space<vmem>>
      tpu.enqueue_dma source(%dma_start3A_336 : memref<128x128xf32, #tpu.memory_space<vmem>>) target(%dma_start3A_332 : memref<128x128xf32, #tpu.memory_space<hbm>>) target_semaphore(%run_scoped3A_324 : memref<!tpu.dma_semaphore, #tpu.memory_space<semaphore_mem>>)
      %dma_wait3A_337 = arith.constant 0 : i32
      %dma_wait3A_338 = arith.constant 0 : i32
      %dma_wait3A_339 = tpu.memref_slice %arg6[%run_scoped3A, %dma_wait3A_337, %dma_wait3A_338] : memref<2x128x128xf32, #tpu.memory_space<vmem>> -> memref<1x128x128xf32, #tpu.memory_space<vmem>>
      %dma_wait3A_340 = tpu.memref_squeeze %dma_wait3A_339 : memref<1x128x128xf32, #tpu.memory_space<vmem>> -> memref<128x128xf32, #tpu.memory_space<vmem>>
      %dma_wait3A_341 = arith.constant 0 : i32
      %dma_wait3A_342 = tpu.memref_slice %arg4[%add3A_38, %dma_wait3A_341] : memref<49152x128xf32, #tpu.memory_space<hbm>> -> memref<128x128xf32, #tpu.memory_space<hbm>>
      %dma_wait3A_343 = arith.constant 0 : i32
      %dma_wait3A_344 = tpu.memref_slice %arg4[%add3A_38, %dma_wait3A_343] : memref<49152x128xf32, #tpu.memory_space<hbm>> -> memref<128x128xf32, #tpu.memory_space<hbm>>
      %dma_wait3A_345 = arith.constant 0 : i32
      %dma_wait3A_346 = arith.constant 0 : i32
      %dma_wait3A_347 = tpu.memref_slice %arg6[%run_scoped3A, %dma_wait3A_345, %dma_wait3A_346] : memref<2x128x128xf32, #tpu.memory_space<vmem>> -> memref<1x128x128xf32, #tpu.memory_space<vmem>>
      %dma_wait3A_348 = tpu.memref_squeeze %dma_wait3A_347 : memref<1x128x128xf32, #tpu.memory_space<vmem>> -> memref<128x128xf32, #tpu.memory_space<vmem>>
      tpu.wait_dma2 semaphore(%run_scoped3A_324 : memref<!tpu.dma_semaphore, #tpu.memory_space<semaphore_mem>>) src(%dma_wait3A_348 : memref<128x128xf32, #tpu.memory_space<vmem>>) dst(%dma_wait3A_344 : memref<128x128xf32, #tpu.memory_space<hbm>>)
      tpu.yield
    }) : () -> ()
    %dma_start3A_39 = arith.constant 2 : i32
    %dma_start3A_40 = arith.constant 0 : i32
    %dma_start3A_41 = arith.constant 0 : i32
    %dma_start3A_42 = arith.constant 0 : i32
    %dma_start3A_43 = tpu.memref_slice %arg6[%dma_start3A_40, %dma_start3A_41, %dma_start3A_42] : memref<2x128x128xf32, #tpu.memory_space<vmem>> -> memref<1x128x128xf32, #tpu.memory_space<vmem>>
    %dma_start3A_44 = tpu.memref_squeeze %dma_start3A_43 : memref<1x128x128xf32, #tpu.memory_space<vmem>> -> memref<128x128xf32, #tpu.memory_space<vmem>>
    %dma_start3A_45 = arith.constant 0 : i32
    %dma_start3A_46 = tpu.memref_slice %arg5[%dma_start3A_39, %dma_start3A_45] : memref<12x128xi32, #tpu.memory_space<vmem>> -> memref<1x128xi32, #tpu.memory_space<vmem>>
    %dma_start3A_47 = tpu.memref_squeeze %dma_start3A_46 : memref<1x128xi32, #tpu.memory_space<vmem>> -> memref<128xi32, #tpu.memory_space<vmem>>
    %dma_start3A_48 = arith.constant 0 : i32
    %dma_start3A_49 = arith.constant 0 : i32
    %dma_start3A_50 = tpu.memref_slice %arg2[%dma_start3A_48, %dma_start3A_49] : memref<8192x128xf32, #tpu.memory_space<hbm>> -> memref<8192x128xf32, #tpu.memory_space<hbm>>
    tpu.enqueue_indirect_dma source(%dma_start3A_50 : memref<8192x128xf32, #tpu.memory_space<hbm>>) target(%dma_start3A_44 : memref<128x128xf32, #tpu.memory_space<vmem>>) offsets(%dma_start3A_47 : memref<128xi32, #tpu.memory_space<vmem>>) semaphore(%arg7 : memref<!tpu.dma_semaphore, #tpu.memory_space<semaphore_mem>>)
    %dma_wait3A_51 = arith.constant 1 : i32
    %dma_wait3A_52 = arith.constant 1 : i32
    %dma_wait3A_53 = arith.constant 0 : i32
    %dma_wait3A_54 = arith.constant 0 : i32
    %dma_wait3A_55 = tpu.memref_slice %arg6[%dma_wait3A_52, %dma_wait3A_53, %dma_wait3A_54] : memref<2x128x128xf32, #tpu.memory_space<vmem>> -> memref<1x128x128xf32, #tpu.memory_space<vmem>>
    %dma_wait3A_56 = tpu.memref_squeeze %dma_wait3A_55 : memref<1x128x128xf32, #tpu.memory_space<vmem>> -> memref<128x128xf32, #tpu.memory_space<vmem>>
    %dma_wait3A_57 = arith.constant 0 : i32
    %dma_wait3A_58 = tpu.memref_slice %arg5[%dma_wait3A_51, %dma_wait3A_57] : memref<12x128xi32, #tpu.memory_space<vmem>> -> memref<1x128xi32, #tpu.memory_space<vmem>>
    %dma_wait3A_59 = tpu.memref_squeeze %dma_wait3A_58 : memref<1x128xi32, #tpu.memory_space<vmem>> -> memref<128xi32, #tpu.memory_space<vmem>>
    %dma_wait3A_60 = arith.constant 0 : i32
    %dma_wait3A_61 = arith.constant 0 : i32
    %dma_wait3A_62 = tpu.memref_slice %arg2[%dma_wait3A_60, %dma_wait3A_61] : memref<8192x128xf32, #tpu.memory_space<hbm>> -> memref<8192x128xf32, #tpu.memory_space<hbm>>
    tpu.wait_indirect_dma semaphore(%arg8 : memref<!tpu.dma_semaphore, #tpu.memory_space<semaphore_mem>>) src(%dma_wait3A_62 : memref<8192x128xf32, #tpu.memory_space<hbm>>) dst(%dma_wait3A_56 : memref<128x128xf32, #tpu.memory_space<vmem>>)
    %add3A_63 = arith.constant 128 : i32
    %add3A_64 = arith.addi %mul3A_2, %add3A_63 : i32
    %run_scoped3A_65 = arith.constant 1 : i32
    "tpu.region"() ({
      %run_scoped3A_324 = tpu.sem_alloc : memref<!tpu.dma_semaphore, #tpu.memory_space<semaphore_mem>>
      %dma_start3A_325 = arith.constant 0 : i32
      %dma_start3A_326 = arith.constant 0 : i32
      %dma_start3A_327 = tpu.memref_slice %arg6[%run_scoped3A_65, %dma_start3A_325, %dma_start3A_326] : memref<2x128x128xf32, #tpu.memory_space<vmem>> -> memref<1x128x128xf32, #tpu.memory_space<vmem>>
      %dma_start3A_328 = tpu.memref_squeeze %dma_start3A_327 : memref<1x128x128xf32, #tpu.memory_space<vmem>> -> memref<128x128xf32, #tpu.memory_space<vmem>>
      %dma_start3A_329 = arith.constant 0 : i32
      %dma_start3A_330 = tpu.memref_slice %arg4[%add3A_64, %dma_start3A_329] : memref<49152x128xf32, #tpu.memory_space<hbm>> -> memref<128x128xf32, #tpu.memory_space<hbm>>
      %dma_start3A_331 = arith.constant 0 : i32
      %dma_start3A_332 = tpu.memref_slice %arg4[%add3A_64, %dma_start3A_331] : memref<49152x128xf32, #tpu.memory_space<hbm>> -> memref<128x128xf32, #tpu.memory_space<hbm>>
      %dma_start3A_333 = arith.constant 0 : i32
      %dma_start3A_334 = arith.constant 0 : i32
      %dma_start3A_335 = tpu.memref_slice %arg6[%run_scoped3A_65, %dma_start3A_333, %dma_start3A_334] : memref<2x128x128xf32, #tpu.memory_space<vmem>> -> memref<1x128x128xf32, #tpu.memory_space<vmem>>
      %dma_start3A_336 = tpu.memref_squeeze %dma_start3A_335 : memref<1x128x128xf32, #tpu.memory_space<vmem>> -> memref<128x128xf32, #tpu.memory_space<vmem>>
      tpu.enqueue_dma source(%dma_start3A_336 : memref<128x128xf32, #tpu.memory_space<vmem>>) target(%dma_start3A_332 : memref<128x128xf32, #tpu.memory_space<hbm>>) target_semaphore(%run_scoped3A_324 : memref<!tpu.dma_semaphore, #tpu.memory_space<semaphore_mem>>)
      %dma_wait3A_337 = arith.constant 0 : i32
      %dma_wait3A_338 = arith.constant 0 : i32
      %dma_wait3A_339 = tpu.memref_slice %arg6[%run_scoped3A_65, %dma_wait3A_337, %dma_wait3A_338] : memref<2x128x128xf32, #tpu.memory_space<vmem>> -> memref<1x128x128xf32, #tpu.memory_space<vmem>>
      %dma_wait3A_340 = tpu.memref_squeeze %dma_wait3A_339 : memref<1x128x128xf32, #tpu.memory_space<vmem>> -> memref<128x128xf32, #tpu.memory_space<vmem>>
      %dma_wait3A_341 = arith.constant 0 : i32
      %dma_wait3A_342 = tpu.memref_slice %arg4[%add3A_64, %dma_wait3A_341] : memref<49152x128xf32, #tpu.memory_space<hbm>> -> memref<128x128xf32, #tpu.memory_space<hbm>>
      %dma_wait3A_343 = arith.constant 0 : i32
      %dma_wait3A_344 = tpu.memref_slice %arg4[%add3A_64, %dma_wait3A_343] : memref<49152x128xf32, #tpu.memory_space<hbm>> -> memref<128x128xf32, #tpu.memory_space<hbm>>
      %dma_wait3A_345 = arith.constant 0 : i32
      %dma_wait3A_346 = arith.constant 0 : i32
      %dma_wait3A_347 = tpu.memref_slice %arg6[%run_scoped3A_65, %dma_wait3A_345, %dma_wait3A_346] : memref<2x128x128xf32, #tpu.memory_space<vmem>> -> memref<1x128x128xf32, #tpu.memory_space<vmem>>
      %dma_wait3A_348 = tpu.memref_squeeze %dma_wait3A_347 : memref<1x128x128xf32, #tpu.memory_space<vmem>> -> memref<128x128xf32, #tpu.memory_space<vmem>>
      tpu.wait_dma2 semaphore(%run_scoped3A_324 : memref<!tpu.dma_semaphore, #tpu.memory_space<semaphore_mem>>) src(%dma_wait3A_348 : memref<128x128xf32, #tpu.memory_space<vmem>>) dst(%dma_wait3A_344 : memref<128x128xf32, #tpu.memory_space<hbm>>)
      tpu.yield
    }) : () -> ()
    %dma_start3A_66 = arith.constant 3 : i32
    %dma_start3A_67 = arith.constant 1 : i32
    %dma_start3A_68 = arith.constant 0 : i32
    %dma_start3A_69 = arith.constant 0 : i32
    %dma_start3A_70 = tpu.memref_slice %arg6[%dma_start3A_67, %dma_start3A_68, %dma_start3A_69] : memref<2x128x128xf32, #tpu.memory_space<vmem>> -> memref<1x128x128xf32, #tpu.memory_space<vmem>>
    %dma_start3A_71 = tpu.memref_squeeze %dma_start3A_70 : memref<1x128x128xf32, #tpu.memory_space<vmem>> -> memref<128x128xf32, #tpu.memory_space<vmem>>
    %dma_start3A_72 = arith.constant 0 : i32
    %dma_start3A_73 = tpu.memref_slice %arg5[%dma_start3A_66, %dma_start3A_72] : memref<12x128xi32, #tpu.memory_space<vmem>> -> memref<1x128xi32, #tpu.memory_space<vmem>>
    %dma_start3A_74 = tpu.memref_squeeze %dma_start3A_73 : memref<1x128xi32, #tpu.memory_space<vmem>> -> memref<128xi32, #tpu.memory_space<vmem>>
    %dma_start3A_75 = arith.constant 0 : i32
    %dma_start3A_76 = arith.constant 0 : i32
    %dma_start3A_77 = tpu.memref_slice %arg2[%dma_start3A_75, %dma_start3A_76] : memref<8192x128xf32, #tpu.memory_space<hbm>> -> memref<8192x128xf32, #tpu.memory_space<hbm>>
    tpu.enqueue_indirect_dma source(%dma_start3A_77 : memref<8192x128xf32, #tpu.memory_space<hbm>>) target(%dma_start3A_71 : memref<128x128xf32, #tpu.memory_space<vmem>>) offsets(%dma_start3A_74 : memref<128xi32, #tpu.memory_space<vmem>>) semaphore(%arg8 : memref<!tpu.dma_semaphore, #tpu.memory_space<semaphore_mem>>)
    %dma_wait3A_78 = arith.constant 2 : i32
    %dma_wait3A_79 = arith.constant 0 : i32
    %dma_wait3A_80 = arith.constant 0 : i32
    %dma_wait3A_81 = arith.constant 0 : i32
    %dma_wait3A_82 = tpu.memref_slice %arg6[%dma_wait3A_79, %dma_wait3A_80, %dma_wait3A_81] : memref<2x128x128xf32, #tpu.memory_space<vmem>> -> memref<1x128x128xf32, #tpu.memory_space<vmem>>
    %dma_wait3A_83 = tpu.memref_squeeze %dma_wait3A_82 : memref<1x128x128xf32, #tpu.memory_space<vmem>> -> memref<128x128xf32, #tpu.memory_space<vmem>>
    %dma_wait3A_84 = arith.constant 0 : i32
    %dma_wait3A_85 = tpu.memref_slice %arg5[%dma_wait3A_78, %dma_wait3A_84] : memref<12x128xi32, #tpu.memory_space<vmem>> -> memref<1x128xi32, #tpu.memory_space<vmem>>
    %dma_wait3A_86 = tpu.memref_squeeze %dma_wait3A_85 : memref<1x128xi32, #tpu.memory_space<vmem>> -> memref<128xi32, #tpu.memory_space<vmem>>
    %dma_wait3A_87 = arith.constant 0 : i32
    %dma_wait3A_88 = arith.constant 0 : i32
    %dma_wait3A_89 = tpu.memref_slice %arg2[%dma_wait3A_87, %dma_wait3A_88] : memref<8192x128xf32, #tpu.memory_space<hbm>> -> memref<8192x128xf32, #tpu.memory_space<hbm>>
    tpu.wait_indirect_dma semaphore(%arg7 : memref<!tpu.dma_semaphore, #tpu.memory_space<semaphore_mem>>) src(%dma_wait3A_89 : memref<8192x128xf32, #tpu.memory_space<hbm>>) dst(%dma_wait3A_83 : memref<128x128xf32, #tpu.memory_space<vmem>>)
    %add3A_90 = arith.constant 256 : i32
    %add3A_91 = arith.addi %mul3A_2, %add3A_90 : i32
    %run_scoped3A_92 = arith.constant 0 : i32
    "tpu.region"() ({
      %run_scoped3A_324 = tpu.sem_alloc : memref<!tpu.dma_semaphore, #tpu.memory_space<semaphore_mem>>
      %dma_start3A_325 = arith.constant 0 : i32
      %dma_start3A_326 = arith.constant 0 : i32
      %dma_start3A_327 = tpu.memref_slice %arg6[%run_scoped3A_92, %dma_start3A_325, %dma_start3A_326] : memref<2x128x128xf32, #tpu.memory_space<vmem>> -> memref<1x128x128xf32, #tpu.memory_space<vmem>>
      %dma_start3A_328 = tpu.memref_squeeze %dma_start3A_327 : memref<1x128x128xf32, #tpu.memory_space<vmem>> -> memref<128x128xf32, #tpu.memory_space<vmem>>
      %dma_start3A_329 = arith.constant 0 : i32
      %dma_start3A_330 = tpu.memref_slice %arg4[%add3A_91, %dma_start3A_329] : memref<49152x128xf32, #tpu.memory_space<hbm>> -> memref<128x128xf32, #tpu.memory_space<hbm>>
      %dma_start3A_331 = arith.constant 0 : i32
      %dma_start3A_332 = tpu.memref_slice %arg4[%add3A_91, %dma_start3A_331] : memref<49152x128xf32, #tpu.memory_space<hbm>> -> memref<128x128xf32, #tpu.memory_space<hbm>>
      %dma_start3A_333 = arith.constant 0 : i32
      %dma_start3A_334 = arith.constant 0 : i32
      %dma_start3A_335 = tpu.memref_slice %arg6[%run_scoped3A_92, %dma_start3A_333, %dma_start3A_334] : memref<2x128x128xf32, #tpu.memory_space<vmem>> -> memref<1x128x128xf32, #tpu.memory_space<vmem>>
      %dma_start3A_336 = tpu.memref_squeeze %dma_start3A_335 : memref<1x128x128xf32, #tpu.memory_space<vmem>> -> memref<128x128xf32, #tpu.memory_space<vmem>>
      tpu.enqueue_dma source(%dma_start3A_336 : memref<128x128xf32, #tpu.memory_space<vmem>>) target(%dma_start3A_332 : memref<128x128xf32, #tpu.memory_space<hbm>>) target_semaphore(%run_scoped3A_324 : memref<!tpu.dma_semaphore, #tpu.memory_space<semaphore_mem>>)
      %dma_wait3A_337 = arith.constant 0 : i32
      %dma_wait3A_338 = arith.constant 0 : i32
      %dma_wait3A_339 = tpu.memref_slice %arg6[%run_scoped3A_92, %dma_wait3A_337, %dma_wait3A_338] : memref<2x128x128xf32, #tpu.memory_space<vmem>> -> memref<1x128x128xf32, #tpu.memory_space<vmem>>
      %dma_wait3A_340 = tpu.memref_squeeze %dma_wait3A_339 : memref<1x128x128xf32, #tpu.memory_space<vmem>> -> memref<128x128xf32, #tpu.memory_space<vmem>>
      %dma_wait3A_341 = arith.constant 0 : i32
      %dma_wait3A_342 = tpu.memref_slice %arg4[%add3A_91, %dma_wait3A_341] : memref<49152x128xf32, #tpu.memory_space<hbm>> -> memref<128x128xf32, #tpu.memory_space<hbm>>
      %dma_wait3A_343 = arith.constant 0 : i32
      %dma_wait3A_344 = tpu.memref_slice %arg4[%add3A_91, %dma_wait3A_343] : memref<49152x128xf32, #tpu.memory_space<hbm>> -> memref<128x128xf32, #tpu.memory_space<hbm>>
      %dma_wait3A_345 = arith.constant 0 : i32
      %dma_wait3A_346 = arith.constant 0 : i32
      %dma_wait3A_347 = tpu.memref_slice %arg6[%run_scoped3A_92, %dma_wait3A_345, %dma_wait3A_346] : memref<2x128x128xf32, #tpu.memory_space<vmem>> -> memref<1x128x128xf32, #tpu.memory_space<vmem>>
      %dma_wait3A_348 = tpu.memref_squeeze %dma_wait3A_347 : memref<1x128x128xf32, #tpu.memory_space<vmem>> -> memref<128x128xf32, #tpu.memory_space<vmem>>
      tpu.wait_dma2 semaphore(%run_scoped3A_324 : memref<!tpu.dma_semaphore, #tpu.memory_space<semaphore_mem>>) src(%dma_wait3A_348 : memref<128x128xf32, #tpu.memory_space<vmem>>) dst(%dma_wait3A_344 : memref<128x128xf32, #tpu.memory_space<hbm>>)
      tpu.yield
    }) : () -> ()
    %dma_start3A_93 = arith.constant 4 : i32
    %dma_start3A_94 = arith.constant 0 : i32
    %dma_start3A_95 = arith.constant 0 : i32
    %dma_start3A_96 = arith.constant 0 : i32
    %dma_start3A_97 = tpu.memref_slice %arg6[%dma_start3A_94, %dma_start3A_95, %dma_start3A_96] : memref<2x128x128xf32, #tpu.memory_space<vmem>> -> memref<1x128x128xf32, #tpu.memory_space<vmem>>
    %dma_start3A_98 = tpu.memref_squeeze %dma_start3A_97 : memref<1x128x128xf32, #tpu.memory_space<vmem>> -> memref<128x128xf32, #tpu.memory_space<vmem>>
    %dma_start3A_99 = arith.constant 0 : i32
    %dma_start3A_100 = tpu.memref_slice %arg5[%dma_start3A_93, %dma_start3A_99] : memref<12x128xi32, #tpu.memory_space<vmem>> -> memref<1x128xi32, #tpu.memory_space<vmem>>
    %dma_start3A_101 = tpu.memref_squeeze %dma_start3A_100 : memref<1x128xi32, #tpu.memory_space<vmem>> -> memref<128xi32, #tpu.memory_space<vmem>>
    %dma_start3A_102 = arith.constant 0 : i32
    %dma_start3A_103 = arith.constant 0 : i32
    %dma_start3A_104 = tpu.memref_slice %arg2[%dma_start3A_102, %dma_start3A_103] : memref<8192x128xf32, #tpu.memory_space<hbm>> -> memref<8192x128xf32, #tpu.memory_space<hbm>>
    tpu.enqueue_indirect_dma source(%dma_start3A_104 : memref<8192x128xf32, #tpu.memory_space<hbm>>) target(%dma_start3A_98 : memref<128x128xf32, #tpu.memory_space<vmem>>) offsets(%dma_start3A_101 : memref<128xi32, #tpu.memory_space<vmem>>) semaphore(%arg7 : memref<!tpu.dma_semaphore, #tpu.memory_space<semaphore_mem>>)
    %dma_wait3A_105 = arith.constant 3 : i32
    %dma_wait3A_106 = arith.constant 1 : i32
    %dma_wait3A_107 = arith.constant 0 : i32
    %dma_wait3A_108 = arith.constant 0 : i32
    %dma_wait3A_109 = tpu.memref_slice %arg6[%dma_wait3A_106, %dma_wait3A_107, %dma_wait3A_108] : memref<2x128x128xf32, #tpu.memory_space<vmem>> -> memref<1x128x128xf32, #tpu.memory_space<vmem>>
    %dma_wait3A_110 = tpu.memref_squeeze %dma_wait3A_109 : memref<1x128x128xf32, #tpu.memory_space<vmem>> -> memref<128x128xf32, #tpu.memory_space<vmem>>
    %dma_wait3A_111 = arith.constant 0 : i32
    %dma_wait3A_112 = tpu.memref_slice %arg5[%dma_wait3A_105, %dma_wait3A_111] : memref<12x128xi32, #tpu.memory_space<vmem>> -> memref<1x128xi32, #tpu.memory_space<vmem>>
    %dma_wait3A_113 = tpu.memref_squeeze %dma_wait3A_112 : memref<1x128xi32, #tpu.memory_space<vmem>> -> memref<128xi32, #tpu.memory_space<vmem>>
    %dma_wait3A_114 = arith.constant 0 : i32
    %dma_wait3A_115 = arith.constant 0 : i32
    %dma_wait3A_116 = tpu.memref_slice %arg2[%dma_wait3A_114, %dma_wait3A_115] : memref<8192x128xf32, #tpu.memory_space<hbm>> -> memref<8192x128xf32, #tpu.memory_space<hbm>>
    tpu.wait_indirect_dma semaphore(%arg8 : memref<!tpu.dma_semaphore, #tpu.memory_space<semaphore_mem>>) src(%dma_wait3A_116 : memref<8192x128xf32, #tpu.memory_space<hbm>>) dst(%dma_wait3A_110 : memref<128x128xf32, #tpu.memory_space<vmem>>)
    %add3A_117 = arith.constant 384 : i32
    %add3A_118 = arith.addi %mul3A_2, %add3A_117 : i32
    %run_scoped3A_119 = arith.constant 1 : i32
    "tpu.region"() ({
      %run_scoped3A_324 = tpu.sem_alloc : memref<!tpu.dma_semaphore, #tpu.memory_space<semaphore_mem>>
      %dma_start3A_325 = arith.constant 0 : i32
      %dma_start3A_326 = arith.constant 0 : i32
      %dma_start3A_327 = tpu.memref_slice %arg6[%run_scoped3A_119, %dma_start3A_325, %dma_start3A_326] : memref<2x128x128xf32, #tpu.memory_space<vmem>> -> memref<1x128x128xf32, #tpu.memory_space<vmem>>
      %dma_start3A_328 = tpu.memref_squeeze %dma_start3A_327 : memref<1x128x128xf32, #tpu.memory_space<vmem>> -> memref<128x128xf32, #tpu.memory_space<vmem>>
      %dma_start3A_329 = arith.constant 0 : i32
      %dma_start3A_330 = tpu.memref_slice %arg4[%add3A_118, %dma_start3A_329] : memref<49152x128xf32, #tpu.memory_space<hbm>> -> memref<128x128xf32, #tpu.memory_space<hbm>>
      %dma_start3A_331 = arith.constant 0 : i32
      %dma_start3A_332 = tpu.memref_slice %arg4[%add3A_118, %dma_start3A_331] : memref<49152x128xf32, #tpu.memory_space<hbm>> -> memref<128x128xf32, #tpu.memory_space<hbm>>
      %dma_start3A_333 = arith.constant 0 : i32
      %dma_start3A_334 = arith.constant 0 : i32
      %dma_start3A_335 = tpu.memref_slice %arg6[%run_scoped3A_119, %dma_start3A_333, %dma_start3A_334] : memref<2x128x128xf32, #tpu.memory_space<vmem>> -> memref<1x128x128xf32, #tpu.memory_space<vmem>>
      %dma_start3A_336 = tpu.memref_squeeze %dma_start3A_335 : memref<1x128x128xf32, #tpu.memory_space<vmem>> -> memref<128x128xf32, #tpu.memory_space<vmem>>
      tpu.enqueue_dma source(%dma_start3A_336 : memref<128x128xf32, #tpu.memory_space<vmem>>) target(%dma_start3A_332 : memref<128x128xf32, #tpu.memory_space<hbm>>) target_semaphore(%run_scoped3A_324 : memref<!tpu.dma_semaphore, #tpu.memory_space<semaphore_mem>>)
      %dma_wait3A_337 = arith.constant 0 : i32
      %dma_wait3A_338 = arith.constant 0 : i32
      %dma_wait3A_339 = tpu.memref_slice %arg6[%run_scoped3A_119, %dma_wait3A_337, %dma_wait3A_338] : memref<2x128x128xf32, #tpu.memory_space<vmem>> -> memref<1x128x128xf32, #tpu.memory_space<vmem>>
      %dma_wait3A_340 = tpu.memref_squeeze %dma_wait3A_339 : memref<1x128x128xf32, #tpu.memory_space<vmem>> -> memref<128x128xf32, #tpu.memory_space<vmem>>
      %dma_wait3A_341 = arith.constant 0 : i32
      %dma_wait3A_342 = tpu.memref_slice %arg4[%add3A_118, %dma_wait3A_341] : memref<49152x128xf32, #tpu.memory_space<hbm>> -> memref<128x128xf32, #tpu.memory_space<hbm>>
      %dma_wait3A_343 = arith.constant 0 : i32
      %dma_wait3A_344 = tpu.memref_slice %arg4[%add3A_118, %dma_wait3A_343] : memref<49152x128xf32, #tpu.memory_space<hbm>> -> memref<128x128xf32, #tpu.memory_space<hbm>>
      %dma_wait3A_345 = arith.constant 0 : i32
      %dma_wait3A_346 = arith.constant 0 : i32
      %dma_wait3A_347 = tpu.memref_slice %arg6[%run_scoped3A_119, %dma_wait3A_345, %dma_wait3A_346] : memref<2x128x128xf32, #tpu.memory_space<vmem>> -> memref<1x128x128xf32, #tpu.memory_space<vmem>>
      %dma_wait3A_348 = tpu.memref_squeeze %dma_wait3A_347 : memref<1x128x128xf32, #tpu.memory_space<vmem>> -> memref<128x128xf32, #tpu.memory_space<vmem>>
      tpu.wait_dma2 semaphore(%run_scoped3A_324 : memref<!tpu.dma_semaphore, #tpu.memory_space<semaphore_mem>>) src(%dma_wait3A_348 : memref<128x128xf32, #tpu.memory_space<vmem>>) dst(%dma_wait3A_344 : memref<128x128xf32, #tpu.memory_space<hbm>>)
      tpu.yield
    }) : () -> ()
    %dma_start3A_120 = arith.constant 5 : i32
    %dma_start3A_121 = arith.constant 1 : i32
    %dma_start3A_122 = arith.constant 0 : i32
    %dma_start3A_123 = arith.constant 0 : i32
    %dma_start3A_124 = tpu.memref_slice %arg6[%dma_start3A_121, %dma_start3A_122, %dma_start3A_123] : memref<2x128x128xf32, #tpu.memory_space<vmem>> -> memref<1x128x128xf32, #tpu.memory_space<vmem>>
    %dma_start3A_125 = tpu.memref_squeeze %dma_start3A_124 : memref<1x128x128xf32, #tpu.memory_space<vmem>> -> memref<128x128xf32, #tpu.memory_space<vmem>>
    %dma_start3A_126 = arith.constant 0 : i32
    %dma_start3A_127 = tpu.memref_slice %arg5[%dma_start3A_120, %dma_start3A_126] : memref<12x128xi32, #tpu.memory_space<vmem>> -> memref<1x128xi32, #tpu.memory_space<vmem>>
    %dma_start3A_128 = tpu.memref_squeeze %dma_start3A_127 : memref<1x128xi32, #tpu.memory_space<vmem>> -> memref<128xi32, #tpu.memory_space<vmem>>
    %dma_start3A_129 = arith.constant 0 : i32
    %dma_start3A_130 = arith.constant 0 : i32
    %dma_start3A_131 = tpu.memref_slice %arg2[%dma_start3A_129, %dma_start3A_130] : memref<8192x128xf32, #tpu.memory_space<hbm>> -> memref<8192x128xf32, #tpu.memory_space<hbm>>
    tpu.enqueue_indirect_dma source(%dma_start3A_131 : memref<8192x128xf32, #tpu.memory_space<hbm>>) target(%dma_start3A_125 : memref<128x128xf32, #tpu.memory_space<vmem>>) offsets(%dma_start3A_128 : memref<128xi32, #tpu.memory_space<vmem>>) semaphore(%arg8 : memref<!tpu.dma_semaphore, #tpu.memory_space<semaphore_mem>>)
    %dma_wait3A_132 = arith.constant 4 : i32
    %dma_wait3A_133 = arith.constant 0 : i32
    %dma_wait3A_134 = arith.constant 0 : i32
    %dma_wait3A_135 = arith.constant 0 : i32
    %dma_wait3A_136 = tpu.memref_slice %arg6[%dma_wait3A_133, %dma_wait3A_134, %dma_wait3A_135] : memref<2x128x128xf32, #tpu.memory_space<vmem>> -> memref<1x128x128xf32, #tpu.memory_space<vmem>>
    %dma_wait3A_137 = tpu.memref_squeeze %dma_wait3A_136 : memref<1x128x128xf32, #tpu.memory_space<vmem>> -> memref<128x128xf32, #tpu.memory_space<vmem>>
    %dma_wait3A_138 = arith.constant 0 : i32
    %dma_wait3A_139 = tpu.memref_slice %arg5[%dma_wait3A_132, %dma_wait3A_138] : memref<12x128xi32, #tpu.memory_space<vmem>> -> memref<1x128xi32, #tpu.memory_space<vmem>>
    %dma_wait3A_140 = tpu.memref_squeeze %dma_wait3A_139 : memref<1x128xi32, #tpu.memory_space<vmem>> -> memref<128xi32, #tpu.memory_space<vmem>>
    %dma_wait3A_141 = arith.constant 0 : i32
    %dma_wait3A_142 = arith.constant 0 : i32
    %dma_wait3A_143 = tpu.memref_slice %arg2[%dma_wait3A_141, %dma_wait3A_142] : memref<8192x128xf32, #tpu.memory_space<hbm>> -> memref<8192x128xf32, #tpu.memory_space<hbm>>
    tpu.wait_indirect_dma semaphore(%arg7 : memref<!tpu.dma_semaphore, #tpu.memory_space<semaphore_mem>>) src(%dma_wait3A_143 : memref<8192x128xf32, #tpu.memory_space<hbm>>) dst(%dma_wait3A_137 : memref<128x128xf32, #tpu.memory_space<vmem>>)
    %add3A_144 = arith.constant 512 : i32
    %add3A_145 = arith.addi %mul3A_2, %add3A_144 : i32
    %run_scoped3A_146 = arith.constant 0 : i32
    "tpu.region"() ({
      %run_scoped3A_324 = tpu.sem_alloc : memref<!tpu.dma_semaphore, #tpu.memory_space<semaphore_mem>>
      %dma_start3A_325 = arith.constant 0 : i32
      %dma_start3A_326 = arith.constant 0 : i32
      %dma_start3A_327 = tpu.memref_slice %arg6[%run_scoped3A_146, %dma_start3A_325, %dma_start3A_326] : memref<2x128x128xf32, #tpu.memory_space<vmem>> -> memref<1x128x128xf32, #tpu.memory_space<vmem>>
      %dma_start3A_328 = tpu.memref_squeeze %dma_start3A_327 : memref<1x128x128xf32, #tpu.memory_space<vmem>> -> memref<128x128xf32, #tpu.memory_space<vmem>>
      %dma_start3A_329 = arith.constant 0 : i32
      %dma_start3A_330 = tpu.memref_slice %arg4[%add3A_145, %dma_start3A_329] : memref<49152x128xf32, #tpu.memory_space<hbm>> -> memref<128x128xf32, #tpu.memory_space<hbm>>
      %dma_start3A_331 = arith.constant 0 : i32
      %dma_start3A_332 = tpu.memref_slice %arg4[%add3A_145, %dma_start3A_331] : memref<49152x128xf32, #tpu.memory_space<hbm>> -> memref<128x128xf32, #tpu.memory_space<hbm>>
      %dma_start3A_333 = arith.constant 0 : i32
      %dma_start3A_334 = arith.constant 0 : i32
      %dma_start3A_335 = tpu.memref_slice %arg6[%run_scoped3A_146, %dma_start3A_333, %dma_start3A_334] : memref<2x128x128xf32, #tpu.memory_space<vmem>> -> memref<1x128x128xf32, #tpu.memory_space<vmem>>
      %dma_start3A_336 = tpu.memref_squeeze %dma_start3A_335 : memref<1x128x128xf32, #tpu.memory_space<vmem>> -> memref<128x128xf32, #tpu.memory_space<vmem>>
      tpu.enqueue_dma source(%dma_start3A_336 : memref<128x128xf32, #tpu.memory_space<vmem>>) target(%dma_start3A_332 : memref<128x128xf32, #tpu.memory_space<hbm>>) target_semaphore(%run_scoped3A_324 : memref<!tpu.dma_semaphore, #tpu.memory_space<semaphore_mem>>)
      %dma_wait3A_337 = arith.constant 0 : i32
      %dma_wait3A_338 = arith.constant 0 : i32
      %dma_wait3A_339 = tpu.memref_slice %arg6[%run_scoped3A_146, %dma_wait3A_337, %dma_wait3A_338] : memref<2x128x128xf32, #tpu.memory_space<vmem>> -> memref<1x128x128xf32, #tpu.memory_space<vmem>>
      %dma_wait3A_340 = tpu.memref_squeeze %dma_wait3A_339 : memref<1x128x128xf32, #tpu.memory_space<vmem>> -> memref<128x128xf32, #tpu.memory_space<vmem>>
      %dma_wait3A_341 = arith.constant 0 : i32
      %dma_wait3A_342 = tpu.memref_slice %arg4[%add3A_145, %dma_wait3A_341] : memref<49152x128xf32, #tpu.memory_space<hbm>> -> memref<128x128xf32, #tpu.memory_space<hbm>>
      %dma_wait3A_343 = arith.constant 0 : i32
      %dma_wait3A_344 = tpu.memref_slice %arg4[%add3A_145, %dma_wait3A_343] : memref<49152x128xf32, #tpu.memory_space<hbm>> -> memref<128x128xf32, #tpu.memory_space<hbm>>
      %dma_wait3A_345 = arith.constant 0 : i32
      %dma_wait3A_346 = arith.constant 0 : i32
      %dma_wait3A_347 = tpu.memref_slice %arg6[%run_scoped3A_146, %dma_wait3A_345, %dma_wait3A_346] : memref<2x128x128xf32, #tpu.memory_space<vmem>> -> memref<1x128x128xf32, #tpu.memory_space<vmem>>
      %dma_wait3A_348 = tpu.memref_squeeze %dma_wait3A_347 : memref<1x128x128xf32, #tpu.memory_space<vmem>> -> memref<128x128xf32, #tpu.memory_space<vmem>>
      tpu.wait_dma2 semaphore(%run_scoped3A_324 : memref<!tpu.dma_semaphore, #tpu.memory_space<semaphore_mem>>) src(%dma_wait3A_348 : memref<128x128xf32, #tpu.memory_space<vmem>>) dst(%dma_wait3A_344 : memref<128x128xf32, #tpu.memory_space<hbm>>)
      tpu.yield
    }) : () -> ()
    %dma_start3A_147 = arith.constant 6 : i32
    %dma_start3A_148 = arith.constant 0 : i32
    %dma_start3A_149 = arith.constant 0 : i32
    %dma_start3A_150 = arith.constant 0 : i32
    %dma_start3A_151 = tpu.memref_slice %arg6[%dma_start3A_148, %dma_start3A_149, %dma_start3A_150] : memref<2x128x128xf32, #tpu.memory_space<vmem>> -> memref<1x128x128xf32, #tpu.memory_space<vmem>>
    %dma_start3A_152 = tpu.memref_squeeze %dma_start3A_151 : memref<1x128x128xf32, #tpu.memory_space<vmem>> -> memref<128x128xf32, #tpu.memory_space<vmem>>
    %dma_start3A_153 = arith.constant 0 : i32
    %dma_start3A_154 = tpu.memref_slice %arg5[%dma_start3A_147, %dma_start3A_153] : memref<12x128xi32, #tpu.memory_space<vmem>> -> memref<1x128xi32, #tpu.memory_space<vmem>>
    %dma_start3A_155 = tpu.memref_squeeze %dma_start3A_154 : memref<1x128xi32, #tpu.memory_space<vmem>> -> memref<128xi32, #tpu.memory_space<vmem>>
    %dma_start3A_156 = arith.constant 0 : i32
    %dma_start3A_157 = arith.constant 0 : i32
    %dma_start3A_158 = tpu.memref_slice %arg2[%dma_start3A_156, %dma_start3A_157] : memref<8192x128xf32, #tpu.memory_space<hbm>> -> memref<8192x128xf32, #tpu.memory_space<hbm>>
    tpu.enqueue_indirect_dma source(%dma_start3A_158 : memref<8192x128xf32, #tpu.memory_space<hbm>>) target(%dma_start3A_152 : memref<128x128xf32, #tpu.memory_space<vmem>>) offsets(%dma_start3A_155 : memref<128xi32, #tpu.memory_space<vmem>>) semaphore(%arg7 : memref<!tpu.dma_semaphore, #tpu.memory_space<semaphore_mem>>)
    %dma_wait3A_159 = arith.constant 5 : i32
    %dma_wait3A_160 = arith.constant 1 : i32
    %dma_wait3A_161 = arith.constant 0 : i32
    %dma_wait3A_162 = arith.constant 0 : i32
    %dma_wait3A_163 = tpu.memref_slice %arg6[%dma_wait3A_160, %dma_wait3A_161, %dma_wait3A_162] : memref<2x128x128xf32, #tpu.memory_space<vmem>> -> memref<1x128x128xf32, #tpu.memory_space<vmem>>
    %dma_wait3A_164 = tpu.memref_squeeze %dma_wait3A_163 : memref<1x128x128xf32, #tpu.memory_space<vmem>> -> memref<128x128xf32, #tpu.memory_space<vmem>>
    %dma_wait3A_165 = arith.constant 0 : i32
    %dma_wait3A_166 = tpu.memref_slice %arg5[%dma_wait3A_159, %dma_wait3A_165] : memref<12x128xi32, #tpu.memory_space<vmem>> -> memref<1x128xi32, #tpu.memory_space<vmem>>
    %dma_wait3A_167 = tpu.memref_squeeze %dma_wait3A_166 : memref<1x128xi32, #tpu.memory_space<vmem>> -> memref<128xi32, #tpu.memory_space<vmem>>
    %dma_wait3A_168 = arith.constant 0 : i32
    %dma_wait3A_169 = arith.constant 0 : i32
    %dma_wait3A_170 = tpu.memref_slice %arg2[%dma_wait3A_168, %dma_wait3A_169] : memref<8192x128xf32, #tpu.memory_space<hbm>> -> memref<8192x128xf32, #tpu.memory_space<hbm>>
    tpu.wait_indirect_dma semaphore(%arg8 : memref<!tpu.dma_semaphore, #tpu.memory_space<semaphore_mem>>) src(%dma_wait3A_170 : memref<8192x128xf32, #tpu.memory_space<hbm>>) dst(%dma_wait3A_164 : memref<128x128xf32, #tpu.memory_space<vmem>>)
    %add3A_171 = arith.constant 640 : i32
    %add3A_172 = arith.addi %mul3A_2, %add3A_171 : i32
    %run_scoped3A_173 = arith.constant 1 : i32
    "tpu.region"() ({
      %run_scoped3A_324 = tpu.sem_alloc : memref<!tpu.dma_semaphore, #tpu.memory_space<semaphore_mem>>
      %dma_start3A_325 = arith.constant 0 : i32
      %dma_start3A_326 = arith.constant 0 : i32
      %dma_start3A_327 = tpu.memref_slice %arg6[%run_scoped3A_173, %dma_start3A_325, %dma_start3A_326] : memref<2x128x128xf32, #tpu.memory_space<vmem>> -> memref<1x128x128xf32, #tpu.memory_space<vmem>>
      %dma_start3A_328 = tpu.memref_squeeze %dma_start3A_327 : memref<1x128x128xf32, #tpu.memory_space<vmem>> -> memref<128x128xf32, #tpu.memory_space<vmem>>
      %dma_start3A_329 = arith.constant 0 : i32
      %dma_start3A_330 = tpu.memref_slice %arg4[%add3A_172, %dma_start3A_329] : memref<49152x128xf32, #tpu.memory_space<hbm>> -> memref<128x128xf32, #tpu.memory_space<hbm>>
      %dma_start3A_331 = arith.constant 0 : i32
      %dma_start3A_332 = tpu.memref_slice %arg4[%add3A_172, %dma_start3A_331] : memref<49152x128xf32, #tpu.memory_space<hbm>> -> memref<128x128xf32, #tpu.memory_space<hbm>>
      %dma_start3A_333 = arith.constant 0 : i32
      %dma_start3A_334 = arith.constant 0 : i32
      %dma_start3A_335 = tpu.memref_slice %arg6[%run_scoped3A_173, %dma_start3A_333, %dma_start3A_334] : memref<2x128x128xf32, #tpu.memory_space<vmem>> -> memref<1x128x128xf32, #tpu.memory_space<vmem>>
      %dma_start3A_336 = tpu.memref_squeeze %dma_start3A_335 : memref<1x128x128xf32, #tpu.memory_space<vmem>> -> memref<128x128xf32, #tpu.memory_space<vmem>>
      tpu.enqueue_dma source(%dma_start3A_336 : memref<128x128xf32, #tpu.memory_space<vmem>>) target(%dma_start3A_332 : memref<128x128xf32, #tpu.memory_space<hbm>>) target_semaphore(%run_scoped3A_324 : memref<!tpu.dma_semaphore, #tpu.memory_space<semaphore_mem>>)
      %dma_wait3A_337 = arith.constant 0 : i32
      %dma_wait3A_338 = arith.constant 0 : i32
      %dma_wait3A_339 = tpu.memref_slice %arg6[%run_scoped3A_173, %dma_wait3A_337, %dma_wait3A_338] : memref<2x128x128xf32, #tpu.memory_space<vmem>> -> memref<1x128x128xf32, #tpu.memory_space<vmem>>
      %dma_wait3A_340 = tpu.memref_squeeze %dma_wait3A_339 : memref<1x128x128xf32, #tpu.memory_space<vmem>> -> memref<128x128xf32, #tpu.memory_space<vmem>>
      %dma_wait3A_341 = arith.constant 0 : i32
      %dma_wait3A_342 = tpu.memref_slice %arg4[%add3A_172, %dma_wait3A_341] : memref<49152x128xf32, #tpu.memory_space<hbm>> -> memref<128x128xf32, #tpu.memory_space<hbm>>
      %dma_wait3A_343 = arith.constant 0 : i32
      %dma_wait3A_344 = tpu.memref_slice %arg4[%add3A_172, %dma_wait3A_343] : memref<49152x128xf32, #tpu.memory_space<hbm>> -> memref<128x128xf32, #tpu.memory_space<hbm>>
      %dma_wait3A_345 = arith.constant 0 : i32
      %dma_wait3A_346 = arith.constant 0 : i32
      %dma_wait3A_347 = tpu.memref_slice %arg6[%run_scoped3A_173, %dma_wait3A_345, %dma_wait3A_346] : memref<2x128x128xf32, #tpu.memory_space<vmem>> -> memref<1x128x128xf32, #tpu.memory_space<vmem>>
      %dma_wait3A_348 = tpu.memref_squeeze %dma_wait3A_347 : memref<1x128x128xf32, #tpu.memory_space<vmem>> -> memref<128x128xf32, #tpu.memory_space<vmem>>
      tpu.wait_dma2 semaphore(%run_scoped3A_324 : memref<!tpu.dma_semaphore, #tpu.memory_space<semaphore_mem>>) src(%dma_wait3A_348 : memref<128x128xf32, #tpu.memory_space<vmem>>) dst(%dma_wait3A_344 : memref<128x128xf32, #tpu.memory_space<hbm>>)
      tpu.yield
    }) : () -> ()
    %dma_start3A_174 = arith.constant 7 : i32
    %dma_start3A_175 = arith.constant 1 : i32
    %dma_start3A_176 = arith.constant 0 : i32
    %dma_start3A_177 = arith.constant 0 : i32
    %dma_start3A_178 = tpu.memref_slice %arg6[%dma_start3A_175, %dma_start3A_176, %dma_start3A_177] : memref<2x128x128xf32, #tpu.memory_space<vmem>> -> memref<1x128x128xf32, #tpu.memory_space<vmem>>
    %dma_start3A_179 = tpu.memref_squeeze %dma_start3A_178 : memref<1x128x128xf32, #tpu.memory_space<vmem>> -> memref<128x128xf32, #tpu.memory_space<vmem>>
    %dma_start3A_180 = arith.constant 0 : i32
    %dma_start3A_181 = tpu.memref_slice %arg5[%dma_start3A_174, %dma_start3A_180] : memref<12x128xi32, #tpu.memory_space<vmem>> -> memref<1x128xi32, #tpu.memory_space<vmem>>
    %dma_start3A_182 = tpu.memref_squeeze %dma_start3A_181 : memref<1x128xi32, #tpu.memory_space<vmem>> -> memref<128xi32, #tpu.memory_space<vmem>>
    %dma_start3A_183 = arith.constant 0 : i32
    %dma_start3A_184 = arith.constant 0 : i32
    %dma_start3A_185 = tpu.memref_slice %arg2[%dma_start3A_183, %dma_start3A_184] : memref<8192x128xf32, #tpu.memory_space<hbm>> -> memref<8192x128xf32, #tpu.memory_space<hbm>>
    tpu.enqueue_indirect_dma source(%dma_start3A_185 : memref<8192x128xf32, #tpu.memory_space<hbm>>) target(%dma_start3A_179 : memref<128x128xf32, #tpu.memory_space<vmem>>) offsets(%dma_start3A_182 : memref<128xi32, #tpu.memory_space<vmem>>) semaphore(%arg8 : memref<!tpu.dma_semaphore, #tpu.memory_space<semaphore_mem>>)
    %dma_wait3A_186 = arith.constant 6 : i32
    %dma_wait3A_187 = arith.constant 0 : i32
    %dma_wait3A_188 = arith.constant 0 : i32
    %dma_wait3A_189 = arith.constant 0 : i32
    %dma_wait3A_190 = tpu.memref_slice %arg6[%dma_wait3A_187, %dma_wait3A_188, %dma_wait3A_189] : memref<2x128x128xf32, #tpu.memory_space<vmem>> -> memref<1x128x128xf32, #tpu.memory_space<vmem>>
    %dma_wait3A_191 = tpu.memref_squeeze %dma_wait3A_190 : memref<1x128x128xf32, #tpu.memory_space<vmem>> -> memref<128x128xf32, #tpu.memory_space<vmem>>
    %dma_wait3A_192 = arith.constant 0 : i32
    %dma_wait3A_193 = tpu.memref_slice %arg5[%dma_wait3A_186, %dma_wait3A_192] : memref<12x128xi32, #tpu.memory_space<vmem>> -> memref<1x128xi32, #tpu.memory_space<vmem>>
    %dma_wait3A_194 = tpu.memref_squeeze %dma_wait3A_193 : memref<1x128xi32, #tpu.memory_space<vmem>> -> memref<128xi32, #tpu.memory_space<vmem>>
    %dma_wait3A_195 = arith.constant 0 : i32
    %dma_wait3A_196 = arith.constant 0 : i32
    %dma_wait3A_197 = tpu.memref_slice %arg2[%dma_wait3A_195, %dma_wait3A_196] : memref<8192x128xf32, #tpu.memory_space<hbm>> -> memref<8192x128xf32, #tpu.memory_space<hbm>>
    tpu.wait_indirect_dma semaphore(%arg7 : memref<!tpu.dma_semaphore, #tpu.memory_space<semaphore_mem>>) src(%dma_wait3A_197 : memref<8192x128xf32, #tpu.memory_space<hbm>>) dst(%dma_wait3A_191 : memref<128x128xf32, #tpu.memory_space<vmem>>)
    %add3A_198 = arith.constant 768 : i32
    %add3A_199 = arith.addi %mul3A_2, %add3A_198 : i32
    %run_scoped3A_200 = arith.constant 0 : i32
    "tpu.region"() ({
      %run_scoped3A_324 = tpu.sem_alloc : memref<!tpu.dma_semaphore, #tpu.memory_space<semaphore_mem>>
      %dma_start3A_325 = arith.constant 0 : i32
      %dma_start3A_326 = arith.constant 0 : i32
      %dma_start3A_327 = tpu.memref_slice %arg6[%run_scoped3A_200, %dma_start3A_325, %dma_start3A_326] : memref<2x128x128xf32, #tpu.memory_space<vmem>> -> memref<1x128x128xf32, #tpu.memory_space<vmem>>
      %dma_start3A_328 = tpu.memref_squeeze %dma_start3A_327 : memref<1x128x128xf32, #tpu.memory_space<vmem>> -> memref<128x128xf32, #tpu.memory_space<vmem>>
      %dma_start3A_329 = arith.constant 0 : i32
      %dma_start3A_330 = tpu.memref_slice %arg4[%add3A_199, %dma_start3A_329] : memref<49152x128xf32, #tpu.memory_space<hbm>> -> memref<128x128xf32, #tpu.memory_space<hbm>>
      %dma_start3A_331 = arith.constant 0 : i32
      %dma_start3A_332 = tpu.memref_slice %arg4[%add3A_199, %dma_start3A_331] : memref<49152x128xf32, #tpu.memory_space<hbm>> -> memref<128x128xf32, #tpu.memory_space<hbm>>
      %dma_start3A_333 = arith.constant 0 : i32
      %dma_start3A_334 = arith.constant 0 : i32
      %dma_start3A_335 = tpu.memref_slice %arg6[%run_scoped3A_200, %dma_start3A_333, %dma_start3A_334] : memref<2x128x128xf32, #tpu.memory_space<vmem>> -> memref<1x128x128xf32, #tpu.memory_space<vmem>>
      %dma_start3A_336 = tpu.memref_squeeze %dma_start3A_335 : memref<1x128x128xf32, #tpu.memory_space<vmem>> -> memref<128x128xf32, #tpu.memory_space<vmem>>
      tpu.enqueue_dma source(%dma_start3A_336 : memref<128x128xf32, #tpu.memory_space<vmem>>) target(%dma_start3A_332 : memref<128x128xf32, #tpu.memory_space<hbm>>) target_semaphore(%run_scoped3A_324 : memref<!tpu.dma_semaphore, #tpu.memory_space<semaphore_mem>>)
      %dma_wait3A_337 = arith.constant 0 : i32
      %dma_wait3A_338 = arith.constant 0 : i32
      %dma_wait3A_339 = tpu.memref_slice %arg6[%run_scoped3A_200, %dma_wait3A_337, %dma_wait3A_338] : memref<2x128x128xf32, #tpu.memory_space<vmem>> -> memref<1x128x128xf32, #tpu.memory_space<vmem>>
      %dma_wait3A_340 = tpu.memref_squeeze %dma_wait3A_339 : memref<1x128x128xf32, #tpu.memory_space<vmem>> -> memref<128x128xf32, #tpu.memory_space<vmem>>
      %dma_wait3A_341 = arith.constant 0 : i32
      %dma_wait3A_342 = tpu.memref_slice %arg4[%add3A_199, %dma_wait3A_341] : memref<49152x128xf32, #tpu.memory_space<hbm>> -> memref<128x128xf32, #tpu.memory_space<hbm>>
      %dma_wait3A_343 = arith.constant 0 : i32
      %dma_wait3A_344 = tpu.memref_slice %arg4[%add3A_199, %dma_wait3A_343] : memref<49152x128xf32, #tpu.memory_space<hbm>> -> memref<128x128xf32, #tpu.memory_space<hbm>>
      %dma_wait3A_345 = arith.constant 0 : i32
      %dma_wait3A_346 = arith.constant 0 : i32
      %dma_wait3A_347 = tpu.memref_slice %arg6[%run_scoped3A_200, %dma_wait3A_345, %dma_wait3A_346] : memref<2x128x128xf32, #tpu.memory_space<vmem>> -> memref<1x128x128xf32, #tpu.memory_space<vmem>>
      %dma_wait3A_348 = tpu.memref_squeeze %dma_wait3A_347 : memref<1x128x128xf32, #tpu.memory_space<vmem>> -> memref<128x128xf32, #tpu.memory_space<vmem>>
      tpu.wait_dma2 semaphore(%run_scoped3A_324 : memref<!tpu.dma_semaphore, #tpu.memory_space<semaphore_mem>>) src(%dma_wait3A_348 : memref<128x128xf32, #tpu.memory_space<vmem>>) dst(%dma_wait3A_344 : memref<128x128xf32, #tpu.memory_space<hbm>>)
      tpu.yield
    }) : () -> ()
    %dma_start3A_201 = arith.constant 8 : i32
    %dma_start3A_202 = arith.constant 0 : i32
    %dma_start3A_203 = arith.constant 0 : i32
    %dma_start3A_204 = arith.constant 0 : i32
    %dma_start3A_205 = tpu.memref_slice %arg6[%dma_start3A_202, %dma_start3A_203, %dma_start3A_204] : memref<2x128x128xf32, #tpu.memory_space<vmem>> -> memref<1x128x128xf32, #tpu.memory_space<vmem>>
    %dma_start3A_206 = tpu.memref_squeeze %dma_start3A_205 : memref<1x128x128xf32, #tpu.memory_space<vmem>> -> memref<128x128xf32, #tpu.memory_space<vmem>>
    %dma_start3A_207 = arith.constant 0 : i32
    %dma_start3A_208 = tpu.memref_slice %arg5[%dma_start3A_201, %dma_start3A_207] : memref<12x128xi32, #tpu.memory_space<vmem>> -> memref<1x128xi32, #tpu.memory_space<vmem>>
    %dma_start3A_209 = tpu.memref_squeeze %dma_start3A_208 : memref<1x128xi32, #tpu.memory_space<vmem>> -> memref<128xi32, #tpu.memory_space<vmem>>
    %dma_start3A_210 = arith.constant 0 : i32
    %dma_start3A_211 = arith.constant 0 : i32
    %dma_start3A_212 = tpu.memref_slice %arg2[%dma_start3A_210, %dma_start3A_211] : memref<8192x128xf32, #tpu.memory_space<hbm>> -> memref<8192x128xf32, #tpu.memory_space<hbm>>
    tpu.enqueue_indirect_dma source(%dma_start3A_212 : memref<8192x128xf32, #tpu.memory_space<hbm>>) target(%dma_start3A_206 : memref<128x128xf32, #tpu.memory_space<vmem>>) offsets(%dma_start3A_209 : memref<128xi32, #tpu.memory_space<vmem>>) semaphore(%arg7 : memref<!tpu.dma_semaphore, #tpu.memory_space<semaphore_mem>>)
    %dma_wait3A_213 = arith.constant 7 : i32
    %dma_wait3A_214 = arith.constant 1 : i32
    %dma_wait3A_215 = arith.constant 0 : i32
    %dma_wait3A_216 = arith.constant 0 : i32
    %dma_wait3A_217 = tpu.memref_slice %arg6[%dma_wait3A_214, %dma_wait3A_215, %dma_wait3A_216] : memref<2x128x128xf32, #tpu.memory_space<vmem>> -> memref<1x128x128xf32, #tpu.memory_space<vmem>>
    %dma_wait3A_218 = tpu.memref_squeeze %dma_wait3A_217 : memref<1x128x128xf32, #tpu.memory_space<vmem>> -> memref<128x128xf32, #tpu.memory_space<vmem>>
    %dma_wait3A_219 = arith.constant 0 : i32
    %dma_wait3A_220 = tpu.memref_slice %arg5[%dma_wait3A_213, %dma_wait3A_219] : memref<12x128xi32, #tpu.memory_space<vmem>> -> memref<1x128xi32, #tpu.memory_space<vmem>>
    %dma_wait3A_221 = tpu.memref_squeeze %dma_wait3A_220 : memref<1x128xi32, #tpu.memory_space<vmem>> -> memref<128xi32, #tpu.memory_space<vmem>>
    %dma_wait3A_222 = arith.constant 0 : i32
    %dma_wait3A_223 = arith.constant 0 : i32
    %dma_wait3A_224 = tpu.memref_slice %arg2[%dma_wait3A_222, %dma_wait3A_223] : memref<8192x128xf32, #tpu.memory_space<hbm>> -> memref<8192x128xf32, #tpu.memory_space<hbm>>
    tpu.wait_indirect_dma semaphore(%arg8 : memref<!tpu.dma_semaphore, #tpu.memory_space<semaphore_mem>>) src(%dma_wait3A_224 : memref<8192x128xf32, #tpu.memory_space<hbm>>) dst(%dma_wait3A_218 : memref<128x128xf32, #tpu.memory_space<vmem>>)
    %add3A_225 = arith.constant 896 : i32
    %add3A_226 = arith.addi %mul3A_2, %add3A_225 : i32
    %run_scoped3A_227 = arith.constant 1 : i32
    "tpu.region"() ({
      %run_scoped3A_324 = tpu.sem_alloc : memref<!tpu.dma_semaphore, #tpu.memory_space<semaphore_mem>>
      %dma_start3A_325 = arith.constant 0 : i32
      %dma_start3A_326 = arith.constant 0 : i32
      %dma_start3A_327 = tpu.memref_slice %arg6[%run_scoped3A_227, %dma_start3A_325, %dma_start3A_326] : memref<2x128x128xf32, #tpu.memory_space<vmem>> -> memref<1x128x128xf32, #tpu.memory_space<vmem>>
      %dma_start3A_328 = tpu.memref_squeeze %dma_start3A_327 : memref<1x128x128xf32, #tpu.memory_space<vmem>> -> memref<128x128xf32, #tpu.memory_space<vmem>>
      %dma_start3A_329 = arith.constant 0 : i32
      %dma_start3A_330 = tpu.memref_slice %arg4[%add3A_226, %dma_start3A_329] : memref<49152x128xf32, #tpu.memory_space<hbm>> -> memref<128x128xf32, #tpu.memory_space<hbm>>
      %dma_start3A_331 = arith.constant 0 : i32
      %dma_start3A_332 = tpu.memref_slice %arg4[%add3A_226, %dma_start3A_331] : memref<49152x128xf32, #tpu.memory_space<hbm>> -> memref<128x128xf32, #tpu.memory_space<hbm>>
      %dma_start3A_333 = arith.constant 0 : i32
      %dma_start3A_334 = arith.constant 0 : i32
      %dma_start3A_335 = tpu.memref_slice %arg6[%run_scoped3A_227, %dma_start3A_333, %dma_start3A_334] : memref<2x128x128xf32, #tpu.memory_space<vmem>> -> memref<1x128x128xf32, #tpu.memory_space<vmem>>
      %dma_start3A_336 = tpu.memref_squeeze %dma_start3A_335 : memref<1x128x128xf32, #tpu.memory_space<vmem>> -> memref<128x128xf32, #tpu.memory_space<vmem>>
      tpu.enqueue_dma source(%dma_start3A_336 : memref<128x128xf32, #tpu.memory_space<vmem>>) target(%dma_start3A_332 : memref<128x128xf32, #tpu.memory_space<hbm>>) target_semaphore(%run_scoped3A_324 : memref<!tpu.dma_semaphore, #tpu.memory_space<semaphore_mem>>)
      %dma_wait3A_337 = arith.constant 0 : i32
      %dma_wait3A_338 = arith.constant 0 : i32
      %dma_wait3A_339 = tpu.memref_slice %arg6[%run_scoped3A_227, %dma_wait3A_337, %dma_wait3A_338] : memref<2x128x128xf32, #tpu.memory_space<vmem>> -> memref<1x128x128xf32, #tpu.memory_space<vmem>>
      %dma_wait3A_340 = tpu.memref_squeeze %dma_wait3A_339 : memref<1x128x128xf32, #tpu.memory_space<vmem>> -> memref<128x128xf32, #tpu.memory_space<vmem>>
      %dma_wait3A_341 = arith.constant 0 : i32
      %dma_wait3A_342 = tpu.memref_slice %arg4[%add3A_226, %dma_wait3A_341] : memref<49152x128xf32, #tpu.memory_space<hbm>> -> memref<128x128xf32, #tpu.memory_space<hbm>>
      %dma_wait3A_343 = arith.constant 0 : i32
      %dma_wait3A_344 = tpu.memref_slice %arg4[%add3A_226, %dma_wait3A_343] : memref<49152x128xf32, #tpu.memory_space<hbm>> -> memref<128x128xf32, #tpu.memory_space<hbm>>
      %dma_wait3A_345 = arith.constant 0 : i32
      %dma_wait3A_346 = arith.constant 0 : i32
      %dma_wait3A_347 = tpu.memref_slice %arg6[%run_scoped3A_227, %dma_wait3A_345, %dma_wait3A_346] : memref<2x128x128xf32, #tpu.memory_space<vmem>> -> memref<1x128x128xf32, #tpu.memory_space<vmem>>
      %dma_wait3A_348 = tpu.memref_squeeze %dma_wait3A_347 : memref<1x128x128xf32, #tpu.memory_space<vmem>> -> memref<128x128xf32, #tpu.memory_space<vmem>>
      tpu.wait_dma2 semaphore(%run_scoped3A_324 : memref<!tpu.dma_semaphore, #tpu.memory_space<semaphore_mem>>) src(%dma_wait3A_348 : memref<128x128xf32, #tpu.memory_space<vmem>>) dst(%dma_wait3A_344 : memref<128x128xf32, #tpu.memory_space<hbm>>)
      tpu.yield
    }) : () -> ()
    %dma_start3A_228 = arith.constant 9 : i32
    %dma_start3A_229 = arith.constant 1 : i32
    %dma_start3A_230 = arith.constant 0 : i32
    %dma_start3A_231 = arith.constant 0 : i32
    %dma_start3A_232 = tpu.memref_slice %arg6[%dma_start3A_229, %dma_start3A_230, %dma_start3A_231] : memref<2x128x128xf32, #tpu.memory_space<vmem>> -> memref<1x128x128xf32, #tpu.memory_space<vmem>>
    %dma_start3A_233 = tpu.memref_squeeze %dma_start3A_232 : memref<1x128x128xf32, #tpu.memory_space<vmem>> -> memref<128x128xf32, #tpu.memory_space<vmem>>
    %dma_start3A_234 = arith.constant 0 : i32
    %dma_start3A_235 = tpu.memref_slice %arg5[%dma_start3A_228, %dma_start3A_234] : memref<12x128xi32, #tpu.memory_space<vmem>> -> memref<1x128xi32, #tpu.memory_space<vmem>>
    %dma_start3A_236 = tpu.memref_squeeze %dma_start3A_235 : memref<1x128xi32, #tpu.memory_space<vmem>> -> memref<128xi32, #tpu.memory_space<vmem>>
    %dma_start3A_237 = arith.constant 0 : i32
    %dma_start3A_238 = arith.constant 0 : i32
    %dma_start3A_239 = tpu.memref_slice %arg2[%dma_start3A_237, %dma_start3A_238] : memref<8192x128xf32, #tpu.memory_space<hbm>> -> memref<8192x128xf32, #tpu.memory_space<hbm>>
    tpu.enqueue_indirect_dma source(%dma_start3A_239 : memref<8192x128xf32, #tpu.memory_space<hbm>>) target(%dma_start3A_233 : memref<128x128xf32, #tpu.memory_space<vmem>>) offsets(%dma_start3A_236 : memref<128xi32, #tpu.memory_space<vmem>>) semaphore(%arg8 : memref<!tpu.dma_semaphore, #tpu.memory_space<semaphore_mem>>)
    %dma_wait3A_240 = arith.constant 8 : i32
    %dma_wait3A_241 = arith.constant 0 : i32
    %dma_wait3A_242 = arith.constant 0 : i32
    %dma_wait3A_243 = arith.constant 0 : i32
    %dma_wait3A_244 = tpu.memref_slice %arg6[%dma_wait3A_241, %dma_wait3A_242, %dma_wait3A_243] : memref<2x128x128xf32, #tpu.memory_space<vmem>> -> memref<1x128x128xf32, #tpu.memory_space<vmem>>
    %dma_wait3A_245 = tpu.memref_squeeze %dma_wait3A_244 : memref<1x128x128xf32, #tpu.memory_space<vmem>> -> memref<128x128xf32, #tpu.memory_space<vmem>>
    %dma_wait3A_246 = arith.constant 0 : i32
    %dma_wait3A_247 = tpu.memref_slice %arg5[%dma_wait3A_240, %dma_wait3A_246] : memref<12x128xi32, #tpu.memory_space<vmem>> -> memref<1x128xi32, #tpu.memory_space<vmem>>
    %dma_wait3A_248 = tpu.memref_squeeze %dma_wait3A_247 : memref<1x128xi32, #tpu.memory_space<vmem>> -> memref<128xi32, #tpu.memory_space<vmem>>
    %dma_wait3A_249 = arith.constant 0 : i32
    %dma_wait3A_250 = arith.constant 0 : i32
    %dma_wait3A_251 = tpu.memref_slice %arg2[%dma_wait3A_249, %dma_wait3A_250] : memref<8192x128xf32, #tpu.memory_space<hbm>> -> memref<8192x128xf32, #tpu.memory_space<hbm>>
    tpu.wait_indirect_dma semaphore(%arg7 : memref<!tpu.dma_semaphore, #tpu.memory_space<semaphore_mem>>) src(%dma_wait3A_251 : memref<8192x128xf32, #tpu.memory_space<hbm>>) dst(%dma_wait3A_245 : memref<128x128xf32, #tpu.memory_space<vmem>>)
    %add3A_252 = arith.constant 1024 : i32
    %add3A_253 = arith.addi %mul3A_2, %add3A_252 : i32
    %run_scoped3A_254 = arith.constant 0 : i32
    "tpu.region"() ({
      %run_scoped3A_324 = tpu.sem_alloc : memref<!tpu.dma_semaphore, #tpu.memory_space<semaphore_mem>>
      %dma_start3A_325 = arith.constant 0 : i32
      %dma_start3A_326 = arith.constant 0 : i32
      %dma_start3A_327 = tpu.memref_slice %arg6[%run_scoped3A_254, %dma_start3A_325, %dma_start3A_326] : memref<2x128x128xf32, #tpu.memory_space<vmem>> -> memref<1x128x128xf32, #tpu.memory_space<vmem>>
      %dma_start3A_328 = tpu.memref_squeeze %dma_start3A_327 : memref<1x128x128xf32, #tpu.memory_space<vmem>> -> memref<128x128xf32, #tpu.memory_space<vmem>>
      %dma_start3A_329 = arith.constant 0 : i32
      %dma_start3A_330 = tpu.memref_slice %arg4[%add3A_253, %dma_start3A_329] : memref<49152x128xf32, #tpu.memory_space<hbm>> -> memref<128x128xf32, #tpu.memory_space<hbm>>
      %dma_start3A_331 = arith.constant 0 : i32
      %dma_start3A_332 = tpu.memref_slice %arg4[%add3A_253, %dma_start3A_331] : memref<49152x128xf32, #tpu.memory_space<hbm>> -> memref<128x128xf32, #tpu.memory_space<hbm>>
      %dma_start3A_333 = arith.constant 0 : i32
      %dma_start3A_334 = arith.constant 0 : i32
      %dma_start3A_335 = tpu.memref_slice %arg6[%run_scoped3A_254, %dma_start3A_333, %dma_start3A_334] : memref<2x128x128xf32, #tpu.memory_space<vmem>> -> memref<1x128x128xf32, #tpu.memory_space<vmem>>
      %dma_start3A_336 = tpu.memref_squeeze %dma_start3A_335 : memref<1x128x128xf32, #tpu.memory_space<vmem>> -> memref<128x128xf32, #tpu.memory_space<vmem>>
      tpu.enqueue_dma source(%dma_start3A_336 : memref<128x128xf32, #tpu.memory_space<vmem>>) target(%dma_start3A_332 : memref<128x128xf32, #tpu.memory_space<hbm>>) target_semaphore(%run_scoped3A_324 : memref<!tpu.dma_semaphore, #tpu.memory_space<semaphore_mem>>)
      %dma_wait3A_337 = arith.constant 0 : i32
      %dma_wait3A_338 = arith.constant 0 : i32
      %dma_wait3A_339 = tpu.memref_slice %arg6[%run_scoped3A_254, %dma_wait3A_337, %dma_wait3A_338] : memref<2x128x128xf32, #tpu.memory_space<vmem>> -> memref<1x128x128xf32, #tpu.memory_space<vmem>>
      %dma_wait3A_340 = tpu.memref_squeeze %dma_wait3A_339 : memref<1x128x128xf32, #tpu.memory_space<vmem>> -> memref<128x128xf32, #tpu.memory_space<vmem>>
      %dma_wait3A_341 = arith.constant 0 : i32
      %dma_wait3A_342 = tpu.memref_slice %arg4[%add3A_253, %dma_wait3A_341] : memref<49152x128xf32, #tpu.memory_space<hbm>> -> memref<128x128xf32, #tpu.memory_space<hbm>>
      %dma_wait3A_343 = arith.constant 0 : i32
      %dma_wait3A_344 = tpu.memref_slice %arg4[%add3A_253, %dma_wait3A_343] : memref<49152x128xf32, #tpu.memory_space<hbm>> -> memref<128x128xf32, #tpu.memory_space<hbm>>
      %dma_wait3A_345 = arith.constant 0 : i32
      %dma_wait3A_346 = arith.constant 0 : i32
      %dma_wait3A_347 = tpu.memref_slice %arg6[%run_scoped3A_254, %dma_wait3A_345, %dma_wait3A_346] : memref<2x128x128xf32, #tpu.memory_space<vmem>> -> memref<1x128x128xf32, #tpu.memory_space<vmem>>
      %dma_wait3A_348 = tpu.memref_squeeze %dma_wait3A_347 : memref<1x128x128xf32, #tpu.memory_space<vmem>> -> memref<128x128xf32, #tpu.memory_space<vmem>>
      tpu.wait_dma2 semaphore(%run_scoped3A_324 : memref<!tpu.dma_semaphore, #tpu.memory_space<semaphore_mem>>) src(%dma_wait3A_348 : memref<128x128xf32, #tpu.memory_space<vmem>>) dst(%dma_wait3A_344 : memref<128x128xf32, #tpu.memory_space<hbm>>)
      tpu.yield
    }) : () -> ()
    %dma_start3A_255 = arith.constant 10 : i32
    %dma_start3A_256 = arith.constant 0 : i32
    %dma_start3A_257 = arith.constant 0 : i32
    %dma_start3A_258 = arith.constant 0 : i32
    %dma_start3A_259 = tpu.memref_slice %arg6[%dma_start3A_256, %dma_start3A_257, %dma_start3A_258] : memref<2x128x128xf32, #tpu.memory_space<vmem>> -> memref<1x128x128xf32, #tpu.memory_space<vmem>>
    %dma_start3A_260 = tpu.memref_squeeze %dma_start3A_259 : memref<1x128x128xf32, #tpu.memory_space<vmem>> -> memref<128x128xf32, #tpu.memory_space<vmem>>
    %dma_start3A_261 = arith.constant 0 : i32
    %dma_start3A_262 = tpu.memref_slice %arg5[%dma_start3A_255, %dma_start3A_261] : memref<12x128xi32, #tpu.memory_space<vmem>> -> memref<1x128xi32, #tpu.memory_space<vmem>>
    %dma_start3A_263 = tpu.memref_squeeze %dma_start3A_262 : memref<1x128xi32, #tpu.memory_space<vmem>> -> memref<128xi32, #tpu.memory_space<vmem>>
    %dma_start3A_264 = arith.constant 0 : i32
    %dma_start3A_265 = arith.constant 0 : i32
    %dma_start3A_266 = tpu.memref_slice %arg2[%dma_start3A_264, %dma_start3A_265] : memref<8192x128xf32, #tpu.memory_space<hbm>> -> memref<8192x128xf32, #tpu.memory_space<hbm>>
    tpu.enqueue_indirect_dma source(%dma_start3A_266 : memref<8192x128xf32, #tpu.memory_space<hbm>>) target(%dma_start3A_260 : memref<128x128xf32, #tpu.memory_space<vmem>>) offsets(%dma_start3A_263 : memref<128xi32, #tpu.memory_space<vmem>>) semaphore(%arg7 : memref<!tpu.dma_semaphore, #tpu.memory_space<semaphore_mem>>)
    %dma_wait3A_267 = arith.constant 9 : i32
    %dma_wait3A_268 = arith.constant 1 : i32
    %dma_wait3A_269 = arith.constant 0 : i32
    %dma_wait3A_270 = arith.constant 0 : i32
    %dma_wait3A_271 = tpu.memref_slice %arg6[%dma_wait3A_268, %dma_wait3A_269, %dma_wait3A_270] : memref<2x128x128xf32, #tpu.memory_space<vmem>> -> memref<1x128x128xf32, #tpu.memory_space<vmem>>
    %dma_wait3A_272 = tpu.memref_squeeze %dma_wait3A_271 : memref<1x128x128xf32, #tpu.memory_space<vmem>> -> memref<128x128xf32, #tpu.memory_space<vmem>>
    %dma_wait3A_273 = arith.constant 0 : i32
    %dma_wait3A_274 = tpu.memref_slice %arg5[%dma_wait3A_267, %dma_wait3A_273] : memref<12x128xi32, #tpu.memory_space<vmem>> -> memref<1x128xi32, #tpu.memory_space<vmem>>
    %dma_wait3A_275 = tpu.memref_squeeze %dma_wait3A_274 : memref<1x128xi32, #tpu.memory_space<vmem>> -> memref<128xi32, #tpu.memory_space<vmem>>
    %dma_wait3A_276 = arith.constant 0 : i32
    %dma_wait3A_277 = arith.constant 0 : i32
    %dma_wait3A_278 = tpu.memref_slice %arg2[%dma_wait3A_276, %dma_wait3A_277] : memref<8192x128xf32, #tpu.memory_space<hbm>> -> memref<8192x128xf32, #tpu.memory_space<hbm>>
    tpu.wait_indirect_dma semaphore(%arg8 : memref<!tpu.dma_semaphore, #tpu.memory_space<semaphore_mem>>) src(%dma_wait3A_278 : memref<8192x128xf32, #tpu.memory_space<hbm>>) dst(%dma_wait3A_272 : memref<128x128xf32, #tpu.memory_space<vmem>>)
    %add3A_279 = arith.constant 1152 : i32
    %add3A_280 = arith.addi %mul3A_2, %add3A_279 : i32
    %run_scoped3A_281 = arith.constant 1 : i32
    "tpu.region"() ({
      %run_scoped3A_324 = tpu.sem_alloc : memref<!tpu.dma_semaphore, #tpu.memory_space<semaphore_mem>>
      %dma_start3A_325 = arith.constant 0 : i32
      %dma_start3A_326 = arith.constant 0 : i32
      %dma_start3A_327 = tpu.memref_slice %arg6[%run_scoped3A_281, %dma_start3A_325, %dma_start3A_326] : memref<2x128x128xf32, #tpu.memory_space<vmem>> -> memref<1x128x128xf32, #tpu.memory_space<vmem>>
      %dma_start3A_328 = tpu.memref_squeeze %dma_start3A_327 : memref<1x128x128xf32, #tpu.memory_space<vmem>> -> memref<128x128xf32, #tpu.memory_space<vmem>>
      %dma_start3A_329 = arith.constant 0 : i32
      %dma_start3A_330 = tpu.memref_slice %arg4[%add3A_280, %dma_start3A_329] : memref<49152x128xf32, #tpu.memory_space<hbm>> -> memref<128x128xf32, #tpu.memory_space<hbm>>
      %dma_start3A_331 = arith.constant 0 : i32
      %dma_start3A_332 = tpu.memref_slice %arg4[%add3A_280, %dma_start3A_331] : memref<49152x128xf32, #tpu.memory_space<hbm>> -> memref<128x128xf32, #tpu.memory_space<hbm>>
      %dma_start3A_333 = arith.constant 0 : i32
      %dma_start3A_334 = arith.constant 0 : i32
      %dma_start3A_335 = tpu.memref_slice %arg6[%run_scoped3A_281, %dma_start3A_333, %dma_start3A_334] : memref<2x128x128xf32, #tpu.memory_space<vmem>> -> memref<1x128x128xf32, #tpu.memory_space<vmem>>
      %dma_start3A_336 = tpu.memref_squeeze %dma_start3A_335 : memref<1x128x128xf32, #tpu.memory_space<vmem>> -> memref<128x128xf32, #tpu.memory_space<vmem>>
      tpu.enqueue_dma source(%dma_start3A_336 : memref<128x128xf32, #tpu.memory_space<vmem>>) target(%dma_start3A_332 : memref<128x128xf32, #tpu.memory_space<hbm>>) target_semaphore(%run_scoped3A_324 : memref<!tpu.dma_semaphore, #tpu.memory_space<semaphore_mem>>)
      %dma_wait3A_337 = arith.constant 0 : i32
      %dma_wait3A_338 = arith.constant 0 : i32
      %dma_wait3A_339 = tpu.memref_slice %arg6[%run_scoped3A_281, %dma_wait3A_337, %dma_wait3A_338] : memref<2x128x128xf32, #tpu.memory_space<vmem>> -> memref<1x128x128xf32, #tpu.memory_space<vmem>>
      %dma_wait3A_340 = tpu.memref_squeeze %dma_wait3A_339 : memref<1x128x128xf32, #tpu.memory_space<vmem>> -> memref<128x128xf32, #tpu.memory_space<vmem>>
      %dma_wait3A_341 = arith.constant 0 : i32
      %dma_wait3A_342 = tpu.memref_slice %arg4[%add3A_280, %dma_wait3A_341] : memref<49152x128xf32, #tpu.memory_space<hbm>> -> memref<128x128xf32, #tpu.memory_space<hbm>>
      %dma_wait3A_343 = arith.constant 0 : i32
      %dma_wait3A_344 = tpu.memref_slice %arg4[%add3A_280, %dma_wait3A_343] : memref<49152x128xf32, #tpu.memory_space<hbm>> -> memref<128x128xf32, #tpu.memory_space<hbm>>
      %dma_wait3A_345 = arith.constant 0 : i32
      %dma_wait3A_346 = arith.constant 0 : i32
      %dma_wait3A_347 = tpu.memref_slice %arg6[%run_scoped3A_281, %dma_wait3A_345, %dma_wait3A_346] : memref<2x128x128xf32, #tpu.memory_space<vmem>> -> memref<1x128x128xf32, #tpu.memory_space<vmem>>
      %dma_wait3A_348 = tpu.memref_squeeze %dma_wait3A_347 : memref<1x128x128xf32, #tpu.memory_space<vmem>> -> memref<128x128xf32, #tpu.memory_space<vmem>>
      tpu.wait_dma2 semaphore(%run_scoped3A_324 : memref<!tpu.dma_semaphore, #tpu.memory_space<semaphore_mem>>) src(%dma_wait3A_348 : memref<128x128xf32, #tpu.memory_space<vmem>>) dst(%dma_wait3A_344 : memref<128x128xf32, #tpu.memory_space<hbm>>)
      tpu.yield
    }) : () -> ()
    %dma_start3A_282 = arith.constant 11 : i32
    %dma_start3A_283 = arith.constant 1 : i32
    %dma_start3A_284 = arith.constant 0 : i32
    %dma_start3A_285 = arith.constant 0 : i32
    %dma_start3A_286 = tpu.memref_slice %arg6[%dma_start3A_283, %dma_start3A_284, %dma_start3A_285] : memref<2x128x128xf32, #tpu.memory_space<vmem>> -> memref<1x128x128xf32, #tpu.memory_space<vmem>>
    %dma_start3A_287 = tpu.memref_squeeze %dma_start3A_286 : memref<1x128x128xf32, #tpu.memory_space<vmem>> -> memref<128x128xf32, #tpu.memory_space<vmem>>
    %dma_start3A_288 = arith.constant 0 : i32
    %dma_start3A_289 = tpu.memref_slice %arg5[%dma_start3A_282, %dma_start3A_288] : memref<12x128xi32, #tpu.memory_space<vmem>> -> memref<1x128xi32, #tpu.memory_space<vmem>>
    %dma_start3A_290 = tpu.memref_squeeze %dma_start3A_289 : memref<1x128xi32, #tpu.memory_space<vmem>> -> memref<128xi32, #tpu.memory_space<vmem>>
    %dma_start3A_291 = arith.constant 0 : i32
    %dma_start3A_292 = arith.constant 0 : i32
    %dma_start3A_293 = tpu.memref_slice %arg2[%dma_start3A_291, %dma_start3A_292] : memref<8192x128xf32, #tpu.memory_space<hbm>> -> memref<8192x128xf32, #tpu.memory_space<hbm>>
    tpu.enqueue_indirect_dma source(%dma_start3A_293 : memref<8192x128xf32, #tpu.memory_space<hbm>>) target(%dma_start3A_287 : memref<128x128xf32, #tpu.memory_space<vmem>>) offsets(%dma_start3A_290 : memref<128xi32, #tpu.memory_space<vmem>>) semaphore(%arg8 : memref<!tpu.dma_semaphore, #tpu.memory_space<semaphore_mem>>)
    %dma_wait3A_294 = arith.constant 10 : i32
    %dma_wait3A_295 = arith.constant 0 : i32
    %dma_wait3A_296 = arith.constant 0 : i32
    %dma_wait3A_297 = arith.constant 0 : i32
    %dma_wait3A_298 = tpu.memref_slice %arg6[%dma_wait3A_295, %dma_wait3A_296, %dma_wait3A_297] : memref<2x128x128xf32, #tpu.memory_space<vmem>> -> memref<1x128x128xf32, #tpu.memory_space<vmem>>
    %dma_wait3A_299 = tpu.memref_squeeze %dma_wait3A_298 : memref<1x128x128xf32, #tpu.memory_space<vmem>> -> memref<128x128xf32, #tpu.memory_space<vmem>>
    %dma_wait3A_300 = arith.constant 0 : i32
    %dma_wait3A_301 = tpu.memref_slice %arg5[%dma_wait3A_294, %dma_wait3A_300] : memref<12x128xi32, #tpu.memory_space<vmem>> -> memref<1x128xi32, #tpu.memory_space<vmem>>
    %dma_wait3A_302 = tpu.memref_squeeze %dma_wait3A_301 : memref<1x128xi32, #tpu.memory_space<vmem>> -> memref<128xi32, #tpu.memory_space<vmem>>
    %dma_wait3A_303 = arith.constant 0 : i32
    %dma_wait3A_304 = arith.constant 0 : i32
    %dma_wait3A_305 = tpu.memref_slice %arg2[%dma_wait3A_303, %dma_wait3A_304] : memref<8192x128xf32, #tpu.memory_space<hbm>> -> memref<8192x128xf32, #tpu.memory_space<hbm>>
    tpu.wait_indirect_dma semaphore(%arg7 : memref<!tpu.dma_semaphore, #tpu.memory_space<semaphore_mem>>) src(%dma_wait3A_305 : memref<8192x128xf32, #tpu.memory_space<hbm>>) dst(%dma_wait3A_299 : memref<128x128xf32, #tpu.memory_space<vmem>>)
    %add3A_306 = arith.constant 1280 : i32
    %add3A_307 = arith.addi %mul3A_2, %add3A_306 : i32
    %run_scoped3A_308 = arith.constant 0 : i32
    "tpu.region"() ({
      %run_scoped3A_324 = tpu.sem_alloc : memref<!tpu.dma_semaphore, #tpu.memory_space<semaphore_mem>>
      %dma_start3A_325 = arith.constant 0 : i32
      %dma_start3A_326 = arith.constant 0 : i32
      %dma_start3A_327 = tpu.memref_slice %arg6[%run_scoped3A_308, %dma_start3A_325, %dma_start3A_326] : memref<2x128x128xf32, #tpu.memory_space<vmem>> -> memref<1x128x128xf32, #tpu.memory_space<vmem>>
      %dma_start3A_328 = tpu.memref_squeeze %dma_start3A_327 : memref<1x128x128xf32, #tpu.memory_space<vmem>> -> memref<128x128xf32, #tpu.memory_space<vmem>>
      %dma_start3A_329 = arith.constant 0 : i32
      %dma_start3A_330 = tpu.memref_slice %arg4[%add3A_307, %dma_start3A_329] : memref<49152x128xf32, #tpu.memory_space<hbm>> -> memref<128x128xf32, #tpu.memory_space<hbm>>
      %dma_start3A_331 = arith.constant 0 : i32
      %dma_start3A_332 = tpu.memref_slice %arg4[%add3A_307, %dma_start3A_331] : memref<49152x128xf32, #tpu.memory_space<hbm>> -> memref<128x128xf32, #tpu.memory_space<hbm>>
      %dma_start3A_333 = arith.constant 0 : i32
      %dma_start3A_334 = arith.constant 0 : i32
      %dma_start3A_335 = tpu.memref_slice %arg6[%run_scoped3A_308, %dma_start3A_333, %dma_start3A_334] : memref<2x128x128xf32, #tpu.memory_space<vmem>> -> memref<1x128x128xf32, #tpu.memory_space<vmem>>
      %dma_start3A_336 = tpu.memref_squeeze %dma_start3A_335 : memref<1x128x128xf32, #tpu.memory_space<vmem>> -> memref<128x128xf32, #tpu.memory_space<vmem>>
      tpu.enqueue_dma source(%dma_start3A_336 : memref<128x128xf32, #tpu.memory_space<vmem>>) target(%dma_start3A_332 : memref<128x128xf32, #tpu.memory_space<hbm>>) target_semaphore(%run_scoped3A_324 : memref<!tpu.dma_semaphore, #tpu.memory_space<semaphore_mem>>)
      %dma_wait3A_337 = arith.constant 0 : i32
      %dma_wait3A_338 = arith.constant 0 : i32
      %dma_wait3A_339 = tpu.memref_slice %arg6[%run_scoped3A_308, %dma_wait3A_337, %dma_wait3A_338] : memref<2x128x128xf32, #tpu.memory_space<vmem>> -> memref<1x128x128xf32, #tpu.memory_space<vmem>>
      %dma_wait3A_340 = tpu.memref_squeeze %dma_wait3A_339 : memref<1x128x128xf32, #tpu.memory_space<vmem>> -> memref<128x128xf32, #tpu.memory_space<vmem>>
      %dma_wait3A_341 = arith.constant 0 : i32
      %dma_wait3A_342 = tpu.memref_slice %arg4[%add3A_307, %dma_wait3A_341] : memref<49152x128xf32, #tpu.memory_space<hbm>> -> memref<128x128xf32, #tpu.memory_space<hbm>>
      %dma_wait3A_343 = arith.constant 0 : i32
      %dma_wait3A_344 = tpu.memref_slice %arg4[%add3A_307, %dma_wait3A_343] : memref<49152x128xf32, #tpu.memory_space<hbm>> -> memref<128x128xf32, #tpu.memory_space<hbm>>
      %dma_wait3A_345 = arith.constant 0 : i32
      %dma_wait3A_346 = arith.constant 0 : i32
      %dma_wait3A_347 = tpu.memref_slice %arg6[%run_scoped3A_308, %dma_wait3A_345, %dma_wait3A_346] : memref<2x128x128xf32, #tpu.memory_space<vmem>> -> memref<1x128x128xf32, #tpu.memory_space<vmem>>
      %dma_wait3A_348 = tpu.memref_squeeze %dma_wait3A_347 : memref<1x128x128xf32, #tpu.memory_space<vmem>> -> memref<128x128xf32, #tpu.memory_space<vmem>>
      tpu.wait_dma2 semaphore(%run_scoped3A_324 : memref<!tpu.dma_semaphore, #tpu.memory_space<semaphore_mem>>) src(%dma_wait3A_348 : memref<128x128xf32, #tpu.memory_space<vmem>>) dst(%dma_wait3A_344 : memref<128x128xf32, #tpu.memory_space<hbm>>)
      tpu.yield
    }) : () -> ()
    %dma_wait3A_309 = arith.constant 11 : i32
    %dma_wait3A_310 = arith.constant 1 : i32
    %dma_wait3A_311 = arith.constant 0 : i32
    %dma_wait3A_312 = arith.constant 0 : i32
    %dma_wait3A_313 = tpu.memref_slice %arg6[%dma_wait3A_310, %dma_wait3A_311, %dma_wait3A_312] : memref<2x128x128xf32, #tpu.memory_space<vmem>> -> memref<1x128x128xf32, #tpu.memory_space<vmem>>
    %dma_wait3A_314 = tpu.memref_squeeze %dma_wait3A_313 : memref<1x128x128xf32, #tpu.memory_space<vmem>> -> memref<128x128xf32, #tpu.memory_space<vmem>>
    %dma_wait3A_315 = arith.constant 0 : i32
    %dma_wait3A_316 = tpu.memref_slice %arg5[%dma_wait3A_309, %dma_wait3A_315] : memref<12x128xi32, #tpu.memory_space<vmem>> -> memref<1x128xi32, #tpu.memory_space<vmem>>
    %dma_wait3A_317 = tpu.memref_squeeze %dma_wait3A_316 : memref<1x128xi32, #tpu.memory_space<vmem>> -> memref<128xi32, #tpu.memory_space<vmem>>
    %dma_wait3A_318 = arith.constant 0 : i32
    %dma_wait3A_319 = arith.constant 0 : i32
    %dma_wait3A_320 = tpu.memref_slice %arg2[%dma_wait3A_318, %dma_wait3A_319] : memref<8192x128xf32, #tpu.memory_space<hbm>> -> memref<8192x128xf32, #tpu.memory_space<hbm>>
    tpu.wait_indirect_dma semaphore(%arg8 : memref<!tpu.dma_semaphore, #tpu.memory_space<semaphore_mem>>) src(%dma_wait3A_320 : memref<8192x128xf32, #tpu.memory_space<hbm>>) dst(%dma_wait3A_314 : memref<128x128xf32, #tpu.memory_space<vmem>>)
    %add3A_321 = arith.constant 1408 : i32
    %add3A_322 = arith.addi %mul3A_2, %add3A_321 : i32
    %run_scoped3A_323 = arith.constant 1 : i32
    "tpu.region"() ({
      %run_scoped3A_324 = tpu.sem_alloc : memref<!tpu.dma_semaphore, #tpu.memory_space<semaphore_mem>>
      %dma_start3A_325 = arith.constant 0 : i32
      %dma_start3A_326 = arith.constant 0 : i32
      %dma_start3A_327 = tpu.memref_slice %arg6[%run_scoped3A_323, %dma_start3A_325, %dma_start3A_326] : memref<2x128x128xf32, #tpu.memory_space<vmem>> -> memref<1x128x128xf32, #tpu.memory_space<vmem>>
      %dma_start3A_328 = tpu.memref_squeeze %dma_start3A_327 : memref<1x128x128xf32, #tpu.memory_space<vmem>> -> memref<128x128xf32, #tpu.memory_space<vmem>>
      %dma_start3A_329 = arith.constant 0 : i32
      %dma_start3A_330 = tpu.memref_slice %arg4[%add3A_322, %dma_start3A_329] : memref<49152x128xf32, #tpu.memory_space<hbm>> -> memref<128x128xf32, #tpu.memory_space<hbm>>
      %dma_start3A_331 = arith.constant 0 : i32
      %dma_start3A_332 = tpu.memref_slice %arg4[%add3A_322, %dma_start3A_331] : memref<49152x128xf32, #tpu.memory_space<hbm>> -> memref<128x128xf32, #tpu.memory_space<hbm>>
      %dma_start3A_333 = arith.constant 0 : i32
      %dma_start3A_334 = arith.constant 0 : i32
      %dma_start3A_335 = tpu.memref_slice %arg6[%run_scoped3A_323, %dma_start3A_333, %dma_start3A_334] : memref<2x128x128xf32, #tpu.memory_space<vmem>> -> memref<1x128x128xf32, #tpu.memory_space<vmem>>
      %dma_start3A_336 = tpu.memref_squeeze %dma_start3A_335 : memref<1x128x128xf32, #tpu.memory_space<vmem>> -> memref<128x128xf32, #tpu.memory_space<vmem>>
      tpu.enqueue_dma source(%dma_start3A_336 : memref<128x128xf32, #tpu.memory_space<vmem>>) target(%dma_start3A_332 : memref<128x128xf32, #tpu.memory_space<hbm>>) target_semaphore(%run_scoped3A_324 : memref<!tpu.dma_semaphore, #tpu.memory_space<semaphore_mem>>)
      %dma_wait3A_337 = arith.constant 0 : i32
      %dma_wait3A_338 = arith.constant 0 : i32
      %dma_wait3A_339 = tpu.memref_slice %arg6[%run_scoped3A_323, %dma_wait3A_337, %dma_wait3A_338] : memref<2x128x128xf32, #tpu.memory_space<vmem>> -> memref<1x128x128xf32, #tpu.memory_space<vmem>>
      %dma_wait3A_340 = tpu.memref_squeeze %dma_wait3A_339 : memref<1x128x128xf32, #tpu.memory_space<vmem>> -> memref<128x128xf32, #tpu.memory_space<vmem>>
      %dma_wait3A_341 = arith.constant 0 : i32
      %dma_wait3A_342 = tpu.memref_slice %arg4[%add3A_322, %dma_wait3A_341] : memref<49152x128xf32, #tpu.memory_space<hbm>> -> memref<128x128xf32, #tpu.memory_space<hbm>>
      %dma_wait3A_343 = arith.constant 0 : i32
      %dma_wait3A_344 = tpu.memref_slice %arg4[%add3A_322, %dma_wait3A_343] : memref<49152x128xf32, #tpu.memory_space<hbm>> -> memref<128x128xf32, #tpu.memory_space<hbm>>
      %dma_wait3A_345 = arith.constant 0 : i32
      %dma_wait3A_346 = arith.constant 0 : i32
      %dma_wait3A_347 = tpu.memref_slice %arg6[%run_scoped3A_323, %dma_wait3A_345, %dma_wait3A_346] : memref<2x128x128xf32, #tpu.memory_space<vmem>> -> memref<1x128x128xf32, #tpu.memory_space<vmem>>
      %dma_wait3A_348 = tpu.memref_squeeze %dma_wait3A_347 : memref<1x128x128xf32, #tpu.memory_space<vmem>> -> memref<128x128xf32, #tpu.memory_space<vmem>>
      tpu.wait_dma2 semaphore(%run_scoped3A_324 : memref<!tpu.dma_semaphore, #tpu.memory_space<semaphore_mem>>) src(%dma_wait3A_348 : memref<128x128xf32, #tpu.memory_space<vmem>>) dst(%dma_wait3A_344 : memref<128x128xf32, #tpu.memory_space<hbm>>)
      tpu.yield
    }) : () -> ()
    return
  }
}

module attributes {stable_mosaic.version = 14 : i64} {
  func.func @_knn_body(%arg0: i32, %arg1: i32, %arg2: memref<1x512x8xf32, #tpu.memory_space<vmem>>, %arg3: memref<1x8x4096xf32, #tpu.memory_space<vmem>>, %arg4: memref<1x8x4096xf32, #tpu.memory_space<vmem>>, %arg5: memref<1x512x64xf32, #tpu.memory_space<vmem>>, %arg6: memref<1x512x8xf32, #tpu.memory_space<vmem>>, %arg7: memref<1x512x6xi32, #tpu.memory_space<vmem>>, %arg8: memref<1x512x4xi32, #tpu.memory_space<vmem>>, %arg9: memref<512x128xf32, #tpu.memory_space<vmem>>) attributes {dimension_semantics = [#tpu.dimension_semantics<arbitrary>, #tpu.dimension_semantics<arbitrary>], iteration_bounds = array<i64: 2, 8>, scalar_prefetch = 0 : i64, scratch_operands = 0 : i64, tpu.core_type = #tpu.core_type<tc>, window_params = [{transform_indices = @transform_0, window_bounds = array<i64: 1, 512, 8>}, {transform_indices = @transform_1, window_bounds = array<i64: 1, 8, 4096>}, {transform_indices = @transform_2, window_bounds = array<i64: 1, 8, 4096>}, {transform_indices = @transform_3, window_bounds = array<i64: 1, 512, 64>}, {transform_indices = @transform_4, window_bounds = array<i64: 1, 512, 8>}, {transform_indices = @transform_5, window_bounds = array<i64: 1, 512, 6>}, {transform_indices = @transform_6, window_bounds = array<i64: 1, 512, 4>}, {transform_indices = @transform_7, window_bounds = array<i64: 512, 128>}]} {
    %get3A = arith.constant 0 : index
    %get3A_0 = arith.constant 0 : index
    %get3A_1 = arith.constant 0 : index
    %get3A_2 = vector.load %arg2[%get3A, %get3A_0, %get3A_1] : memref<1x512x8xf32, #tpu.memory_space<vmem>>, vector<1x512x8xf32>
    %get3A_3 = vector.shape_cast %get3A_2 : vector<1x512x8xf32> to vector<512x8xf32>
    %get3A_4 = arith.constant 0 : index
    %get3A_5 = arith.constant 0 : index
    %get3A_6 = arith.constant 0 : index
    %get3A_7 = vector.load %arg3[%get3A_4, %get3A_5, %get3A_6] : memref<1x8x4096xf32, #tpu.memory_space<vmem>>, vector<1x8x4096xf32>
    %get3A_8 = vector.shape_cast %get3A_7 : vector<1x8x4096xf32> to vector<8x4096xf32>
    %dot_general3A = arith.constant dense<0.000000e+00> : vector<512x4096xf32>
    %dot_general3A_9 = tpu.matmul %get3A_3, %get3A_8, %dot_general3A {dimension_numbers = #tpu.dot_dimension_numbers<[1], [0], [0], [1], [0, 0, 1, 1], [], []>, transpose_lhs_hint = false} : vector<512x8xf32>, vector<8x4096xf32>, vector<512x4096xf32> -> vector<512x4096xf32>
    %mul3A = arith.constant -2.000000e+00 : f32
    %mul3A_10 = vector.broadcast %mul3A : f32 to vector<512x4096xf32>
    %mul3A_11 = arith.mulf %mul3A_10, %dot_general3A_9 : vector<512x4096xf32>
    %mul3A_12 = arith.mulf %get3A_3, %get3A_3 : vector<512x8xf32>
    %reduce_sum3A = arith.constant dense<0.000000e+00> : vector<512xf32>
    %reduce_sum3A_13 = vector.multi_reduction <add>, %mul3A_12, %reduce_sum3A [1] : vector<512x8xf32> to vector<512xf32>
    %broadcast_in_dim3A = vector.shape_cast %reduce_sum3A_13 : vector<512xf32> to vector<512x1xf32>
    %add3A = vector.broadcast %broadcast_in_dim3A : vector<512x1xf32> to vector<512x4096xf32>
    %add3A_14 = arith.addf %mul3A_11, %add3A : vector<512x4096xf32>
    %mul3A_15 = arith.mulf %get3A_8, %get3A_8 : vector<8x4096xf32>
    %reduce_sum3A_16 = arith.constant dense<0.000000e+00> : vector<4096xf32>
    %reduce_sum3A_17 = vector.multi_reduction <add>, %mul3A_15, %reduce_sum3A_16 [0] : vector<8x4096xf32> to vector<4096xf32>
    %broadcast_in_dim3A_18 = vector.shape_cast %reduce_sum3A_17 : vector<4096xf32> to vector<1x4096xf32>
    %add3A_19 = vector.broadcast %broadcast_in_dim3A_18 : vector<1x4096xf32> to vector<512x4096xf32>
    %add3A_20 = arith.addf %add3A_14, %add3A_19 : vector<512x4096xf32>
    %iota3A = tpu.iota {dimensions = array<i32: 1>} : vector<512x4096xi32>
    %argmin3A = tpu.reduce_index %add3A_20 {axis = 1 : i32, kind = #tpu.reduction_kind<arg_min>} : vector<512x4096xf32> -> vector<512xi32>
    %broadcast_in_dim3A_21 = vector.shape_cast %argmin3A : vector<512xi32> to vector<512x1xi32>
    %eq3A = vector.broadcast %broadcast_in_dim3A_21 : vector<512x1xi32> to vector<512x4096xi32>
    %eq3A_22 = arith.cmpi eq, %iota3A, %eq3A : vector<512x4096xi32>
    %jit3A = arith.constant 0x7F800000 : f32
    %broadcast_in_dim3A_23 = vector.broadcast %jit3A : f32 to vector<512x4096xf32>
    %select_n3A = arith.select %eq3A_22, %broadcast_in_dim3A_23, %add3A_20 : vector<512x4096xi1>, vector<512x4096xf32>
    %argmin3A_24 = tpu.reduce_index %select_n3A {axis = 1 : i32, kind = #tpu.reduction_kind<arg_min>} : vector<512x4096xf32> -> vector<512xi32>
    %broadcast_in_dim3A_25 = vector.shape_cast %argmin3A_24 : vector<512xi32> to vector<512x1xi32>
    %eq3A_26 = vector.broadcast %broadcast_in_dim3A_25 : vector<512x1xi32> to vector<512x4096xi32>
    %eq3A_27 = arith.cmpi eq, %iota3A, %eq3A_26 : vector<512x4096xi32>
    %jit3A_28 = arith.constant 0x7F800000 : f32
    %broadcast_in_dim3A_29 = vector.broadcast %jit3A_28 : f32 to vector<512x4096xf32>
    %select_n3A_30 = arith.select %eq3A_27, %broadcast_in_dim3A_29, %select_n3A : vector<512x4096xi1>, vector<512x4096xf32>
    %argmin3A_31 = tpu.reduce_index %select_n3A_30 {axis = 1 : i32, kind = #tpu.reduction_kind<arg_min>} : vector<512x4096xf32> -> vector<512xi32>
    %broadcast_in_dim3A_32 = vector.shape_cast %argmin3A_31 : vector<512xi32> to vector<512x1xi32>
    %eq3A_33 = vector.broadcast %broadcast_in_dim3A_32 : vector<512x1xi32> to vector<512x4096xi32>
    %eq3A_34 = arith.cmpi eq, %iota3A, %eq3A_33 : vector<512x4096xi32>
    %jit3A_35 = arith.constant 0x7F800000 : f32
    %broadcast_in_dim3A_36 = vector.broadcast %jit3A_35 : f32 to vector<512x4096xf32>
    %select_n3A_37 = arith.select %eq3A_34, %broadcast_in_dim3A_36, %select_n3A_30 : vector<512x4096xi1>, vector<512x4096xf32>
    %argmin3A_38 = tpu.reduce_index %select_n3A_37 {axis = 1 : i32, kind = #tpu.reduction_kind<arg_min>} : vector<512x4096xf32> -> vector<512xi32>
    %broadcast_in_dim3A_39 = vector.shape_cast %argmin3A_38 : vector<512xi32> to vector<512x1xi32>
    %eq3A_40 = vector.broadcast %broadcast_in_dim3A_39 : vector<512x1xi32> to vector<512x4096xi32>
    %eq3A_41 = arith.cmpi eq, %iota3A, %eq3A_40 : vector<512x4096xi32>
    %jit3A_42 = arith.constant 0x7F800000 : f32
    %broadcast_in_dim3A_43 = vector.broadcast %jit3A_42 : f32 to vector<512x4096xf32>
    %select_n3A_44 = arith.select %eq3A_41, %broadcast_in_dim3A_43, %select_n3A_37 : vector<512x4096xi1>, vector<512x4096xf32>
    %argmin3A_45 = tpu.reduce_index %select_n3A_44 {axis = 1 : i32, kind = #tpu.reduction_kind<arg_min>} : vector<512x4096xf32> -> vector<512xi32>
    %broadcast_in_dim3A_46 = vector.shape_cast %argmin3A_45 : vector<512xi32> to vector<512x1xi32>
    %eq3A_47 = vector.broadcast %broadcast_in_dim3A_46 : vector<512x1xi32> to vector<512x4096xi32>
    %eq3A_48 = arith.cmpi eq, %iota3A, %eq3A_47 : vector<512x4096xi32>
    %jit3A_49 = arith.constant 0x7F800000 : f32
    %broadcast_in_dim3A_50 = vector.broadcast %jit3A_49 : f32 to vector<512x4096xf32>
    %select_n3A_51 = arith.select %eq3A_48, %broadcast_in_dim3A_50, %select_n3A_44 : vector<512x4096xi1>, vector<512x4096xf32>
    %argmin3A_52 = tpu.reduce_index %select_n3A_51 {axis = 1 : i32, kind = #tpu.reduction_kind<arg_min>} : vector<512x4096xf32> -> vector<512xi32>
    %broadcast_in_dim3A_53 = vector.shape_cast %argmin3A_52 : vector<512xi32> to vector<512x1xi32>
    %concatenate3A = tpu.concatenate %broadcast_in_dim3A_21, %broadcast_in_dim3A_25, %broadcast_in_dim3A_32, %broadcast_in_dim3A_39, %broadcast_in_dim3A_46, %broadcast_in_dim3A_53 in 1 : vector<512x1xi32>, vector<512x1xi32>, vector<512x1xi32>, vector<512x1xi32>, vector<512x1xi32>, vector<512x1xi32> -> vector<512x6xi32>
    %mul3A_54 = arith.constant 4096 : i32
    %mul3A_55 = arith.muli %arg0, %mul3A_54 : i32
    %add3A_56 = vector.broadcast %mul3A_55 : i32 to vector<512x6xi32>
    %add3A_57 = arith.addi %concatenate3A, %add3A_56 : vector<512x6xi32>
    %swap3A = arith.constant 0 : index
    %swap3A_58 = arith.constant 0 : index
    %swap3A_59 = arith.constant 0 : index
    %swap3A_60 = vector.load %arg7[%swap3A, %swap3A_58, %swap3A_59] : memref<1x512x6xi32, #tpu.memory_space<vmem>>, vector<1x512x6xi32>
    %swap3A_61 = vector.shape_cast %swap3A_60 : vector<1x512x6xi32> to vector<512x6xi32>
    %swap3A_62 = vector.shape_cast %add3A_57 : vector<512x6xi32> to vector<1x512x6xi32>
    tpu.vector_store %arg7[%swap3A, %swap3A_58, %swap3A_59], %swap3A_62 {strides = array<i32>} : memref<1x512x6xi32, #tpu.memory_space<vmem>>, vector<1x512x6xi32>,
    %get3A_63 = arith.constant 0 : index
    %get3A_64 = arith.constant 0 : index
    %get3A_65 = arith.constant 0 : index
    %get3A_66 = vector.load %arg4[%get3A_63, %get3A_64, %get3A_65] : memref<1x8x4096xf32, #tpu.memory_space<vmem>>, vector<1x8x4096xf32>
    %get3A_67 = vector.shape_cast %get3A_66 : vector<1x8x4096xf32> to vector<8x4096xf32>
    %dot_general3A_68 = arith.constant dense<0.000000e+00> : vector<512x4096xf32>
    %dot_general3A_69 = tpu.matmul %get3A_3, %get3A_67, %dot_general3A_68 {dimension_numbers = #tpu.dot_dimension_numbers<[1], [0], [0], [1], [0, 0, 1, 1], [], []>, transpose_lhs_hint = false} : vector<512x8xf32>, vector<8x4096xf32>, vector<512x4096xf32> -> vector<512x4096xf32>
    %mul3A_70 = arith.constant -2.000000e+00 : f32
    %mul3A_71 = vector.broadcast %mul3A_70 : f32 to vector<512x4096xf32>
    %mul3A_72 = arith.mulf %mul3A_71, %dot_general3A_69 : vector<512x4096xf32>
    %mul3A_73 = arith.mulf %get3A_3, %get3A_3 : vector<512x8xf32>
    %reduce_sum3A_74 = arith.constant dense<0.000000e+00> : vector<512xf32>
    %reduce_sum3A_75 = vector.multi_reduction <add>, %mul3A_73, %reduce_sum3A_74 [1] : vector<512x8xf32> to vector<512xf32>
    %broadcast_in_dim3A_76 = vector.shape_cast %reduce_sum3A_75 : vector<512xf32> to vector<512x1xf32>
    %add3A_77 = vector.broadcast %broadcast_in_dim3A_76 : vector<512x1xf32> to vector<512x4096xf32>
    %add3A_78 = arith.addf %mul3A_72, %add3A_77 : vector<512x4096xf32>
    %mul3A_79 = arith.mulf %get3A_67, %get3A_67 : vector<8x4096xf32>
    %reduce_sum3A_80 = arith.constant dense<0.000000e+00> : vector<4096xf32>
    %reduce_sum3A_81 = vector.multi_reduction <add>, %mul3A_79, %reduce_sum3A_80 [0] : vector<8x4096xf32> to vector<4096xf32>
    %broadcast_in_dim3A_82 = vector.shape_cast %reduce_sum3A_81 : vector<4096xf32> to vector<1x4096xf32>
    %add3A_83 = vector.broadcast %broadcast_in_dim3A_82 : vector<1x4096xf32> to vector<512x4096xf32>
    %add3A_84 = arith.addf %add3A_78, %add3A_83 : vector<512x4096xf32>
    %iota3A_85 = tpu.iota {dimensions = array<i32: 1>} : vector<512x4096xi32>
    %argmin3A_86 = tpu.reduce_index %add3A_84 {axis = 1 : i32, kind = #tpu.reduction_kind<arg_min>} : vector<512x4096xf32> -> vector<512xi32>
    %broadcast_in_dim3A_87 = vector.shape_cast %argmin3A_86 : vector<512xi32> to vector<512x1xi32>
    %eq3A_88 = vector.broadcast %broadcast_in_dim3A_87 : vector<512x1xi32> to vector<512x4096xi32>
    %eq3A_89 = arith.cmpi eq, %iota3A_85, %eq3A_88 : vector<512x4096xi32>
    %jit3A_90 = arith.constant 0x7F800000 : f32
    %broadcast_in_dim3A_91 = vector.broadcast %jit3A_90 : f32 to vector<512x4096xf32>
    %select_n3A_92 = arith.select %eq3A_89, %broadcast_in_dim3A_91, %add3A_84 : vector<512x4096xi1>, vector<512x4096xf32>
    %argmin3A_93 = tpu.reduce_index %select_n3A_92 {axis = 1 : i32, kind = #tpu.reduction_kind<arg_min>} : vector<512x4096xf32> -> vector<512xi32>
    %broadcast_in_dim3A_94 = vector.shape_cast %argmin3A_93 : vector<512xi32> to vector<512x1xi32>
    %eq3A_95 = vector.broadcast %broadcast_in_dim3A_94 : vector<512x1xi32> to vector<512x4096xi32>
    %eq3A_96 = arith.cmpi eq, %iota3A_85, %eq3A_95 : vector<512x4096xi32>
    %jit3A_97 = arith.constant 0x7F800000 : f32
    %broadcast_in_dim3A_98 = vector.broadcast %jit3A_97 : f32 to vector<512x4096xf32>
    %select_n3A_99 = arith.select %eq3A_96, %broadcast_in_dim3A_98, %select_n3A_92 : vector<512x4096xi1>, vector<512x4096xf32>
    %argmin3A_100 = tpu.reduce_index %select_n3A_99 {axis = 1 : i32, kind = #tpu.reduction_kind<arg_min>} : vector<512x4096xf32> -> vector<512xi32>
    %broadcast_in_dim3A_101 = vector.shape_cast %argmin3A_100 : vector<512xi32> to vector<512x1xi32>
    %eq3A_102 = vector.broadcast %broadcast_in_dim3A_101 : vector<512x1xi32> to vector<512x4096xi32>
    %eq3A_103 = arith.cmpi eq, %iota3A_85, %eq3A_102 : vector<512x4096xi32>
    %jit3A_104 = arith.constant 0x7F800000 : f32
    %broadcast_in_dim3A_105 = vector.broadcast %jit3A_104 : f32 to vector<512x4096xf32>
    %select_n3A_106 = arith.select %eq3A_103, %broadcast_in_dim3A_105, %select_n3A_99 : vector<512x4096xi1>, vector<512x4096xf32>
    %argmin3A_107 = tpu.reduce_index %select_n3A_106 {axis = 1 : i32, kind = #tpu.reduction_kind<arg_min>} : vector<512x4096xf32> -> vector<512xi32>
    %broadcast_in_dim3A_108 = vector.shape_cast %argmin3A_107 : vector<512xi32> to vector<512x1xi32>
    %concatenate3A_109 = tpu.concatenate %broadcast_in_dim3A_87, %broadcast_in_dim3A_94, %broadcast_in_dim3A_101, %broadcast_in_dim3A_108 in 1 : vector<512x1xi32>, vector<512x1xi32>, vector<512x1xi32>, vector<512x1xi32> -> vector<512x4xi32>
    %mul3A_110 = arith.constant 4096 : i32
    %mul3A_111 = arith.muli %arg0, %mul3A_110 : i32
    %add3A_112 = vector.broadcast %mul3A_111 : i32 to vector<512x4xi32>
    %add3A_113 = arith.addi %concatenate3A_109, %add3A_112 : vector<512x4xi32>
    %swap3A_114 = arith.constant 0 : index
    %swap3A_115 = arith.constant 0 : index
    %swap3A_116 = arith.constant 0 : index
    %swap3A_117 = vector.load %arg8[%swap3A_114, %swap3A_115, %swap3A_116] : memref<1x512x4xi32, #tpu.memory_space<vmem>>, vector<1x512x4xi32>
    %swap3A_118 = vector.shape_cast %swap3A_117 : vector<1x512x4xi32> to vector<512x4xi32>
    %swap3A_119 = vector.shape_cast %add3A_113 : vector<512x4xi32> to vector<1x512x4xi32>
    tpu.vector_store %arg8[%swap3A_114, %swap3A_115, %swap3A_116], %swap3A_119 {strides = array<i32>} : memref<1x512x4xi32, #tpu.memory_space<vmem>>, vector<1x512x4xi32>,
    %get3A_120 = arith.constant 0 : index
    %get3A_121 = arith.constant 0 : index
    %get3A_122 = arith.constant 0 : index
    %get3A_123 = vector.load %arg5[%get3A_120, %get3A_121, %get3A_122] : memref<1x512x64xf32, #tpu.memory_space<vmem>>, vector<1x512x64xf32>
    %get3A_124 = vector.shape_cast %get3A_123 : vector<1x512x64xf32> to vector<512x64xf32>
    %get3A_125 = arith.constant 0 : index
    %get3A_126 = arith.constant 0 : index
    %get3A_127 = arith.constant 0 : index
    %get3A_128 = vector.load %arg6[%get3A_125, %get3A_126, %get3A_127] : memref<1x512x8xf32, #tpu.memory_space<vmem>>, vector<1x512x8xf32>
    %get3A_129 = vector.shape_cast %get3A_128 : vector<1x512x8xf32> to vector<512x8xf32>
    %broadcast_in_dim3A_130 = arith.constant 0.000000e+00 : f32
    %broadcast_in_dim3A_131 = vector.broadcast %broadcast_in_dim3A_130 : f32 to vector<512x56xf32>
    %concatenate3A_132 = tpu.concatenate %get3A_124, %get3A_129, %broadcast_in_dim3A_131 in 1 : vector<512x64xf32>, vector<512x8xf32>, vector<512x56xf32> -> vector<512x128xf32>
    %swap3A_133 = arith.constant 0 : index
    %swap3A_134 = arith.constant 0 : index
    %swap3A_135 = vector.load %arg9[%swap3A_133, %swap3A_134] : memref<512x128xf32, #tpu.memory_space<vmem>>, vector<512x128xf32>
    tpu.vector_store %arg9[%swap3A_133, %swap3A_134], %concatenate3A_132 {strides = array<i32>} : memref<512x128xf32, #tpu.memory_space<vmem>>, vector<512x128xf32>,
    return
  }
  func.func @transform_0(%arg0: i32, %arg1: i32) -> (i32, i32, i32) {
    %c0_i32 = arith.constant 0 : i32
    %c0_i32_0 = arith.constant 0 : i32
    return %arg0, %arg1, %c0_i32 : i32, i32, i32
  }
  func.func @transform_1(%arg0: i32, %arg1: i32) -> (i32, i32, i32) {
    %c0_i32 = arith.constant 0 : i32
    %c0_i32_0 = arith.constant 0 : i32
    %c0_i32_1 = arith.constant 0 : i32
    return %arg0, %c0_i32, %c0_i32_0 : i32, i32, i32
  }
  func.func @transform_2(%arg0: i32, %arg1: i32) -> (i32, i32, i32) {
    %c0_i32 = arith.constant 0 : i32
    %c0_i32_0 = arith.constant 0 : i32
    %c0_i32_1 = arith.constant 0 : i32
    return %arg0, %c0_i32, %c0_i32_0 : i32, i32, i32
  }
  func.func @transform_3(%arg0: i32, %arg1: i32) -> (i32, i32, i32) {
    %c0_i32 = arith.constant 0 : i32
    %c0_i32_0 = arith.constant 0 : i32
    return %arg0, %arg1, %c0_i32 : i32, i32, i32
  }
  func.func @transform_4(%arg0: i32, %arg1: i32) -> (i32, i32, i32) {
    %c0_i32 = arith.constant 0 : i32
    %c0_i32_0 = arith.constant 0 : i32
    return %arg0, %arg1, %c0_i32 : i32, i32, i32
  }
  func.func @transform_5(%arg0: i32, %arg1: i32) -> (i32, i32, i32) {
    %c0_i32 = arith.constant 0 : i32
    %c0_i32_0 = arith.constant 0 : i32
    return %arg0, %arg1, %c0_i32 : i32, i32, i32
  }
  func.func @transform_6(%arg0: i32, %arg1: i32) -> (i32, i32, i32) {
    %c0_i32 = arith.constant 0 : i32
    %c0_i32_0 = arith.constant 0 : i32
    return %arg0, %arg1, %c0_i32 : i32, i32, i32
  }
  func.func @transform_7(%arg0: i32, %arg1: i32) -> (i32, i32) {
    %mul3A = arith.constant 8 : i32
    %mul3A_0 = arith.muli %arg0, %mul3A : i32
    %add3A = arith.addi %mul3A_0, %arg1 : i32
    %c0_i32 = arith.constant 0 : i32
    %c0_i32_1 = arith.constant 0 : i32
    return %add3A, %c0_i32 : i32, i32
  }
}

module attributes {stable_mosaic.version = 14 : i64} {
  func.func @_layer_body(%arg0: i32, %arg1: i32, %arg2: memref<1x6x1024x128xf32, #tpu.memory_space<vmem>>, %arg3: memref<8x128xf32, #tpu.memory_space<vmem>>, %arg4: memref<8x128xf32, #tpu.memory_space<vmem>>, %arg5: memref<128x64xf32, #tpu.memory_space<vmem>>, %arg6: memref<1x6x1024x64xf32, #tpu.memory_space<vmem>>, %arg7: memref<8x64xf32, #tpu.memory_space<vmem>>) attributes {dimension_semantics = [#tpu.dimension_semantics<arbitrary>, #tpu.dimension_semantics<arbitrary>], iteration_bounds = array<i64: 2, 4>, scalar_prefetch = 0 : i64, scratch_operands = 0 : i64, tpu.core_type = #tpu.core_type<tc>, window_params = [{transform_indices = @transform_0, window_bounds = array<i64: 1, 6, 1024, 128>}, {pipeline_mode = #tpu.pipeline_mode<synchronous>, transform_indices = @transform_1, window_bounds = array<i64: 8, 128>}, {pipeline_mode = #tpu.pipeline_mode<synchronous>, transform_indices = @transform_2, window_bounds = array<i64: 8, 128>}, {pipeline_mode = #tpu.pipeline_mode<synchronous>, transform_indices = @transform_3, window_bounds = array<i64: 128, 64>}, {transform_indices = @transform_4, window_bounds = array<i64: 1, 6, 1024, 64>}, {pipeline_mode = #tpu.pipeline_mode<synchronous>, transform_indices = @transform_5, window_bounds = array<i64: 8, 64>}]} {
    %eq3A = arith.constant 0 : i32
    %eq3A_0 = arith.cmpi eq, %arg0, %eq3A : i32
    %eq3A_1 = arith.constant 0 : i32
    %eq3A_2 = arith.cmpi eq, %arg1, %eq3A_1 : i32
    %and3A = arith.andi %eq3A_0, %eq3A_2 : i1
    %convert_element_type3A = arith.extui %and3A : i1 to i32
    %cond3A = arith.constant 0 : i32
    %cond3A_3 = arith.cmpi ne, %convert_element_type3A, %cond3A : i32
    scf.if %cond3A_3 {
      %broadcast_in_dim3A_242 = arith.constant 0.000000e+00 : f32
      %broadcast_in_dim3A_243 = vector.broadcast %broadcast_in_dim3A_242 : f32 to vector<8x64xf32>
      %swap3A_244 = arith.constant 0 : index
      %swap3A_245 = arith.constant 0 : index
      %swap3A_246 = vector.load %arg7[%swap3A_244, %swap3A_245] : memref<8x64xf32, #tpu.memory_space<vmem>>, vector<8x64xf32>
      tpu.vector_store %arg7[%swap3A_244, %swap3A_245], %broadcast_in_dim3A_243 {strides = array<i32>} : memref<8x64xf32, #tpu.memory_space<vmem>>, vector<8x64xf32>,
    } else {
    }
    %get3A = arith.constant 0 : index
    %get3A_4 = arith.constant 0 : index
    %get3A_5 = vector.load %arg3[%get3A, %get3A_4] : memref<8x128xf32, #tpu.memory_space<vmem>>, vector<1x128xf32>
    %div3A = arith.constant 4.915200e+04 : f32
    %div3A_6 = vector.broadcast %div3A : f32 to vector<1x128xf32>
    %div3A_7 = arith.divf %get3A_5, %div3A_6 : vector<1x128xf32>
    %get3A_8 = arith.constant 1 : index
    %get3A_9 = arith.constant 0 : index
    %get3A_10 = vector.load %arg3[%get3A_8, %get3A_9] : memref<8x128xf32, #tpu.memory_space<vmem>>, vector<1x128xf32>
    %div3A_11 = arith.constant 4.915200e+04 : f32
    %div3A_12 = vector.broadcast %div3A_11 : f32 to vector<1x128xf32>
    %div3A_13 = arith.divf %get3A_10, %div3A_12 : vector<1x128xf32>
    %mul3A = arith.mulf %div3A_7, %div3A_7 : vector<1x128xf32>
    %sub3A = arith.subf %div3A_13, %mul3A : vector<1x128xf32>
    %get3A_14 = arith.constant 0 : index
    %get3A_15 = arith.constant 0 : index
    %get3A_16 = vector.load %arg4[%get3A_14, %get3A_15] : memref<8x128xf32, #tpu.memory_space<vmem>>, vector<1x128xf32>
    %add3A = arith.constant 9.99999974E-6 : f32
    %add3A_17 = vector.broadcast %add3A : f32 to vector<1x128xf32>
    %add3A_18 = arith.addf %sub3A, %add3A_17 : vector<1x128xf32>
    %sqrt3A = math.sqrt %add3A_18 : vector<1x128xf32>
    %div3A_19 = arith.divf %get3A_16, %sqrt3A : vector<1x128xf32>
    %get3A_20 = arith.constant 1 : index
    %get3A_21 = arith.constant 0 : index
    %get3A_22 = vector.load %arg4[%get3A_20, %get3A_21] : memref<8x128xf32, #tpu.memory_space<vmem>>, vector<1x128xf32>
    %mul3A_23 = arith.mulf %div3A_7, %div3A_19 : vector<1x128xf32>
    %sub3A_24 = arith.subf %get3A_22, %mul3A_23 : vector<1x128xf32>
    %broadcast_in_dim3A = arith.constant 0.000000e+00 : f32
    %broadcast_in_dim3A_25 = vector.broadcast %broadcast_in_dim3A : f32 to vector<1x64xf32>
    %broadcast_in_dim3A_26 = arith.constant 0.000000e+00 : f32
    %broadcast_in_dim3A_27 = vector.broadcast %broadcast_in_dim3A_26 : f32 to vector<1x64xf32>
    %get3A_28 = arith.constant 0 : index
    %get3A_29 = arith.constant 0 : index
    %get3A_30 = arith.constant 0 : index
    %get3A_31 = arith.constant 0 : index
    %get3A_32 = vector.load %arg2[%get3A_28, %get3A_29, %get3A_30, %get3A_31] : memref<1x6x1024x128xf32, #tpu.memory_space<vmem>>, vector<1x1x1024x128xf32>
    %get3A_33 = vector.shape_cast %get3A_32 : vector<1x1x1024x128xf32> to vector<1024x128xf32>
    %mul3A_34 = vector.broadcast %div3A_19 : vector<1x128xf32> to vector<1024x128xf32>
    %mul3A_35 = arith.mulf %get3A_33, %mul3A_34 : vector<1024x128xf32>
    %add3A_36 = vector.broadcast %sub3A_24 : vector<1x128xf32> to vector<1024x128xf32>
    %add3A_37 = arith.addf %mul3A_35, %add3A_36 : vector<1024x128xf32>
    %max3A = arith.constant 0.000000e+00 : f32
    %max3A_38 = vector.broadcast %max3A : f32 to vector<1024x128xf32>
    %max3A_39 = arith.maximumf %add3A_37, %max3A_38 : vector<1024x128xf32>
    %get3A_40 = arith.constant 0 : index
    %get3A_41 = arith.constant 0 : index
    %get3A_42 = vector.load %arg5[%get3A_40, %get3A_41] : memref<128x64xf32, #tpu.memory_space<vmem>>, vector<128x64xf32>
    %dot_general3A = arith.constant dense<0.000000e+00> : vector<1024x64xf32>
    %dot_general3A_43 = tpu.matmul %max3A_39, %get3A_42, %dot_general3A {dimension_numbers = #tpu.dot_dimension_numbers<[1], [0], [0], [1], [0, 0, 1, 1], [], []>, transpose_lhs_hint = false} : vector<1024x128xf32>, vector<128x64xf32>, vector<1024x64xf32> -> vector<1024x64xf32>
    %swap3A = arith.constant 0 : index
    %swap3A_44 = arith.constant 0 : index
    %swap3A_45 = arith.constant 0 : index
    %swap3A_46 = arith.constant 0 : index
    %swap3A_47 = vector.load %arg6[%swap3A, %swap3A_44, %swap3A_45, %swap3A_46] : memref<1x6x1024x64xf32, #tpu.memory_space<vmem>>, vector<1x1x1024x64xf32>
    %swap3A_48 = vector.shape_cast %swap3A_47 : vector<1x1x1024x64xf32> to vector<1024x64xf32>
    %swap3A_49 = vector.shape_cast %dot_general3A_43 : vector<1024x64xf32> to vector<1x1x1024x64xf32>
    tpu.vector_store %arg6[%swap3A, %swap3A_44, %swap3A_45, %swap3A_46], %swap3A_49 {strides = array<i32>} : memref<1x6x1024x64xf32, #tpu.memory_space<vmem>>, vector<1x1x1024x64xf32>,
    %reduce_sum3A = arith.constant dense<0.000000e+00> : vector<64xf32>
    %reduce_sum3A_50 = vector.multi_reduction <add>, %dot_general3A_43, %reduce_sum3A [0] : vector<1024x64xf32> to vector<64xf32>
    %broadcast_in_dim3A_51 = vector.shape_cast %reduce_sum3A_50 : vector<64xf32> to vector<1x64xf32>
    %add3A_52 = arith.addf %broadcast_in_dim3A_25, %broadcast_in_dim3A_51 : vector<1x64xf32>
    %mul3A_53 = arith.mulf %dot_general3A_43, %dot_general3A_43 : vector<1024x64xf32>
    %reduce_sum3A_54 = arith.constant dense<0.000000e+00> : vector<64xf32>
    %reduce_sum3A_55 = vector.multi_reduction <add>, %mul3A_53, %reduce_sum3A_54 [0] : vector<1024x64xf32> to vector<64xf32>
    %broadcast_in_dim3A_56 = vector.shape_cast %reduce_sum3A_55 : vector<64xf32> to vector<1x64xf32>
    %add3A_57 = arith.addf %broadcast_in_dim3A_27, %broadcast_in_dim3A_56 : vector<1x64xf32>
    %get3A_58 = arith.constant 0 : index
    %get3A_59 = arith.constant 1 : index
    %get3A_60 = arith.constant 0 : index
    %get3A_61 = arith.constant 0 : index
    %get3A_62 = vector.load %arg2[%get3A_58, %get3A_59, %get3A_60, %get3A_61] : memref<1x6x1024x128xf32, #tpu.memory_space<vmem>>, vector<1x1x1024x128xf32>
    %get3A_63 = vector.shape_cast %get3A_62 : vector<1x1x1024x128xf32> to vector<1024x128xf32>
    %mul3A_64 = vector.broadcast %div3A_19 : vector<1x128xf32> to vector<1024x128xf32>
    %mul3A_65 = arith.mulf %get3A_63, %mul3A_64 : vector<1024x128xf32>
    %add3A_66 = vector.broadcast %sub3A_24 : vector<1x128xf32> to vector<1024x128xf32>
    %add3A_67 = arith.addf %mul3A_65, %add3A_66 : vector<1024x128xf32>
    %max3A_68 = arith.constant 0.000000e+00 : f32
    %max3A_69 = vector.broadcast %max3A_68 : f32 to vector<1024x128xf32>
    %max3A_70 = arith.maximumf %add3A_67, %max3A_69 : vector<1024x128xf32>
    %get3A_71 = arith.constant 0 : index
    %get3A_72 = arith.constant 0 : index
    %get3A_73 = vector.load %arg5[%get3A_71, %get3A_72] : memref<128x64xf32, #tpu.memory_space<vmem>>, vector<128x64xf32>
    %dot_general3A_74 = arith.constant dense<0.000000e+00> : vector<1024x64xf32>
    %dot_general3A_75 = tpu.matmul %max3A_70, %get3A_73, %dot_general3A_74 {dimension_numbers = #tpu.dot_dimension_numbers<[1], [0], [0], [1], [0, 0, 1, 1], [], []>, transpose_lhs_hint = false} : vector<1024x128xf32>, vector<128x64xf32>, vector<1024x64xf32> -> vector<1024x64xf32>
    %swap3A_76 = arith.constant 0 : index
    %swap3A_77 = arith.constant 1 : index
    %swap3A_78 = arith.constant 0 : index
    %swap3A_79 = arith.constant 0 : index
    %swap3A_80 = vector.load %arg6[%swap3A_76, %swap3A_77, %swap3A_78, %swap3A_79] : memref<1x6x1024x64xf32, #tpu.memory_space<vmem>>, vector<1x1x1024x64xf32>
    %swap3A_81 = vector.shape_cast %swap3A_80 : vector<1x1x1024x64xf32> to vector<1024x64xf32>
    %swap3A_82 = vector.shape_cast %dot_general3A_75 : vector<1024x64xf32> to vector<1x1x1024x64xf32>
    tpu.vector_store %arg6[%swap3A_76, %swap3A_77, %swap3A_78, %swap3A_79], %swap3A_82 {strides = array<i32>} : memref<1x6x1024x64xf32, #tpu.memory_space<vmem>>, vector<1x1x1024x64xf32>,
    %reduce_sum3A_83 = arith.constant dense<0.000000e+00> : vector<64xf32>
    %reduce_sum3A_84 = vector.multi_reduction <add>, %dot_general3A_75, %reduce_sum3A_83 [0] : vector<1024x64xf32> to vector<64xf32>
    %broadcast_in_dim3A_85 = vector.shape_cast %reduce_sum3A_84 : vector<64xf32> to vector<1x64xf32>
    %add3A_86 = arith.addf %add3A_52, %broadcast_in_dim3A_85 : vector<1x64xf32>
    %mul3A_87 = arith.mulf %dot_general3A_75, %dot_general3A_75 : vector<1024x64xf32>
    %reduce_sum3A_88 = arith.constant dense<0.000000e+00> : vector<64xf32>
    %reduce_sum3A_89 = vector.multi_reduction <add>, %mul3A_87, %reduce_sum3A_88 [0] : vector<1024x64xf32> to vector<64xf32>
    %broadcast_in_dim3A_90 = vector.shape_cast %reduce_sum3A_89 : vector<64xf32> to vector<1x64xf32>
    %add3A_91 = arith.addf %add3A_57, %broadcast_in_dim3A_90 : vector<1x64xf32>
    %get3A_92 = arith.constant 0 : index
    %get3A_93 = arith.constant 2 : index
    %get3A_94 = arith.constant 0 : index
    %get3A_95 = arith.constant 0 : index
    %get3A_96 = vector.load %arg2[%get3A_92, %get3A_93, %get3A_94, %get3A_95] : memref<1x6x1024x128xf32, #tpu.memory_space<vmem>>, vector<1x1x1024x128xf32>
    %get3A_97 = vector.shape_cast %get3A_96 : vector<1x1x1024x128xf32> to vector<1024x128xf32>
    %mul3A_98 = vector.broadcast %div3A_19 : vector<1x128xf32> to vector<1024x128xf32>
    %mul3A_99 = arith.mulf %get3A_97, %mul3A_98 : vector<1024x128xf32>
    %add3A_100 = vector.broadcast %sub3A_24 : vector<1x128xf32> to vector<1024x128xf32>
    %add3A_101 = arith.addf %mul3A_99, %add3A_100 : vector<1024x128xf32>
    %max3A_102 = arith.constant 0.000000e+00 : f32
    %max3A_103 = vector.broadcast %max3A_102 : f32 to vector<1024x128xf32>
    %max3A_104 = arith.maximumf %add3A_101, %max3A_103 : vector<1024x128xf32>
    %get3A_105 = arith.constant 0 : index
    %get3A_106 = arith.constant 0 : index
    %get3A_107 = vector.load %arg5[%get3A_105, %get3A_106] : memref<128x64xf32, #tpu.memory_space<vmem>>, vector<128x64xf32>
    %dot_general3A_108 = arith.constant dense<0.000000e+00> : vector<1024x64xf32>
    %dot_general3A_109 = tpu.matmul %max3A_104, %get3A_107, %dot_general3A_108 {dimension_numbers = #tpu.dot_dimension_numbers<[1], [0], [0], [1], [0, 0, 1, 1], [], []>, transpose_lhs_hint = false} : vector<1024x128xf32>, vector<128x64xf32>, vector<1024x64xf32> -> vector<1024x64xf32>
    %swap3A_110 = arith.constant 0 : index
    %swap3A_111 = arith.constant 2 : index
    %swap3A_112 = arith.constant 0 : index
    %swap3A_113 = arith.constant 0 : index
    %swap3A_114 = vector.load %arg6[%swap3A_110, %swap3A_111, %swap3A_112, %swap3A_113] : memref<1x6x1024x64xf32, #tpu.memory_space<vmem>>, vector<1x1x1024x64xf32>
    %swap3A_115 = vector.shape_cast %swap3A_114 : vector<1x1x1024x64xf32> to vector<1024x64xf32>
    %swap3A_116 = vector.shape_cast %dot_general3A_109 : vector<1024x64xf32> to vector<1x1x1024x64xf32>
    tpu.vector_store %arg6[%swap3A_110, %swap3A_111, %swap3A_112, %swap3A_113], %swap3A_116 {strides = array<i32>} : memref<1x6x1024x64xf32, #tpu.memory_space<vmem>>, vector<1x1x1024x64xf32>,
    %reduce_sum3A_117 = arith.constant dense<0.000000e+00> : vector<64xf32>
    %reduce_sum3A_118 = vector.multi_reduction <add>, %dot_general3A_109, %reduce_sum3A_117 [0] : vector<1024x64xf32> to vector<64xf32>
    %broadcast_in_dim3A_119 = vector.shape_cast %reduce_sum3A_118 : vector<64xf32> to vector<1x64xf32>
    %add3A_120 = arith.addf %add3A_86, %broadcast_in_dim3A_119 : vector<1x64xf32>
    %mul3A_121 = arith.mulf %dot_general3A_109, %dot_general3A_109 : vector<1024x64xf32>
    %reduce_sum3A_122 = arith.constant dense<0.000000e+00> : vector<64xf32>
    %reduce_sum3A_123 = vector.multi_reduction <add>, %mul3A_121, %reduce_sum3A_122 [0] : vector<1024x64xf32> to vector<64xf32>
    %broadcast_in_dim3A_124 = vector.shape_cast %reduce_sum3A_123 : vector<64xf32> to vector<1x64xf32>
    %add3A_125 = arith.addf %add3A_91, %broadcast_in_dim3A_124 : vector<1x64xf32>
    %get3A_126 = arith.constant 0 : index
    %get3A_127 = arith.constant 3 : index
    %get3A_128 = arith.constant 0 : index
    %get3A_129 = arith.constant 0 : index
    %get3A_130 = vector.load %arg2[%get3A_126, %get3A_127, %get3A_128, %get3A_129] : memref<1x6x1024x128xf32, #tpu.memory_space<vmem>>, vector<1x1x1024x128xf32>
    %get3A_131 = vector.shape_cast %get3A_130 : vector<1x1x1024x128xf32> to vector<1024x128xf32>
    %mul3A_132 = vector.broadcast %div3A_19 : vector<1x128xf32> to vector<1024x128xf32>
    %mul3A_133 = arith.mulf %get3A_131, %mul3A_132 : vector<1024x128xf32>
    %add3A_134 = vector.broadcast %sub3A_24 : vector<1x128xf32> to vector<1024x128xf32>
    %add3A_135 = arith.addf %mul3A_133, %add3A_134 : vector<1024x128xf32>
    %max3A_136 = arith.constant 0.000000e+00 : f32
    %max3A_137 = vector.broadcast %max3A_136 : f32 to vector<1024x128xf32>
    %max3A_138 = arith.maximumf %add3A_135, %max3A_137 : vector<1024x128xf32>
    %get3A_139 = arith.constant 0 : index
    %get3A_140 = arith.constant 0 : index
    %get3A_141 = vector.load %arg5[%get3A_139, %get3A_140] : memref<128x64xf32, #tpu.memory_space<vmem>>, vector<128x64xf32>
    %dot_general3A_142 = arith.constant dense<0.000000e+00> : vector<1024x64xf32>
    %dot_general3A_143 = tpu.matmul %max3A_138, %get3A_141, %dot_general3A_142 {dimension_numbers = #tpu.dot_dimension_numbers<[1], [0], [0], [1], [0, 0, 1, 1], [], []>, transpose_lhs_hint = false} : vector<1024x128xf32>, vector<128x64xf32>, vector<1024x64xf32> -> vector<1024x64xf32>
    %swap3A_144 = arith.constant 0 : index
    %swap3A_145 = arith.constant 3 : index
    %swap3A_146 = arith.constant 0 : index
    %swap3A_147 = arith.constant 0 : index
    %swap3A_148 = vector.load %arg6[%swap3A_144, %swap3A_145, %swap3A_146, %swap3A_147] : memref<1x6x1024x64xf32, #tpu.memory_space<vmem>>, vector<1x1x1024x64xf32>
    %swap3A_149 = vector.shape_cast %swap3A_148 : vector<1x1x1024x64xf32> to vector<1024x64xf32>
    %swap3A_150 = vector.shape_cast %dot_general3A_143 : vector<1024x64xf32> to vector<1x1x1024x64xf32>
    tpu.vector_store %arg6[%swap3A_144, %swap3A_145, %swap3A_146, %swap3A_147], %swap3A_150 {strides = array<i32>} : memref<1x6x1024x64xf32, #tpu.memory_space<vmem>>, vector<1x1x1024x64xf32>,
    %reduce_sum3A_151 = arith.constant dense<0.000000e+00> : vector<64xf32>
    %reduce_sum3A_152 = vector.multi_reduction <add>, %dot_general3A_143, %reduce_sum3A_151 [0] : vector<1024x64xf32> to vector<64xf32>
    %broadcast_in_dim3A_153 = vector.shape_cast %reduce_sum3A_152 : vector<64xf32> to vector<1x64xf32>
    %add3A_154 = arith.addf %add3A_120, %broadcast_in_dim3A_153 : vector<1x64xf32>
    %mul3A_155 = arith.mulf %dot_general3A_143, %dot_general3A_143 : vector<1024x64xf32>
    %reduce_sum3A_156 = arith.constant dense<0.000000e+00> : vector<64xf32>
    %reduce_sum3A_157 = vector.multi_reduction <add>, %mul3A_155, %reduce_sum3A_156 [0] : vector<1024x64xf32> to vector<64xf32>
    %broadcast_in_dim3A_158 = vector.shape_cast %reduce_sum3A_157 : vector<64xf32> to vector<1x64xf32>
    %add3A_159 = arith.addf %add3A_125, %broadcast_in_dim3A_158 : vector<1x64xf32>
    %get3A_160 = arith.constant 0 : index
    %get3A_161 = arith.constant 4 : index
    %get3A_162 = arith.constant 0 : index
    %get3A_163 = arith.constant 0 : index
    %get3A_164 = vector.load %arg2[%get3A_160, %get3A_161, %get3A_162, %get3A_163] : memref<1x6x1024x128xf32, #tpu.memory_space<vmem>>, vector<1x1x1024x128xf32>
    %get3A_165 = vector.shape_cast %get3A_164 : vector<1x1x1024x128xf32> to vector<1024x128xf32>
    %mul3A_166 = vector.broadcast %div3A_19 : vector<1x128xf32> to vector<1024x128xf32>
    %mul3A_167 = arith.mulf %get3A_165, %mul3A_166 : vector<1024x128xf32>
    %add3A_168 = vector.broadcast %sub3A_24 : vector<1x128xf32> to vector<1024x128xf32>
    %add3A_169 = arith.addf %mul3A_167, %add3A_168 : vector<1024x128xf32>
    %max3A_170 = arith.constant 0.000000e+00 : f32
    %max3A_171 = vector.broadcast %max3A_170 : f32 to vector<1024x128xf32>
    %max3A_172 = arith.maximumf %add3A_169, %max3A_171 : vector<1024x128xf32>
    %get3A_173 = arith.constant 0 : index
    %get3A_174 = arith.constant 0 : index
    %get3A_175 = vector.load %arg5[%get3A_173, %get3A_174] : memref<128x64xf32, #tpu.memory_space<vmem>>, vector<128x64xf32>
    %dot_general3A_176 = arith.constant dense<0.000000e+00> : vector<1024x64xf32>
    %dot_general3A_177 = tpu.matmul %max3A_172, %get3A_175, %dot_general3A_176 {dimension_numbers = #tpu.dot_dimension_numbers<[1], [0], [0], [1], [0, 0, 1, 1], [], []>, transpose_lhs_hint = false} : vector<1024x128xf32>, vector<128x64xf32>, vector<1024x64xf32> -> vector<1024x64xf32>
    %swap3A_178 = arith.constant 0 : index
    %swap3A_179 = arith.constant 4 : index
    %swap3A_180 = arith.constant 0 : index
    %swap3A_181 = arith.constant 0 : index
    %swap3A_182 = vector.load %arg6[%swap3A_178, %swap3A_179, %swap3A_180, %swap3A_181] : memref<1x6x1024x64xf32, #tpu.memory_space<vmem>>, vector<1x1x1024x64xf32>
    %swap3A_183 = vector.shape_cast %swap3A_182 : vector<1x1x1024x64xf32> to vector<1024x64xf32>
    %swap3A_184 = vector.shape_cast %dot_general3A_177 : vector<1024x64xf32> to vector<1x1x1024x64xf32>
    tpu.vector_store %arg6[%swap3A_178, %swap3A_179, %swap3A_180, %swap3A_181], %swap3A_184 {strides = array<i32>} : memref<1x6x1024x64xf32, #tpu.memory_space<vmem>>, vector<1x1x1024x64xf32>,
    %reduce_sum3A_185 = arith.constant dense<0.000000e+00> : vector<64xf32>
    %reduce_sum3A_186 = vector.multi_reduction <add>, %dot_general3A_177, %reduce_sum3A_185 [0] : vector<1024x64xf32> to vector<64xf32>
    %broadcast_in_dim3A_187 = vector.shape_cast %reduce_sum3A_186 : vector<64xf32> to vector<1x64xf32>
    %add3A_188 = arith.addf %add3A_154, %broadcast_in_dim3A_187 : vector<1x64xf32>
    %mul3A_189 = arith.mulf %dot_general3A_177, %dot_general3A_177 : vector<1024x64xf32>
    %reduce_sum3A_190 = arith.constant dense<0.000000e+00> : vector<64xf32>
    %reduce_sum3A_191 = vector.multi_reduction <add>, %mul3A_189, %reduce_sum3A_190 [0] : vector<1024x64xf32> to vector<64xf32>
    %broadcast_in_dim3A_192 = vector.shape_cast %reduce_sum3A_191 : vector<64xf32> to vector<1x64xf32>
    %add3A_193 = arith.addf %add3A_159, %broadcast_in_dim3A_192 : vector<1x64xf32>
    %get3A_194 = arith.constant 0 : index
    %get3A_195 = arith.constant 5 : index
    %get3A_196 = arith.constant 0 : index
    %get3A_197 = arith.constant 0 : index
    %get3A_198 = vector.load %arg2[%get3A_194, %get3A_195, %get3A_196, %get3A_197] : memref<1x6x1024x128xf32, #tpu.memory_space<vmem>>, vector<1x1x1024x128xf32>
    %get3A_199 = vector.shape_cast %get3A_198 : vector<1x1x1024x128xf32> to vector<1024x128xf32>
    %mul3A_200 = vector.broadcast %div3A_19 : vector<1x128xf32> to vector<1024x128xf32>
    %mul3A_201 = arith.mulf %get3A_199, %mul3A_200 : vector<1024x128xf32>
    %add3A_202 = vector.broadcast %sub3A_24 : vector<1x128xf32> to vector<1024x128xf32>
    %add3A_203 = arith.addf %mul3A_201, %add3A_202 : vector<1024x128xf32>
    %max3A_204 = arith.constant 0.000000e+00 : f32
    %max3A_205 = vector.broadcast %max3A_204 : f32 to vector<1024x128xf32>
    %max3A_206 = arith.maximumf %add3A_203, %max3A_205 : vector<1024x128xf32>
    %get3A_207 = arith.constant 0 : index
    %get3A_208 = arith.constant 0 : index
    %get3A_209 = vector.load %arg5[%get3A_207, %get3A_208] : memref<128x64xf32, #tpu.memory_space<vmem>>, vector<128x64xf32>
    %dot_general3A_210 = arith.constant dense<0.000000e+00> : vector<1024x64xf32>
    %dot_general3A_211 = tpu.matmul %max3A_206, %get3A_209, %dot_general3A_210 {dimension_numbers = #tpu.dot_dimension_numbers<[1], [0], [0], [1], [0, 0, 1, 1], [], []>, transpose_lhs_hint = false} : vector<1024x128xf32>, vector<128x64xf32>, vector<1024x64xf32> -> vector<1024x64xf32>
    %swap3A_212 = arith.constant 0 : index
    %swap3A_213 = arith.constant 5 : index
    %swap3A_214 = arith.constant 0 : index
    %swap3A_215 = arith.constant 0 : index
    %swap3A_216 = vector.load %arg6[%swap3A_212, %swap3A_213, %swap3A_214, %swap3A_215] : memref<1x6x1024x64xf32, #tpu.memory_space<vmem>>, vector<1x1x1024x64xf32>
    %swap3A_217 = vector.shape_cast %swap3A_216 : vector<1x1x1024x64xf32> to vector<1024x64xf32>
    %swap3A_218 = vector.shape_cast %dot_general3A_211 : vector<1024x64xf32> to vector<1x1x1024x64xf32>
    tpu.vector_store %arg6[%swap3A_212, %swap3A_213, %swap3A_214, %swap3A_215], %swap3A_218 {strides = array<i32>} : memref<1x6x1024x64xf32, #tpu.memory_space<vmem>>, vector<1x1x1024x64xf32>,
    %reduce_sum3A_219 = arith.constant dense<0.000000e+00> : vector<64xf32>
    %reduce_sum3A_220 = vector.multi_reduction <add>, %dot_general3A_211, %reduce_sum3A_219 [0] : vector<1024x64xf32> to vector<64xf32>
    %broadcast_in_dim3A_221 = vector.shape_cast %reduce_sum3A_220 : vector<64xf32> to vector<1x64xf32>
    %add3A_222 = arith.addf %add3A_188, %broadcast_in_dim3A_221 : vector<1x64xf32>
    %mul3A_223 = arith.mulf %dot_general3A_211, %dot_general3A_211 : vector<1024x64xf32>
    %reduce_sum3A_224 = arith.constant dense<0.000000e+00> : vector<64xf32>
    %reduce_sum3A_225 = vector.multi_reduction <add>, %mul3A_223, %reduce_sum3A_224 [0] : vector<1024x64xf32> to vector<64xf32>
    %broadcast_in_dim3A_226 = vector.shape_cast %reduce_sum3A_225 : vector<64xf32> to vector<1x64xf32>
    %add3A_227 = arith.addf %add3A_193, %broadcast_in_dim3A_226 : vector<1x64xf32>
    %get3A_228 = arith.constant 0 : index
    %get3A_229 = arith.constant 0 : index
    %get3A_230 = vector.load %arg7[%get3A_228, %get3A_229] : memref<8x64xf32, #tpu.memory_space<vmem>>, vector<1x64xf32>
    %add3A_231 = arith.addf %get3A_230, %add3A_222 : vector<1x64xf32>
    %swap3A_232 = arith.constant 0 : index
    %swap3A_233 = arith.constant 0 : index
    %swap3A_234 = vector.load %arg7[%swap3A_232, %swap3A_233] : memref<8x64xf32, #tpu.memory_space<vmem>>, vector<1x64xf32>
    tpu.vector_store %arg7[%swap3A_232, %swap3A_233], %add3A_231 {strides = array<i32>} : memref<8x64xf32, #tpu.memory_space<vmem>>, vector<1x64xf32>,
    %get3A_235 = arith.constant 1 : index
    %get3A_236 = arith.constant 0 : index
    %get3A_237 = vector.load %arg7[%get3A_235, %get3A_236] : memref<8x64xf32, #tpu.memory_space<vmem>>, vector<1x64xf32>
    %add3A_238 = arith.addf %get3A_237, %add3A_227 : vector<1x64xf32>
    %swap3A_239 = arith.constant 1 : index
    %swap3A_240 = arith.constant 0 : index
    %swap3A_241 = vector.load %arg7[%swap3A_239, %swap3A_240] : memref<8x64xf32, #tpu.memory_space<vmem>>, vector<1x64xf32>
    tpu.vector_store %arg7[%swap3A_239, %swap3A_240], %add3A_238 {strides = array<i32>} : memref<8x64xf32, #tpu.memory_space<vmem>>, vector<1x64xf32>,
    return
  }
  func.func @transform_0(%arg0: i32, %arg1: i32) -> (i32, i32, i32, i32) {
    %c0_i32 = arith.constant 0 : i32
    %c0_i32_0 = arith.constant 0 : i32
    %c0_i32_1 = arith.constant 0 : i32
    return %arg0, %c0_i32, %arg1, %c0_i32_0 : i32, i32, i32, i32
  }
  func.func @transform_1(%arg0: i32, %arg1: i32) -> (i32, i32) {
    %c0_i32 = arith.constant 0 : i32
    %c0_i32_0 = arith.constant 0 : i32
    %c0_i32_1 = arith.constant 0 : i32
    return %c0_i32, %c0_i32_0 : i32, i32
  }
  func.func @transform_2(%arg0: i32, %arg1: i32) -> (i32, i32) {
    %c0_i32 = arith.constant 0 : i32
    %c0_i32_0 = arith.constant 0 : i32
    %c0_i32_1 = arith.constant 0 : i32
    return %c0_i32, %c0_i32_0 : i32, i32
  }
  func.func @transform_3(%arg0: i32, %arg1: i32) -> (i32, i32) {
    %c0_i32 = arith.constant 0 : i32
    %c0_i32_0 = arith.constant 0 : i32
    %c0_i32_1 = arith.constant 0 : i32
    return %c0_i32, %c0_i32_0 : i32, i32
  }
  func.func @transform_4(%arg0: i32, %arg1: i32) -> (i32, i32, i32, i32) {
    %c0_i32 = arith.constant 0 : i32
    %c0_i32_0 = arith.constant 0 : i32
    %c0_i32_1 = arith.constant 0 : i32
    return %arg0, %c0_i32, %arg1, %c0_i32_0 : i32, i32, i32, i32
  }
  func.func @transform_5(%arg0: i32, %arg1: i32) -> (i32, i32) {
    %c0_i32 = arith.constant 0 : i32
    %c0_i32_0 = arith.constant 0 : i32
    %c0_i32_1 = arith.constant 0 : i32
    return %c0_i32, %c0_i32_0 : i32, i32
  }
}

module attributes {stable_mosaic.version = 14 : i64} {
  func.func @_p1_body(%arg0: i32, %arg1: i32, %arg2: memref<1x1024x8xf32, #tpu.memory_space<vmem>>, %arg3: memref<1x1024x64xf32, #tpu.memory_space<vmem>>, %arg4: memref<1x6x1024x128xf32, #tpu.memory_space<vmem>>, %arg5: memref<10x128xf32, #tpu.memory_space<vmem>>, %arg6: memref<64x128xf32, #tpu.memory_space<vmem>>, %arg7: memref<64x128xf32, #tpu.memory_space<vmem>>, %arg8: memref<10x64xf32, #tpu.memory_space<vmem>>, %arg9: memref<1x6x1024x128xf32, #tpu.memory_space<vmem>>, %arg10: memref<1x6x1024x64xf32, #tpu.memory_space<vmem>>, %arg11: memref<8x128xf32, #tpu.memory_space<vmem>>, %arg12: memref<8x64xf32, #tpu.memory_space<vmem>>) attributes {dimension_semantics = [#tpu.dimension_semantics<arbitrary>, #tpu.dimension_semantics<arbitrary>], iteration_bounds = array<i64: 2, 4>, scalar_prefetch = 0 : i64, scratch_operands = 0 : i64, tpu.core_type = #tpu.core_type<tc>, window_params = [{transform_indices = @transform_0, window_bounds = array<i64: 1, 1024, 8>}, {transform_indices = @transform_1, window_bounds = array<i64: 1, 1024, 64>}, {transform_indices = @transform_2, window_bounds = array<i64: 1, 6, 1024, 128>}, {pipeline_mode = #tpu.pipeline_mode<synchronous>, transform_indices = @transform_3, window_bounds = array<i64: 10, 128>}, {pipeline_mode = #tpu.pipeline_mode<synchronous>, transform_indices = @transform_4, window_bounds = array<i64: 64, 128>}, {pipeline_mode = #tpu.pipeline_mode<synchronous>, transform_indices = @transform_5, window_bounds = array<i64: 64, 128>}, {pipeline_mode = #tpu.pipeline_mode<synchronous>, transform_indices = @transform_6, window_bounds = array<i64: 10, 64>}, {transform_indices = @transform_7, window_bounds = array<i64: 1, 6, 1024, 128>}, {transform_indices = @transform_8, window_bounds = array<i64: 1, 6, 1024, 64>}, {pipeline_mode = #tpu.pipeline_mode<synchronous>, transform_indices = @transform_9, window_bounds = array<i64: 8, 128>}, {pipeline_mode = #tpu.pipeline_mode<synchronous>, transform_indices = @transform_10, window_bounds = array<i64: 8, 64>}]} {
    %eq3A = arith.constant 0 : i32
    %eq3A_0 = arith.cmpi eq, %arg0, %eq3A : i32
    %eq3A_1 = arith.constant 0 : i32
    %eq3A_2 = arith.cmpi eq, %arg1, %eq3A_1 : i32
    %and3A = arith.andi %eq3A_0, %eq3A_2 : i1
    %convert_element_type3A = arith.extui %and3A : i1 to i32
    %cond3A = arith.constant 0 : i32
    %cond3A_3 = arith.cmpi ne, %convert_element_type3A, %cond3A : i32
    scf.if %cond3A_3 {
      %broadcast_in_dim3A_472 = arith.constant 0.000000e+00 : f32
      %broadcast_in_dim3A_473 = vector.broadcast %broadcast_in_dim3A_472 : f32 to vector<8x128xf32>
      %swap3A_474 = arith.constant 0 : index
      %swap3A_475 = arith.constant 0 : index
      %swap3A_476 = vector.load %arg11[%swap3A_474, %swap3A_475] : memref<8x128xf32, #tpu.memory_space<vmem>>, vector<8x128xf32>
      tpu.vector_store %arg11[%swap3A_474, %swap3A_475], %broadcast_in_dim3A_473 {strides = array<i32>} : memref<8x128xf32, #tpu.memory_space<vmem>>, vector<8x128xf32>,
      %broadcast_in_dim3A_477 = arith.constant 0.000000e+00 : f32
      %broadcast_in_dim3A_478 = vector.broadcast %broadcast_in_dim3A_477 : f32 to vector<8x64xf32>
      %swap3A_479 = arith.constant 0 : index
      %swap3A_480 = arith.constant 0 : index
      %swap3A_481 = vector.load %arg12[%swap3A_479, %swap3A_480] : memref<8x64xf32, #tpu.memory_space<vmem>>, vector<8x64xf32>
      tpu.vector_store %arg12[%swap3A_479, %swap3A_480], %broadcast_in_dim3A_478 {strides = array<i32>} : memref<8x64xf32, #tpu.memory_space<vmem>>, vector<8x64xf32>,
    } else {
    }
    %get3A = arith.constant 0 : index
    %get3A_4 = arith.constant 0 : index
    %get3A_5 = arith.constant 0 : index
    %get3A_6 = vector.load %arg2[%get3A, %get3A_4, %get3A_5] : memref<1x1024x8xf32, #tpu.memory_space<vmem>>, vector<1x1024x8xf32>
    %get3A_7 = vector.shape_cast %get3A_6 : vector<1x1024x8xf32> to vector<1024x8xf32>
    %slice3A = vector.extract_strided_slice %get3A_7 {offsets = [0, 0], sizes = [1024, 3], strides = [1, 1]} : vector<1024x8xf32> to vector<1024x3xf32>
    %get3A_8 = arith.constant 0 : index
    %get3A_9 = arith.constant 0 : index
    %get3A_10 = arith.constant 0 : index
    %get3A_11 = vector.load %arg3[%get3A_8, %get3A_9, %get3A_10] : memref<1x1024x64xf32, #tpu.memory_space<vmem>>, vector<1x1024x64xf32>
    %get3A_12 = vector.shape_cast %get3A_11 : vector<1x1024x64xf32> to vector<1024x64xf32>
    %broadcast_in_dim3A = arith.constant 0.000000e+00 : f32
    %broadcast_in_dim3A_13 = vector.broadcast %broadcast_in_dim3A : f32 to vector<1x128xf32>
    %broadcast_in_dim3A_14 = arith.constant 0.000000e+00 : f32
    %broadcast_in_dim3A_15 = vector.broadcast %broadcast_in_dim3A_14 : f32 to vector<1x128xf32>
    %broadcast_in_dim3A_16 = arith.constant 0.000000e+00 : f32
    %broadcast_in_dim3A_17 = vector.broadcast %broadcast_in_dim3A_16 : f32 to vector<1x64xf32>
    %broadcast_in_dim3A_18 = arith.constant 0.000000e+00 : f32
    %broadcast_in_dim3A_19 = vector.broadcast %broadcast_in_dim3A_18 : f32 to vector<1x64xf32>
    %get3A_20 = arith.constant 0 : index
    %get3A_21 = arith.constant 0 : index
    %get3A_22 = arith.constant 0 : index
    %get3A_23 = arith.constant 0 : index
    %get3A_24 = vector.load %arg4[%get3A_20, %get3A_21, %get3A_22, %get3A_23] : memref<1x6x1024x128xf32, #tpu.memory_space<vmem>>, vector<1x1x1024x128xf32>
    %get3A_25 = vector.shape_cast %get3A_24 : vector<1x1x1024x128xf32> to vector<1024x128xf32>
    %slice3A_26 = vector.extract_strided_slice %get3A_25 {offsets = [0, 0], sizes = [1024, 64], strides = [1, 1]} : vector<1024x128xf32> to vector<1024x64xf32>
    %slice3A_27 = vector.extract_strided_slice %get3A_25 {offsets = [0, 64], sizes = [1024, 3], strides = [1, 1]} : vector<1024x128xf32> to vector<1024x3xf32>
    %sub3A = arith.subf %slice3A_27, %slice3A : vector<1024x3xf32>
    %mul3A = arith.mulf %sub3A, %sub3A : vector<1024x3xf32>
    %reduce_sum3A = arith.constant dense<0.000000e+00> : vector<1024xf32>
    %reduce_sum3A_28 = vector.multi_reduction <add>, %mul3A, %reduce_sum3A [1] : vector<1024x3xf32> to vector<1024xf32>
    %broadcast_in_dim3A_29 = vector.shape_cast %reduce_sum3A_28 : vector<1024xf32> to vector<1024x1xf32>
    %add3A = arith.constant 9.99999968E-21 : f32
    %add3A_30 = vector.broadcast %add3A : f32 to vector<1024x1xf32>
    %add3A_31 = arith.addf %broadcast_in_dim3A_29, %add3A_30 : vector<1024x1xf32>
    %sqrt3A = math.sqrt %add3A_31 : vector<1024x1xf32>
    %concatenate3A = tpu.concatenate %slice3A, %slice3A_27, %sub3A, %sqrt3A in 1 : vector<1024x3xf32>, vector<1024x3xf32>, vector<1024x3xf32>, vector<1024x1xf32> -> vector<1024x10xf32>
    %get3A_32 = arith.constant 0 : index
    %get3A_33 = arith.constant 0 : index
    %get3A_34 = vector.load %arg5[%get3A_32, %get3A_33] : memref<10x128xf32, #tpu.memory_space<vmem>>, vector<10x128xf32>
    %dot_general3A = arith.constant dense<0.000000e+00> : vector<1024x128xf32>
    %dot_general3A_35 = tpu.matmul %concatenate3A, %get3A_34, %dot_general3A {dimension_numbers = #tpu.dot_dimension_numbers<[1], [0], [0], [1], [0, 0, 1, 1], [], []>, transpose_lhs_hint = false} : vector<1024x10xf32>, vector<10x128xf32>, vector<1024x128xf32> -> vector<1024x128xf32>
    %get3A_36 = arith.constant 0 : index
    %get3A_37 = arith.constant 0 : index
    %get3A_38 = vector.load %arg6[%get3A_36, %get3A_37] : memref<64x128xf32, #tpu.memory_space<vmem>>, vector<64x128xf32>
    %dot_general3A_39 = arith.constant dense<0.000000e+00> : vector<1024x128xf32>
    %dot_general3A_40 = tpu.matmul %get3A_12, %get3A_38, %dot_general3A_39 {dimension_numbers = #tpu.dot_dimension_numbers<[1], [0], [0], [1], [0, 0, 1, 1], [], []>, transpose_lhs_hint = false} : vector<1024x64xf32>, vector<64x128xf32>, vector<1024x128xf32> -> vector<1024x128xf32>
    %add3A_41 = arith.addf %dot_general3A_35, %dot_general3A_40 : vector<1024x128xf32>
    %get3A_42 = arith.constant 0 : index
    %get3A_43 = arith.constant 0 : index
    %get3A_44 = vector.load %arg7[%get3A_42, %get3A_43] : memref<64x128xf32, #tpu.memory_space<vmem>>, vector<64x128xf32>
    %dot_general3A_45 = arith.constant dense<0.000000e+00> : vector<1024x128xf32>
    %dot_general3A_46 = tpu.matmul %slice3A_26, %get3A_44, %dot_general3A_45 {dimension_numbers = #tpu.dot_dimension_numbers<[1], [0], [0], [1], [0, 0, 1, 1], [], []>, transpose_lhs_hint = false} : vector<1024x64xf32>, vector<64x128xf32>, vector<1024x128xf32> -> vector<1024x128xf32>
    %add3A_47 = arith.addf %add3A_41, %dot_general3A_46 : vector<1024x128xf32>
    %get3A_48 = arith.constant 0 : index
    %get3A_49 = arith.constant 0 : index
    %get3A_50 = vector.load %arg8[%get3A_48, %get3A_49] : memref<10x64xf32, #tpu.memory_space<vmem>>, vector<10x64xf32>
    %dot_general3A_51 = arith.constant dense<0.000000e+00> : vector<1024x64xf32>
    %dot_general3A_52 = tpu.matmul %concatenate3A, %get3A_50, %dot_general3A_51 {dimension_numbers = #tpu.dot_dimension_numbers<[1], [0], [0], [1], [0, 0, 1, 1], [], []>, transpose_lhs_hint = false} : vector<1024x10xf32>, vector<10x64xf32>, vector<1024x64xf32> -> vector<1024x64xf32>
    %swap3A = arith.constant 0 : index
    %swap3A_53 = arith.constant 0 : index
    %swap3A_54 = arith.constant 0 : index
    %swap3A_55 = arith.constant 0 : index
    %swap3A_56 = vector.load %arg9[%swap3A, %swap3A_53, %swap3A_54, %swap3A_55] : memref<1x6x1024x128xf32, #tpu.memory_space<vmem>>, vector<1x1x1024x128xf32>
    %swap3A_57 = vector.shape_cast %swap3A_56 : vector<1x1x1024x128xf32> to vector<1024x128xf32>
    %swap3A_58 = vector.shape_cast %add3A_47 : vector<1024x128xf32> to vector<1x1x1024x128xf32>
    tpu.vector_store %arg9[%swap3A, %swap3A_53, %swap3A_54, %swap3A_55], %swap3A_58 {strides = array<i32>} : memref<1x6x1024x128xf32, #tpu.memory_space<vmem>>, vector<1x1x1024x128xf32>,
    %swap3A_59 = arith.constant 0 : index
    %swap3A_60 = arith.constant 0 : index
    %swap3A_61 = arith.constant 0 : index
    %swap3A_62 = arith.constant 0 : index
    %swap3A_63 = vector.load %arg10[%swap3A_59, %swap3A_60, %swap3A_61, %swap3A_62] : memref<1x6x1024x64xf32, #tpu.memory_space<vmem>>, vector<1x1x1024x64xf32>
    %swap3A_64 = vector.shape_cast %swap3A_63 : vector<1x1x1024x64xf32> to vector<1024x64xf32>
    %swap3A_65 = vector.shape_cast %dot_general3A_52 : vector<1024x64xf32> to vector<1x1x1024x64xf32>
    tpu.vector_store %arg10[%swap3A_59, %swap3A_60, %swap3A_61, %swap3A_62], %swap3A_65 {strides = array<i32>} : memref<1x6x1024x64xf32, #tpu.memory_space<vmem>>, vector<1x1x1024x64xf32>,
    %reduce_sum3A_66 = arith.constant dense<0.000000e+00> : vector<128xf32>
    %reduce_sum3A_67 = vector.multi_reduction <add>, %add3A_47, %reduce_sum3A_66 [0] : vector<1024x128xf32> to vector<128xf32>
    %broadcast_in_dim3A_68 = vector.shape_cast %reduce_sum3A_67 : vector<128xf32> to vector<1x128xf32>
    %add3A_69 = arith.addf %broadcast_in_dim3A_13, %broadcast_in_dim3A_68 : vector<1x128xf32>
    %mul3A_70 = arith.mulf %add3A_47, %add3A_47 : vector<1024x128xf32>
    %reduce_sum3A_71 = arith.constant dense<0.000000e+00> : vector<128xf32>
    %reduce_sum3A_72 = vector.multi_reduction <add>, %mul3A_70, %reduce_sum3A_71 [0] : vector<1024x128xf32> to vector<128xf32>
    %broadcast_in_dim3A_73 = vector.shape_cast %reduce_sum3A_72 : vector<128xf32> to vector<1x128xf32>
    %add3A_74 = arith.addf %broadcast_in_dim3A_15, %broadcast_in_dim3A_73 : vector<1x128xf32>
    %reduce_sum3A_75 = arith.constant dense<0.000000e+00> : vector<64xf32>
    %reduce_sum3A_76 = vector.multi_reduction <add>, %dot_general3A_52, %reduce_sum3A_75 [0] : vector<1024x64xf32> to vector<64xf32>
    %broadcast_in_dim3A_77 = vector.shape_cast %reduce_sum3A_76 : vector<64xf32> to vector<1x64xf32>
    %add3A_78 = arith.addf %broadcast_in_dim3A_17, %broadcast_in_dim3A_77 : vector<1x64xf32>
    %mul3A_79 = arith.mulf %dot_general3A_52, %dot_general3A_52 : vector<1024x64xf32>
    %reduce_sum3A_80 = arith.constant dense<0.000000e+00> : vector<64xf32>
    %reduce_sum3A_81 = vector.multi_reduction <add>, %mul3A_79, %reduce_sum3A_80 [0] : vector<1024x64xf32> to vector<64xf32>
    %broadcast_in_dim3A_82 = vector.shape_cast %reduce_sum3A_81 : vector<64xf32> to vector<1x64xf32>
    %add3A_83 = arith.addf %broadcast_in_dim3A_19, %broadcast_in_dim3A_82 : vector<1x64xf32>
    %get3A_84 = arith.constant 0 : index
    %get3A_85 = arith.constant 1 : index
    %get3A_86 = arith.constant 0 : index
    %get3A_87 = arith.constant 0 : index
    %get3A_88 = vector.load %arg4[%get3A_84, %get3A_85, %get3A_86, %get3A_87] : memref<1x6x1024x128xf32, #tpu.memory_space<vmem>>, vector<1x1x1024x128xf32>
    %get3A_89 = vector.shape_cast %get3A_88 : vector<1x1x1024x128xf32> to vector<1024x128xf32>
    %slice3A_90 = vector.extract_strided_slice %get3A_89 {offsets = [0, 0], sizes = [1024, 64], strides = [1, 1]} : vector<1024x128xf32> to vector<1024x64xf32>
    %slice3A_91 = vector.extract_strided_slice %get3A_89 {offsets = [0, 64], sizes = [1024, 3], strides = [1, 1]} : vector<1024x128xf32> to vector<1024x3xf32>
    %sub3A_92 = arith.subf %slice3A_91, %slice3A : vector<1024x3xf32>
    %mul3A_93 = arith.mulf %sub3A_92, %sub3A_92 : vector<1024x3xf32>
    %reduce_sum3A_94 = arith.constant dense<0.000000e+00> : vector<1024xf32>
    %reduce_sum3A_95 = vector.multi_reduction <add>, %mul3A_93, %reduce_sum3A_94 [1] : vector<1024x3xf32> to vector<1024xf32>
    %broadcast_in_dim3A_96 = vector.shape_cast %reduce_sum3A_95 : vector<1024xf32> to vector<1024x1xf32>
    %add3A_97 = arith.constant 9.99999968E-21 : f32
    %add3A_98 = vector.broadcast %add3A_97 : f32 to vector<1024x1xf32>
    %add3A_99 = arith.addf %broadcast_in_dim3A_96, %add3A_98 : vector<1024x1xf32>
    %sqrt3A_100 = math.sqrt %add3A_99 : vector<1024x1xf32>
    %concatenate3A_101 = tpu.concatenate %slice3A, %slice3A_91, %sub3A_92, %sqrt3A_100 in 1 : vector<1024x3xf32>, vector<1024x3xf32>, vector<1024x3xf32>, vector<1024x1xf32> -> vector<1024x10xf32>
    %get3A_102 = arith.constant 0 : index
    %get3A_103 = arith.constant 0 : index
    %get3A_104 = vector.load %arg5[%get3A_102, %get3A_103] : memref<10x128xf32, #tpu.memory_space<vmem>>, vector<10x128xf32>
    %dot_general3A_105 = arith.constant dense<0.000000e+00> : vector<1024x128xf32>
    %dot_general3A_106 = tpu.matmul %concatenate3A_101, %get3A_104, %dot_general3A_105 {dimension_numbers = #tpu.dot_dimension_numbers<[1], [0], [0], [1], [0, 0, 1, 1], [], []>, transpose_lhs_hint = false} : vector<1024x10xf32>, vector<10x128xf32>, vector<1024x128xf32> -> vector<1024x128xf32>
    %get3A_107 = arith.constant 0 : index
    %get3A_108 = arith.constant 0 : index
    %get3A_109 = vector.load %arg6[%get3A_107, %get3A_108] : memref<64x128xf32, #tpu.memory_space<vmem>>, vector<64x128xf32>
    %dot_general3A_110 = arith.constant dense<0.000000e+00> : vector<1024x128xf32>
    %dot_general3A_111 = tpu.matmul %get3A_12, %get3A_109, %dot_general3A_110 {dimension_numbers = #tpu.dot_dimension_numbers<[1], [0], [0], [1], [0, 0, 1, 1], [], []>, transpose_lhs_hint = false} : vector<1024x64xf32>, vector<64x128xf32>, vector<1024x128xf32> -> vector<1024x128xf32>
    %add3A_112 = arith.addf %dot_general3A_106, %dot_general3A_111 : vector<1024x128xf32>
    %get3A_113 = arith.constant 0 : index
    %get3A_114 = arith.constant 0 : index
    %get3A_115 = vector.load %arg7[%get3A_113, %get3A_114] : memref<64x128xf32, #tpu.memory_space<vmem>>, vector<64x128xf32>
    %dot_general3A_116 = arith.constant dense<0.000000e+00> : vector<1024x128xf32>
    %dot_general3A_117 = tpu.matmul %slice3A_90, %get3A_115, %dot_general3A_116 {dimension_numbers = #tpu.dot_dimension_numbers<[1], [0], [0], [1], [0, 0, 1, 1], [], []>, transpose_lhs_hint = false} : vector<1024x64xf32>, vector<64x128xf32>, vector<1024x128xf32> -> vector<1024x128xf32>
    %add3A_118 = arith.addf %add3A_112, %dot_general3A_117 : vector<1024x128xf32>
    %get3A_119 = arith.constant 0 : index
    %get3A_120 = arith.constant 0 : index
    %get3A_121 = vector.load %arg8[%get3A_119, %get3A_120] : memref<10x64xf32, #tpu.memory_space<vmem>>, vector<10x64xf32>
    %dot_general3A_122 = arith.constant dense<0.000000e+00> : vector<1024x64xf32>
    %dot_general3A_123 = tpu.matmul %concatenate3A_101, %get3A_121, %dot_general3A_122 {dimension_numbers = #tpu.dot_dimension_numbers<[1], [0], [0], [1], [0, 0, 1, 1], [], []>, transpose_lhs_hint = false} : vector<1024x10xf32>, vector<10x64xf32>, vector<1024x64xf32> -> vector<1024x64xf32>
    %swap3A_124 = arith.constant 0 : index
    %swap3A_125 = arith.constant 1 : index
    %swap3A_126 = arith.constant 0 : index
    %swap3A_127 = arith.constant 0 : index
    %swap3A_128 = vector.load %arg9[%swap3A_124, %swap3A_125, %swap3A_126, %swap3A_127] : memref<1x6x1024x128xf32, #tpu.memory_space<vmem>>, vector<1x1x1024x128xf32>
    %swap3A_129 = vector.shape_cast %swap3A_128 : vector<1x1x1024x128xf32> to vector<1024x128xf32>
    %swap3A_130 = vector.shape_cast %add3A_118 : vector<1024x128xf32> to vector<1x1x1024x128xf32>
    tpu.vector_store %arg9[%swap3A_124, %swap3A_125, %swap3A_126, %swap3A_127], %swap3A_130 {strides = array<i32>} : memref<1x6x1024x128xf32, #tpu.memory_space<vmem>>, vector<1x1x1024x128xf32>,
    %swap3A_131 = arith.constant 0 : index
    %swap3A_132 = arith.constant 1 : index
    %swap3A_133 = arith.constant 0 : index
    %swap3A_134 = arith.constant 0 : index
    %swap3A_135 = vector.load %arg10[%swap3A_131, %swap3A_132, %swap3A_133, %swap3A_134] : memref<1x6x1024x64xf32, #tpu.memory_space<vmem>>, vector<1x1x1024x64xf32>
    %swap3A_136 = vector.shape_cast %swap3A_135 : vector<1x1x1024x64xf32> to vector<1024x64xf32>
    %swap3A_137 = vector.shape_cast %dot_general3A_123 : vector<1024x64xf32> to vector<1x1x1024x64xf32>
    tpu.vector_store %arg10[%swap3A_131, %swap3A_132, %swap3A_133, %swap3A_134], %swap3A_137 {strides = array<i32>} : memref<1x6x1024x64xf32, #tpu.memory_space<vmem>>, vector<1x1x1024x64xf32>,
    %reduce_sum3A_138 = arith.constant dense<0.000000e+00> : vector<128xf32>
    %reduce_sum3A_139 = vector.multi_reduction <add>, %add3A_118, %reduce_sum3A_138 [0] : vector<1024x128xf32> to vector<128xf32>
    %broadcast_in_dim3A_140 = vector.shape_cast %reduce_sum3A_139 : vector<128xf32> to vector<1x128xf32>
    %add3A_141 = arith.addf %add3A_69, %broadcast_in_dim3A_140 : vector<1x128xf32>
    %mul3A_142 = arith.mulf %add3A_118, %add3A_118 : vector<1024x128xf32>
    %reduce_sum3A_143 = arith.constant dense<0.000000e+00> : vector<128xf32>
    %reduce_sum3A_144 = vector.multi_reduction <add>, %mul3A_142, %reduce_sum3A_143 [0] : vector<1024x128xf32> to vector<128xf32>
    %broadcast_in_dim3A_145 = vector.shape_cast %reduce_sum3A_144 : vector<128xf32> to vector<1x128xf32>
    %add3A_146 = arith.addf %add3A_74, %broadcast_in_dim3A_145 : vector<1x128xf32>
    %reduce_sum3A_147 = arith.constant dense<0.000000e+00> : vector<64xf32>
    %reduce_sum3A_148 = vector.multi_reduction <add>, %dot_general3A_123, %reduce_sum3A_147 [0] : vector<1024x64xf32> to vector<64xf32>
    %broadcast_in_dim3A_149 = vector.shape_cast %reduce_sum3A_148 : vector<64xf32> to vector<1x64xf32>
    %add3A_150 = arith.addf %add3A_78, %broadcast_in_dim3A_149 : vector<1x64xf32>
    %mul3A_151 = arith.mulf %dot_general3A_123, %dot_general3A_123 : vector<1024x64xf32>
    %reduce_sum3A_152 = arith.constant dense<0.000000e+00> : vector<64xf32>
    %reduce_sum3A_153 = vector.multi_reduction <add>, %mul3A_151, %reduce_sum3A_152 [0] : vector<1024x64xf32> to vector<64xf32>
    %broadcast_in_dim3A_154 = vector.shape_cast %reduce_sum3A_153 : vector<64xf32> to vector<1x64xf32>
    %add3A_155 = arith.addf %add3A_83, %broadcast_in_dim3A_154 : vector<1x64xf32>
    %get3A_156 = arith.constant 0 : index
    %get3A_157 = arith.constant 2 : index
    %get3A_158 = arith.constant 0 : index
    %get3A_159 = arith.constant 0 : index
    %get3A_160 = vector.load %arg4[%get3A_156, %get3A_157, %get3A_158, %get3A_159] : memref<1x6x1024x128xf32, #tpu.memory_space<vmem>>, vector<1x1x1024x128xf32>
    %get3A_161 = vector.shape_cast %get3A_160 : vector<1x1x1024x128xf32> to vector<1024x128xf32>
    %slice3A_162 = vector.extract_strided_slice %get3A_161 {offsets = [0, 0], sizes = [1024, 64], strides = [1, 1]} : vector<1024x128xf32> to vector<1024x64xf32>
    %slice3A_163 = vector.extract_strided_slice %get3A_161 {offsets = [0, 64], sizes = [1024, 3], strides = [1, 1]} : vector<1024x128xf32> to vector<1024x3xf32>
    %sub3A_164 = arith.subf %slice3A_163, %slice3A : vector<1024x3xf32>
    %mul3A_165 = arith.mulf %sub3A_164, %sub3A_164 : vector<1024x3xf32>
    %reduce_sum3A_166 = arith.constant dense<0.000000e+00> : vector<1024xf32>
    %reduce_sum3A_167 = vector.multi_reduction <add>, %mul3A_165, %reduce_sum3A_166 [1] : vector<1024x3xf32> to vector<1024xf32>
    %broadcast_in_dim3A_168 = vector.shape_cast %reduce_sum3A_167 : vector<1024xf32> to vector<1024x1xf32>
    %add3A_169 = arith.constant 9.99999968E-21 : f32
    %add3A_170 = vector.broadcast %add3A_169 : f32 to vector<1024x1xf32>
    %add3A_171 = arith.addf %broadcast_in_dim3A_168, %add3A_170 : vector<1024x1xf32>
    %sqrt3A_172 = math.sqrt %add3A_171 : vector<1024x1xf32>
    %concatenate3A_173 = tpu.concatenate %slice3A, %slice3A_163, %sub3A_164, %sqrt3A_172 in 1 : vector<1024x3xf32>, vector<1024x3xf32>, vector<1024x3xf32>, vector<1024x1xf32> -> vector<1024x10xf32>
    %get3A_174 = arith.constant 0 : index
    %get3A_175 = arith.constant 0 : index
    %get3A_176 = vector.load %arg5[%get3A_174, %get3A_175] : memref<10x128xf32, #tpu.memory_space<vmem>>, vector<10x128xf32>
    %dot_general3A_177 = arith.constant dense<0.000000e+00> : vector<1024x128xf32>
    %dot_general3A_178 = tpu.matmul %concatenate3A_173, %get3A_176, %dot_general3A_177 {dimension_numbers = #tpu.dot_dimension_numbers<[1], [0], [0], [1], [0, 0, 1, 1], [], []>, transpose_lhs_hint = false} : vector<1024x10xf32>, vector<10x128xf32>, vector<1024x128xf32> -> vector<1024x128xf32>
    %get3A_179 = arith.constant 0 : index
    %get3A_180 = arith.constant 0 : index
    %get3A_181 = vector.load %arg6[%get3A_179, %get3A_180] : memref<64x128xf32, #tpu.memory_space<vmem>>, vector<64x128xf32>
    %dot_general3A_182 = arith.constant dense<0.000000e+00> : vector<1024x128xf32>
    %dot_general3A_183 = tpu.matmul %get3A_12, %get3A_181, %dot_general3A_182 {dimension_numbers = #tpu.dot_dimension_numbers<[1], [0], [0], [1], [0, 0, 1, 1], [], []>, transpose_lhs_hint = false} : vector<1024x64xf32>, vector<64x128xf32>, vector<1024x128xf32> -> vector<1024x128xf32>
    %add3A_184 = arith.addf %dot_general3A_178, %dot_general3A_183 : vector<1024x128xf32>
    %get3A_185 = arith.constant 0 : index
    %get3A_186 = arith.constant 0 : index
    %get3A_187 = vector.load %arg7[%get3A_185, %get3A_186] : memref<64x128xf32, #tpu.memory_space<vmem>>, vector<64x128xf32>
    %dot_general3A_188 = arith.constant dense<0.000000e+00> : vector<1024x128xf32>
    %dot_general3A_189 = tpu.matmul %slice3A_162, %get3A_187, %dot_general3A_188 {dimension_numbers = #tpu.dot_dimension_numbers<[1], [0], [0], [1], [0, 0, 1, 1], [], []>, transpose_lhs_hint = false} : vector<1024x64xf32>, vector<64x128xf32>, vector<1024x128xf32> -> vector<1024x128xf32>
    %add3A_190 = arith.addf %add3A_184, %dot_general3A_189 : vector<1024x128xf32>
    %get3A_191 = arith.constant 0 : index
    %get3A_192 = arith.constant 0 : index
    %get3A_193 = vector.load %arg8[%get3A_191, %get3A_192] : memref<10x64xf32, #tpu.memory_space<vmem>>, vector<10x64xf32>
    %dot_general3A_194 = arith.constant dense<0.000000e+00> : vector<1024x64xf32>
    %dot_general3A_195 = tpu.matmul %concatenate3A_173, %get3A_193, %dot_general3A_194 {dimension_numbers = #tpu.dot_dimension_numbers<[1], [0], [0], [1], [0, 0, 1, 1], [], []>, transpose_lhs_hint = false} : vector<1024x10xf32>, vector<10x64xf32>, vector<1024x64xf32> -> vector<1024x64xf32>
    %swap3A_196 = arith.constant 0 : index
    %swap3A_197 = arith.constant 2 : index
    %swap3A_198 = arith.constant 0 : index
    %swap3A_199 = arith.constant 0 : index
    %swap3A_200 = vector.load %arg9[%swap3A_196, %swap3A_197, %swap3A_198, %swap3A_199] : memref<1x6x1024x128xf32, #tpu.memory_space<vmem>>, vector<1x1x1024x128xf32>
    %swap3A_201 = vector.shape_cast %swap3A_200 : vector<1x1x1024x128xf32> to vector<1024x128xf32>
    %swap3A_202 = vector.shape_cast %add3A_190 : vector<1024x128xf32> to vector<1x1x1024x128xf32>
    tpu.vector_store %arg9[%swap3A_196, %swap3A_197, %swap3A_198, %swap3A_199], %swap3A_202 {strides = array<i32>} : memref<1x6x1024x128xf32, #tpu.memory_space<vmem>>, vector<1x1x1024x128xf32>,
    %swap3A_203 = arith.constant 0 : index
    %swap3A_204 = arith.constant 2 : index
    %swap3A_205 = arith.constant 0 : index
    %swap3A_206 = arith.constant 0 : index
    %swap3A_207 = vector.load %arg10[%swap3A_203, %swap3A_204, %swap3A_205, %swap3A_206] : memref<1x6x1024x64xf32, #tpu.memory_space<vmem>>, vector<1x1x1024x64xf32>
    %swap3A_208 = vector.shape_cast %swap3A_207 : vector<1x1x1024x64xf32> to vector<1024x64xf32>
    %swap3A_209 = vector.shape_cast %dot_general3A_195 : vector<1024x64xf32> to vector<1x1x1024x64xf32>
    tpu.vector_store %arg10[%swap3A_203, %swap3A_204, %swap3A_205, %swap3A_206], %swap3A_209 {strides = array<i32>} : memref<1x6x1024x64xf32, #tpu.memory_space<vmem>>, vector<1x1x1024x64xf32>,
    %reduce_sum3A_210 = arith.constant dense<0.000000e+00> : vector<128xf32>
    %reduce_sum3A_211 = vector.multi_reduction <add>, %add3A_190, %reduce_sum3A_210 [0] : vector<1024x128xf32> to vector<128xf32>
    %broadcast_in_dim3A_212 = vector.shape_cast %reduce_sum3A_211 : vector<128xf32> to vector<1x128xf32>
    %add3A_213 = arith.addf %add3A_141, %broadcast_in_dim3A_212 : vector<1x128xf32>
    %mul3A_214 = arith.mulf %add3A_190, %add3A_190 : vector<1024x128xf32>
    %reduce_sum3A_215 = arith.constant dense<0.000000e+00> : vector<128xf32>
    %reduce_sum3A_216 = vector.multi_reduction <add>, %mul3A_214, %reduce_sum3A_215 [0] : vector<1024x128xf32> to vector<128xf32>
    %broadcast_in_dim3A_217 = vector.shape_cast %reduce_sum3A_216 : vector<128xf32> to vector<1x128xf32>
    %add3A_218 = arith.addf %add3A_146, %broadcast_in_dim3A_217 : vector<1x128xf32>
    %reduce_sum3A_219 = arith.constant dense<0.000000e+00> : vector<64xf32>
    %reduce_sum3A_220 = vector.multi_reduction <add>, %dot_general3A_195, %reduce_sum3A_219 [0] : vector<1024x64xf32> to vector<64xf32>
    %broadcast_in_dim3A_221 = vector.shape_cast %reduce_sum3A_220 : vector<64xf32> to vector<1x64xf32>
    %add3A_222 = arith.addf %add3A_150, %broadcast_in_dim3A_221 : vector<1x64xf32>
    %mul3A_223 = arith.mulf %dot_general3A_195, %dot_general3A_195 : vector<1024x64xf32>
    %reduce_sum3A_224 = arith.constant dense<0.000000e+00> : vector<64xf32>
    %reduce_sum3A_225 = vector.multi_reduction <add>, %mul3A_223, %reduce_sum3A_224 [0] : vector<1024x64xf32> to vector<64xf32>
    %broadcast_in_dim3A_226 = vector.shape_cast %reduce_sum3A_225 : vector<64xf32> to vector<1x64xf32>
    %add3A_227 = arith.addf %add3A_155, %broadcast_in_dim3A_226 : vector<1x64xf32>
    %get3A_228 = arith.constant 0 : index
    %get3A_229 = arith.constant 3 : index
    %get3A_230 = arith.constant 0 : index
    %get3A_231 = arith.constant 0 : index
    %get3A_232 = vector.load %arg4[%get3A_228, %get3A_229, %get3A_230, %get3A_231] : memref<1x6x1024x128xf32, #tpu.memory_space<vmem>>, vector<1x1x1024x128xf32>
    %get3A_233 = vector.shape_cast %get3A_232 : vector<1x1x1024x128xf32> to vector<1024x128xf32>
    %slice3A_234 = vector.extract_strided_slice %get3A_233 {offsets = [0, 0], sizes = [1024, 64], strides = [1, 1]} : vector<1024x128xf32> to vector<1024x64xf32>
    %slice3A_235 = vector.extract_strided_slice %get3A_233 {offsets = [0, 64], sizes = [1024, 3], strides = [1, 1]} : vector<1024x128xf32> to vector<1024x3xf32>
    %sub3A_236 = arith.subf %slice3A_235, %slice3A : vector<1024x3xf32>
    %mul3A_237 = arith.mulf %sub3A_236, %sub3A_236 : vector<1024x3xf32>
    %reduce_sum3A_238 = arith.constant dense<0.000000e+00> : vector<1024xf32>
    %reduce_sum3A_239 = vector.multi_reduction <add>, %mul3A_237, %reduce_sum3A_238 [1] : vector<1024x3xf32> to vector<1024xf32>
    %broadcast_in_dim3A_240 = vector.shape_cast %reduce_sum3A_239 : vector<1024xf32> to vector<1024x1xf32>
    %add3A_241 = arith.constant 9.99999968E-21 : f32
    %add3A_242 = vector.broadcast %add3A_241 : f32 to vector<1024x1xf32>
    %add3A_243 = arith.addf %broadcast_in_dim3A_240, %add3A_242 : vector<1024x1xf32>
    %sqrt3A_244 = math.sqrt %add3A_243 : vector<1024x1xf32>
    %concatenate3A_245 = tpu.concatenate %slice3A, %slice3A_235, %sub3A_236, %sqrt3A_244 in 1 : vector<1024x3xf32>, vector<1024x3xf32>, vector<1024x3xf32>, vector<1024x1xf32> -> vector<1024x10xf32>
    %get3A_246 = arith.constant 0 : index
    %get3A_247 = arith.constant 0 : index
    %get3A_248 = vector.load %arg5[%get3A_246, %get3A_247] : memref<10x128xf32, #tpu.memory_space<vmem>>, vector<10x128xf32>
    %dot_general3A_249 = arith.constant dense<0.000000e+00> : vector<1024x128xf32>
    %dot_general3A_250 = tpu.matmul %concatenate3A_245, %get3A_248, %dot_general3A_249 {dimension_numbers = #tpu.dot_dimension_numbers<[1], [0], [0], [1], [0, 0, 1, 1], [], []>, transpose_lhs_hint = false} : vector<1024x10xf32>, vector<10x128xf32>, vector<1024x128xf32> -> vector<1024x128xf32>
    %get3A_251 = arith.constant 0 : index
    %get3A_252 = arith.constant 0 : index
    %get3A_253 = vector.load %arg6[%get3A_251, %get3A_252] : memref<64x128xf32, #tpu.memory_space<vmem>>, vector<64x128xf32>
    %dot_general3A_254 = arith.constant dense<0.000000e+00> : vector<1024x128xf32>
    %dot_general3A_255 = tpu.matmul %get3A_12, %get3A_253, %dot_general3A_254 {dimension_numbers = #tpu.dot_dimension_numbers<[1], [0], [0], [1], [0, 0, 1, 1], [], []>, transpose_lhs_hint = false} : vector<1024x64xf32>, vector<64x128xf32>, vector<1024x128xf32> -> vector<1024x128xf32>
    %add3A_256 = arith.addf %dot_general3A_250, %dot_general3A_255 : vector<1024x128xf32>
    %get3A_257 = arith.constant 0 : index
    %get3A_258 = arith.constant 0 : index
    %get3A_259 = vector.load %arg7[%get3A_257, %get3A_258] : memref<64x128xf32, #tpu.memory_space<vmem>>, vector<64x128xf32>
    %dot_general3A_260 = arith.constant dense<0.000000e+00> : vector<1024x128xf32>
    %dot_general3A_261 = tpu.matmul %slice3A_234, %get3A_259, %dot_general3A_260 {dimension_numbers = #tpu.dot_dimension_numbers<[1], [0], [0], [1], [0, 0, 1, 1], [], []>, transpose_lhs_hint = false} : vector<1024x64xf32>, vector<64x128xf32>, vector<1024x128xf32> -> vector<1024x128xf32>
    %add3A_262 = arith.addf %add3A_256, %dot_general3A_261 : vector<1024x128xf32>
    %get3A_263 = arith.constant 0 : index
    %get3A_264 = arith.constant 0 : index
    %get3A_265 = vector.load %arg8[%get3A_263, %get3A_264] : memref<10x64xf32, #tpu.memory_space<vmem>>, vector<10x64xf32>
    %dot_general3A_266 = arith.constant dense<0.000000e+00> : vector<1024x64xf32>
    %dot_general3A_267 = tpu.matmul %concatenate3A_245, %get3A_265, %dot_general3A_266 {dimension_numbers = #tpu.dot_dimension_numbers<[1], [0], [0], [1], [0, 0, 1, 1], [], []>, transpose_lhs_hint = false} : vector<1024x10xf32>, vector<10x64xf32>, vector<1024x64xf32> -> vector<1024x64xf32>
    %swap3A_268 = arith.constant 0 : index
    %swap3A_269 = arith.constant 3 : index
    %swap3A_270 = arith.constant 0 : index
    %swap3A_271 = arith.constant 0 : index
    %swap3A_272 = vector.load %arg9[%swap3A_268, %swap3A_269, %swap3A_270, %swap3A_271] : memref<1x6x1024x128xf32, #tpu.memory_space<vmem>>, vector<1x1x1024x128xf32>
    %swap3A_273 = vector.shape_cast %swap3A_272 : vector<1x1x1024x128xf32> to vector<1024x128xf32>
    %swap3A_274 = vector.shape_cast %add3A_262 : vector<1024x128xf32> to vector<1x1x1024x128xf32>
    tpu.vector_store %arg9[%swap3A_268, %swap3A_269, %swap3A_270, %swap3A_271], %swap3A_274 {strides = array<i32>} : memref<1x6x1024x128xf32, #tpu.memory_space<vmem>>, vector<1x1x1024x128xf32>,
    %swap3A_275 = arith.constant 0 : index
    %swap3A_276 = arith.constant 3 : index
    %swap3A_277 = arith.constant 0 : index
    %swap3A_278 = arith.constant 0 : index
    %swap3A_279 = vector.load %arg10[%swap3A_275, %swap3A_276, %swap3A_277, %swap3A_278] : memref<1x6x1024x64xf32, #tpu.memory_space<vmem>>, vector<1x1x1024x64xf32>
    %swap3A_280 = vector.shape_cast %swap3A_279 : vector<1x1x1024x64xf32> to vector<1024x64xf32>
    %swap3A_281 = vector.shape_cast %dot_general3A_267 : vector<1024x64xf32> to vector<1x1x1024x64xf32>
    tpu.vector_store %arg10[%swap3A_275, %swap3A_276, %swap3A_277, %swap3A_278], %swap3A_281 {strides = array<i32>} : memref<1x6x1024x64xf32, #tpu.memory_space<vmem>>, vector<1x1x1024x64xf32>,
    %reduce_sum3A_282 = arith.constant dense<0.000000e+00> : vector<128xf32>
    %reduce_sum3A_283 = vector.multi_reduction <add>, %add3A_262, %reduce_sum3A_282 [0] : vector<1024x128xf32> to vector<128xf32>
    %broadcast_in_dim3A_284 = vector.shape_cast %reduce_sum3A_283 : vector<128xf32> to vector<1x128xf32>
    %add3A_285 = arith.addf %add3A_213, %broadcast_in_dim3A_284 : vector<1x128xf32>
    %mul3A_286 = arith.mulf %add3A_262, %add3A_262 : vector<1024x128xf32>
    %reduce_sum3A_287 = arith.constant dense<0.000000e+00> : vector<128xf32>
    %reduce_sum3A_288 = vector.multi_reduction <add>, %mul3A_286, %reduce_sum3A_287 [0] : vector<1024x128xf32> to vector<128xf32>
    %broadcast_in_dim3A_289 = vector.shape_cast %reduce_sum3A_288 : vector<128xf32> to vector<1x128xf32>
    %add3A_290 = arith.addf %add3A_218, %broadcast_in_dim3A_289 : vector<1x128xf32>
    %reduce_sum3A_291 = arith.constant dense<0.000000e+00> : vector<64xf32>
    %reduce_sum3A_292 = vector.multi_reduction <add>, %dot_general3A_267, %reduce_sum3A_291 [0] : vector<1024x64xf32> to vector<64xf32>
    %broadcast_in_dim3A_293 = vector.shape_cast %reduce_sum3A_292 : vector<64xf32> to vector<1x64xf32>
    %add3A_294 = arith.addf %add3A_222, %broadcast_in_dim3A_293 : vector<1x64xf32>
    %mul3A_295 = arith.mulf %dot_general3A_267, %dot_general3A_267 : vector<1024x64xf32>
    %reduce_sum3A_296 = arith.constant dense<0.000000e+00> : vector<64xf32>
    %reduce_sum3A_297 = vector.multi_reduction <add>, %mul3A_295, %reduce_sum3A_296 [0] : vector<1024x64xf32> to vector<64xf32>
    %broadcast_in_dim3A_298 = vector.shape_cast %reduce_sum3A_297 : vector<64xf32> to vector<1x64xf32>
    %add3A_299 = arith.addf %add3A_227, %broadcast_in_dim3A_298 : vector<1x64xf32>
    %get3A_300 = arith.constant 0 : index
    %get3A_301 = arith.constant 4 : index
    %get3A_302 = arith.constant 0 : index
    %get3A_303 = arith.constant 0 : index
    %get3A_304 = vector.load %arg4[%get3A_300, %get3A_301, %get3A_302, %get3A_303] : memref<1x6x1024x128xf32, #tpu.memory_space<vmem>>, vector<1x1x1024x128xf32>
    %get3A_305 = vector.shape_cast %get3A_304 : vector<1x1x1024x128xf32> to vector<1024x128xf32>
    %slice3A_306 = vector.extract_strided_slice %get3A_305 {offsets = [0, 0], sizes = [1024, 64], strides = [1, 1]} : vector<1024x128xf32> to vector<1024x64xf32>
    %slice3A_307 = vector.extract_strided_slice %get3A_305 {offsets = [0, 64], sizes = [1024, 3], strides = [1, 1]} : vector<1024x128xf32> to vector<1024x3xf32>
    %sub3A_308 = arith.subf %slice3A_307, %slice3A : vector<1024x3xf32>
    %mul3A_309 = arith.mulf %sub3A_308, %sub3A_308 : vector<1024x3xf32>
    %reduce_sum3A_310 = arith.constant dense<0.000000e+00> : vector<1024xf32>
    %reduce_sum3A_311 = vector.multi_reduction <add>, %mul3A_309, %reduce_sum3A_310 [1] : vector<1024x3xf32> to vector<1024xf32>
    %broadcast_in_dim3A_312 = vector.shape_cast %reduce_sum3A_311 : vector<1024xf32> to vector<1024x1xf32>
    %add3A_313 = arith.constant 9.99999968E-21 : f32
    %add3A_314 = vector.broadcast %add3A_313 : f32 to vector<1024x1xf32>
    %add3A_315 = arith.addf %broadcast_in_dim3A_312, %add3A_314 : vector<1024x1xf32>
    %sqrt3A_316 = math.sqrt %add3A_315 : vector<1024x1xf32>
    %concatenate3A_317 = tpu.concatenate %slice3A, %slice3A_307, %sub3A_308, %sqrt3A_316 in 1 : vector<1024x3xf32>, vector<1024x3xf32>, vector<1024x3xf32>, vector<1024x1xf32> -> vector<1024x10xf32>
    %get3A_318 = arith.constant 0 : index
    %get3A_319 = arith.constant 0 : index
    %get3A_320 = vector.load %arg5[%get3A_318, %get3A_319] : memref<10x128xf32, #tpu.memory_space<vmem>>, vector<10x128xf32>
    %dot_general3A_321 = arith.constant dense<0.000000e+00> : vector<1024x128xf32>
    %dot_general3A_322 = tpu.matmul %concatenate3A_317, %get3A_320, %dot_general3A_321 {dimension_numbers = #tpu.dot_dimension_numbers<[1], [0], [0], [1], [0, 0, 1, 1], [], []>, transpose_lhs_hint = false} : vector<1024x10xf32>, vector<10x128xf32>, vector<1024x128xf32> -> vector<1024x128xf32>
    %get3A_323 = arith.constant 0 : index
    %get3A_324 = arith.constant 0 : index
    %get3A_325 = vector.load %arg6[%get3A_323, %get3A_324] : memref<64x128xf32, #tpu.memory_space<vmem>>, vector<64x128xf32>
    %dot_general3A_326 = arith.constant dense<0.000000e+00> : vector<1024x128xf32>
    %dot_general3A_327 = tpu.matmul %get3A_12, %get3A_325, %dot_general3A_326 {dimension_numbers = #tpu.dot_dimension_numbers<[1], [0], [0], [1], [0, 0, 1, 1], [], []>, transpose_lhs_hint = false} : vector<1024x64xf32>, vector<64x128xf32>, vector<1024x128xf32> -> vector<1024x128xf32>
    %add3A_328 = arith.addf %dot_general3A_322, %dot_general3A_327 : vector<1024x128xf32>
    %get3A_329 = arith.constant 0 : index
    %get3A_330 = arith.constant 0 : index
    %get3A_331 = vector.load %arg7[%get3A_329, %get3A_330] : memref<64x128xf32, #tpu.memory_space<vmem>>, vector<64x128xf32>
    %dot_general3A_332 = arith.constant dense<0.000000e+00> : vector<1024x128xf32>
    %dot_general3A_333 = tpu.matmul %slice3A_306, %get3A_331, %dot_general3A_332 {dimension_numbers = #tpu.dot_dimension_numbers<[1], [0], [0], [1], [0, 0, 1, 1], [], []>, transpose_lhs_hint = false} : vector<1024x64xf32>, vector<64x128xf32>, vector<1024x128xf32> -> vector<1024x128xf32>
    %add3A_334 = arith.addf %add3A_328, %dot_general3A_333 : vector<1024x128xf32>
    %get3A_335 = arith.constant 0 : index
    %get3A_336 = arith.constant 0 : index
    %get3A_337 = vector.load %arg8[%get3A_335, %get3A_336] : memref<10x64xf32, #tpu.memory_space<vmem>>, vector<10x64xf32>
    %dot_general3A_338 = arith.constant dense<0.000000e+00> : vector<1024x64xf32>
    %dot_general3A_339 = tpu.matmul %concatenate3A_317, %get3A_337, %dot_general3A_338 {dimension_numbers = #tpu.dot_dimension_numbers<[1], [0], [0], [1], [0, 0, 1, 1], [], []>, transpose_lhs_hint = false} : vector<1024x10xf32>, vector<10x64xf32>, vector<1024x64xf32> -> vector<1024x64xf32>
    %swap3A_340 = arith.constant 0 : index
    %swap3A_341 = arith.constant 4 : index
    %swap3A_342 = arith.constant 0 : index
    %swap3A_343 = arith.constant 0 : index
    %swap3A_344 = vector.load %arg9[%swap3A_340, %swap3A_341, %swap3A_342, %swap3A_343] : memref<1x6x1024x128xf32, #tpu.memory_space<vmem>>, vector<1x1x1024x128xf32>
    %swap3A_345 = vector.shape_cast %swap3A_344 : vector<1x1x1024x128xf32> to vector<1024x128xf32>
    %swap3A_346 = vector.shape_cast %add3A_334 : vector<1024x128xf32> to vector<1x1x1024x128xf32>
    tpu.vector_store %arg9[%swap3A_340, %swap3A_341, %swap3A_342, %swap3A_343], %swap3A_346 {strides = array<i32>} : memref<1x6x1024x128xf32, #tpu.memory_space<vmem>>, vector<1x1x1024x128xf32>,
    %swap3A_347 = arith.constant 0 : index
    %swap3A_348 = arith.constant 4 : index
    %swap3A_349 = arith.constant 0 : index
    %swap3A_350 = arith.constant 0 : index
    %swap3A_351 = vector.load %arg10[%swap3A_347, %swap3A_348, %swap3A_349, %swap3A_350] : memref<1x6x1024x64xf32, #tpu.memory_space<vmem>>, vector<1x1x1024x64xf32>
    %swap3A_352 = vector.shape_cast %swap3A_351 : vector<1x1x1024x64xf32> to vector<1024x64xf32>
    %swap3A_353 = vector.shape_cast %dot_general3A_339 : vector<1024x64xf32> to vector<1x1x1024x64xf32>
    tpu.vector_store %arg10[%swap3A_347, %swap3A_348, %swap3A_349, %swap3A_350], %swap3A_353 {strides = array<i32>} : memref<1x6x1024x64xf32, #tpu.memory_space<vmem>>, vector<1x1x1024x64xf32>,
    %reduce_sum3A_354 = arith.constant dense<0.000000e+00> : vector<128xf32>
    %reduce_sum3A_355 = vector.multi_reduction <add>, %add3A_334, %reduce_sum3A_354 [0] : vector<1024x128xf32> to vector<128xf32>
    %broadcast_in_dim3A_356 = vector.shape_cast %reduce_sum3A_355 : vector<128xf32> to vector<1x128xf32>
    %add3A_357 = arith.addf %add3A_285, %broadcast_in_dim3A_356 : vector<1x128xf32>
    %mul3A_358 = arith.mulf %add3A_334, %add3A_334 : vector<1024x128xf32>
    %reduce_sum3A_359 = arith.constant dense<0.000000e+00> : vector<128xf32>
    %reduce_sum3A_360 = vector.multi_reduction <add>, %mul3A_358, %reduce_sum3A_359 [0] : vector<1024x128xf32> to vector<128xf32>
    %broadcast_in_dim3A_361 = vector.shape_cast %reduce_sum3A_360 : vector<128xf32> to vector<1x128xf32>
    %add3A_362 = arith.addf %add3A_290, %broadcast_in_dim3A_361 : vector<1x128xf32>
    %reduce_sum3A_363 = arith.constant dense<0.000000e+00> : vector<64xf32>
    %reduce_sum3A_364 = vector.multi_reduction <add>, %dot_general3A_339, %reduce_sum3A_363 [0] : vector<1024x64xf32> to vector<64xf32>
    %broadcast_in_dim3A_365 = vector.shape_cast %reduce_sum3A_364 : vector<64xf32> to vector<1x64xf32>
    %add3A_366 = arith.addf %add3A_294, %broadcast_in_dim3A_365 : vector<1x64xf32>
    %mul3A_367 = arith.mulf %dot_general3A_339, %dot_general3A_339 : vector<1024x64xf32>
    %reduce_sum3A_368 = arith.constant dense<0.000000e+00> : vector<64xf32>
    %reduce_sum3A_369 = vector.multi_reduction <add>, %mul3A_367, %reduce_sum3A_368 [0] : vector<1024x64xf32> to vector<64xf32>
    %broadcast_in_dim3A_370 = vector.shape_cast %reduce_sum3A_369 : vector<64xf32> to vector<1x64xf32>
    %add3A_371 = arith.addf %add3A_299, %broadcast_in_dim3A_370 : vector<1x64xf32>
    %get3A_372 = arith.constant 0 : index
    %get3A_373 = arith.constant 5 : index
    %get3A_374 = arith.constant 0 : index
    %get3A_375 = arith.constant 0 : index
    %get3A_376 = vector.load %arg4[%get3A_372, %get3A_373, %get3A_374, %get3A_375] : memref<1x6x1024x128xf32, #tpu.memory_space<vmem>>, vector<1x1x1024x128xf32>
    %get3A_377 = vector.shape_cast %get3A_376 : vector<1x1x1024x128xf32> to vector<1024x128xf32>
    %slice3A_378 = vector.extract_strided_slice %get3A_377 {offsets = [0, 0], sizes = [1024, 64], strides = [1, 1]} : vector<1024x128xf32> to vector<1024x64xf32>
    %slice3A_379 = vector.extract_strided_slice %get3A_377 {offsets = [0, 64], sizes = [1024, 3], strides = [1, 1]} : vector<1024x128xf32> to vector<1024x3xf32>
    %sub3A_380 = arith.subf %slice3A_379, %slice3A : vector<1024x3xf32>
    %mul3A_381 = arith.mulf %sub3A_380, %sub3A_380 : vector<1024x3xf32>
    %reduce_sum3A_382 = arith.constant dense<0.000000e+00> : vector<1024xf32>
    %reduce_sum3A_383 = vector.multi_reduction <add>, %mul3A_381, %reduce_sum3A_382 [1] : vector<1024x3xf32> to vector<1024xf32>
    %broadcast_in_dim3A_384 = vector.shape_cast %reduce_sum3A_383 : vector<1024xf32> to vector<1024x1xf32>
    %add3A_385 = arith.constant 9.99999968E-21 : f32
    %add3A_386 = vector.broadcast %add3A_385 : f32 to vector<1024x1xf32>
    %add3A_387 = arith.addf %broadcast_in_dim3A_384, %add3A_386 : vector<1024x1xf32>
    %sqrt3A_388 = math.sqrt %add3A_387 : vector<1024x1xf32>
    %concatenate3A_389 = tpu.concatenate %slice3A, %slice3A_379, %sub3A_380, %sqrt3A_388 in 1 : vector<1024x3xf32>, vector<1024x3xf32>, vector<1024x3xf32>, vector<1024x1xf32> -> vector<1024x10xf32>
    %get3A_390 = arith.constant 0 : index
    %get3A_391 = arith.constant 0 : index
    %get3A_392 = vector.load %arg5[%get3A_390, %get3A_391] : memref<10x128xf32, #tpu.memory_space<vmem>>, vector<10x128xf32>
    %dot_general3A_393 = arith.constant dense<0.000000e+00> : vector<1024x128xf32>
    %dot_general3A_394 = tpu.matmul %concatenate3A_389, %get3A_392, %dot_general3A_393 {dimension_numbers = #tpu.dot_dimension_numbers<[1], [0], [0], [1], [0, 0, 1, 1], [], []>, transpose_lhs_hint = false} : vector<1024x10xf32>, vector<10x128xf32>, vector<1024x128xf32> -> vector<1024x128xf32>
    %get3A_395 = arith.constant 0 : index
    %get3A_396 = arith.constant 0 : index
    %get3A_397 = vector.load %arg6[%get3A_395, %get3A_396] : memref<64x128xf32, #tpu.memory_space<vmem>>, vector<64x128xf32>
    %dot_general3A_398 = arith.constant dense<0.000000e+00> : vector<1024x128xf32>
    %dot_general3A_399 = tpu.matmul %get3A_12, %get3A_397, %dot_general3A_398 {dimension_numbers = #tpu.dot_dimension_numbers<[1], [0], [0], [1], [0, 0, 1, 1], [], []>, transpose_lhs_hint = false} : vector<1024x64xf32>, vector<64x128xf32>, vector<1024x128xf32> -> vector<1024x128xf32>
    %add3A_400 = arith.addf %dot_general3A_394, %dot_general3A_399 : vector<1024x128xf32>
    %get3A_401 = arith.constant 0 : index
    %get3A_402 = arith.constant 0 : index
    %get3A_403 = vector.load %arg7[%get3A_401, %get3A_402] : memref<64x128xf32, #tpu.memory_space<vmem>>, vector<64x128xf32>
    %dot_general3A_404 = arith.constant dense<0.000000e+00> : vector<1024x128xf32>
    %dot_general3A_405 = tpu.matmul %slice3A_378, %get3A_403, %dot_general3A_404 {dimension_numbers = #tpu.dot_dimension_numbers<[1], [0], [0], [1], [0, 0, 1, 1], [], []>, transpose_lhs_hint = false} : vector<1024x64xf32>, vector<64x128xf32>, vector<1024x128xf32> -> vector<1024x128xf32>
    %add3A_406 = arith.addf %add3A_400, %dot_general3A_405 : vector<1024x128xf32>
    %get3A_407 = arith.constant 0 : index
    %get3A_408 = arith.constant 0 : index
    %get3A_409 = vector.load %arg8[%get3A_407, %get3A_408] : memref<10x64xf32, #tpu.memory_space<vmem>>, vector<10x64xf32>
    %dot_general3A_410 = arith.constant dense<0.000000e+00> : vector<1024x64xf32>
    %dot_general3A_411 = tpu.matmul %concatenate3A_389, %get3A_409, %dot_general3A_410 {dimension_numbers = #tpu.dot_dimension_numbers<[1], [0], [0], [1], [0, 0, 1, 1], [], []>, transpose_lhs_hint = false} : vector<1024x10xf32>, vector<10x64xf32>, vector<1024x64xf32> -> vector<1024x64xf32>
    %swap3A_412 = arith.constant 0 : index
    %swap3A_413 = arith.constant 5 : index
    %swap3A_414 = arith.constant 0 : index
    %swap3A_415 = arith.constant 0 : index
    %swap3A_416 = vector.load %arg9[%swap3A_412, %swap3A_413, %swap3A_414, %swap3A_415] : memref<1x6x1024x128xf32, #tpu.memory_space<vmem>>, vector<1x1x1024x128xf32>
    %swap3A_417 = vector.shape_cast %swap3A_416 : vector<1x1x1024x128xf32> to vector<1024x128xf32>
    %swap3A_418 = vector.shape_cast %add3A_406 : vector<1024x128xf32> to vector<1x1x1024x128xf32>
    tpu.vector_store %arg9[%swap3A_412, %swap3A_413, %swap3A_414, %swap3A_415], %swap3A_418 {strides = array<i32>} : memref<1x6x1024x128xf32, #tpu.memory_space<vmem>>, vector<1x1x1024x128xf32>,
    %swap3A_419 = arith.constant 0 : index
    %swap3A_420 = arith.constant 5 : index
    %swap3A_421 = arith.constant 0 : index
    %swap3A_422 = arith.constant 0 : index
    %swap3A_423 = vector.load %arg10[%swap3A_419, %swap3A_420, %swap3A_421, %swap3A_422] : memref<1x6x1024x64xf32, #tpu.memory_space<vmem>>, vector<1x1x1024x64xf32>
    %swap3A_424 = vector.shape_cast %swap3A_423 : vector<1x1x1024x64xf32> to vector<1024x64xf32>
    %swap3A_425 = vector.shape_cast %dot_general3A_411 : vector<1024x64xf32> to vector<1x1x1024x64xf32>
    tpu.vector_store %arg10[%swap3A_419, %swap3A_420, %swap3A_421, %swap3A_422], %swap3A_425 {strides = array<i32>} : memref<1x6x1024x64xf32, #tpu.memory_space<vmem>>, vector<1x1x1024x64xf32>,
    %reduce_sum3A_426 = arith.constant dense<0.000000e+00> : vector<128xf32>
    %reduce_sum3A_427 = vector.multi_reduction <add>, %add3A_406, %reduce_sum3A_426 [0] : vector<1024x128xf32> to vector<128xf32>
    %broadcast_in_dim3A_428 = vector.shape_cast %reduce_sum3A_427 : vector<128xf32> to vector<1x128xf32>
    %add3A_429 = arith.addf %add3A_357, %broadcast_in_dim3A_428 : vector<1x128xf32>
    %mul3A_430 = arith.mulf %add3A_406, %add3A_406 : vector<1024x128xf32>
    %reduce_sum3A_431 = arith.constant dense<0.000000e+00> : vector<128xf32>
    %reduce_sum3A_432 = vector.multi_reduction <add>, %mul3A_430, %reduce_sum3A_431 [0] : vector<1024x128xf32> to vector<128xf32>
    %broadcast_in_dim3A_433 = vector.shape_cast %reduce_sum3A_432 : vector<128xf32> to vector<1x128xf32>
    %add3A_434 = arith.addf %add3A_362, %broadcast_in_dim3A_433 : vector<1x128xf32>
    %reduce_sum3A_435 = arith.constant dense<0.000000e+00> : vector<64xf32>
    %reduce_sum3A_436 = vector.multi_reduction <add>, %dot_general3A_411, %reduce_sum3A_435 [0] : vector<1024x64xf32> to vector<64xf32>
    %broadcast_in_dim3A_437 = vector.shape_cast %reduce_sum3A_436 : vector<64xf32> to vector<1x64xf32>
    %add3A_438 = arith.addf %add3A_366, %broadcast_in_dim3A_437 : vector<1x64xf32>
    %mul3A_439 = arith.mulf %dot_general3A_411, %dot_general3A_411 : vector<1024x64xf32>
    %reduce_sum3A_440 = arith.constant dense<0.000000e+00> : vector<64xf32>
    %reduce_sum3A_441 = vector.multi_reduction <add>, %mul3A_439, %reduce_sum3A_440 [0] : vector<1024x64xf32> to vector<64xf32>
    %broadcast_in_dim3A_442 = vector.shape_cast %reduce_sum3A_441 : vector<64xf32> to vector<1x64xf32>
    %add3A_443 = arith.addf %add3A_371, %broadcast_in_dim3A_442 : vector<1x64xf32>
    %get3A_444 = arith.constant 0 : index
    %get3A_445 = arith.constant 0 : index
    %get3A_446 = vector.load %arg11[%get3A_444, %get3A_445] : memref<8x128xf32, #tpu.memory_space<vmem>>, vector<1x128xf32>
    %add3A_447 = arith.addf %get3A_446, %add3A_429 : vector<1x128xf32>
    %swap3A_448 = arith.constant 0 : index
    %swap3A_449 = arith.constant 0 : index
    %swap3A_450 = vector.load %arg11[%swap3A_448, %swap3A_449] : memref<8x128xf32, #tpu.memory_space<vmem>>, vector<1x128xf32>
    tpu.vector_store %arg11[%swap3A_448, %swap3A_449], %add3A_447 {strides = array<i32>} : memref<8x128xf32, #tpu.memory_space<vmem>>, vector<1x128xf32>,
    %get3A_451 = arith.constant 1 : index
    %get3A_452 = arith.constant 0 : index
    %get3A_453 = vector.load %arg11[%get3A_451, %get3A_452] : memref<8x128xf32, #tpu.memory_space<vmem>>, vector<1x128xf32>
    %add3A_454 = arith.addf %get3A_453, %add3A_434 : vector<1x128xf32>
    %swap3A_455 = arith.constant 1 : index
    %swap3A_456 = arith.constant 0 : index
    %swap3A_457 = vector.load %arg11[%swap3A_455, %swap3A_456] : memref<8x128xf32, #tpu.memory_space<vmem>>, vector<1x128xf32>
    tpu.vector_store %arg11[%swap3A_455, %swap3A_456], %add3A_454 {strides = array<i32>} : memref<8x128xf32, #tpu.memory_space<vmem>>, vector<1x128xf32>,
    %get3A_458 = arith.constant 0 : index
    %get3A_459 = arith.constant 0 : index
    %get3A_460 = vector.load %arg12[%get3A_458, %get3A_459] : memref<8x64xf32, #tpu.memory_space<vmem>>, vector<1x64xf32>
    %add3A_461 = arith.addf %get3A_460, %add3A_438 : vector<1x64xf32>
    %swap3A_462 = arith.constant 0 : index
    %swap3A_463 = arith.constant 0 : index
    %swap3A_464 = vector.load %arg12[%swap3A_462, %swap3A_463] : memref<8x64xf32, #tpu.memory_space<vmem>>, vector<1x64xf32>
    tpu.vector_store %arg12[%swap3A_462, %swap3A_463], %add3A_461 {strides = array<i32>} : memref<8x64xf32, #tpu.memory_space<vmem>>, vector<1x64xf32>,
    %get3A_465 = arith.constant 1 : index
    %get3A_466 = arith.constant 0 : index
    %get3A_467 = vector.load %arg12[%get3A_465, %get3A_466] : memref<8x64xf32, #tpu.memory_space<vmem>>, vector<1x64xf32>
    %add3A_468 = arith.addf %get3A_467, %add3A_443 : vector<1x64xf32>
    %swap3A_469 = arith.constant 1 : index
    %swap3A_470 = arith.constant 0 : index
    %swap3A_471 = vector.load %arg12[%swap3A_469, %swap3A_470] : memref<8x64xf32, #tpu.memory_space<vmem>>, vector<1x64xf32>
    tpu.vector_store %arg12[%swap3A_469, %swap3A_470], %add3A_468 {strides = array<i32>} : memref<8x64xf32, #tpu.memory_space<vmem>>, vector<1x64xf32>,
    return
  }
  func.func @transform_0(%arg0: i32, %arg1: i32) -> (i32, i32, i32) {
    %c0_i32 = arith.constant 0 : i32
    %c0_i32_0 = arith.constant 0 : i32
    return %arg0, %arg1, %c0_i32 : i32, i32, i32
  }
  func.func @transform_1(%arg0: i32, %arg1: i32) -> (i32, i32, i32) {
    %c0_i32 = arith.constant 0 : i32
    %c0_i32_0 = arith.constant 0 : i32
    return %arg0, %arg1, %c0_i32 : i32, i32, i32
  }
  func.func @transform_2(%arg0: i32, %arg1: i32) -> (i32, i32, i32, i32) {
    %c0_i32 = arith.constant 0 : i32
    %c0_i32_0 = arith.constant 0 : i32
    %c0_i32_1 = arith.constant 0 : i32
    return %arg0, %c0_i32, %arg1, %c0_i32_0 : i32, i32, i32, i32
  }
  func.func @transform_3(%arg0: i32, %arg1: i32) -> (i32, i32) {
    %c0_i32 = arith.constant 0 : i32
    %c0_i32_0 = arith.constant 0 : i32
    %c0_i32_1 = arith.constant 0 : i32
    return %c0_i32, %c0_i32_0 : i32, i32
  }
  func.func @transform_4(%arg0: i32, %arg1: i32) -> (i32, i32) {
    %c0_i32 = arith.constant 0 : i32
    %c0_i32_0 = arith.constant 0 : i32
    %c0_i32_1 = arith.constant 0 : i32
    return %c0_i32, %c0_i32_0 : i32, i32
  }
  func.func @transform_5(%arg0: i32, %arg1: i32) -> (i32, i32) {
    %c0_i32 = arith.constant 0 : i32
    %c0_i32_0 = arith.constant 0 : i32
    %c0_i32_1 = arith.constant 0 : i32
    return %c0_i32, %c0_i32_0 : i32, i32
  }
  func.func @transform_6(%arg0: i32, %arg1: i32) -> (i32, i32) {
    %c0_i32 = arith.constant 0 : i32
    %c0_i32_0 = arith.constant 0 : i32
    %c0_i32_1 = arith.constant 0 : i32
    return %c0_i32, %c0_i32_0 : i32, i32
  }
  func.func @transform_7(%arg0: i32, %arg1: i32) -> (i32, i32, i32, i32) {
    %c0_i32 = arith.constant 0 : i32
    %c0_i32_0 = arith.constant 0 : i32
    %c0_i32_1 = arith.constant 0 : i32
    return %arg0, %c0_i32, %arg1, %c0_i32_0 : i32, i32, i32, i32
  }
  func.func @transform_8(%arg0: i32, %arg1: i32) -> (i32, i32, i32, i32) {
    %c0_i32 = arith.constant 0 : i32
    %c0_i32_0 = arith.constant 0 : i32
    %c0_i32_1 = arith.constant 0 : i32
    return %arg0, %c0_i32, %arg1, %c0_i32_0 : i32, i32, i32, i32
  }
  func.func @transform_9(%arg0: i32, %arg1: i32) -> (i32, i32) {
    %c0_i32 = arith.constant 0 : i32
    %c0_i32_0 = arith.constant 0 : i32
    %c0_i32_1 = arith.constant 0 : i32
    return %c0_i32, %c0_i32_0 : i32, i32
  }
  func.func @transform_10(%arg0: i32, %arg1: i32) -> (i32, i32) {
    %c0_i32 = arith.constant 0 : i32
    %c0_i32_0 = arith.constant 0 : i32
    %c0_i32_1 = arith.constant 0 : i32
    return %c0_i32, %c0_i32_0 : i32, i32
  }
}

module attributes {stable_mosaic.version = 14 : i64} {
  func.func @_layer_body(%arg0: i32, %arg1: i32, %arg2: memref<1x6x1024x64xf32, #tpu.memory_space<vmem>>, %arg3: memref<8x64xf32, #tpu.memory_space<vmem>>, %arg4: memref<8x64xf32, #tpu.memory_space<vmem>>, %arg5: memref<64x64xf32, #tpu.memory_space<vmem>>, %arg6: memref<1x6x1024x64xf32, #tpu.memory_space<vmem>>, %arg7: memref<8x64xf32, #tpu.memory_space<vmem>>) attributes {dimension_semantics = [#tpu.dimension_semantics<arbitrary>, #tpu.dimension_semantics<arbitrary>], iteration_bounds = array<i64: 2, 4>, scalar_prefetch = 0 : i64, scratch_operands = 0 : i64, tpu.core_type = #tpu.core_type<tc>, window_params = [{transform_indices = @transform_0, window_bounds = array<i64: 1, 6, 1024, 64>}, {pipeline_mode = #tpu.pipeline_mode<synchronous>, transform_indices = @transform_1, window_bounds = array<i64: 8, 64>}, {pipeline_mode = #tpu.pipeline_mode<synchronous>, transform_indices = @transform_2, window_bounds = array<i64: 8, 64>}, {pipeline_mode = #tpu.pipeline_mode<synchronous>, transform_indices = @transform_3, window_bounds = array<i64: 64, 64>}, {transform_indices = @transform_4, window_bounds = array<i64: 1, 6, 1024, 64>}, {pipeline_mode = #tpu.pipeline_mode<synchronous>, transform_indices = @transform_5, window_bounds = array<i64: 8, 64>}]} {
    %eq3A = arith.constant 0 : i32
    %eq3A_0 = arith.cmpi eq, %arg0, %eq3A : i32
    %eq3A_1 = arith.constant 0 : i32
    %eq3A_2 = arith.cmpi eq, %arg1, %eq3A_1 : i32
    %and3A = arith.andi %eq3A_0, %eq3A_2 : i1
    %convert_element_type3A = arith.extui %and3A : i1 to i32
    %cond3A = arith.constant 0 : i32
    %cond3A_3 = arith.cmpi ne, %convert_element_type3A, %cond3A : i32
    scf.if %cond3A_3 {
      %broadcast_in_dim3A_242 = arith.constant 0.000000e+00 : f32
      %broadcast_in_dim3A_243 = vector.broadcast %broadcast_in_dim3A_242 : f32 to vector<8x64xf32>
      %swap3A_244 = arith.constant 0 : index
      %swap3A_245 = arith.constant 0 : index
      %swap3A_246 = vector.load %arg7[%swap3A_244, %swap3A_245] : memref<8x64xf32, #tpu.memory_space<vmem>>, vector<8x64xf32>
      tpu.vector_store %arg7[%swap3A_244, %swap3A_245], %broadcast_in_dim3A_243 {strides = array<i32>} : memref<8x64xf32, #tpu.memory_space<vmem>>, vector<8x64xf32>,
    } else {
    }
    %get3A = arith.constant 0 : index
    %get3A_4 = arith.constant 0 : index
    %get3A_5 = vector.load %arg3[%get3A, %get3A_4] : memref<8x64xf32, #tpu.memory_space<vmem>>, vector<1x64xf32>
    %div3A = arith.constant 4.915200e+04 : f32
    %div3A_6 = vector.broadcast %div3A : f32 to vector<1x64xf32>
    %div3A_7 = arith.divf %get3A_5, %div3A_6 : vector<1x64xf32>
    %get3A_8 = arith.constant 1 : index
    %get3A_9 = arith.constant 0 : index
    %get3A_10 = vector.load %arg3[%get3A_8, %get3A_9] : memref<8x64xf32, #tpu.memory_space<vmem>>, vector<1x64xf32>
    %div3A_11 = arith.constant 4.915200e+04 : f32
    %div3A_12 = vector.broadcast %div3A_11 : f32 to vector<1x64xf32>
    %div3A_13 = arith.divf %get3A_10, %div3A_12 : vector<1x64xf32>
    %mul3A = arith.mulf %div3A_7, %div3A_7 : vector<1x64xf32>
    %sub3A = arith.subf %div3A_13, %mul3A : vector<1x64xf32>
    %get3A_14 = arith.constant 0 : index
    %get3A_15 = arith.constant 0 : index
    %get3A_16 = vector.load %arg4[%get3A_14, %get3A_15] : memref<8x64xf32, #tpu.memory_space<vmem>>, vector<1x64xf32>
    %add3A = arith.constant 9.99999974E-6 : f32
    %add3A_17 = vector.broadcast %add3A : f32 to vector<1x64xf32>
    %add3A_18 = arith.addf %sub3A, %add3A_17 : vector<1x64xf32>
    %sqrt3A = math.sqrt %add3A_18 : vector<1x64xf32>
    %div3A_19 = arith.divf %get3A_16, %sqrt3A : vector<1x64xf32>
    %get3A_20 = arith.constant 1 : index
    %get3A_21 = arith.constant 0 : index
    %get3A_22 = vector.load %arg4[%get3A_20, %get3A_21] : memref<8x64xf32, #tpu.memory_space<vmem>>, vector<1x64xf32>
    %mul3A_23 = arith.mulf %div3A_7, %div3A_19 : vector<1x64xf32>
    %sub3A_24 = arith.subf %get3A_22, %mul3A_23 : vector<1x64xf32>
    %broadcast_in_dim3A = arith.constant 0.000000e+00 : f32
    %broadcast_in_dim3A_25 = vector.broadcast %broadcast_in_dim3A : f32 to vector<1x64xf32>
    %broadcast_in_dim3A_26 = arith.constant 0.000000e+00 : f32
    %broadcast_in_dim3A_27 = vector.broadcast %broadcast_in_dim3A_26 : f32 to vector<1x64xf32>
    %get3A_28 = arith.constant 0 : index
    %get3A_29 = arith.constant 0 : index
    %get3A_30 = arith.constant 0 : index
    %get3A_31 = arith.constant 0 : index
    %get3A_32 = vector.load %arg2[%get3A_28, %get3A_29, %get3A_30, %get3A_31] : memref<1x6x1024x64xf32, #tpu.memory_space<vmem>>, vector<1x1x1024x64xf32>
    %get3A_33 = vector.shape_cast %get3A_32 : vector<1x1x1024x64xf32> to vector<1024x64xf32>
    %mul3A_34 = vector.broadcast %div3A_19 : vector<1x64xf32> to vector<1024x64xf32>
    %mul3A_35 = arith.mulf %get3A_33, %mul3A_34 : vector<1024x64xf32>
    %add3A_36 = vector.broadcast %sub3A_24 : vector<1x64xf32> to vector<1024x64xf32>
    %add3A_37 = arith.addf %mul3A_35, %add3A_36 : vector<1024x64xf32>
    %max3A = arith.constant 0.000000e+00 : f32
    %max3A_38 = vector.broadcast %max3A : f32 to vector<1024x64xf32>
    %max3A_39 = arith.maximumf %add3A_37, %max3A_38 : vector<1024x64xf32>
    %get3A_40 = arith.constant 0 : index
    %get3A_41 = arith.constant 0 : index
    %get3A_42 = vector.load %arg5[%get3A_40, %get3A_41] : memref<64x64xf32, #tpu.memory_space<vmem>>, vector<64x64xf32>
    %dot_general3A = arith.constant dense<0.000000e+00> : vector<1024x64xf32>
    %dot_general3A_43 = tpu.matmul %max3A_39, %get3A_42, %dot_general3A {dimension_numbers = #tpu.dot_dimension_numbers<[1], [0], [0], [1], [0, 0, 1, 1], [], []>, transpose_lhs_hint = false} : vector<1024x64xf32>, vector<64x64xf32>, vector<1024x64xf32> -> vector<1024x64xf32>
    %swap3A = arith.constant 0 : index
    %swap3A_44 = arith.constant 0 : index
    %swap3A_45 = arith.constant 0 : index
    %swap3A_46 = arith.constant 0 : index
    %swap3A_47 = vector.load %arg6[%swap3A, %swap3A_44, %swap3A_45, %swap3A_46] : memref<1x6x1024x64xf32, #tpu.memory_space<vmem>>, vector<1x1x1024x64xf32>
    %swap3A_48 = vector.shape_cast %swap3A_47 : vector<1x1x1024x64xf32> to vector<1024x64xf32>
    %swap3A_49 = vector.shape_cast %dot_general3A_43 : vector<1024x64xf32> to vector<1x1x1024x64xf32>
    tpu.vector_store %arg6[%swap3A, %swap3A_44, %swap3A_45, %swap3A_46], %swap3A_49 {strides = array<i32>} : memref<1x6x1024x64xf32, #tpu.memory_space<vmem>>, vector<1x1x1024x64xf32>,
    %reduce_sum3A = arith.constant dense<0.000000e+00> : vector<64xf32>
    %reduce_sum3A_50 = vector.multi_reduction <add>, %dot_general3A_43, %reduce_sum3A [0] : vector<1024x64xf32> to vector<64xf32>
    %broadcast_in_dim3A_51 = vector.shape_cast %reduce_sum3A_50 : vector<64xf32> to vector<1x64xf32>
    %add3A_52 = arith.addf %broadcast_in_dim3A_25, %broadcast_in_dim3A_51 : vector<1x64xf32>
    %mul3A_53 = arith.mulf %dot_general3A_43, %dot_general3A_43 : vector<1024x64xf32>
    %reduce_sum3A_54 = arith.constant dense<0.000000e+00> : vector<64xf32>
    %reduce_sum3A_55 = vector.multi_reduction <add>, %mul3A_53, %reduce_sum3A_54 [0] : vector<1024x64xf32> to vector<64xf32>
    %broadcast_in_dim3A_56 = vector.shape_cast %reduce_sum3A_55 : vector<64xf32> to vector<1x64xf32>
    %add3A_57 = arith.addf %broadcast_in_dim3A_27, %broadcast_in_dim3A_56 : vector<1x64xf32>
    %get3A_58 = arith.constant 0 : index
    %get3A_59 = arith.constant 1 : index
    %get3A_60 = arith.constant 0 : index
    %get3A_61 = arith.constant 0 : index
    %get3A_62 = vector.load %arg2[%get3A_58, %get3A_59, %get3A_60, %get3A_61] : memref<1x6x1024x64xf32, #tpu.memory_space<vmem>>, vector<1x1x1024x64xf32>
    %get3A_63 = vector.shape_cast %get3A_62 : vector<1x1x1024x64xf32> to vector<1024x64xf32>
    %mul3A_64 = vector.broadcast %div3A_19 : vector<1x64xf32> to vector<1024x64xf32>
    %mul3A_65 = arith.mulf %get3A_63, %mul3A_64 : vector<1024x64xf32>
    %add3A_66 = vector.broadcast %sub3A_24 : vector<1x64xf32> to vector<1024x64xf32>
    %add3A_67 = arith.addf %mul3A_65, %add3A_66 : vector<1024x64xf32>
    %max3A_68 = arith.constant 0.000000e+00 : f32
    %max3A_69 = vector.broadcast %max3A_68 : f32 to vector<1024x64xf32>
    %max3A_70 = arith.maximumf %add3A_67, %max3A_69 : vector<1024x64xf32>
    %get3A_71 = arith.constant 0 : index
    %get3A_72 = arith.constant 0 : index
    %get3A_73 = vector.load %arg5[%get3A_71, %get3A_72] : memref<64x64xf32, #tpu.memory_space<vmem>>, vector<64x64xf32>
    %dot_general3A_74 = arith.constant dense<0.000000e+00> : vector<1024x64xf32>
    %dot_general3A_75 = tpu.matmul %max3A_70, %get3A_73, %dot_general3A_74 {dimension_numbers = #tpu.dot_dimension_numbers<[1], [0], [0], [1], [0, 0, 1, 1], [], []>, transpose_lhs_hint = false} : vector<1024x64xf32>, vector<64x64xf32>, vector<1024x64xf32> -> vector<1024x64xf32>
    %swap3A_76 = arith.constant 0 : index
    %swap3A_77 = arith.constant 1 : index
    %swap3A_78 = arith.constant 0 : index
    %swap3A_79 = arith.constant 0 : index
    %swap3A_80 = vector.load %arg6[%swap3A_76, %swap3A_77, %swap3A_78, %swap3A_79] : memref<1x6x1024x64xf32, #tpu.memory_space<vmem>>, vector<1x1x1024x64xf32>
    %swap3A_81 = vector.shape_cast %swap3A_80 : vector<1x1x1024x64xf32> to vector<1024x64xf32>
    %swap3A_82 = vector.shape_cast %dot_general3A_75 : vector<1024x64xf32> to vector<1x1x1024x64xf32>
    tpu.vector_store %arg6[%swap3A_76, %swap3A_77, %swap3A_78, %swap3A_79], %swap3A_82 {strides = array<i32>} : memref<1x6x1024x64xf32, #tpu.memory_space<vmem>>, vector<1x1x1024x64xf32>,
    %reduce_sum3A_83 = arith.constant dense<0.000000e+00> : vector<64xf32>
    %reduce_sum3A_84 = vector.multi_reduction <add>, %dot_general3A_75, %reduce_sum3A_83 [0] : vector<1024x64xf32> to vector<64xf32>
    %broadcast_in_dim3A_85 = vector.shape_cast %reduce_sum3A_84 : vector<64xf32> to vector<1x64xf32>
    %add3A_86 = arith.addf %add3A_52, %broadcast_in_dim3A_85 : vector<1x64xf32>
    %mul3A_87 = arith.mulf %dot_general3A_75, %dot_general3A_75 : vector<1024x64xf32>
    %reduce_sum3A_88 = arith.constant dense<0.000000e+00> : vector<64xf32>
    %reduce_sum3A_89 = vector.multi_reduction <add>, %mul3A_87, %reduce_sum3A_88 [0] : vector<1024x64xf32> to vector<64xf32>
    %broadcast_in_dim3A_90 = vector.shape_cast %reduce_sum3A_89 : vector<64xf32> to vector<1x64xf32>
    %add3A_91 = arith.addf %add3A_57, %broadcast_in_dim3A_90 : vector<1x64xf32>
    %get3A_92 = arith.constant 0 : index
    %get3A_93 = arith.constant 2 : index
    %get3A_94 = arith.constant 0 : index
    %get3A_95 = arith.constant 0 : index
    %get3A_96 = vector.load %arg2[%get3A_92, %get3A_93, %get3A_94, %get3A_95] : memref<1x6x1024x64xf32, #tpu.memory_space<vmem>>, vector<1x1x1024x64xf32>
    %get3A_97 = vector.shape_cast %get3A_96 : vector<1x1x1024x64xf32> to vector<1024x64xf32>
    %mul3A_98 = vector.broadcast %div3A_19 : vector<1x64xf32> to vector<1024x64xf32>
    %mul3A_99 = arith.mulf %get3A_97, %mul3A_98 : vector<1024x64xf32>
    %add3A_100 = vector.broadcast %sub3A_24 : vector<1x64xf32> to vector<1024x64xf32>
    %add3A_101 = arith.addf %mul3A_99, %add3A_100 : vector<1024x64xf32>
    %max3A_102 = arith.constant 0.000000e+00 : f32
    %max3A_103 = vector.broadcast %max3A_102 : f32 to vector<1024x64xf32>
    %max3A_104 = arith.maximumf %add3A_101, %max3A_103 : vector<1024x64xf32>
    %get3A_105 = arith.constant 0 : index
    %get3A_106 = arith.constant 0 : index
    %get3A_107 = vector.load %arg5[%get3A_105, %get3A_106] : memref<64x64xf32, #tpu.memory_space<vmem>>, vector<64x64xf32>
    %dot_general3A_108 = arith.constant dense<0.000000e+00> : vector<1024x64xf32>
    %dot_general3A_109 = tpu.matmul %max3A_104, %get3A_107, %dot_general3A_108 {dimension_numbers = #tpu.dot_dimension_numbers<[1], [0], [0], [1], [0, 0, 1, 1], [], []>, transpose_lhs_hint = false} : vector<1024x64xf32>, vector<64x64xf32>, vector<1024x64xf32> -> vector<1024x64xf32>
    %swap3A_110 = arith.constant 0 : index
    %swap3A_111 = arith.constant 2 : index
    %swap3A_112 = arith.constant 0 : index
    %swap3A_113 = arith.constant 0 : index
    %swap3A_114 = vector.load %arg6[%swap3A_110, %swap3A_111, %swap3A_112, %swap3A_113] : memref<1x6x1024x64xf32, #tpu.memory_space<vmem>>, vector<1x1x1024x64xf32>
    %swap3A_115 = vector.shape_cast %swap3A_114 : vector<1x1x1024x64xf32> to vector<1024x64xf32>
    %swap3A_116 = vector.shape_cast %dot_general3A_109 : vector<1024x64xf32> to vector<1x1x1024x64xf32>
    tpu.vector_store %arg6[%swap3A_110, %swap3A_111, %swap3A_112, %swap3A_113], %swap3A_116 {strides = array<i32>} : memref<1x6x1024x64xf32, #tpu.memory_space<vmem>>, vector<1x1x1024x64xf32>,
    %reduce_sum3A_117 = arith.constant dense<0.000000e+00> : vector<64xf32>
    %reduce_sum3A_118 = vector.multi_reduction <add>, %dot_general3A_109, %reduce_sum3A_117 [0] : vector<1024x64xf32> to vector<64xf32>
    %broadcast_in_dim3A_119 = vector.shape_cast %reduce_sum3A_118 : vector<64xf32> to vector<1x64xf32>
    %add3A_120 = arith.addf %add3A_86, %broadcast_in_dim3A_119 : vector<1x64xf32>
    %mul3A_121 = arith.mulf %dot_general3A_109, %dot_general3A_109 : vector<1024x64xf32>
    %reduce_sum3A_122 = arith.constant dense<0.000000e+00> : vector<64xf32>
    %reduce_sum3A_123 = vector.multi_reduction <add>, %mul3A_121, %reduce_sum3A_122 [0] : vector<1024x64xf32> to vector<64xf32>
    %broadcast_in_dim3A_124 = vector.shape_cast %reduce_sum3A_123 : vector<64xf32> to vector<1x64xf32>
    %add3A_125 = arith.addf %add3A_91, %broadcast_in_dim3A_124 : vector<1x64xf32>
    %get3A_126 = arith.constant 0 : index
    %get3A_127 = arith.constant 3 : index
    %get3A_128 = arith.constant 0 : index
    %get3A_129 = arith.constant 0 : index
    %get3A_130 = vector.load %arg2[%get3A_126, %get3A_127, %get3A_128, %get3A_129] : memref<1x6x1024x64xf32, #tpu.memory_space<vmem>>, vector<1x1x1024x64xf32>
    %get3A_131 = vector.shape_cast %get3A_130 : vector<1x1x1024x64xf32> to vector<1024x64xf32>
    %mul3A_132 = vector.broadcast %div3A_19 : vector<1x64xf32> to vector<1024x64xf32>
    %mul3A_133 = arith.mulf %get3A_131, %mul3A_132 : vector<1024x64xf32>
    %add3A_134 = vector.broadcast %sub3A_24 : vector<1x64xf32> to vector<1024x64xf32>
    %add3A_135 = arith.addf %mul3A_133, %add3A_134 : vector<1024x64xf32>
    %max3A_136 = arith.constant 0.000000e+00 : f32
    %max3A_137 = vector.broadcast %max3A_136 : f32 to vector<1024x64xf32>
    %max3A_138 = arith.maximumf %add3A_135, %max3A_137 : vector<1024x64xf32>
    %get3A_139 = arith.constant 0 : index
    %get3A_140 = arith.constant 0 : index
    %get3A_141 = vector.load %arg5[%get3A_139, %get3A_140] : memref<64x64xf32, #tpu.memory_space<vmem>>, vector<64x64xf32>
    %dot_general3A_142 = arith.constant dense<0.000000e+00> : vector<1024x64xf32>
    %dot_general3A_143 = tpu.matmul %max3A_138, %get3A_141, %dot_general3A_142 {dimension_numbers = #tpu.dot_dimension_numbers<[1], [0], [0], [1], [0, 0, 1, 1], [], []>, transpose_lhs_hint = false} : vector<1024x64xf32>, vector<64x64xf32>, vector<1024x64xf32> -> vector<1024x64xf32>
    %swap3A_144 = arith.constant 0 : index
    %swap3A_145 = arith.constant 3 : index
    %swap3A_146 = arith.constant 0 : index
    %swap3A_147 = arith.constant 0 : index
    %swap3A_148 = vector.load %arg6[%swap3A_144, %swap3A_145, %swap3A_146, %swap3A_147] : memref<1x6x1024x64xf32, #tpu.memory_space<vmem>>, vector<1x1x1024x64xf32>
    %swap3A_149 = vector.shape_cast %swap3A_148 : vector<1x1x1024x64xf32> to vector<1024x64xf32>
    %swap3A_150 = vector.shape_cast %dot_general3A_143 : vector<1024x64xf32> to vector<1x1x1024x64xf32>
    tpu.vector_store %arg6[%swap3A_144, %swap3A_145, %swap3A_146, %swap3A_147], %swap3A_150 {strides = array<i32>} : memref<1x6x1024x64xf32, #tpu.memory_space<vmem>>, vector<1x1x1024x64xf32>,
    %reduce_sum3A_151 = arith.constant dense<0.000000e+00> : vector<64xf32>
    %reduce_sum3A_152 = vector.multi_reduction <add>, %dot_general3A_143, %reduce_sum3A_151 [0] : vector<1024x64xf32> to vector<64xf32>
    %broadcast_in_dim3A_153 = vector.shape_cast %reduce_sum3A_152 : vector<64xf32> to vector<1x64xf32>
    %add3A_154 = arith.addf %add3A_120, %broadcast_in_dim3A_153 : vector<1x64xf32>
    %mul3A_155 = arith.mulf %dot_general3A_143, %dot_general3A_143 : vector<1024x64xf32>
    %reduce_sum3A_156 = arith.constant dense<0.000000e+00> : vector<64xf32>
    %reduce_sum3A_157 = vector.multi_reduction <add>, %mul3A_155, %reduce_sum3A_156 [0] : vector<1024x64xf32> to vector<64xf32>
    %broadcast_in_dim3A_158 = vector.shape_cast %reduce_sum3A_157 : vector<64xf32> to vector<1x64xf32>
    %add3A_159 = arith.addf %add3A_125, %broadcast_in_dim3A_158 : vector<1x64xf32>
    %get3A_160 = arith.constant 0 : index
    %get3A_161 = arith.constant 4 : index
    %get3A_162 = arith.constant 0 : index
    %get3A_163 = arith.constant 0 : index
    %get3A_164 = vector.load %arg2[%get3A_160, %get3A_161, %get3A_162, %get3A_163] : memref<1x6x1024x64xf32, #tpu.memory_space<vmem>>, vector<1x1x1024x64xf32>
    %get3A_165 = vector.shape_cast %get3A_164 : vector<1x1x1024x64xf32> to vector<1024x64xf32>
    %mul3A_166 = vector.broadcast %div3A_19 : vector<1x64xf32> to vector<1024x64xf32>
    %mul3A_167 = arith.mulf %get3A_165, %mul3A_166 : vector<1024x64xf32>
    %add3A_168 = vector.broadcast %sub3A_24 : vector<1x64xf32> to vector<1024x64xf32>
    %add3A_169 = arith.addf %mul3A_167, %add3A_168 : vector<1024x64xf32>
    %max3A_170 = arith.constant 0.000000e+00 : f32
    %max3A_171 = vector.broadcast %max3A_170 : f32 to vector<1024x64xf32>
    %max3A_172 = arith.maximumf %add3A_169, %max3A_171 : vector<1024x64xf32>
    %get3A_173 = arith.constant 0 : index
    %get3A_174 = arith.constant 0 : index
    %get3A_175 = vector.load %arg5[%get3A_173, %get3A_174] : memref<64x64xf32, #tpu.memory_space<vmem>>, vector<64x64xf32>
    %dot_general3A_176 = arith.constant dense<0.000000e+00> : vector<1024x64xf32>
    %dot_general3A_177 = tpu.matmul %max3A_172, %get3A_175, %dot_general3A_176 {dimension_numbers = #tpu.dot_dimension_numbers<[1], [0], [0], [1], [0, 0, 1, 1], [], []>, transpose_lhs_hint = false} : vector<1024x64xf32>, vector<64x64xf32>, vector<1024x64xf32> -> vector<1024x64xf32>
    %swap3A_178 = arith.constant 0 : index
    %swap3A_179 = arith.constant 4 : index
    %swap3A_180 = arith.constant 0 : index
    %swap3A_181 = arith.constant 0 : index
    %swap3A_182 = vector.load %arg6[%swap3A_178, %swap3A_179, %swap3A_180, %swap3A_181] : memref<1x6x1024x64xf32, #tpu.memory_space<vmem>>, vector<1x1x1024x64xf32>
    %swap3A_183 = vector.shape_cast %swap3A_182 : vector<1x1x1024x64xf32> to vector<1024x64xf32>
    %swap3A_184 = vector.shape_cast %dot_general3A_177 : vector<1024x64xf32> to vector<1x1x1024x64xf32>
    tpu.vector_store %arg6[%swap3A_178, %swap3A_179, %swap3A_180, %swap3A_181], %swap3A_184 {strides = array<i32>} : memref<1x6x1024x64xf32, #tpu.memory_space<vmem>>, vector<1x1x1024x64xf32>,
    %reduce_sum3A_185 = arith.constant dense<0.000000e+00> : vector<64xf32>
    %reduce_sum3A_186 = vector.multi_reduction <add>, %dot_general3A_177, %reduce_sum3A_185 [0] : vector<1024x64xf32> to vector<64xf32>
    %broadcast_in_dim3A_187 = vector.shape_cast %reduce_sum3A_186 : vector<64xf32> to vector<1x64xf32>
    %add3A_188 = arith.addf %add3A_154, %broadcast_in_dim3A_187 : vector<1x64xf32>
    %mul3A_189 = arith.mulf %dot_general3A_177, %dot_general3A_177 : vector<1024x64xf32>
    %reduce_sum3A_190 = arith.constant dense<0.000000e+00> : vector<64xf32>
    %reduce_sum3A_191 = vector.multi_reduction <add>, %mul3A_189, %reduce_sum3A_190 [0] : vector<1024x64xf32> to vector<64xf32>
    %broadcast_in_dim3A_192 = vector.shape_cast %reduce_sum3A_191 : vector<64xf32> to vector<1x64xf32>
    %add3A_193 = arith.addf %add3A_159, %broadcast_in_dim3A_192 : vector<1x64xf32>
    %get3A_194 = arith.constant 0 : index
    %get3A_195 = arith.constant 5 : index
    %get3A_196 = arith.constant 0 : index
    %get3A_197 = arith.constant 0 : index
    %get3A_198 = vector.load %arg2[%get3A_194, %get3A_195, %get3A_196, %get3A_197] : memref<1x6x1024x64xf32, #tpu.memory_space<vmem>>, vector<1x1x1024x64xf32>
    %get3A_199 = vector.shape_cast %get3A_198 : vector<1x1x1024x64xf32> to vector<1024x64xf32>
    %mul3A_200 = vector.broadcast %div3A_19 : vector<1x64xf32> to vector<1024x64xf32>
    %mul3A_201 = arith.mulf %get3A_199, %mul3A_200 : vector<1024x64xf32>
    %add3A_202 = vector.broadcast %sub3A_24 : vector<1x64xf32> to vector<1024x64xf32>
    %add3A_203 = arith.addf %mul3A_201, %add3A_202 : vector<1024x64xf32>
    %max3A_204 = arith.constant 0.000000e+00 : f32
    %max3A_205 = vector.broadcast %max3A_204 : f32 to vector<1024x64xf32>
    %max3A_206 = arith.maximumf %add3A_203, %max3A_205 : vector<1024x64xf32>
    %get3A_207 = arith.constant 0 : index
    %get3A_208 = arith.constant 0 : index
    %get3A_209 = vector.load %arg5[%get3A_207, %get3A_208] : memref<64x64xf32, #tpu.memory_space<vmem>>, vector<64x64xf32>
    %dot_general3A_210 = arith.constant dense<0.000000e+00> : vector<1024x64xf32>
    %dot_general3A_211 = tpu.matmul %max3A_206, %get3A_209, %dot_general3A_210 {dimension_numbers = #tpu.dot_dimension_numbers<[1], [0], [0], [1], [0, 0, 1, 1], [], []>, transpose_lhs_hint = false} : vector<1024x64xf32>, vector<64x64xf32>, vector<1024x64xf32> -> vector<1024x64xf32>
    %swap3A_212 = arith.constant 0 : index
    %swap3A_213 = arith.constant 5 : index
    %swap3A_214 = arith.constant 0 : index
    %swap3A_215 = arith.constant 0 : index
    %swap3A_216 = vector.load %arg6[%swap3A_212, %swap3A_213, %swap3A_214, %swap3A_215] : memref<1x6x1024x64xf32, #tpu.memory_space<vmem>>, vector<1x1x1024x64xf32>
    %swap3A_217 = vector.shape_cast %swap3A_216 : vector<1x1x1024x64xf32> to vector<1024x64xf32>
    %swap3A_218 = vector.shape_cast %dot_general3A_211 : vector<1024x64xf32> to vector<1x1x1024x64xf32>
    tpu.vector_store %arg6[%swap3A_212, %swap3A_213, %swap3A_214, %swap3A_215], %swap3A_218 {strides = array<i32>} : memref<1x6x1024x64xf32, #tpu.memory_space<vmem>>, vector<1x1x1024x64xf32>,
    %reduce_sum3A_219 = arith.constant dense<0.000000e+00> : vector<64xf32>
    %reduce_sum3A_220 = vector.multi_reduction <add>, %dot_general3A_211, %reduce_sum3A_219 [0] : vector<1024x64xf32> to vector<64xf32>
    %broadcast_in_dim3A_221 = vector.shape_cast %reduce_sum3A_220 : vector<64xf32> to vector<1x64xf32>
    %add3A_222 = arith.addf %add3A_188, %broadcast_in_dim3A_221 : vector<1x64xf32>
    %mul3A_223 = arith.mulf %dot_general3A_211, %dot_general3A_211 : vector<1024x64xf32>
    %reduce_sum3A_224 = arith.constant dense<0.000000e+00> : vector<64xf32>
    %reduce_sum3A_225 = vector.multi_reduction <add>, %mul3A_223, %reduce_sum3A_224 [0] : vector<1024x64xf32> to vector<64xf32>
    %broadcast_in_dim3A_226 = vector.shape_cast %reduce_sum3A_225 : vector<64xf32> to vector<1x64xf32>
    %add3A_227 = arith.addf %add3A_193, %broadcast_in_dim3A_226 : vector<1x64xf32>
    %get3A_228 = arith.constant 0 : index
    %get3A_229 = arith.constant 0 : index
    %get3A_230 = vector.load %arg7[%get3A_228, %get3A_229] : memref<8x64xf32, #tpu.memory_space<vmem>>, vector<1x64xf32>
    %add3A_231 = arith.addf %get3A_230, %add3A_222 : vector<1x64xf32>
    %swap3A_232 = arith.constant 0 : index
    %swap3A_233 = arith.constant 0 : index
    %swap3A_234 = vector.load %arg7[%swap3A_232, %swap3A_233] : memref<8x64xf32, #tpu.memory_space<vmem>>, vector<1x64xf32>
    tpu.vector_store %arg7[%swap3A_232, %swap3A_233], %add3A_231 {strides = array<i32>} : memref<8x64xf32, #tpu.memory_space<vmem>>, vector<1x64xf32>,
    %get3A_235 = arith.constant 1 : index
    %get3A_236 = arith.constant 0 : index
    %get3A_237 = vector.load %arg7[%get3A_235, %get3A_236] : memref<8x64xf32, #tpu.memory_space<vmem>>, vector<1x64xf32>
    %add3A_238 = arith.addf %get3A_237, %add3A_227 : vector<1x64xf32>
    %swap3A_239 = arith.constant 1 : index
    %swap3A_240 = arith.constant 0 : index
    %swap3A_241 = vector.load %arg7[%swap3A_239, %swap3A_240] : memref<8x64xf32, #tpu.memory_space<vmem>>, vector<1x64xf32>
    tpu.vector_store %arg7[%swap3A_239, %swap3A_240], %add3A_238 {strides = array<i32>} : memref<8x64xf32, #tpu.memory_space<vmem>>, vector<1x64xf32>,
    return
  }
  func.func @transform_0(%arg0: i32, %arg1: i32) -> (i32, i32, i32, i32) {
    %c0_i32 = arith.constant 0 : i32
    %c0_i32_0 = arith.constant 0 : i32
    %c0_i32_1 = arith.constant 0 : i32
    return %arg0, %c0_i32, %arg1, %c0_i32_0 : i32, i32, i32, i32
  }
  func.func @transform_1(%arg0: i32, %arg1: i32) -> (i32, i32) {
    %c0_i32 = arith.constant 0 : i32
    %c0_i32_0 = arith.constant 0 : i32
    %c0_i32_1 = arith.constant 0 : i32
    return %c0_i32, %c0_i32_0 : i32, i32
  }
  func.func @transform_2(%arg0: i32, %arg1: i32) -> (i32, i32) {
    %c0_i32 = arith.constant 0 : i32
    %c0_i32_0 = arith.constant 0 : i32
    %c0_i32_1 = arith.constant 0 : i32
    return %c0_i32, %c0_i32_0 : i32, i32
  }
  func.func @transform_3(%arg0: i32, %arg1: i32) -> (i32, i32) {
    %c0_i32 = arith.constant 0 : i32
    %c0_i32_0 = arith.constant 0 : i32
    %c0_i32_1 = arith.constant 0 : i32
    return %c0_i32, %c0_i32_0 : i32, i32
  }
  func.func @transform_4(%arg0: i32, %arg1: i32) -> (i32, i32, i32, i32) {
    %c0_i32 = arith.constant 0 : i32
    %c0_i32_0 = arith.constant 0 : i32
    %c0_i32_1 = arith.constant 0 : i32
    return %arg0, %c0_i32, %arg1, %c0_i32_0 : i32, i32, i32, i32
  }
  func.func @transform_5(%arg0: i32, %arg1: i32) -> (i32, i32) {
    %c0_i32 = arith.constant 0 : i32
    %c0_i32_0 = arith.constant 0 : i32
    %c0_i32_1 = arith.constant 0 : i32
    return %c0_i32, %c0_i32_0 : i32, i32
  }
}

module attributes {stable_mosaic.version = 14 : i64} {
  func.func @_p4_body(%arg0: i32, %arg1: i32, %arg2: memref<1x6x1024x64xf32, #tpu.memory_space<vmem>>, %arg3: memref<8x64xf32, #tpu.memory_space<vmem>>, %arg4: memref<8x64xf32, #tpu.memory_space<vmem>>, %arg5: memref<1x6x1024x64xf32, #tpu.memory_space<vmem>>, %arg6: memref<8x64xf32, #tpu.memory_space<vmem>>, %arg7: memref<8x64xf32, #tpu.memory_space<vmem>>, %arg8: memref<64x128xf32, #tpu.memory_space<vmem>>, %arg9: memref<64x128xf32, #tpu.memory_space<vmem>>, %arg10: memref<1x6x1024x128xf32, #tpu.memory_space<vmem>>, %arg11: memref<8x128xf32, #tpu.memory_space<vmem>>) attributes {dimension_semantics = [#tpu.dimension_semantics<arbitrary>, #tpu.dimension_semantics<arbitrary>], iteration_bounds = array<i64: 2, 4>, scalar_prefetch = 0 : i64, scratch_operands = 0 : i64, tpu.core_type = #tpu.core_type<tc>, window_params = [{transform_indices = @transform_0, window_bounds = array<i64: 1, 6, 1024, 64>}, {pipeline_mode = #tpu.pipeline_mode<synchronous>, transform_indices = @transform_1, window_bounds = array<i64: 8, 64>}, {pipeline_mode = #tpu.pipeline_mode<synchronous>, transform_indices = @transform_2, window_bounds = array<i64: 8, 64>}, {transform_indices = @transform_3, window_bounds = array<i64: 1, 6, 1024, 64>}, {pipeline_mode = #tpu.pipeline_mode<synchronous>, transform_indices = @transform_4, window_bounds = array<i64: 8, 64>}, {pipeline_mode = #tpu.pipeline_mode<synchronous>, transform_indices = @transform_5, window_bounds = array<i64: 8, 64>}, {pipeline_mode = #tpu.pipeline_mode<synchronous>, transform_indices = @transform_6, window_bounds = array<i64: 64, 128>}, {pipeline_mode = #tpu.pipeline_mode<synchronous>, transform_indices = @transform_7, window_bounds = array<i64: 64, 128>}, {transform_indices = @transform_8, window_bounds = array<i64: 1, 6, 1024, 128>}, {pipeline_mode = #tpu.pipeline_mode<synchronous>, transform_indices = @transform_9, window_bounds = array<i64: 8, 128>}]} {
    %eq3A = arith.constant 0 : i32
    %eq3A_0 = arith.cmpi eq, %arg0, %eq3A : i32
    %eq3A_1 = arith.constant 0 : i32
    %eq3A_2 = arith.cmpi eq, %arg1, %eq3A_1 : i32
    %and3A = arith.andi %eq3A_0, %eq3A_2 : i1
    %convert_element_type3A = arith.extui %and3A : i1 to i32
    %cond3A = arith.constant 0 : i32
    %cond3A_3 = arith.cmpi ne, %convert_element_type3A, %cond3A : i32
    scf.if %cond3A_3 {
      %broadcast_in_dim3A_383 = arith.constant 0.000000e+00 : f32
      %broadcast_in_dim3A_384 = vector.broadcast %broadcast_in_dim3A_383 : f32 to vector<8x128xf32>
      %swap3A_385 = arith.constant 0 : index
      %swap3A_386 = arith.constant 0 : index
      %swap3A_387 = vector.load %arg11[%swap3A_385, %swap3A_386] : memref<8x128xf32, #tpu.memory_space<vmem>>, vector<8x128xf32>
      tpu.vector_store %arg11[%swap3A_385, %swap3A_386], %broadcast_in_dim3A_384 {strides = array<i32>} : memref<8x128xf32, #tpu.memory_space<vmem>>, vector<8x128xf32>,
    } else {
    }
    %get3A = arith.constant 0 : index
    %get3A_4 = arith.constant 0 : index
    %get3A_5 = vector.load %arg3[%get3A, %get3A_4] : memref<8x64xf32, #tpu.memory_space<vmem>>, vector<1x64xf32>
    %div3A = arith.constant 4.915200e+04 : f32
    %div3A_6 = vector.broadcast %div3A : f32 to vector<1x64xf32>
    %div3A_7 = arith.divf %get3A_5, %div3A_6 : vector<1x64xf32>
    %get3A_8 = arith.constant 1 : index
    %get3A_9 = arith.constant 0 : index
    %get3A_10 = vector.load %arg3[%get3A_8, %get3A_9] : memref<8x64xf32, #tpu.memory_space<vmem>>, vector<1x64xf32>
    %div3A_11 = arith.constant 4.915200e+04 : f32
    %div3A_12 = vector.broadcast %div3A_11 : f32 to vector<1x64xf32>
    %div3A_13 = arith.divf %get3A_10, %div3A_12 : vector<1x64xf32>
    %mul3A = arith.mulf %div3A_7, %div3A_7 : vector<1x64xf32>
    %sub3A = arith.subf %div3A_13, %mul3A : vector<1x64xf32>
    %get3A_14 = arith.constant 0 : index
    %get3A_15 = arith.constant 0 : index
    %get3A_16 = vector.load %arg4[%get3A_14, %get3A_15] : memref<8x64xf32, #tpu.memory_space<vmem>>, vector<1x64xf32>
    %add3A = arith.constant 9.99999974E-6 : f32
    %add3A_17 = vector.broadcast %add3A : f32 to vector<1x64xf32>
    %add3A_18 = arith.addf %sub3A, %add3A_17 : vector<1x64xf32>
    %sqrt3A = math.sqrt %add3A_18 : vector<1x64xf32>
    %div3A_19 = arith.divf %get3A_16, %sqrt3A : vector<1x64xf32>
    %get3A_20 = arith.constant 1 : index
    %get3A_21 = arith.constant 0 : index
    %get3A_22 = vector.load %arg4[%get3A_20, %get3A_21] : memref<8x64xf32, #tpu.memory_space<vmem>>, vector<1x64xf32>
    %mul3A_23 = arith.mulf %div3A_7, %div3A_19 : vector<1x64xf32>
    %sub3A_24 = arith.subf %get3A_22, %mul3A_23 : vector<1x64xf32>
    %get3A_25 = arith.constant 0 : index
    %get3A_26 = arith.constant 0 : index
    %get3A_27 = vector.load %arg6[%get3A_25, %get3A_26] : memref<8x64xf32, #tpu.memory_space<vmem>>, vector<1x64xf32>
    %div3A_28 = arith.constant 4.915200e+04 : f32
    %div3A_29 = vector.broadcast %div3A_28 : f32 to vector<1x64xf32>
    %div3A_30 = arith.divf %get3A_27, %div3A_29 : vector<1x64xf32>
    %get3A_31 = arith.constant 1 : index
    %get3A_32 = arith.constant 0 : index
    %get3A_33 = vector.load %arg6[%get3A_31, %get3A_32] : memref<8x64xf32, #tpu.memory_space<vmem>>, vector<1x64xf32>
    %div3A_34 = arith.constant 4.915200e+04 : f32
    %div3A_35 = vector.broadcast %div3A_34 : f32 to vector<1x64xf32>
    %div3A_36 = arith.divf %get3A_33, %div3A_35 : vector<1x64xf32>
    %mul3A_37 = arith.mulf %div3A_30, %div3A_30 : vector<1x64xf32>
    %sub3A_38 = arith.subf %div3A_36, %mul3A_37 : vector<1x64xf32>
    %get3A_39 = arith.constant 0 : index
    %get3A_40 = arith.constant 0 : index
    %get3A_41 = vector.load %arg7[%get3A_39, %get3A_40] : memref<8x64xf32, #tpu.memory_space<vmem>>, vector<1x64xf32>
    %add3A_42 = arith.constant 9.99999974E-6 : f32
    %add3A_43 = vector.broadcast %add3A_42 : f32 to vector<1x64xf32>
    %add3A_44 = arith.addf %sub3A_38, %add3A_43 : vector<1x64xf32>
    %sqrt3A_45 = math.sqrt %add3A_44 : vector<1x64xf32>
    %div3A_46 = arith.divf %get3A_41, %sqrt3A_45 : vector<1x64xf32>
    %get3A_47 = arith.constant 1 : index
    %get3A_48 = arith.constant 0 : index
    %get3A_49 = vector.load %arg7[%get3A_47, %get3A_48] : memref<8x64xf32, #tpu.memory_space<vmem>>, vector<1x64xf32>
    %mul3A_50 = arith.mulf %div3A_30, %div3A_46 : vector<1x64xf32>
    %sub3A_51 = arith.subf %get3A_49, %mul3A_50 : vector<1x64xf32>
    %broadcast_in_dim3A = arith.constant 0.000000e+00 : f32
    %broadcast_in_dim3A_52 = vector.broadcast %broadcast_in_dim3A : f32 to vector<1x128xf32>
    %broadcast_in_dim3A_53 = arith.constant 0.000000e+00 : f32
    %broadcast_in_dim3A_54 = vector.broadcast %broadcast_in_dim3A_53 : f32 to vector<1x128xf32>
    %get3A_55 = arith.constant 0 : index
    %get3A_56 = arith.constant 0 : index
    %get3A_57 = arith.constant 0 : index
    %get3A_58 = arith.constant 0 : index
    %get3A_59 = vector.load %arg2[%get3A_55, %get3A_56, %get3A_57, %get3A_58] : memref<1x6x1024x64xf32, #tpu.memory_space<vmem>>, vector<1x1x1024x64xf32>
    %get3A_60 = vector.shape_cast %get3A_59 : vector<1x1x1024x64xf32> to vector<1024x64xf32>
    %mul3A_61 = vector.broadcast %div3A_19 : vector<1x64xf32> to vector<1024x64xf32>
    %mul3A_62 = arith.mulf %get3A_60, %mul3A_61 : vector<1024x64xf32>
    %add3A_63 = vector.broadcast %sub3A_24 : vector<1x64xf32> to vector<1024x64xf32>
    %add3A_64 = arith.addf %mul3A_62, %add3A_63 : vector<1024x64xf32>
    %max3A = arith.constant 0.000000e+00 : f32
    %max3A_65 = vector.broadcast %max3A : f32 to vector<1024x64xf32>
    %max3A_66 = arith.maximumf %add3A_64, %max3A_65 : vector<1024x64xf32>
    %get3A_67 = arith.constant 0 : index
    %get3A_68 = arith.constant 0 : index
    %get3A_69 = arith.constant 0 : index
    %get3A_70 = arith.constant 0 : index
    %get3A_71 = vector.load %arg5[%get3A_67, %get3A_68, %get3A_69, %get3A_70] : memref<1x6x1024x64xf32, #tpu.memory_space<vmem>>, vector<1x1x1024x64xf32>
    %get3A_72 = vector.shape_cast %get3A_71 : vector<1x1x1024x64xf32> to vector<1024x64xf32>
    %mul3A_73 = vector.broadcast %div3A_46 : vector<1x64xf32> to vector<1024x64xf32>
    %mul3A_74 = arith.mulf %get3A_72, %mul3A_73 : vector<1024x64xf32>
    %add3A_75 = vector.broadcast %sub3A_51 : vector<1x64xf32> to vector<1024x64xf32>
    %add3A_76 = arith.addf %mul3A_74, %add3A_75 : vector<1024x64xf32>
    %max3A_77 = arith.constant 0.000000e+00 : f32
    %max3A_78 = vector.broadcast %max3A_77 : f32 to vector<1024x64xf32>
    %max3A_79 = arith.maximumf %add3A_76, %max3A_78 : vector<1024x64xf32>
    %get3A_80 = arith.constant 0 : index
    %get3A_81 = arith.constant 0 : index
    %get3A_82 = vector.load %arg8[%get3A_80, %get3A_81] : memref<64x128xf32, #tpu.memory_space<vmem>>, vector<64x128xf32>
    %dot_general3A = arith.constant dense<0.000000e+00> : vector<1024x128xf32>
    %dot_general3A_83 = tpu.matmul %max3A_66, %get3A_82, %dot_general3A {dimension_numbers = #tpu.dot_dimension_numbers<[1], [0], [0], [1], [0, 0, 1, 1], [], []>, transpose_lhs_hint = false} : vector<1024x64xf32>, vector<64x128xf32>, vector<1024x128xf32> -> vector<1024x128xf32>
    %get3A_84 = arith.constant 0 : index
    %get3A_85 = arith.constant 0 : index
    %get3A_86 = vector.load %arg9[%get3A_84, %get3A_85] : memref<64x128xf32, #tpu.memory_space<vmem>>, vector<64x128xf32>
    %dot_general3A_87 = arith.constant dense<0.000000e+00> : vector<1024x128xf32>
    %dot_general3A_88 = tpu.matmul %max3A_79, %get3A_86, %dot_general3A_87 {dimension_numbers = #tpu.dot_dimension_numbers<[1], [0], [0], [1], [0, 0, 1, 1], [], []>, transpose_lhs_hint = false} : vector<1024x64xf32>, vector<64x128xf32>, vector<1024x128xf32> -> vector<1024x128xf32>
    %add3A_89 = arith.addf %dot_general3A_83, %dot_general3A_88 : vector<1024x128xf32>
    %swap3A = arith.constant 0 : index
    %swap3A_90 = arith.constant 0 : index
    %swap3A_91 = arith.constant 0 : index
    %swap3A_92 = arith.constant 0 : index
    %swap3A_93 = vector.load %arg10[%swap3A, %swap3A_90, %swap3A_91, %swap3A_92] : memref<1x6x1024x128xf32, #tpu.memory_space<vmem>>, vector<1x1x1024x128xf32>
    %swap3A_94 = vector.shape_cast %swap3A_93 : vector<1x1x1024x128xf32> to vector<1024x128xf32>
    %swap3A_95 = vector.shape_cast %add3A_89 : vector<1024x128xf32> to vector<1x1x1024x128xf32>
    tpu.vector_store %arg10[%swap3A, %swap3A_90, %swap3A_91, %swap3A_92], %swap3A_95 {strides = array<i32>} : memref<1x6x1024x128xf32, #tpu.memory_space<vmem>>, vector<1x1x1024x128xf32>,
    %reduce_sum3A = arith.constant dense<0.000000e+00> : vector<128xf32>
    %reduce_sum3A_96 = vector.multi_reduction <add>, %add3A_89, %reduce_sum3A [0] : vector<1024x128xf32> to vector<128xf32>
    %broadcast_in_dim3A_97 = vector.shape_cast %reduce_sum3A_96 : vector<128xf32> to vector<1x128xf32>
    %add3A_98 = arith.addf %broadcast_in_dim3A_52, %broadcast_in_dim3A_97 : vector<1x128xf32>
    %mul3A_99 = arith.mulf %add3A_89, %add3A_89 : vector<1024x128xf32>
    %reduce_sum3A_100 = arith.constant dense<0.000000e+00> : vector<128xf32>
    %reduce_sum3A_101 = vector.multi_reduction <add>, %mul3A_99, %reduce_sum3A_100 [0] : vector<1024x128xf32> to vector<128xf32>
    %broadcast_in_dim3A_102 = vector.shape_cast %reduce_sum3A_101 : vector<128xf32> to vector<1x128xf32>
    %add3A_103 = arith.addf %broadcast_in_dim3A_54, %broadcast_in_dim3A_102 : vector<1x128xf32>
    %get3A_104 = arith.constant 0 : index
    %get3A_105 = arith.constant 1 : index
    %get3A_106 = arith.constant 0 : index
    %get3A_107 = arith.constant 0 : index
    %get3A_108 = vector.load %arg2[%get3A_104, %get3A_105, %get3A_106, %get3A_107] : memref<1x6x1024x64xf32, #tpu.memory_space<vmem>>, vector<1x1x1024x64xf32>
    %get3A_109 = vector.shape_cast %get3A_108 : vector<1x1x1024x64xf32> to vector<1024x64xf32>
    %mul3A_110 = vector.broadcast %div3A_19 : vector<1x64xf32> to vector<1024x64xf32>
    %mul3A_111 = arith.mulf %get3A_109, %mul3A_110 : vector<1024x64xf32>
    %add3A_112 = vector.broadcast %sub3A_24 : vector<1x64xf32> to vector<1024x64xf32>
    %add3A_113 = arith.addf %mul3A_111, %add3A_112 : vector<1024x64xf32>
    %max3A_114 = arith.constant 0.000000e+00 : f32
    %max3A_115 = vector.broadcast %max3A_114 : f32 to vector<1024x64xf32>
    %max3A_116 = arith.maximumf %add3A_113, %max3A_115 : vector<1024x64xf32>
    %get3A_117 = arith.constant 0 : index
    %get3A_118 = arith.constant 1 : index
    %get3A_119 = arith.constant 0 : index
    %get3A_120 = arith.constant 0 : index
    %get3A_121 = vector.load %arg5[%get3A_117, %get3A_118, %get3A_119, %get3A_120] : memref<1x6x1024x64xf32, #tpu.memory_space<vmem>>, vector<1x1x1024x64xf32>
    %get3A_122 = vector.shape_cast %get3A_121 : vector<1x1x1024x64xf32> to vector<1024x64xf32>
    %mul3A_123 = vector.broadcast %div3A_46 : vector<1x64xf32> to vector<1024x64xf32>
    %mul3A_124 = arith.mulf %get3A_122, %mul3A_123 : vector<1024x64xf32>
    %add3A_125 = vector.broadcast %sub3A_51 : vector<1x64xf32> to vector<1024x64xf32>
    %add3A_126 = arith.addf %mul3A_124, %add3A_125 : vector<1024x64xf32>
    %max3A_127 = arith.constant 0.000000e+00 : f32
    %max3A_128 = vector.broadcast %max3A_127 : f32 to vector<1024x64xf32>
    %max3A_129 = arith.maximumf %add3A_126, %max3A_128 : vector<1024x64xf32>
    %get3A_130 = arith.constant 0 : index
    %get3A_131 = arith.constant 0 : index
    %get3A_132 = vector.load %arg8[%get3A_130, %get3A_131] : memref<64x128xf32, #tpu.memory_space<vmem>>, vector<64x128xf32>
    %dot_general3A_133 = arith.constant dense<0.000000e+00> : vector<1024x128xf32>
    %dot_general3A_134 = tpu.matmul %max3A_116, %get3A_132, %dot_general3A_133 {dimension_numbers = #tpu.dot_dimension_numbers<[1], [0], [0], [1], [0, 0, 1, 1], [], []>, transpose_lhs_hint = false} : vector<1024x64xf32>, vector<64x128xf32>, vector<1024x128xf32> -> vector<1024x128xf32>
    %get3A_135 = arith.constant 0 : index
    %get3A_136 = arith.constant 0 : index
    %get3A_137 = vector.load %arg9[%get3A_135, %get3A_136] : memref<64x128xf32, #tpu.memory_space<vmem>>, vector<64x128xf32>
    %dot_general3A_138 = arith.constant dense<0.000000e+00> : vector<1024x128xf32>
    %dot_general3A_139 = tpu.matmul %max3A_129, %get3A_137, %dot_general3A_138 {dimension_numbers = #tpu.dot_dimension_numbers<[1], [0], [0], [1], [0, 0, 1, 1], [], []>, transpose_lhs_hint = false} : vector<1024x64xf32>, vector<64x128xf32>, vector<1024x128xf32> -> vector<1024x128xf32>
    %add3A_140 = arith.addf %dot_general3A_134, %dot_general3A_139 : vector<1024x128xf32>
    %swap3A_141 = arith.constant 0 : index
    %swap3A_142 = arith.constant 1 : index
    %swap3A_143 = arith.constant 0 : index
    %swap3A_144 = arith.constant 0 : index
    %swap3A_145 = vector.load %arg10[%swap3A_141, %swap3A_142, %swap3A_143, %swap3A_144] : memref<1x6x1024x128xf32, #tpu.memory_space<vmem>>, vector<1x1x1024x128xf32>
    %swap3A_146 = vector.shape_cast %swap3A_145 : vector<1x1x1024x128xf32> to vector<1024x128xf32>
    %swap3A_147 = vector.shape_cast %add3A_140 : vector<1024x128xf32> to vector<1x1x1024x128xf32>
    tpu.vector_store %arg10[%swap3A_141, %swap3A_142, %swap3A_143, %swap3A_144], %swap3A_147 {strides = array<i32>} : memref<1x6x1024x128xf32, #tpu.memory_space<vmem>>, vector<1x1x1024x128xf32>,
    %reduce_sum3A_148 = arith.constant dense<0.000000e+00> : vector<128xf32>
    %reduce_sum3A_149 = vector.multi_reduction <add>, %add3A_140, %reduce_sum3A_148 [0] : vector<1024x128xf32> to vector<128xf32>
    %broadcast_in_dim3A_150 = vector.shape_cast %reduce_sum3A_149 : vector<128xf32> to vector<1x128xf32>
    %add3A_151 = arith.addf %add3A_98, %broadcast_in_dim3A_150 : vector<1x128xf32>
    %mul3A_152 = arith.mulf %add3A_140, %add3A_140 : vector<1024x128xf32>
    %reduce_sum3A_153 = arith.constant dense<0.000000e+00> : vector<128xf32>
    %reduce_sum3A_154 = vector.multi_reduction <add>, %mul3A_152, %reduce_sum3A_153 [0] : vector<1024x128xf32> to vector<128xf32>
    %broadcast_in_dim3A_155 = vector.shape_cast %reduce_sum3A_154 : vector<128xf32> to vector<1x128xf32>
    %add3A_156 = arith.addf %add3A_103, %broadcast_in_dim3A_155 : vector<1x128xf32>
    %get3A_157 = arith.constant 0 : index
    %get3A_158 = arith.constant 2 : index
    %get3A_159 = arith.constant 0 : index
    %get3A_160 = arith.constant 0 : index
    %get3A_161 = vector.load %arg2[%get3A_157, %get3A_158, %get3A_159, %get3A_160] : memref<1x6x1024x64xf32, #tpu.memory_space<vmem>>, vector<1x1x1024x64xf32>
    %get3A_162 = vector.shape_cast %get3A_161 : vector<1x1x1024x64xf32> to vector<1024x64xf32>
    %mul3A_163 = vector.broadcast %div3A_19 : vector<1x64xf32> to vector<1024x64xf32>
    %mul3A_164 = arith.mulf %get3A_162, %mul3A_163 : vector<1024x64xf32>
    %add3A_165 = vector.broadcast %sub3A_24 : vector<1x64xf32> to vector<1024x64xf32>
    %add3A_166 = arith.addf %mul3A_164, %add3A_165 : vector<1024x64xf32>
    %max3A_167 = arith.constant 0.000000e+00 : f32
    %max3A_168 = vector.broadcast %max3A_167 : f32 to vector<1024x64xf32>
    %max3A_169 = arith.maximumf %add3A_166, %max3A_168 : vector<1024x64xf32>
    %get3A_170 = arith.constant 0 : index
    %get3A_171 = arith.constant 2 : index
    %get3A_172 = arith.constant 0 : index
    %get3A_173 = arith.constant 0 : index
    %get3A_174 = vector.load %arg5[%get3A_170, %get3A_171, %get3A_172, %get3A_173] : memref<1x6x1024x64xf32, #tpu.memory_space<vmem>>, vector<1x1x1024x64xf32>
    %get3A_175 = vector.shape_cast %get3A_174 : vector<1x1x1024x64xf32> to vector<1024x64xf32>
    %mul3A_176 = vector.broadcast %div3A_46 : vector<1x64xf32> to vector<1024x64xf32>
    %mul3A_177 = arith.mulf %get3A_175, %mul3A_176 : vector<1024x64xf32>
    %add3A_178 = vector.broadcast %sub3A_51 : vector<1x64xf32> to vector<1024x64xf32>
    %add3A_179 = arith.addf %mul3A_177, %add3A_178 : vector<1024x64xf32>
    %max3A_180 = arith.constant 0.000000e+00 : f32
    %max3A_181 = vector.broadcast %max3A_180 : f32 to vector<1024x64xf32>
    %max3A_182 = arith.maximumf %add3A_179, %max3A_181 : vector<1024x64xf32>
    %get3A_183 = arith.constant 0 : index
    %get3A_184 = arith.constant 0 : index
    %get3A_185 = vector.load %arg8[%get3A_183, %get3A_184] : memref<64x128xf32, #tpu.memory_space<vmem>>, vector<64x128xf32>
    %dot_general3A_186 = arith.constant dense<0.000000e+00> : vector<1024x128xf32>
    %dot_general3A_187 = tpu.matmul %max3A_169, %get3A_185, %dot_general3A_186 {dimension_numbers = #tpu.dot_dimension_numbers<[1], [0], [0], [1], [0, 0, 1, 1], [], []>, transpose_lhs_hint = false} : vector<1024x64xf32>, vector<64x128xf32>, vector<1024x128xf32> -> vector<1024x128xf32>
    %get3A_188 = arith.constant 0 : index
    %get3A_189 = arith.constant 0 : index
    %get3A_190 = vector.load %arg9[%get3A_188, %get3A_189] : memref<64x128xf32, #tpu.memory_space<vmem>>, vector<64x128xf32>
    %dot_general3A_191 = arith.constant dense<0.000000e+00> : vector<1024x128xf32>
    %dot_general3A_192 = tpu.matmul %max3A_182, %get3A_190, %dot_general3A_191 {dimension_numbers = #tpu.dot_dimension_numbers<[1], [0], [0], [1], [0, 0, 1, 1], [], []>, transpose_lhs_hint = false} : vector<1024x64xf32>, vector<64x128xf32>, vector<1024x128xf32> -> vector<1024x128xf32>
    %add3A_193 = arith.addf %dot_general3A_187, %dot_general3A_192 : vector<1024x128xf32>
    %swap3A_194 = arith.constant 0 : index
    %swap3A_195 = arith.constant 2 : index
    %swap3A_196 = arith.constant 0 : index
    %swap3A_197 = arith.constant 0 : index
    %swap3A_198 = vector.load %arg10[%swap3A_194, %swap3A_195, %swap3A_196, %swap3A_197] : memref<1x6x1024x128xf32, #tpu.memory_space<vmem>>, vector<1x1x1024x128xf32>
    %swap3A_199 = vector.shape_cast %swap3A_198 : vector<1x1x1024x128xf32> to vector<1024x128xf32>
    %swap3A_200 = vector.shape_cast %add3A_193 : vector<1024x128xf32> to vector<1x1x1024x128xf32>
    tpu.vector_store %arg10[%swap3A_194, %swap3A_195, %swap3A_196, %swap3A_197], %swap3A_200 {strides = array<i32>} : memref<1x6x1024x128xf32, #tpu.memory_space<vmem>>, vector<1x1x1024x128xf32>,
    %reduce_sum3A_201 = arith.constant dense<0.000000e+00> : vector<128xf32>
    %reduce_sum3A_202 = vector.multi_reduction <add>, %add3A_193, %reduce_sum3A_201 [0] : vector<1024x128xf32> to vector<128xf32>
    %broadcast_in_dim3A_203 = vector.shape_cast %reduce_sum3A_202 : vector<128xf32> to vector<1x128xf32>
    %add3A_204 = arith.addf %add3A_151, %broadcast_in_dim3A_203 : vector<1x128xf32>
    %mul3A_205 = arith.mulf %add3A_193, %add3A_193 : vector<1024x128xf32>
    %reduce_sum3A_206 = arith.constant dense<0.000000e+00> : vector<128xf32>
    %reduce_sum3A_207 = vector.multi_reduction <add>, %mul3A_205, %reduce_sum3A_206 [0] : vector<1024x128xf32> to vector<128xf32>
    %broadcast_in_dim3A_208 = vector.shape_cast %reduce_sum3A_207 : vector<128xf32> to vector<1x128xf32>
    %add3A_209 = arith.addf %add3A_156, %broadcast_in_dim3A_208 : vector<1x128xf32>
    %get3A_210 = arith.constant 0 : index
    %get3A_211 = arith.constant 3 : index
    %get3A_212 = arith.constant 0 : index
    %get3A_213 = arith.constant 0 : index
    %get3A_214 = vector.load %arg2[%get3A_210, %get3A_211, %get3A_212, %get3A_213] : memref<1x6x1024x64xf32, #tpu.memory_space<vmem>>, vector<1x1x1024x64xf32>
    %get3A_215 = vector.shape_cast %get3A_214 : vector<1x1x1024x64xf32> to vector<1024x64xf32>
    %mul3A_216 = vector.broadcast %div3A_19 : vector<1x64xf32> to vector<1024x64xf32>
    %mul3A_217 = arith.mulf %get3A_215, %mul3A_216 : vector<1024x64xf32>
    %add3A_218 = vector.broadcast %sub3A_24 : vector<1x64xf32> to vector<1024x64xf32>
    %add3A_219 = arith.addf %mul3A_217, %add3A_218 : vector<1024x64xf32>
    %max3A_220 = arith.constant 0.000000e+00 : f32
    %max3A_221 = vector.broadcast %max3A_220 : f32 to vector<1024x64xf32>
    %max3A_222 = arith.maximumf %add3A_219, %max3A_221 : vector<1024x64xf32>
    %get3A_223 = arith.constant 0 : index
    %get3A_224 = arith.constant 3 : index
    %get3A_225 = arith.constant 0 : index
    %get3A_226 = arith.constant 0 : index
    %get3A_227 = vector.load %arg5[%get3A_223, %get3A_224, %get3A_225, %get3A_226] : memref<1x6x1024x64xf32, #tpu.memory_space<vmem>>, vector<1x1x1024x64xf32>
    %get3A_228 = vector.shape_cast %get3A_227 : vector<1x1x1024x64xf32> to vector<1024x64xf32>
    %mul3A_229 = vector.broadcast %div3A_46 : vector<1x64xf32> to vector<1024x64xf32>
    %mul3A_230 = arith.mulf %get3A_228, %mul3A_229 : vector<1024x64xf32>
    %add3A_231 = vector.broadcast %sub3A_51 : vector<1x64xf32> to vector<1024x64xf32>
    %add3A_232 = arith.addf %mul3A_230, %add3A_231 : vector<1024x64xf32>
    %max3A_233 = arith.constant 0.000000e+00 : f32
    %max3A_234 = vector.broadcast %max3A_233 : f32 to vector<1024x64xf32>
    %max3A_235 = arith.maximumf %add3A_232, %max3A_234 : vector<1024x64xf32>
    %get3A_236 = arith.constant 0 : index
    %get3A_237 = arith.constant 0 : index
    %get3A_238 = vector.load %arg8[%get3A_236, %get3A_237] : memref<64x128xf32, #tpu.memory_space<vmem>>, vector<64x128xf32>
    %dot_general3A_239 = arith.constant dense<0.000000e+00> : vector<1024x128xf32>
    %dot_general3A_240 = tpu.matmul %max3A_222, %get3A_238, %dot_general3A_239 {dimension_numbers = #tpu.dot_dimension_numbers<[1], [0], [0], [1], [0, 0, 1, 1], [], []>, transpose_lhs_hint = false} : vector<1024x64xf32>, vector<64x128xf32>, vector<1024x128xf32> -> vector<1024x128xf32>
    %get3A_241 = arith.constant 0 : index
    %get3A_242 = arith.constant 0 : index
    %get3A_243 = vector.load %arg9[%get3A_241, %get3A_242] : memref<64x128xf32, #tpu.memory_space<vmem>>, vector<64x128xf32>
    %dot_general3A_244 = arith.constant dense<0.000000e+00> : vector<1024x128xf32>
    %dot_general3A_245 = tpu.matmul %max3A_235, %get3A_243, %dot_general3A_244 {dimension_numbers = #tpu.dot_dimension_numbers<[1], [0], [0], [1], [0, 0, 1, 1], [], []>, transpose_lhs_hint = false} : vector<1024x64xf32>, vector<64x128xf32>, vector<1024x128xf32> -> vector<1024x128xf32>
    %add3A_246 = arith.addf %dot_general3A_240, %dot_general3A_245 : vector<1024x128xf32>
    %swap3A_247 = arith.constant 0 : index
    %swap3A_248 = arith.constant 3 : index
    %swap3A_249 = arith.constant 0 : index
    %swap3A_250 = arith.constant 0 : index
    %swap3A_251 = vector.load %arg10[%swap3A_247, %swap3A_248, %swap3A_249, %swap3A_250] : memref<1x6x1024x128xf32, #tpu.memory_space<vmem>>, vector<1x1x1024x128xf32>
    %swap3A_252 = vector.shape_cast %swap3A_251 : vector<1x1x1024x128xf32> to vector<1024x128xf32>
    %swap3A_253 = vector.shape_cast %add3A_246 : vector<1024x128xf32> to vector<1x1x1024x128xf32>
    tpu.vector_store %arg10[%swap3A_247, %swap3A_248, %swap3A_249, %swap3A_250], %swap3A_253 {strides = array<i32>} : memref<1x6x1024x128xf32, #tpu.memory_space<vmem>>, vector<1x1x1024x128xf32>,
    %reduce_sum3A_254 = arith.constant dense<0.000000e+00> : vector<128xf32>
    %reduce_sum3A_255 = vector.multi_reduction <add>, %add3A_246, %reduce_sum3A_254 [0] : vector<1024x128xf32> to vector<128xf32>
    %broadcast_in_dim3A_256 = vector.shape_cast %reduce_sum3A_255 : vector<128xf32> to vector<1x128xf32>
    %add3A_257 = arith.addf %add3A_204, %broadcast_in_dim3A_256 : vector<1x128xf32>
    %mul3A_258 = arith.mulf %add3A_246, %add3A_246 : vector<1024x128xf32>
    %reduce_sum3A_259 = arith.constant dense<0.000000e+00> : vector<128xf32>
    %reduce_sum3A_260 = vector.multi_reduction <add>, %mul3A_258, %reduce_sum3A_259 [0] : vector<1024x128xf32> to vector<128xf32>
    %broadcast_in_dim3A_261 = vector.shape_cast %reduce_sum3A_260 : vector<128xf32> to vector<1x128xf32>
    %add3A_262 = arith.addf %add3A_209, %broadcast_in_dim3A_261 : vector<1x128xf32>
    %get3A_263 = arith.constant 0 : index
    %get3A_264 = arith.constant 4 : index
    %get3A_265 = arith.constant 0 : index
    %get3A_266 = arith.constant 0 : index
    %get3A_267 = vector.load %arg2[%get3A_263, %get3A_264, %get3A_265, %get3A_266] : memref<1x6x1024x64xf32, #tpu.memory_space<vmem>>, vector<1x1x1024x64xf32>
    %get3A_268 = vector.shape_cast %get3A_267 : vector<1x1x1024x64xf32> to vector<1024x64xf32>
    %mul3A_269 = vector.broadcast %div3A_19 : vector<1x64xf32> to vector<1024x64xf32>
    %mul3A_270 = arith.mulf %get3A_268, %mul3A_269 : vector<1024x64xf32>
    %add3A_271 = vector.broadcast %sub3A_24 : vector<1x64xf32> to vector<1024x64xf32>
    %add3A_272 = arith.addf %mul3A_270, %add3A_271 : vector<1024x64xf32>
    %max3A_273 = arith.constant 0.000000e+00 : f32
    %max3A_274 = vector.broadcast %max3A_273 : f32 to vector<1024x64xf32>
    %max3A_275 = arith.maximumf %add3A_272, %max3A_274 : vector<1024x64xf32>
    %get3A_276 = arith.constant 0 : index
    %get3A_277 = arith.constant 4 : index
    %get3A_278 = arith.constant 0 : index
    %get3A_279 = arith.constant 0 : index
    %get3A_280 = vector.load %arg5[%get3A_276, %get3A_277, %get3A_278, %get3A_279] : memref<1x6x1024x64xf32, #tpu.memory_space<vmem>>, vector<1x1x1024x64xf32>
    %get3A_281 = vector.shape_cast %get3A_280 : vector<1x1x1024x64xf32> to vector<1024x64xf32>
    %mul3A_282 = vector.broadcast %div3A_46 : vector<1x64xf32> to vector<1024x64xf32>
    %mul3A_283 = arith.mulf %get3A_281, %mul3A_282 : vector<1024x64xf32>
    %add3A_284 = vector.broadcast %sub3A_51 : vector<1x64xf32> to vector<1024x64xf32>
    %add3A_285 = arith.addf %mul3A_283, %add3A_284 : vector<1024x64xf32>
    %max3A_286 = arith.constant 0.000000e+00 : f32
    %max3A_287 = vector.broadcast %max3A_286 : f32 to vector<1024x64xf32>
    %max3A_288 = arith.maximumf %add3A_285, %max3A_287 : vector<1024x64xf32>
    %get3A_289 = arith.constant 0 : index
    %get3A_290 = arith.constant 0 : index
    %get3A_291 = vector.load %arg8[%get3A_289, %get3A_290] : memref<64x128xf32, #tpu.memory_space<vmem>>, vector<64x128xf32>
    %dot_general3A_292 = arith.constant dense<0.000000e+00> : vector<1024x128xf32>
    %dot_general3A_293 = tpu.matmul %max3A_275, %get3A_291, %dot_general3A_292 {dimension_numbers = #tpu.dot_dimension_numbers<[1], [0], [0], [1], [0, 0, 1, 1], [], []>, transpose_lhs_hint = false} : vector<1024x64xf32>, vector<64x128xf32>, vector<1024x128xf32> -> vector<1024x128xf32>
    %get3A_294 = arith.constant 0 : index
    %get3A_295 = arith.constant 0 : index
    %get3A_296 = vector.load %arg9[%get3A_294, %get3A_295] : memref<64x128xf32, #tpu.memory_space<vmem>>, vector<64x128xf32>
    %dot_general3A_297 = arith.constant dense<0.000000e+00> : vector<1024x128xf32>
    %dot_general3A_298 = tpu.matmul %max3A_288, %get3A_296, %dot_general3A_297 {dimension_numbers = #tpu.dot_dimension_numbers<[1], [0], [0], [1], [0, 0, 1, 1], [], []>, transpose_lhs_hint = false} : vector<1024x64xf32>, vector<64x128xf32>, vector<1024x128xf32> -> vector<1024x128xf32>
    %add3A_299 = arith.addf %dot_general3A_293, %dot_general3A_298 : vector<1024x128xf32>
    %swap3A_300 = arith.constant 0 : index
    %swap3A_301 = arith.constant 4 : index
    %swap3A_302 = arith.constant 0 : index
    %swap3A_303 = arith.constant 0 : index
    %swap3A_304 = vector.load %arg10[%swap3A_300, %swap3A_301, %swap3A_302, %swap3A_303] : memref<1x6x1024x128xf32, #tpu.memory_space<vmem>>, vector<1x1x1024x128xf32>
    %swap3A_305 = vector.shape_cast %swap3A_304 : vector<1x1x1024x128xf32> to vector<1024x128xf32>
    %swap3A_306 = vector.shape_cast %add3A_299 : vector<1024x128xf32> to vector<1x1x1024x128xf32>
    tpu.vector_store %arg10[%swap3A_300, %swap3A_301, %swap3A_302, %swap3A_303], %swap3A_306 {strides = array<i32>} : memref<1x6x1024x128xf32, #tpu.memory_space<vmem>>, vector<1x1x1024x128xf32>,
    %reduce_sum3A_307 = arith.constant dense<0.000000e+00> : vector<128xf32>
    %reduce_sum3A_308 = vector.multi_reduction <add>, %add3A_299, %reduce_sum3A_307 [0] : vector<1024x128xf32> to vector<128xf32>
    %broadcast_in_dim3A_309 = vector.shape_cast %reduce_sum3A_308 : vector<128xf32> to vector<1x128xf32>
    %add3A_310 = arith.addf %add3A_257, %broadcast_in_dim3A_309 : vector<1x128xf32>
    %mul3A_311 = arith.mulf %add3A_299, %add3A_299 : vector<1024x128xf32>
    %reduce_sum3A_312 = arith.constant dense<0.000000e+00> : vector<128xf32>
    %reduce_sum3A_313 = vector.multi_reduction <add>, %mul3A_311, %reduce_sum3A_312 [0] : vector<1024x128xf32> to vector<128xf32>
    %broadcast_in_dim3A_314 = vector.shape_cast %reduce_sum3A_313 : vector<128xf32> to vector<1x128xf32>
    %add3A_315 = arith.addf %add3A_262, %broadcast_in_dim3A_314 : vector<1x128xf32>
    %get3A_316 = arith.constant 0 : index
    %get3A_317 = arith.constant 5 : index
    %get3A_318 = arith.constant 0 : index
    %get3A_319 = arith.constant 0 : index
    %get3A_320 = vector.load %arg2[%get3A_316, %get3A_317, %get3A_318, %get3A_319] : memref<1x6x1024x64xf32, #tpu.memory_space<vmem>>, vector<1x1x1024x64xf32>
    %get3A_321 = vector.shape_cast %get3A_320 : vector<1x1x1024x64xf32> to vector<1024x64xf32>
    %mul3A_322 = vector.broadcast %div3A_19 : vector<1x64xf32> to vector<1024x64xf32>
    %mul3A_323 = arith.mulf %get3A_321, %mul3A_322 : vector<1024x64xf32>
    %add3A_324 = vector.broadcast %sub3A_24 : vector<1x64xf32> to vector<1024x64xf32>
    %add3A_325 = arith.addf %mul3A_323, %add3A_324 : vector<1024x64xf32>
    %max3A_326 = arith.constant 0.000000e+00 : f32
    %max3A_327 = vector.broadcast %max3A_326 : f32 to vector<1024x64xf32>
    %max3A_328 = arith.maximumf %add3A_325, %max3A_327 : vector<1024x64xf32>
    %get3A_329 = arith.constant 0 : index
    %get3A_330 = arith.constant 5 : index
    %get3A_331 = arith.constant 0 : index
    %get3A_332 = arith.constant 0 : index
    %get3A_333 = vector.load %arg5[%get3A_329, %get3A_330, %get3A_331, %get3A_332] : memref<1x6x1024x64xf32, #tpu.memory_space<vmem>>, vector<1x1x1024x64xf32>
    %get3A_334 = vector.shape_cast %get3A_333 : vector<1x1x1024x64xf32> to vector<1024x64xf32>
    %mul3A_335 = vector.broadcast %div3A_46 : vector<1x64xf32> to vector<1024x64xf32>
    %mul3A_336 = arith.mulf %get3A_334, %mul3A_335 : vector<1024x64xf32>
    %add3A_337 = vector.broadcast %sub3A_51 : vector<1x64xf32> to vector<1024x64xf32>
    %add3A_338 = arith.addf %mul3A_336, %add3A_337 : vector<1024x64xf32>
    %max3A_339 = arith.constant 0.000000e+00 : f32
    %max3A_340 = vector.broadcast %max3A_339 : f32 to vector<1024x64xf32>
    %max3A_341 = arith.maximumf %add3A_338, %max3A_340 : vector<1024x64xf32>
    %get3A_342 = arith.constant 0 : index
    %get3A_343 = arith.constant 0 : index
    %get3A_344 = vector.load %arg8[%get3A_342, %get3A_343] : memref<64x128xf32, #tpu.memory_space<vmem>>, vector<64x128xf32>
    %dot_general3A_345 = arith.constant dense<0.000000e+00> : vector<1024x128xf32>
    %dot_general3A_346 = tpu.matmul %max3A_328, %get3A_344, %dot_general3A_345 {dimension_numbers = #tpu.dot_dimension_numbers<[1], [0], [0], [1], [0, 0, 1, 1], [], []>, transpose_lhs_hint = false} : vector<1024x64xf32>, vector<64x128xf32>, vector<1024x128xf32> -> vector<1024x128xf32>
    %get3A_347 = arith.constant 0 : index
    %get3A_348 = arith.constant 0 : index
    %get3A_349 = vector.load %arg9[%get3A_347, %get3A_348] : memref<64x128xf32, #tpu.memory_space<vmem>>, vector<64x128xf32>
    %dot_general3A_350 = arith.constant dense<0.000000e+00> : vector<1024x128xf32>
    %dot_general3A_351 = tpu.matmul %max3A_341, %get3A_349, %dot_general3A_350 {dimension_numbers = #tpu.dot_dimension_numbers<[1], [0], [0], [1], [0, 0, 1, 1], [], []>, transpose_lhs_hint = false} : vector<1024x64xf32>, vector<64x128xf32>, vector<1024x128xf32> -> vector<1024x128xf32>
    %add3A_352 = arith.addf %dot_general3A_346, %dot_general3A_351 : vector<1024x128xf32>
    %swap3A_353 = arith.constant 0 : index
    %swap3A_354 = arith.constant 5 : index
    %swap3A_355 = arith.constant 0 : index
    %swap3A_356 = arith.constant 0 : index
    %swap3A_357 = vector.load %arg10[%swap3A_353, %swap3A_354, %swap3A_355, %swap3A_356] : memref<1x6x1024x128xf32, #tpu.memory_space<vmem>>, vector<1x1x1024x128xf32>
    %swap3A_358 = vector.shape_cast %swap3A_357 : vector<1x1x1024x128xf32> to vector<1024x128xf32>
    %swap3A_359 = vector.shape_cast %add3A_352 : vector<1024x128xf32> to vector<1x1x1024x128xf32>
    tpu.vector_store %arg10[%swap3A_353, %swap3A_354, %swap3A_355, %swap3A_356], %swap3A_359 {strides = array<i32>} : memref<1x6x1024x128xf32, #tpu.memory_space<vmem>>, vector<1x1x1024x128xf32>,
    %reduce_sum3A_360 = arith.constant dense<0.000000e+00> : vector<128xf32>
    %reduce_sum3A_361 = vector.multi_reduction <add>, %add3A_352, %reduce_sum3A_360 [0] : vector<1024x128xf32> to vector<128xf32>
    %broadcast_in_dim3A_362 = vector.shape_cast %reduce_sum3A_361 : vector<128xf32> to vector<1x128xf32>
    %add3A_363 = arith.addf %add3A_310, %broadcast_in_dim3A_362 : vector<1x128xf32>
    %mul3A_364 = arith.mulf %add3A_352, %add3A_352 : vector<1024x128xf32>
    %reduce_sum3A_365 = arith.constant dense<0.000000e+00> : vector<128xf32>
    %reduce_sum3A_366 = vector.multi_reduction <add>, %mul3A_364, %reduce_sum3A_365 [0] : vector<1024x128xf32> to vector<128xf32>
    %broadcast_in_dim3A_367 = vector.shape_cast %reduce_sum3A_366 : vector<128xf32> to vector<1x128xf32>
    %add3A_368 = arith.addf %add3A_315, %broadcast_in_dim3A_367 : vector<1x128xf32>
    %get3A_369 = arith.constant 0 : index
    %get3A_370 = arith.constant 0 : index
    %get3A_371 = vector.load %arg11[%get3A_369, %get3A_370] : memref<8x128xf32, #tpu.memory_space<vmem>>, vector<1x128xf32>
    %add3A_372 = arith.addf %get3A_371, %add3A_363 : vector<1x128xf32>
    %swap3A_373 = arith.constant 0 : index
    %swap3A_374 = arith.constant 0 : index
    %swap3A_375 = vector.load %arg11[%swap3A_373, %swap3A_374] : memref<8x128xf32, #tpu.memory_space<vmem>>, vector<1x128xf32>
    tpu.vector_store %arg11[%swap3A_373, %swap3A_374], %add3A_372 {strides = array<i32>} : memref<8x128xf32, #tpu.memory_space<vmem>>, vector<1x128xf32>,
    %get3A_376 = arith.constant 1 : index
    %get3A_377 = arith.constant 0 : index
    %get3A_378 = vector.load %arg11[%get3A_376, %get3A_377] : memref<8x128xf32, #tpu.memory_space<vmem>>, vector<1x128xf32>
    %add3A_379 = arith.addf %get3A_378, %add3A_368 : vector<1x128xf32>
    %swap3A_380 = arith.constant 1 : index
    %swap3A_381 = arith.constant 0 : index
    %swap3A_382 = vector.load %arg11[%swap3A_380, %swap3A_381] : memref<8x128xf32, #tpu.memory_space<vmem>>, vector<1x128xf32>
    tpu.vector_store %arg11[%swap3A_380, %swap3A_381], %add3A_379 {strides = array<i32>} : memref<8x128xf32, #tpu.memory_space<vmem>>, vector<1x128xf32>,
    return
  }
  func.func @transform_0(%arg0: i32, %arg1: i32) -> (i32, i32, i32, i32) {
    %c0_i32 = arith.constant 0 : i32
    %c0_i32_0 = arith.constant 0 : i32
    %c0_i32_1 = arith.constant 0 : i32
    return %arg0, %c0_i32, %arg1, %c0_i32_0 : i32, i32, i32, i32
  }
  func.func @transform_1(%arg0: i32, %arg1: i32) -> (i32, i32) {
    %c0_i32 = arith.constant 0 : i32
    %c0_i32_0 = arith.constant 0 : i32
    %c0_i32_1 = arith.constant 0 : i32
    return %c0_i32, %c0_i32_0 : i32, i32
  }
  func.func @transform_2(%arg0: i32, %arg1: i32) -> (i32, i32) {
    %c0_i32 = arith.constant 0 : i32
    %c0_i32_0 = arith.constant 0 : i32
    %c0_i32_1 = arith.constant 0 : i32
    return %c0_i32, %c0_i32_0 : i32, i32
  }
  func.func @transform_3(%arg0: i32, %arg1: i32) -> (i32, i32, i32, i32) {
    %c0_i32 = arith.constant 0 : i32
    %c0_i32_0 = arith.constant 0 : i32
    %c0_i32_1 = arith.constant 0 : i32
    return %arg0, %c0_i32, %arg1, %c0_i32_0 : i32, i32, i32, i32
  }
  func.func @transform_4(%arg0: i32, %arg1: i32) -> (i32, i32) {
    %c0_i32 = arith.constant 0 : i32
    %c0_i32_0 = arith.constant 0 : i32
    %c0_i32_1 = arith.constant 0 : i32
    return %c0_i32, %c0_i32_0 : i32, i32
  }
  func.func @transform_5(%arg0: i32, %arg1: i32) -> (i32, i32) {
    %c0_i32 = arith.constant 0 : i32
    %c0_i32_0 = arith.constant 0 : i32
    %c0_i32_1 = arith.constant 0 : i32
    return %c0_i32, %c0_i32_0 : i32, i32
  }
  func.func @transform_6(%arg0: i32, %arg1: i32) -> (i32, i32) {
    %c0_i32 = arith.constant 0 : i32
    %c0_i32_0 = arith.constant 0 : i32
    %c0_i32_1 = arith.constant 0 : i32
    return %c0_i32, %c0_i32_0 : i32, i32
  }
  func.func @transform_7(%arg0: i32, %arg1: i32) -> (i32, i32) {
    %c0_i32 = arith.constant 0 : i32
    %c0_i32_0 = arith.constant 0 : i32
    %c0_i32_1 = arith.constant 0 : i32
    return %c0_i32, %c0_i32_0 : i32, i32
  }
  func.func @transform_8(%arg0: i32, %arg1: i32) -> (i32, i32, i32, i32) {
    %c0_i32 = arith.constant 0 : i32
    %c0_i32_0 = arith.constant 0 : i32
    %c0_i32_1 = arith.constant 0 : i32
    return %arg0, %c0_i32, %arg1, %c0_i32_0 : i32, i32, i32, i32
  }
  func.func @transform_9(%arg0: i32, %arg1: i32) -> (i32, i32) {
    %c0_i32 = arith.constant 0 : i32
    %c0_i32_0 = arith.constant 0 : i32
    %c0_i32_1 = arith.constant 0 : i32
    return %c0_i32, %c0_i32_0 : i32, i32
  }
}

module attributes {stable_mosaic.version = 14 : i64} {
  func.func @_p6_body(%arg0: i32, %arg1: i32, %arg2: memref<1x6x1024x64xf32, #tpu.memory_space<vmem>>, %arg3: memref<8x64xf32, #tpu.memory_space<vmem>>, %arg4: memref<8x64xf32, #tpu.memory_space<vmem>>, %arg5: memref<1x6x1024x64xf32, #tpu.memory_space<vmem>>, %arg6: memref<8x64xf32, #tpu.memory_space<vmem>>, %arg7: memref<8x64xf32, #tpu.memory_space<vmem>>, %arg8: memref<1x1024x64xf32, #tpu.memory_space<vmem>>) attributes {dimension_semantics = [#tpu.dimension_semantics<arbitrary>, #tpu.dimension_semantics<arbitrary>], iteration_bounds = array<i64: 2, 4>, scalar_prefetch = 0 : i64, scratch_operands = 0 : i64, tpu.core_type = #tpu.core_type<tc>, window_params = [{transform_indices = @transform_0, window_bounds = array<i64: 1, 6, 1024, 64>}, {pipeline_mode = #tpu.pipeline_mode<synchronous>, transform_indices = @transform_1, window_bounds = array<i64: 8, 64>}, {pipeline_mode = #tpu.pipeline_mode<synchronous>, transform_indices = @transform_2, window_bounds = array<i64: 8, 64>}, {transform_indices = @transform_3, window_bounds = array<i64: 1, 6, 1024, 64>}, {pipeline_mode = #tpu.pipeline_mode<synchronous>, transform_indices = @transform_4, window_bounds = array<i64: 8, 64>}, {pipeline_mode = #tpu.pipeline_mode<synchronous>, transform_indices = @transform_5, window_bounds = array<i64: 8, 64>}, {transform_indices = @transform_6, window_bounds = array<i64: 1, 1024, 64>}]} {
    %get3A = arith.constant 0 : index
    %get3A_0 = arith.constant 0 : index
    %get3A_1 = vector.load %arg3[%get3A, %get3A_0] : memref<8x64xf32, #tpu.memory_space<vmem>>, vector<1x64xf32>
    %div3A = arith.constant 4.915200e+04 : f32
    %div3A_2 = vector.broadcast %div3A : f32 to vector<1x64xf32>
    %div3A_3 = arith.divf %get3A_1, %div3A_2 : vector<1x64xf32>
    %get3A_4 = arith.constant 1 : index
    %get3A_5 = arith.constant 0 : index
    %get3A_6 = vector.load %arg3[%get3A_4, %get3A_5] : memref<8x64xf32, #tpu.memory_space<vmem>>, vector<1x64xf32>
    %div3A_7 = arith.constant 4.915200e+04 : f32
    %div3A_8 = vector.broadcast %div3A_7 : f32 to vector<1x64xf32>
    %div3A_9 = arith.divf %get3A_6, %div3A_8 : vector<1x64xf32>
    %mul3A = arith.mulf %div3A_3, %div3A_3 : vector<1x64xf32>
    %sub3A = arith.subf %div3A_9, %mul3A : vector<1x64xf32>
    %get3A_10 = arith.constant 0 : index
    %get3A_11 = arith.constant 0 : index
    %get3A_12 = vector.load %arg4[%get3A_10, %get3A_11] : memref<8x64xf32, #tpu.memory_space<vmem>>, vector<1x64xf32>
    %add3A = arith.constant 9.99999974E-6 : f32
    %add3A_13 = vector.broadcast %add3A : f32 to vector<1x64xf32>
    %add3A_14 = arith.addf %sub3A, %add3A_13 : vector<1x64xf32>
    %sqrt3A = math.sqrt %add3A_14 : vector<1x64xf32>
    %div3A_15 = arith.divf %get3A_12, %sqrt3A : vector<1x64xf32>
    %get3A_16 = arith.constant 1 : index
    %get3A_17 = arith.constant 0 : index
    %get3A_18 = vector.load %arg4[%get3A_16, %get3A_17] : memref<8x64xf32, #tpu.memory_space<vmem>>, vector<1x64xf32>
    %mul3A_19 = arith.mulf %div3A_3, %div3A_15 : vector<1x64xf32>
    %sub3A_20 = arith.subf %get3A_18, %mul3A_19 : vector<1x64xf32>
    %get3A_21 = arith.constant 0 : index
    %get3A_22 = arith.constant 0 : index
    %get3A_23 = vector.load %arg6[%get3A_21, %get3A_22] : memref<8x64xf32, #tpu.memory_space<vmem>>, vector<1x64xf32>
    %div3A_24 = arith.constant 4.915200e+04 : f32
    %div3A_25 = vector.broadcast %div3A_24 : f32 to vector<1x64xf32>
    %div3A_26 = arith.divf %get3A_23, %div3A_25 : vector<1x64xf32>
    %get3A_27 = arith.constant 1 : index
    %get3A_28 = arith.constant 0 : index
    %get3A_29 = vector.load %arg6[%get3A_27, %get3A_28] : memref<8x64xf32, #tpu.memory_space<vmem>>, vector<1x64xf32>
    %div3A_30 = arith.constant 4.915200e+04 : f32
    %div3A_31 = vector.broadcast %div3A_30 : f32 to vector<1x64xf32>
    %div3A_32 = arith.divf %get3A_29, %div3A_31 : vector<1x64xf32>
    %mul3A_33 = arith.mulf %div3A_26, %div3A_26 : vector<1x64xf32>
    %sub3A_34 = arith.subf %div3A_32, %mul3A_33 : vector<1x64xf32>
    %get3A_35 = arith.constant 0 : index
    %get3A_36 = arith.constant 0 : index
    %get3A_37 = vector.load %arg7[%get3A_35, %get3A_36] : memref<8x64xf32, #tpu.memory_space<vmem>>, vector<1x64xf32>
    %add3A_38 = arith.constant 9.99999974E-6 : f32
    %add3A_39 = vector.broadcast %add3A_38 : f32 to vector<1x64xf32>
    %add3A_40 = arith.addf %sub3A_34, %add3A_39 : vector<1x64xf32>
    %sqrt3A_41 = math.sqrt %add3A_40 : vector<1x64xf32>
    %div3A_42 = arith.divf %get3A_37, %sqrt3A_41 : vector<1x64xf32>
    %get3A_43 = arith.constant 1 : index
    %get3A_44 = arith.constant 0 : index
    %get3A_45 = vector.load %arg7[%get3A_43, %get3A_44] : memref<8x64xf32, #tpu.memory_space<vmem>>, vector<1x64xf32>
    %mul3A_46 = arith.mulf %div3A_26, %div3A_42 : vector<1x64xf32>
    %sub3A_47 = arith.subf %get3A_45, %mul3A_46 : vector<1x64xf32>
    %get3A_48 = arith.constant 0 : index
    %get3A_49 = arith.constant 0 : index
    %get3A_50 = arith.constant 0 : index
    %get3A_51 = arith.constant 0 : index
    %get3A_52 = vector.load %arg2[%get3A_48, %get3A_49, %get3A_50, %get3A_51] : memref<1x6x1024x64xf32, #tpu.memory_space<vmem>>, vector<1x1x1024x64xf32>
    %get3A_53 = vector.shape_cast %get3A_52 : vector<1x1x1024x64xf32> to vector<1024x64xf32>
    %mul3A_54 = vector.broadcast %div3A_15 : vector<1x64xf32> to vector<1024x64xf32>
    %mul3A_55 = arith.mulf %get3A_53, %mul3A_54 : vector<1024x64xf32>
    %add3A_56 = vector.broadcast %sub3A_20 : vector<1x64xf32> to vector<1024x64xf32>
    %add3A_57 = arith.addf %mul3A_55, %add3A_56 : vector<1024x64xf32>
    %max3A = arith.constant 0.000000e+00 : f32
    %max3A_58 = vector.broadcast %max3A : f32 to vector<1024x64xf32>
    %max3A_59 = arith.maximumf %add3A_57, %max3A_58 : vector<1024x64xf32>
    %get3A_60 = arith.constant 0 : index
    %get3A_61 = arith.constant 1 : index
    %get3A_62 = arith.constant 0 : index
    %get3A_63 = arith.constant 0 : index
    %get3A_64 = vector.load %arg2[%get3A_60, %get3A_61, %get3A_62, %get3A_63] : memref<1x6x1024x64xf32, #tpu.memory_space<vmem>>, vector<1x1x1024x64xf32>
    %get3A_65 = vector.shape_cast %get3A_64 : vector<1x1x1024x64xf32> to vector<1024x64xf32>
    %mul3A_66 = vector.broadcast %div3A_15 : vector<1x64xf32> to vector<1024x64xf32>
    %mul3A_67 = arith.mulf %get3A_65, %mul3A_66 : vector<1024x64xf32>
    %add3A_68 = vector.broadcast %sub3A_20 : vector<1x64xf32> to vector<1024x64xf32>
    %add3A_69 = arith.addf %mul3A_67, %add3A_68 : vector<1024x64xf32>
    %max3A_70 = arith.constant 0.000000e+00 : f32
    %max3A_71 = vector.broadcast %max3A_70 : f32 to vector<1024x64xf32>
    %max3A_72 = arith.maximumf %add3A_69, %max3A_71 : vector<1024x64xf32>
    %get3A_73 = arith.constant 0 : index
    %get3A_74 = arith.constant 2 : index
    %get3A_75 = arith.constant 0 : index
    %get3A_76 = arith.constant 0 : index
    %get3A_77 = vector.load %arg2[%get3A_73, %get3A_74, %get3A_75, %get3A_76] : memref<1x6x1024x64xf32, #tpu.memory_space<vmem>>, vector<1x1x1024x64xf32>
    %get3A_78 = vector.shape_cast %get3A_77 : vector<1x1x1024x64xf32> to vector<1024x64xf32>
    %mul3A_79 = vector.broadcast %div3A_15 : vector<1x64xf32> to vector<1024x64xf32>
    %mul3A_80 = arith.mulf %get3A_78, %mul3A_79 : vector<1024x64xf32>
    %add3A_81 = vector.broadcast %sub3A_20 : vector<1x64xf32> to vector<1024x64xf32>
    %add3A_82 = arith.addf %mul3A_80, %add3A_81 : vector<1024x64xf32>
    %max3A_83 = arith.constant 0.000000e+00 : f32
    %max3A_84 = vector.broadcast %max3A_83 : f32 to vector<1024x64xf32>
    %max3A_85 = arith.maximumf %add3A_82, %max3A_84 : vector<1024x64xf32>
    %get3A_86 = arith.constant 0 : index
    %get3A_87 = arith.constant 3 : index
    %get3A_88 = arith.constant 0 : index
    %get3A_89 = arith.constant 0 : index
    %get3A_90 = vector.load %arg2[%get3A_86, %get3A_87, %get3A_88, %get3A_89] : memref<1x6x1024x64xf32, #tpu.memory_space<vmem>>, vector<1x1x1024x64xf32>
    %get3A_91 = vector.shape_cast %get3A_90 : vector<1x1x1024x64xf32> to vector<1024x64xf32>
    %mul3A_92 = vector.broadcast %div3A_15 : vector<1x64xf32> to vector<1024x64xf32>
    %mul3A_93 = arith.mulf %get3A_91, %mul3A_92 : vector<1024x64xf32>
    %add3A_94 = vector.broadcast %sub3A_20 : vector<1x64xf32> to vector<1024x64xf32>
    %add3A_95 = arith.addf %mul3A_93, %add3A_94 : vector<1024x64xf32>
    %max3A_96 = arith.constant 0.000000e+00 : f32
    %max3A_97 = vector.broadcast %max3A_96 : f32 to vector<1024x64xf32>
    %max3A_98 = arith.maximumf %add3A_95, %max3A_97 : vector<1024x64xf32>
    %get3A_99 = arith.constant 0 : index
    %get3A_100 = arith.constant 4 : index
    %get3A_101 = arith.constant 0 : index
    %get3A_102 = arith.constant 0 : index
    %get3A_103 = vector.load %arg2[%get3A_99, %get3A_100, %get3A_101, %get3A_102] : memref<1x6x1024x64xf32, #tpu.memory_space<vmem>>, vector<1x1x1024x64xf32>
    %get3A_104 = vector.shape_cast %get3A_103 : vector<1x1x1024x64xf32> to vector<1024x64xf32>
    %mul3A_105 = vector.broadcast %div3A_15 : vector<1x64xf32> to vector<1024x64xf32>
    %mul3A_106 = arith.mulf %get3A_104, %mul3A_105 : vector<1024x64xf32>
    %add3A_107 = vector.broadcast %sub3A_20 : vector<1x64xf32> to vector<1024x64xf32>
    %add3A_108 = arith.addf %mul3A_106, %add3A_107 : vector<1024x64xf32>
    %max3A_109 = arith.constant 0.000000e+00 : f32
    %max3A_110 = vector.broadcast %max3A_109 : f32 to vector<1024x64xf32>
    %max3A_111 = arith.maximumf %add3A_108, %max3A_110 : vector<1024x64xf32>
    %get3A_112 = arith.constant 0 : index
    %get3A_113 = arith.constant 5 : index
    %get3A_114 = arith.constant 0 : index
    %get3A_115 = arith.constant 0 : index
    %get3A_116 = vector.load %arg2[%get3A_112, %get3A_113, %get3A_114, %get3A_115] : memref<1x6x1024x64xf32, #tpu.memory_space<vmem>>, vector<1x1x1024x64xf32>
    %get3A_117 = vector.shape_cast %get3A_116 : vector<1x1x1024x64xf32> to vector<1024x64xf32>
    %mul3A_118 = vector.broadcast %div3A_15 : vector<1x64xf32> to vector<1024x64xf32>
    %mul3A_119 = arith.mulf %get3A_117, %mul3A_118 : vector<1024x64xf32>
    %add3A_120 = vector.broadcast %sub3A_20 : vector<1x64xf32> to vector<1024x64xf32>
    %add3A_121 = arith.addf %mul3A_119, %add3A_120 : vector<1024x64xf32>
    %max3A_122 = arith.constant 0.000000e+00 : f32
    %max3A_123 = vector.broadcast %max3A_122 : f32 to vector<1024x64xf32>
    %max3A_124 = arith.maximumf %add3A_121, %max3A_123 : vector<1024x64xf32>
    %get3A_125 = arith.constant 0 : index
    %get3A_126 = arith.constant 0 : index
    %get3A_127 = arith.constant 0 : index
    %get3A_128 = arith.constant 0 : index
    %get3A_129 = vector.load %arg5[%get3A_125, %get3A_126, %get3A_127, %get3A_128] : memref<1x6x1024x64xf32, #tpu.memory_space<vmem>>, vector<1x1x1024x64xf32>
    %get3A_130 = vector.shape_cast %get3A_129 : vector<1x1x1024x64xf32> to vector<1024x64xf32>
    %mul3A_131 = vector.broadcast %div3A_42 : vector<1x64xf32> to vector<1024x64xf32>
    %mul3A_132 = arith.mulf %get3A_130, %mul3A_131 : vector<1024x64xf32>
    %add3A_133 = vector.broadcast %sub3A_47 : vector<1x64xf32> to vector<1024x64xf32>
    %add3A_134 = arith.addf %mul3A_132, %add3A_133 : vector<1024x64xf32>
    %max3A_135 = arith.constant 0.000000e+00 : f32
    %max3A_136 = vector.broadcast %max3A_135 : f32 to vector<1024x64xf32>
    %max3A_137 = arith.maximumf %add3A_134, %max3A_136 : vector<1024x64xf32>
    %get3A_138 = arith.constant 0 : index
    %get3A_139 = arith.constant 1 : index
    %get3A_140 = arith.constant 0 : index
    %get3A_141 = arith.constant 0 : index
    %get3A_142 = vector.load %arg5[%get3A_138, %get3A_139, %get3A_140, %get3A_141] : memref<1x6x1024x64xf32, #tpu.memory_space<vmem>>, vector<1x1x1024x64xf32>
    %get3A_143 = vector.shape_cast %get3A_142 : vector<1x1x1024x64xf32> to vector<1024x64xf32>
    %mul3A_144 = vector.broadcast %div3A_42 : vector<1x64xf32> to vector<1024x64xf32>
    %mul3A_145 = arith.mulf %get3A_143, %mul3A_144 : vector<1024x64xf32>
    %add3A_146 = vector.broadcast %sub3A_47 : vector<1x64xf32> to vector<1024x64xf32>
    %add3A_147 = arith.addf %mul3A_145, %add3A_146 : vector<1024x64xf32>
    %max3A_148 = arith.constant 0.000000e+00 : f32
    %max3A_149 = vector.broadcast %max3A_148 : f32 to vector<1024x64xf32>
    %max3A_150 = arith.maximumf %add3A_147, %max3A_149 : vector<1024x64xf32>
    %get3A_151 = arith.constant 0 : index
    %get3A_152 = arith.constant 2 : index
    %get3A_153 = arith.constant 0 : index
    %get3A_154 = arith.constant 0 : index
    %get3A_155 = vector.load %arg5[%get3A_151, %get3A_152, %get3A_153, %get3A_154] : memref<1x6x1024x64xf32, #tpu.memory_space<vmem>>, vector<1x1x1024x64xf32>
    %get3A_156 = vector.shape_cast %get3A_155 : vector<1x1x1024x64xf32> to vector<1024x64xf32>
    %mul3A_157 = vector.broadcast %div3A_42 : vector<1x64xf32> to vector<1024x64xf32>
    %mul3A_158 = arith.mulf %get3A_156, %mul3A_157 : vector<1024x64xf32>
    %add3A_159 = vector.broadcast %sub3A_47 : vector<1x64xf32> to vector<1024x64xf32>
    %add3A_160 = arith.addf %mul3A_158, %add3A_159 : vector<1024x64xf32>
    %max3A_161 = arith.constant 0.000000e+00 : f32
    %max3A_162 = vector.broadcast %max3A_161 : f32 to vector<1024x64xf32>
    %max3A_163 = arith.maximumf %add3A_160, %max3A_162 : vector<1024x64xf32>
    %get3A_164 = arith.constant 0 : index
    %get3A_165 = arith.constant 3 : index
    %get3A_166 = arith.constant 0 : index
    %get3A_167 = arith.constant 0 : index
    %get3A_168 = vector.load %arg5[%get3A_164, %get3A_165, %get3A_166, %get3A_167] : memref<1x6x1024x64xf32, #tpu.memory_space<vmem>>, vector<1x1x1024x64xf32>
    %get3A_169 = vector.shape_cast %get3A_168 : vector<1x1x1024x64xf32> to vector<1024x64xf32>
    %mul3A_170 = vector.broadcast %div3A_42 : vector<1x64xf32> to vector<1024x64xf32>
    %mul3A_171 = arith.mulf %get3A_169, %mul3A_170 : vector<1024x64xf32>
    %add3A_172 = vector.broadcast %sub3A_47 : vector<1x64xf32> to vector<1024x64xf32>
    %add3A_173 = arith.addf %mul3A_171, %add3A_172 : vector<1024x64xf32>
    %max3A_174 = arith.constant 0.000000e+00 : f32
    %max3A_175 = vector.broadcast %max3A_174 : f32 to vector<1024x64xf32>
    %max3A_176 = arith.maximumf %add3A_173, %max3A_175 : vector<1024x64xf32>
    %get3A_177 = arith.constant 0 : index
    %get3A_178 = arith.constant 4 : index
    %get3A_179 = arith.constant 0 : index
    %get3A_180 = arith.constant 0 : index
    %get3A_181 = vector.load %arg5[%get3A_177, %get3A_178, %get3A_179, %get3A_180] : memref<1x6x1024x64xf32, #tpu.memory_space<vmem>>, vector<1x1x1024x64xf32>
    %get3A_182 = vector.shape_cast %get3A_181 : vector<1x1x1024x64xf32> to vector<1024x64xf32>
    %mul3A_183 = vector.broadcast %div3A_42 : vector<1x64xf32> to vector<1024x64xf32>
    %mul3A_184 = arith.mulf %get3A_182, %mul3A_183 : vector<1024x64xf32>
    %add3A_185 = vector.broadcast %sub3A_47 : vector<1x64xf32> to vector<1024x64xf32>
    %add3A_186 = arith.addf %mul3A_184, %add3A_185 : vector<1024x64xf32>
    %max3A_187 = arith.constant 0.000000e+00 : f32
    %max3A_188 = vector.broadcast %max3A_187 : f32 to vector<1024x64xf32>
    %max3A_189 = arith.maximumf %add3A_186, %max3A_188 : vector<1024x64xf32>
    %get3A_190 = arith.constant 0 : index
    %get3A_191 = arith.constant 5 : index
    %get3A_192 = arith.constant 0 : index
    %get3A_193 = arith.constant 0 : index
    %get3A_194 = vector.load %arg5[%get3A_190, %get3A_191, %get3A_192, %get3A_193] : memref<1x6x1024x64xf32, #tpu.memory_space<vmem>>, vector<1x1x1024x64xf32>
    %get3A_195 = vector.shape_cast %get3A_194 : vector<1x1x1024x64xf32> to vector<1024x64xf32>
    %mul3A_196 = vector.broadcast %div3A_42 : vector<1x64xf32> to vector<1024x64xf32>
    %mul3A_197 = arith.mulf %get3A_195, %mul3A_196 : vector<1024x64xf32>
    %add3A_198 = vector.broadcast %sub3A_47 : vector<1x64xf32> to vector<1024x64xf32>
    %add3A_199 = arith.addf %mul3A_197, %add3A_198 : vector<1024x64xf32>
    %max3A_200 = arith.constant 0.000000e+00 : f32
    %max3A_201 = vector.broadcast %max3A_200 : f32 to vector<1024x64xf32>
    %max3A_202 = arith.maximumf %add3A_199, %max3A_201 : vector<1024x64xf32>
    %max3A_203 = arith.maximumf %max3A_59, %max3A_72 : vector<1024x64xf32>
    %max3A_204 = arith.maximumf %max3A_203, %max3A_85 : vector<1024x64xf32>
    %max3A_205 = arith.maximumf %max3A_204, %max3A_98 : vector<1024x64xf32>
    %max3A_206 = arith.maximumf %max3A_205, %max3A_111 : vector<1024x64xf32>
    %max3A_207 = arith.maximumf %max3A_206, %max3A_124 : vector<1024x64xf32>
    %sub3A_208 = arith.subf %max3A_59, %max3A_207 : vector<1024x64xf32>
    %exp3A = math.exp %sub3A_208 : vector<1024x64xf32>
    %sub3A_209 = arith.subf %max3A_72, %max3A_207 : vector<1024x64xf32>
    %exp3A_210 = math.exp %sub3A_209 : vector<1024x64xf32>
    %sub3A_211 = arith.subf %max3A_85, %max3A_207 : vector<1024x64xf32>
    %exp3A_212 = math.exp %sub3A_211 : vector<1024x64xf32>
    %sub3A_213 = arith.subf %max3A_98, %max3A_207 : vector<1024x64xf32>
    %exp3A_214 = math.exp %sub3A_213 : vector<1024x64xf32>
    %sub3A_215 = arith.subf %max3A_111, %max3A_207 : vector<1024x64xf32>
    %exp3A_216 = math.exp %sub3A_215 : vector<1024x64xf32>
    %sub3A_217 = arith.subf %max3A_124, %max3A_207 : vector<1024x64xf32>
    %exp3A_218 = math.exp %sub3A_217 : vector<1024x64xf32>
    %add3A_219 = arith.addf %exp3A, %exp3A_210 : vector<1024x64xf32>
    %add3A_220 = arith.addf %add3A_219, %exp3A_212 : vector<1024x64xf32>
    %add3A_221 = arith.addf %add3A_220, %exp3A_214 : vector<1024x64xf32>
    %add3A_222 = arith.addf %add3A_221, %exp3A_216 : vector<1024x64xf32>
    %add3A_223 = arith.addf %add3A_222, %exp3A_218 : vector<1024x64xf32>
    %mul3A_224 = arith.mulf %exp3A, %max3A_137 : vector<1024x64xf32>
    %mul3A_225 = arith.mulf %exp3A_210, %max3A_150 : vector<1024x64xf32>
    %add3A_226 = arith.addf %mul3A_224, %mul3A_225 : vector<1024x64xf32>
    %mul3A_227 = arith.mulf %exp3A_212, %max3A_163 : vector<1024x64xf32>
    %add3A_228 = arith.addf %add3A_226, %mul3A_227 : vector<1024x64xf32>
    %mul3A_229 = arith.mulf %exp3A_214, %max3A_176 : vector<1024x64xf32>
    %add3A_230 = arith.addf %add3A_228, %mul3A_229 : vector<1024x64xf32>
    %mul3A_231 = arith.mulf %exp3A_216, %max3A_189 : vector<1024x64xf32>
    %add3A_232 = arith.addf %add3A_230, %mul3A_231 : vector<1024x64xf32>
    %mul3A_233 = arith.mulf %exp3A_218, %max3A_202 : vector<1024x64xf32>
    %add3A_234 = arith.addf %add3A_232, %mul3A_233 : vector<1024x64xf32>
    %div3A_235 = arith.divf %add3A_234, %add3A_223 : vector<1024x64xf32>
    %swap3A = arith.constant 0 : index
    %swap3A_236 = arith.constant 0 : index
    %swap3A_237 = arith.constant 0 : index
    %swap3A_238 = vector.load %arg8[%swap3A, %swap3A_236, %swap3A_237] : memref<1x1024x64xf32, #tpu.memory_space<vmem>>, vector<1x1024x64xf32>
    %swap3A_239 = vector.shape_cast %swap3A_238 : vector<1x1024x64xf32> to vector<1024x64xf32>
    %swap3A_240 = vector.shape_cast %div3A_235 : vector<1024x64xf32> to vector<1x1024x64xf32>
    tpu.vector_store %arg8[%swap3A, %swap3A_236, %swap3A_237], %swap3A_240 {strides = array<i32>} : memref<1x1024x64xf32, #tpu.memory_space<vmem>>, vector<1x1024x64xf32>,
    return
  }
  func.func @transform_0(%arg0: i32, %arg1: i32) -> (i32, i32, i32, i32) {
    %c0_i32 = arith.constant 0 : i32
    %c0_i32_0 = arith.constant 0 : i32
    %c0_i32_1 = arith.constant 0 : i32
    return %arg0, %c0_i32, %arg1, %c0_i32_0 : i32, i32, i32, i32
  }
  func.func @transform_1(%arg0: i32, %arg1: i32) -> (i32, i32) {
    %c0_i32 = arith.constant 0 : i32
    %c0_i32_0 = arith.constant 0 : i32
    %c0_i32_1 = arith.constant 0 : i32
    return %c0_i32, %c0_i32_0 : i32, i32
  }
  func.func @transform_2(%arg0: i32, %arg1: i32) -> (i32, i32) {
    %c0_i32 = arith.constant 0 : i32
    %c0_i32_0 = arith.constant 0 : i32
    %c0_i32_1 = arith.constant 0 : i32
    return %c0_i32, %c0_i32_0 : i32, i32
  }
  func.func @transform_3(%arg0: i32, %arg1: i32) -> (i32, i32, i32, i32) {
    %c0_i32 = arith.constant 0 : i32
    %c0_i32_0 = arith.constant 0 : i32
    %c0_i32_1 = arith.constant 0 : i32
    return %arg0, %c0_i32, %arg1, %c0_i32_0 : i32, i32, i32, i32
  }
  func.func @transform_4(%arg0: i32, %arg1: i32) -> (i32, i32) {
    %c0_i32 = arith.constant 0 : i32
    %c0_i32_0 = arith.constant 0 : i32
    %c0_i32_1 = arith.constant 0 : i32
    return %c0_i32, %c0_i32_0 : i32, i32
  }
  func.func @transform_5(%arg0: i32, %arg1: i32) -> (i32, i32) {
    %c0_i32 = arith.constant 0 : i32
    %c0_i32_0 = arith.constant 0 : i32
    %c0_i32_1 = arith.constant 0 : i32
    return %c0_i32, %c0_i32_0 : i32, i32
  }
  func.func @transform_6(%arg0: i32, %arg1: i32) -> (i32, i32, i32) {
    %c0_i32 = arith.constant 0 : i32
    %c0_i32_0 = arith.constant 0 : i32
    return %arg0, %arg1, %c0_i32 : i32, i32, i32
  }
}

module attributes {stable_mosaic.version = 14 : i64} {
  func.func @_q1_body(%arg0: i32, %arg1: i32, %arg2: memref<1x1024x8xf32, #tpu.memory_space<vmem>>, %arg3: memref<1x4x1024x128xf32, #tpu.memory_space<vmem>>, %arg4: memref<10x64xf32, #tpu.memory_space<vmem>>, %arg5: memref<1x4x1024x64xf32, #tpu.memory_space<vmem>>, %arg6: memref<8x64xf32, #tpu.memory_space<vmem>>) attributes {dimension_semantics = [#tpu.dimension_semantics<arbitrary>, #tpu.dimension_semantics<arbitrary>], iteration_bounds = array<i64: 2, 4>, scalar_prefetch = 0 : i64, scratch_operands = 0 : i64, tpu.core_type = #tpu.core_type<tc>, window_params = [{transform_indices = @transform_0, window_bounds = array<i64: 1, 1024, 8>}, {transform_indices = @transform_1, window_bounds = array<i64: 1, 4, 1024, 128>}, {pipeline_mode = #tpu.pipeline_mode<synchronous>, transform_indices = @transform_2, window_bounds = array<i64: 10, 64>}, {transform_indices = @transform_3, window_bounds = array<i64: 1, 4, 1024, 64>}, {pipeline_mode = #tpu.pipeline_mode<synchronous>, transform_indices = @transform_4, window_bounds = array<i64: 8, 64>}]} {
    %eq3A = arith.constant 0 : i32
    %eq3A_0 = arith.cmpi eq, %arg0, %eq3A : i32
    %eq3A_1 = arith.constant 0 : i32
    %eq3A_2 = arith.cmpi eq, %arg1, %eq3A_1 : i32
    %and3A = arith.andi %eq3A_0, %eq3A_2 : i1
    %convert_element_type3A = arith.extui %and3A : i1 to i32
    %cond3A = arith.constant 0 : i32
    %cond3A_3 = arith.cmpi ne, %convert_element_type3A, %cond3A : i32
    scf.if %cond3A_3 {
      %broadcast_in_dim3A_169 = arith.constant 0.000000e+00 : f32
      %broadcast_in_dim3A_170 = vector.broadcast %broadcast_in_dim3A_169 : f32 to vector<8x64xf32>
      %swap3A_171 = arith.constant 0 : index
      %swap3A_172 = arith.constant 0 : index
      %swap3A_173 = vector.load %arg6[%swap3A_171, %swap3A_172] : memref<8x64xf32, #tpu.memory_space<vmem>>, vector<8x64xf32>
      tpu.vector_store %arg6[%swap3A_171, %swap3A_172], %broadcast_in_dim3A_170 {strides = array<i32>} : memref<8x64xf32, #tpu.memory_space<vmem>>, vector<8x64xf32>,
    } else {
    }
    %get3A = arith.constant 0 : index
    %get3A_4 = arith.constant 0 : index
    %get3A_5 = arith.constant 0 : index
    %get3A_6 = vector.load %arg2[%get3A, %get3A_4, %get3A_5] : memref<1x1024x8xf32, #tpu.memory_space<vmem>>, vector<1x1024x8xf32>
    %get3A_7 = vector.shape_cast %get3A_6 : vector<1x1024x8xf32> to vector<1024x8xf32>
    %slice3A = vector.extract_strided_slice %get3A_7 {offsets = [0, 0], sizes = [1024, 3], strides = [1, 1]} : vector<1024x8xf32> to vector<1024x3xf32>
    %broadcast_in_dim3A = arith.constant 0.000000e+00 : f32
    %broadcast_in_dim3A_8 = vector.broadcast %broadcast_in_dim3A : f32 to vector<1x64xf32>
    %broadcast_in_dim3A_9 = arith.constant 0.000000e+00 : f32
    %broadcast_in_dim3A_10 = vector.broadcast %broadcast_in_dim3A_9 : f32 to vector<1x64xf32>
    %get3A_11 = arith.constant 0 : index
    %get3A_12 = arith.constant 0 : index
    %get3A_13 = arith.constant 0 : index
    %get3A_14 = arith.constant 0 : index
    %get3A_15 = vector.load %arg3[%get3A_11, %get3A_12, %get3A_13, %get3A_14] : memref<1x4x1024x128xf32, #tpu.memory_space<vmem>>, vector<1x1x1024x128xf32>
    %get3A_16 = vector.shape_cast %get3A_15 : vector<1x1x1024x128xf32> to vector<1024x128xf32>
    %slice3A_17 = vector.extract_strided_slice %get3A_16 {offsets = [0, 64], sizes = [1024, 3], strides = [1, 1]} : vector<1024x128xf32> to vector<1024x3xf32>
    %sub3A = arith.subf %slice3A_17, %slice3A : vector<1024x3xf32>
    %mul3A = arith.mulf %sub3A, %sub3A : vector<1024x3xf32>
    %reduce_sum3A = arith.constant dense<0.000000e+00> : vector<1024xf32>
    %reduce_sum3A_18 = vector.multi_reduction <add>, %mul3A, %reduce_sum3A [1] : vector<1024x3xf32> to vector<1024xf32>
    %broadcast_in_dim3A_19 = vector.shape_cast %reduce_sum3A_18 : vector<1024xf32> to vector<1024x1xf32>
    %add3A = arith.constant 9.99999968E-21 : f32
    %add3A_20 = vector.broadcast %add3A : f32 to vector<1024x1xf32>
    %add3A_21 = arith.addf %broadcast_in_dim3A_19, %add3A_20 : vector<1024x1xf32>
    %sqrt3A = math.sqrt %add3A_21 : vector<1024x1xf32>
    %concatenate3A = tpu.concatenate %slice3A, %slice3A_17, %sub3A, %sqrt3A in 1 : vector<1024x3xf32>, vector<1024x3xf32>, vector<1024x3xf32>, vector<1024x1xf32> -> vector<1024x10xf32>
    %get3A_22 = arith.constant 0 : index
    %get3A_23 = arith.constant 0 : index
    %get3A_24 = vector.load %arg4[%get3A_22, %get3A_23] : memref<10x64xf32, #tpu.memory_space<vmem>>, vector<10x64xf32>
    %dot_general3A = arith.constant dense<0.000000e+00> : vector<1024x64xf32>
    %dot_general3A_25 = tpu.matmul %concatenate3A, %get3A_24, %dot_general3A {dimension_numbers = #tpu.dot_dimension_numbers<[1], [0], [0], [1], [0, 0, 1, 1], [], []>, transpose_lhs_hint = false} : vector<1024x10xf32>, vector<10x64xf32>, vector<1024x64xf32> -> vector<1024x64xf32>
    %swap3A = arith.constant 0 : index
    %swap3A_26 = arith.constant 0 : index
    %swap3A_27 = arith.constant 0 : index
    %swap3A_28 = arith.constant 0 : index
    %swap3A_29 = vector.load %arg5[%swap3A, %swap3A_26, %swap3A_27, %swap3A_28] : memref<1x4x1024x64xf32, #tpu.memory_space<vmem>>, vector<1x1x1024x64xf32>
    %swap3A_30 = vector.shape_cast %swap3A_29 : vector<1x1x1024x64xf32> to vector<1024x64xf32>
    %swap3A_31 = vector.shape_cast %dot_general3A_25 : vector<1024x64xf32> to vector<1x1x1024x64xf32>
    tpu.vector_store %arg5[%swap3A, %swap3A_26, %swap3A_27, %swap3A_28], %swap3A_31 {strides = array<i32>} : memref<1x4x1024x64xf32, #tpu.memory_space<vmem>>, vector<1x1x1024x64xf32>,
    %reduce_sum3A_32 = arith.constant dense<0.000000e+00> : vector<64xf32>
    %reduce_sum3A_33 = vector.multi_reduction <add>, %dot_general3A_25, %reduce_sum3A_32 [0] : vector<1024x64xf32> to vector<64xf32>
    %broadcast_in_dim3A_34 = vector.shape_cast %reduce_sum3A_33 : vector<64xf32> to vector<1x64xf32>
    %add3A_35 = arith.addf %broadcast_in_dim3A_8, %broadcast_in_dim3A_34 : vector<1x64xf32>
    %mul3A_36 = arith.mulf %dot_general3A_25, %dot_general3A_25 : vector<1024x64xf32>
    %reduce_sum3A_37 = arith.constant dense<0.000000e+00> : vector<64xf32>
    %reduce_sum3A_38 = vector.multi_reduction <add>, %mul3A_36, %reduce_sum3A_37 [0] : vector<1024x64xf32> to vector<64xf32>
    %broadcast_in_dim3A_39 = vector.shape_cast %reduce_sum3A_38 : vector<64xf32> to vector<1x64xf32>
    %add3A_40 = arith.addf %broadcast_in_dim3A_10, %broadcast_in_dim3A_39 : vector<1x64xf32>
    %get3A_41 = arith.constant 0 : index
    %get3A_42 = arith.constant 1 : index
    %get3A_43 = arith.constant 0 : index
    %get3A_44 = arith.constant 0 : index
    %get3A_45 = vector.load %arg3[%get3A_41, %get3A_42, %get3A_43, %get3A_44] : memref<1x4x1024x128xf32, #tpu.memory_space<vmem>>, vector<1x1x1024x128xf32>
    %get3A_46 = vector.shape_cast %get3A_45 : vector<1x1x1024x128xf32> to vector<1024x128xf32>
    %slice3A_47 = vector.extract_strided_slice %get3A_46 {offsets = [0, 64], sizes = [1024, 3], strides = [1, 1]} : vector<1024x128xf32> to vector<1024x3xf32>
    %sub3A_48 = arith.subf %slice3A_47, %slice3A : vector<1024x3xf32>
    %mul3A_49 = arith.mulf %sub3A_48, %sub3A_48 : vector<1024x3xf32>
    %reduce_sum3A_50 = arith.constant dense<0.000000e+00> : vector<1024xf32>
    %reduce_sum3A_51 = vector.multi_reduction <add>, %mul3A_49, %reduce_sum3A_50 [1] : vector<1024x3xf32> to vector<1024xf32>
    %broadcast_in_dim3A_52 = vector.shape_cast %reduce_sum3A_51 : vector<1024xf32> to vector<1024x1xf32>
    %add3A_53 = arith.constant 9.99999968E-21 : f32
    %add3A_54 = vector.broadcast %add3A_53 : f32 to vector<1024x1xf32>
    %add3A_55 = arith.addf %broadcast_in_dim3A_52, %add3A_54 : vector<1024x1xf32>
    %sqrt3A_56 = math.sqrt %add3A_55 : vector<1024x1xf32>
    %concatenate3A_57 = tpu.concatenate %slice3A, %slice3A_47, %sub3A_48, %sqrt3A_56 in 1 : vector<1024x3xf32>, vector<1024x3xf32>, vector<1024x3xf32>, vector<1024x1xf32> -> vector<1024x10xf32>
    %get3A_58 = arith.constant 0 : index
    %get3A_59 = arith.constant 0 : index
    %get3A_60 = vector.load %arg4[%get3A_58, %get3A_59] : memref<10x64xf32, #tpu.memory_space<vmem>>, vector<10x64xf32>
    %dot_general3A_61 = arith.constant dense<0.000000e+00> : vector<1024x64xf32>
    %dot_general3A_62 = tpu.matmul %concatenate3A_57, %get3A_60, %dot_general3A_61 {dimension_numbers = #tpu.dot_dimension_numbers<[1], [0], [0], [1], [0, 0, 1, 1], [], []>, transpose_lhs_hint = false} : vector<1024x10xf32>, vector<10x64xf32>, vector<1024x64xf32> -> vector<1024x64xf32>
    %swap3A_63 = arith.constant 0 : index
    %swap3A_64 = arith.constant 1 : index
    %swap3A_65 = arith.constant 0 : index
    %swap3A_66 = arith.constant 0 : index
    %swap3A_67 = vector.load %arg5[%swap3A_63, %swap3A_64, %swap3A_65, %swap3A_66] : memref<1x4x1024x64xf32, #tpu.memory_space<vmem>>, vector<1x1x1024x64xf32>
    %swap3A_68 = vector.shape_cast %swap3A_67 : vector<1x1x1024x64xf32> to vector<1024x64xf32>
    %swap3A_69 = vector.shape_cast %dot_general3A_62 : vector<1024x64xf32> to vector<1x1x1024x64xf32>
    tpu.vector_store %arg5[%swap3A_63, %swap3A_64, %swap3A_65, %swap3A_66], %swap3A_69 {strides = array<i32>} : memref<1x4x1024x64xf32, #tpu.memory_space<vmem>>, vector<1x1x1024x64xf32>,
    %reduce_sum3A_70 = arith.constant dense<0.000000e+00> : vector<64xf32>
    %reduce_sum3A_71 = vector.multi_reduction <add>, %dot_general3A_62, %reduce_sum3A_70 [0] : vector<1024x64xf32> to vector<64xf32>
    %broadcast_in_dim3A_72 = vector.shape_cast %reduce_sum3A_71 : vector<64xf32> to vector<1x64xf32>
    %add3A_73 = arith.addf %add3A_35, %broadcast_in_dim3A_72 : vector<1x64xf32>
    %mul3A_74 = arith.mulf %dot_general3A_62, %dot_general3A_62 : vector<1024x64xf32>
    %reduce_sum3A_75 = arith.constant dense<0.000000e+00> : vector<64xf32>
    %reduce_sum3A_76 = vector.multi_reduction <add>, %mul3A_74, %reduce_sum3A_75 [0] : vector<1024x64xf32> to vector<64xf32>
    %broadcast_in_dim3A_77 = vector.shape_cast %reduce_sum3A_76 : vector<64xf32> to vector<1x64xf32>
    %add3A_78 = arith.addf %add3A_40, %broadcast_in_dim3A_77 : vector<1x64xf32>
    %get3A_79 = arith.constant 0 : index
    %get3A_80 = arith.constant 2 : index
    %get3A_81 = arith.constant 0 : index
    %get3A_82 = arith.constant 0 : index
    %get3A_83 = vector.load %arg3[%get3A_79, %get3A_80, %get3A_81, %get3A_82] : memref<1x4x1024x128xf32, #tpu.memory_space<vmem>>, vector<1x1x1024x128xf32>
    %get3A_84 = vector.shape_cast %get3A_83 : vector<1x1x1024x128xf32> to vector<1024x128xf32>
    %slice3A_85 = vector.extract_strided_slice %get3A_84 {offsets = [0, 64], sizes = [1024, 3], strides = [1, 1]} : vector<1024x128xf32> to vector<1024x3xf32>
    %sub3A_86 = arith.subf %slice3A_85, %slice3A : vector<1024x3xf32>
    %mul3A_87 = arith.mulf %sub3A_86, %sub3A_86 : vector<1024x3xf32>
    %reduce_sum3A_88 = arith.constant dense<0.000000e+00> : vector<1024xf32>
    %reduce_sum3A_89 = vector.multi_reduction <add>, %mul3A_87, %reduce_sum3A_88 [1] : vector<1024x3xf32> to vector<1024xf32>
    %broadcast_in_dim3A_90 = vector.shape_cast %reduce_sum3A_89 : vector<1024xf32> to vector<1024x1xf32>
    %add3A_91 = arith.constant 9.99999968E-21 : f32
    %add3A_92 = vector.broadcast %add3A_91 : f32 to vector<1024x1xf32>
    %add3A_93 = arith.addf %broadcast_in_dim3A_90, %add3A_92 : vector<1024x1xf32>
    %sqrt3A_94 = math.sqrt %add3A_93 : vector<1024x1xf32>
    %concatenate3A_95 = tpu.concatenate %slice3A, %slice3A_85, %sub3A_86, %sqrt3A_94 in 1 : vector<1024x3xf32>, vector<1024x3xf32>, vector<1024x3xf32>, vector<1024x1xf32> -> vector<1024x10xf32>
    %get3A_96 = arith.constant 0 : index
    %get3A_97 = arith.constant 0 : index
    %get3A_98 = vector.load %arg4[%get3A_96, %get3A_97] : memref<10x64xf32, #tpu.memory_space<vmem>>, vector<10x64xf32>
    %dot_general3A_99 = arith.constant dense<0.000000e+00> : vector<1024x64xf32>
    %dot_general3A_100 = tpu.matmul %concatenate3A_95, %get3A_98, %dot_general3A_99 {dimension_numbers = #tpu.dot_dimension_numbers<[1], [0], [0], [1], [0, 0, 1, 1], [], []>, transpose_lhs_hint = false} : vector<1024x10xf32>, vector<10x64xf32>, vector<1024x64xf32> -> vector<1024x64xf32>
    %swap3A_101 = arith.constant 0 : index
    %swap3A_102 = arith.constant 2 : index
    %swap3A_103 = arith.constant 0 : index
    %swap3A_104 = arith.constant 0 : index
    %swap3A_105 = vector.load %arg5[%swap3A_101, %swap3A_102, %swap3A_103, %swap3A_104] : memref<1x4x1024x64xf32, #tpu.memory_space<vmem>>, vector<1x1x1024x64xf32>
    %swap3A_106 = vector.shape_cast %swap3A_105 : vector<1x1x1024x64xf32> to vector<1024x64xf32>
    %swap3A_107 = vector.shape_cast %dot_general3A_100 : vector<1024x64xf32> to vector<1x1x1024x64xf32>
    tpu.vector_store %arg5[%swap3A_101, %swap3A_102, %swap3A_103, %swap3A_104], %swap3A_107 {strides = array<i32>} : memref<1x4x1024x64xf32, #tpu.memory_space<vmem>>, vector<1x1x1024x64xf32>,
    %reduce_sum3A_108 = arith.constant dense<0.000000e+00> : vector<64xf32>
    %reduce_sum3A_109 = vector.multi_reduction <add>, %dot_general3A_100, %reduce_sum3A_108 [0] : vector<1024x64xf32> to vector<64xf32>
    %broadcast_in_dim3A_110 = vector.shape_cast %reduce_sum3A_109 : vector<64xf32> to vector<1x64xf32>
    %add3A_111 = arith.addf %add3A_73, %broadcast_in_dim3A_110 : vector<1x64xf32>
    %mul3A_112 = arith.mulf %dot_general3A_100, %dot_general3A_100 : vector<1024x64xf32>
    %reduce_sum3A_113 = arith.constant dense<0.000000e+00> : vector<64xf32>
    %reduce_sum3A_114 = vector.multi_reduction <add>, %mul3A_112, %reduce_sum3A_113 [0] : vector<1024x64xf32> to vector<64xf32>
    %broadcast_in_dim3A_115 = vector.shape_cast %reduce_sum3A_114 : vector<64xf32> to vector<1x64xf32>
    %add3A_116 = arith.addf %add3A_78, %broadcast_in_dim3A_115 : vector<1x64xf32>
    %get3A_117 = arith.constant 0 : index
    %get3A_118 = arith.constant 3 : index
    %get3A_119 = arith.constant 0 : index
    %get3A_120 = arith.constant 0 : index
    %get3A_121 = vector.load %arg3[%get3A_117, %get3A_118, %get3A_119, %get3A_120] : memref<1x4x1024x128xf32, #tpu.memory_space<vmem>>, vector<1x1x1024x128xf32>
    %get3A_122 = vector.shape_cast %get3A_121 : vector<1x1x1024x128xf32> to vector<1024x128xf32>
    %slice3A_123 = vector.extract_strided_slice %get3A_122 {offsets = [0, 64], sizes = [1024, 3], strides = [1, 1]} : vector<1024x128xf32> to vector<1024x3xf32>
    %sub3A_124 = arith.subf %slice3A_123, %slice3A : vector<1024x3xf32>
    %mul3A_125 = arith.mulf %sub3A_124, %sub3A_124 : vector<1024x3xf32>
    %reduce_sum3A_126 = arith.constant dense<0.000000e+00> : vector<1024xf32>
    %reduce_sum3A_127 = vector.multi_reduction <add>, %mul3A_125, %reduce_sum3A_126 [1] : vector<1024x3xf32> to vector<1024xf32>
    %broadcast_in_dim3A_128 = vector.shape_cast %reduce_sum3A_127 : vector<1024xf32> to vector<1024x1xf32>
    %add3A_129 = arith.constant 9.99999968E-21 : f32
    %add3A_130 = vector.broadcast %add3A_129 : f32 to vector<1024x1xf32>
    %add3A_131 = arith.addf %broadcast_in_dim3A_128, %add3A_130 : vector<1024x1xf32>
    %sqrt3A_132 = math.sqrt %add3A_131 : vector<1024x1xf32>
    %concatenate3A_133 = tpu.concatenate %slice3A, %slice3A_123, %sub3A_124, %sqrt3A_132 in 1 : vector<1024x3xf32>, vector<1024x3xf32>, vector<1024x3xf32>, vector<1024x1xf32> -> vector<1024x10xf32>
    %get3A_134 = arith.constant 0 : index
    %get3A_135 = arith.constant 0 : index
    %get3A_136 = vector.load %arg4[%get3A_134, %get3A_135] : memref<10x64xf32, #tpu.memory_space<vmem>>, vector<10x64xf32>
    %dot_general3A_137 = arith.constant dense<0.000000e+00> : vector<1024x64xf32>
    %dot_general3A_138 = tpu.matmul %concatenate3A_133, %get3A_136, %dot_general3A_137 {dimension_numbers = #tpu.dot_dimension_numbers<[1], [0], [0], [1], [0, 0, 1, 1], [], []>, transpose_lhs_hint = false} : vector<1024x10xf32>, vector<10x64xf32>, vector<1024x64xf32> -> vector<1024x64xf32>
    %swap3A_139 = arith.constant 0 : index
    %swap3A_140 = arith.constant 3 : index
    %swap3A_141 = arith.constant 0 : index
    %swap3A_142 = arith.constant 0 : index
    %swap3A_143 = vector.load %arg5[%swap3A_139, %swap3A_140, %swap3A_141, %swap3A_142] : memref<1x4x1024x64xf32, #tpu.memory_space<vmem>>, vector<1x1x1024x64xf32>
    %swap3A_144 = vector.shape_cast %swap3A_143 : vector<1x1x1024x64xf32> to vector<1024x64xf32>
    %swap3A_145 = vector.shape_cast %dot_general3A_138 : vector<1024x64xf32> to vector<1x1x1024x64xf32>
    tpu.vector_store %arg5[%swap3A_139, %swap3A_140, %swap3A_141, %swap3A_142], %swap3A_145 {strides = array<i32>} : memref<1x4x1024x64xf32, #tpu.memory_space<vmem>>, vector<1x1x1024x64xf32>,
    %reduce_sum3A_146 = arith.constant dense<0.000000e+00> : vector<64xf32>
    %reduce_sum3A_147 = vector.multi_reduction <add>, %dot_general3A_138, %reduce_sum3A_146 [0] : vector<1024x64xf32> to vector<64xf32>
    %broadcast_in_dim3A_148 = vector.shape_cast %reduce_sum3A_147 : vector<64xf32> to vector<1x64xf32>
    %add3A_149 = arith.addf %add3A_111, %broadcast_in_dim3A_148 : vector<1x64xf32>
    %mul3A_150 = arith.mulf %dot_general3A_138, %dot_general3A_138 : vector<1024x64xf32>
    %reduce_sum3A_151 = arith.constant dense<0.000000e+00> : vector<64xf32>
    %reduce_sum3A_152 = vector.multi_reduction <add>, %mul3A_150, %reduce_sum3A_151 [0] : vector<1024x64xf32> to vector<64xf32>
    %broadcast_in_dim3A_153 = vector.shape_cast %reduce_sum3A_152 : vector<64xf32> to vector<1x64xf32>
    %add3A_154 = arith.addf %add3A_116, %broadcast_in_dim3A_153 : vector<1x64xf32>
    %get3A_155 = arith.constant 0 : index
    %get3A_156 = arith.constant 0 : index
    %get3A_157 = vector.load %arg6[%get3A_155, %get3A_156] : memref<8x64xf32, #tpu.memory_space<vmem>>, vector<1x64xf32>
    %add3A_158 = arith.addf %get3A_157, %add3A_149 : vector<1x64xf32>
    %swap3A_159 = arith.constant 0 : index
    %swap3A_160 = arith.constant 0 : index
    %swap3A_161 = vector.load %arg6[%swap3A_159, %swap3A_160] : memref<8x64xf32, #tpu.memory_space<vmem>>, vector<1x64xf32>
    tpu.vector_store %arg6[%swap3A_159, %swap3A_160], %add3A_158 {strides = array<i32>} : memref<8x64xf32, #tpu.memory_space<vmem>>, vector<1x64xf32>,
    %get3A_162 = arith.constant 1 : index
    %get3A_163 = arith.constant 0 : index
    %get3A_164 = vector.load %arg6[%get3A_162, %get3A_163] : memref<8x64xf32, #tpu.memory_space<vmem>>, vector<1x64xf32>
    %add3A_165 = arith.addf %get3A_164, %add3A_154 : vector<1x64xf32>
    %swap3A_166 = arith.constant 1 : index
    %swap3A_167 = arith.constant 0 : index
    %swap3A_168 = vector.load %arg6[%swap3A_166, %swap3A_167] : memref<8x64xf32, #tpu.memory_space<vmem>>, vector<1x64xf32>
    tpu.vector_store %arg6[%swap3A_166, %swap3A_167], %add3A_165 {strides = array<i32>} : memref<8x64xf32, #tpu.memory_space<vmem>>, vector<1x64xf32>,
    return
  }
  func.func @transform_0(%arg0: i32, %arg1: i32) -> (i32, i32, i32) {
    %c0_i32 = arith.constant 0 : i32
    %c0_i32_0 = arith.constant 0 : i32
    return %arg0, %arg1, %c0_i32 : i32, i32, i32
  }
  func.func @transform_1(%arg0: i32, %arg1: i32) -> (i32, i32, i32, i32) {
    %c0_i32 = arith.constant 0 : i32
    %c0_i32_0 = arith.constant 0 : i32
    %c0_i32_1 = arith.constant 0 : i32
    return %arg0, %c0_i32, %arg1, %c0_i32_0 : i32, i32, i32, i32
  }
  func.func @transform_2(%arg0: i32, %arg1: i32) -> (i32, i32) {
    %c0_i32 = arith.constant 0 : i32
    %c0_i32_0 = arith.constant 0 : i32
    %c0_i32_1 = arith.constant 0 : i32
    return %c0_i32, %c0_i32_0 : i32, i32
  }
  func.func @transform_3(%arg0: i32, %arg1: i32) -> (i32, i32, i32, i32) {
    %c0_i32 = arith.constant 0 : i32
    %c0_i32_0 = arith.constant 0 : i32
    %c0_i32_1 = arith.constant 0 : i32
    return %arg0, %c0_i32, %arg1, %c0_i32_0 : i32, i32, i32, i32
  }
  func.func @transform_4(%arg0: i32, %arg1: i32) -> (i32, i32) {
    %c0_i32 = arith.constant 0 : i32
    %c0_i32_0 = arith.constant 0 : i32
    %c0_i32_1 = arith.constant 0 : i32
    return %c0_i32, %c0_i32_0 : i32, i32
  }
}

module attributes {stable_mosaic.version = 14 : i64} {
  func.func @_q2_body(%arg0: i32, %arg1: i32, %arg2: memref<1x4x1024x64xf32, #tpu.memory_space<vmem>>, %arg3: memref<8x64xf32, #tpu.memory_space<vmem>>, %arg4: memref<8x64xf32, #tpu.memory_space<vmem>>, %arg5: memref<1x1024x64xf32, #tpu.memory_space<vmem>>, %arg6: memref<1x4x1024x128xf32, #tpu.memory_space<vmem>>, %arg7: memref<64x128xf32, #tpu.memory_space<vmem>>, %arg8: memref<64x128xf32, #tpu.memory_space<vmem>>, %arg9: memref<64x128xf32, #tpu.memory_space<vmem>>, %arg10: memref<1x4x1024x128xf32, #tpu.memory_space<vmem>>, %arg11: memref<8x128xf32, #tpu.memory_space<vmem>>) attributes {dimension_semantics = [#tpu.dimension_semantics<arbitrary>, #tpu.dimension_semantics<arbitrary>], iteration_bounds = array<i64: 2, 4>, scalar_prefetch = 0 : i64, scratch_operands = 0 : i64, tpu.core_type = #tpu.core_type<tc>, window_params = [{transform_indices = @transform_0, window_bounds = array<i64: 1, 4, 1024, 64>}, {pipeline_mode = #tpu.pipeline_mode<synchronous>, transform_indices = @transform_1, window_bounds = array<i64: 8, 64>}, {pipeline_mode = #tpu.pipeline_mode<synchronous>, transform_indices = @transform_2, window_bounds = array<i64: 8, 64>}, {transform_indices = @transform_3, window_bounds = array<i64: 1, 1024, 64>}, {transform_indices = @transform_4, window_bounds = array<i64: 1, 4, 1024, 128>}, {pipeline_mode = #tpu.pipeline_mode<synchronous>, transform_indices = @transform_5, window_bounds = array<i64: 64, 128>}, {pipeline_mode = #tpu.pipeline_mode<synchronous>, transform_indices = @transform_6, window_bounds = array<i64: 64, 128>}, {pipeline_mode = #tpu.pipeline_mode<synchronous>, transform_indices = @transform_7, window_bounds = array<i64: 64, 128>}, {transform_indices = @transform_8, window_bounds = array<i64: 1, 4, 1024, 128>}, {pipeline_mode = #tpu.pipeline_mode<synchronous>, transform_indices = @transform_9, window_bounds = array<i64: 8, 128>}]} {
    %eq3A = arith.constant 0 : i32
    %eq3A_0 = arith.cmpi eq, %arg0, %eq3A : i32
    %eq3A_1 = arith.constant 0 : i32
    %eq3A_2 = arith.cmpi eq, %arg1, %eq3A_1 : i32
    %and3A = arith.andi %eq3A_0, %eq3A_2 : i1
    %convert_element_type3A = arith.extui %and3A : i1 to i32
    %cond3A = arith.constant 0 : i32
    %cond3A_3 = arith.cmpi ne, %convert_element_type3A, %cond3A : i32
    scf.if %cond3A_3 {
      %broadcast_in_dim3A_239 = arith.constant 0.000000e+00 : f32
      %broadcast_in_dim3A_240 = vector.broadcast %broadcast_in_dim3A_239 : f32 to vector<8x128xf32>
      %swap3A_241 = arith.constant 0 : index
      %swap3A_242 = arith.constant 0 : index
      %swap3A_243 = vector.load %arg11[%swap3A_241, %swap3A_242] : memref<8x128xf32, #tpu.memory_space<vmem>>, vector<8x128xf32>
      tpu.vector_store %arg11[%swap3A_241, %swap3A_242], %broadcast_in_dim3A_240 {strides = array<i32>} : memref<8x128xf32, #tpu.memory_space<vmem>>, vector<8x128xf32>,
    } else {
    }
    %get3A = arith.constant 0 : index
    %get3A_4 = arith.constant 0 : index
    %get3A_5 = vector.load %arg3[%get3A, %get3A_4] : memref<8x64xf32, #tpu.memory_space<vmem>>, vector<1x64xf32>
    %div3A = arith.constant 3.276800e+04 : f32
    %div3A_6 = vector.broadcast %div3A : f32 to vector<1x64xf32>
    %div3A_7 = arith.divf %get3A_5, %div3A_6 : vector<1x64xf32>
    %get3A_8 = arith.constant 1 : index
    %get3A_9 = arith.constant 0 : index
    %get3A_10 = vector.load %arg3[%get3A_8, %get3A_9] : memref<8x64xf32, #tpu.memory_space<vmem>>, vector<1x64xf32>
    %div3A_11 = arith.constant 3.276800e+04 : f32
    %div3A_12 = vector.broadcast %div3A_11 : f32 to vector<1x64xf32>
    %div3A_13 = arith.divf %get3A_10, %div3A_12 : vector<1x64xf32>
    %mul3A = arith.mulf %div3A_7, %div3A_7 : vector<1x64xf32>
    %sub3A = arith.subf %div3A_13, %mul3A : vector<1x64xf32>
    %get3A_14 = arith.constant 0 : index
    %get3A_15 = arith.constant 0 : index
    %get3A_16 = vector.load %arg4[%get3A_14, %get3A_15] : memref<8x64xf32, #tpu.memory_space<vmem>>, vector<1x64xf32>
    %add3A = arith.constant 9.99999974E-6 : f32
    %add3A_17 = vector.broadcast %add3A : f32 to vector<1x64xf32>
    %add3A_18 = arith.addf %sub3A, %add3A_17 : vector<1x64xf32>
    %sqrt3A = math.sqrt %add3A_18 : vector<1x64xf32>
    %div3A_19 = arith.divf %get3A_16, %sqrt3A : vector<1x64xf32>
    %get3A_20 = arith.constant 1 : index
    %get3A_21 = arith.constant 0 : index
    %get3A_22 = vector.load %arg4[%get3A_20, %get3A_21] : memref<8x64xf32, #tpu.memory_space<vmem>>, vector<1x64xf32>
    %mul3A_23 = arith.mulf %div3A_7, %div3A_19 : vector<1x64xf32>
    %sub3A_24 = arith.subf %get3A_22, %mul3A_23 : vector<1x64xf32>
    %get3A_25 = arith.constant 0 : index
    %get3A_26 = arith.constant 0 : index
    %get3A_27 = arith.constant 0 : index
    %get3A_28 = vector.load %arg5[%get3A_25, %get3A_26, %get3A_27] : memref<1x1024x64xf32, #tpu.memory_space<vmem>>, vector<1x1024x64xf32>
    %get3A_29 = vector.shape_cast %get3A_28 : vector<1x1024x64xf32> to vector<1024x64xf32>
    %get3A_30 = arith.constant 0 : index
    %get3A_31 = arith.constant 0 : index
    %get3A_32 = vector.load %arg8[%get3A_30, %get3A_31] : memref<64x128xf32, #tpu.memory_space<vmem>>, vector<64x128xf32>
    %dot_general3A = arith.constant dense<0.000000e+00> : vector<1024x128xf32>
    %dot_general3A_33 = tpu.matmul %get3A_29, %get3A_32, %dot_general3A {dimension_numbers = #tpu.dot_dimension_numbers<[1], [0], [0], [1], [0, 0, 1, 1], [], []>, transpose_lhs_hint = false} : vector<1024x64xf32>, vector<64x128xf32>, vector<1024x128xf32> -> vector<1024x128xf32>
    %broadcast_in_dim3A = arith.constant 0.000000e+00 : f32
    %broadcast_in_dim3A_34 = vector.broadcast %broadcast_in_dim3A : f32 to vector<1x128xf32>
    %broadcast_in_dim3A_35 = arith.constant 0.000000e+00 : f32
    %broadcast_in_dim3A_36 = vector.broadcast %broadcast_in_dim3A_35 : f32 to vector<1x128xf32>
    %get3A_37 = arith.constant 0 : index
    %get3A_38 = arith.constant 0 : index
    %get3A_39 = arith.constant 0 : index
    %get3A_40 = arith.constant 0 : index
    %get3A_41 = vector.load %arg2[%get3A_37, %get3A_38, %get3A_39, %get3A_40] : memref<1x4x1024x64xf32, #tpu.memory_space<vmem>>, vector<1x1x1024x64xf32>
    %get3A_42 = vector.shape_cast %get3A_41 : vector<1x1x1024x64xf32> to vector<1024x64xf32>
    %mul3A_43 = vector.broadcast %div3A_19 : vector<1x64xf32> to vector<1024x64xf32>
    %mul3A_44 = arith.mulf %get3A_42, %mul3A_43 : vector<1024x64xf32>
    %add3A_45 = vector.broadcast %sub3A_24 : vector<1x64xf32> to vector<1024x64xf32>
    %add3A_46 = arith.addf %mul3A_44, %add3A_45 : vector<1024x64xf32>
    %max3A = arith.constant 0.000000e+00 : f32
    %max3A_47 = vector.broadcast %max3A : f32 to vector<1024x64xf32>
    %max3A_48 = arith.maximumf %add3A_46, %max3A_47 : vector<1024x64xf32>
    %get3A_49 = arith.constant 0 : index
    %get3A_50 = arith.constant 0 : index
    %get3A_51 = arith.constant 0 : index
    %get3A_52 = arith.constant 0 : index
    %get3A_53 = vector.load %arg6[%get3A_49, %get3A_50, %get3A_51, %get3A_52] : memref<1x4x1024x128xf32, #tpu.memory_space<vmem>>, vector<1x1x1024x128xf32>
    %get3A_54 = vector.shape_cast %get3A_53 : vector<1x1x1024x128xf32> to vector<1024x128xf32>
    %slice3A = vector.extract_strided_slice %get3A_54 {offsets = [0, 0], sizes = [1024, 64], strides = [1, 1]} : vector<1024x128xf32> to vector<1024x64xf32>
    %get3A_55 = arith.constant 0 : index
    %get3A_56 = arith.constant 0 : index
    %get3A_57 = vector.load %arg7[%get3A_55, %get3A_56] : memref<64x128xf32, #tpu.memory_space<vmem>>, vector<64x128xf32>
    %dot_general3A_58 = arith.constant dense<0.000000e+00> : vector<1024x128xf32>
    %dot_general3A_59 = tpu.matmul %max3A_48, %get3A_57, %dot_general3A_58 {dimension_numbers = #tpu.dot_dimension_numbers<[1], [0], [0], [1], [0, 0, 1, 1], [], []>, transpose_lhs_hint = false} : vector<1024x64xf32>, vector<64x128xf32>, vector<1024x128xf32> -> vector<1024x128xf32>
    %add3A_60 = arith.addf %dot_general3A_59, %dot_general3A_33 : vector<1024x128xf32>
    %get3A_61 = arith.constant 0 : index
    %get3A_62 = arith.constant 0 : index
    %get3A_63 = vector.load %arg9[%get3A_61, %get3A_62] : memref<64x128xf32, #tpu.memory_space<vmem>>, vector<64x128xf32>
    %dot_general3A_64 = arith.constant dense<0.000000e+00> : vector<1024x128xf32>
    %dot_general3A_65 = tpu.matmul %slice3A, %get3A_63, %dot_general3A_64 {dimension_numbers = #tpu.dot_dimension_numbers<[1], [0], [0], [1], [0, 0, 1, 1], [], []>, transpose_lhs_hint = false} : vector<1024x64xf32>, vector<64x128xf32>, vector<1024x128xf32> -> vector<1024x128xf32>
    %add3A_66 = arith.addf %add3A_60, %dot_general3A_65 : vector<1024x128xf32>
    %swap3A = arith.constant 0 : index
    %swap3A_67 = arith.constant 0 : index
    %swap3A_68 = arith.constant 0 : index
    %swap3A_69 = arith.constant 0 : index
    %swap3A_70 = vector.load %arg10[%swap3A, %swap3A_67, %swap3A_68, %swap3A_69] : memref<1x4x1024x128xf32, #tpu.memory_space<vmem>>, vector<1x1x1024x128xf32>
    %swap3A_71 = vector.shape_cast %swap3A_70 : vector<1x1x1024x128xf32> to vector<1024x128xf32>
    %swap3A_72 = vector.shape_cast %add3A_66 : vector<1024x128xf32> to vector<1x1x1024x128xf32>
    tpu.vector_store %arg10[%swap3A, %swap3A_67, %swap3A_68, %swap3A_69], %swap3A_72 {strides = array<i32>} : memref<1x4x1024x128xf32, #tpu.memory_space<vmem>>, vector<1x1x1024x128xf32>,
    %reduce_sum3A = arith.constant dense<0.000000e+00> : vector<128xf32>
    %reduce_sum3A_73 = vector.multi_reduction <add>, %add3A_66, %reduce_sum3A [0] : vector<1024x128xf32> to vector<128xf32>
    %broadcast_in_dim3A_74 = vector.shape_cast %reduce_sum3A_73 : vector<128xf32> to vector<1x128xf32>
    %add3A_75 = arith.addf %broadcast_in_dim3A_34, %broadcast_in_dim3A_74 : vector<1x128xf32>
    %mul3A_76 = arith.mulf %add3A_66, %add3A_66 : vector<1024x128xf32>
    %reduce_sum3A_77 = arith.constant dense<0.000000e+00> : vector<128xf32>
    %reduce_sum3A_78 = vector.multi_reduction <add>, %mul3A_76, %reduce_sum3A_77 [0] : vector<1024x128xf32> to vector<128xf32>
    %broadcast_in_dim3A_79 = vector.shape_cast %reduce_sum3A_78 : vector<128xf32> to vector<1x128xf32>
    %add3A_80 = arith.addf %broadcast_in_dim3A_36, %broadcast_in_dim3A_79 : vector<1x128xf32>
    %get3A_81 = arith.constant 0 : index
    %get3A_82 = arith.constant 1 : index
    %get3A_83 = arith.constant 0 : index
    %get3A_84 = arith.constant 0 : index
    %get3A_85 = vector.load %arg2[%get3A_81, %get3A_82, %get3A_83, %get3A_84] : memref<1x4x1024x64xf32, #tpu.memory_space<vmem>>, vector<1x1x1024x64xf32>
    %get3A_86 = vector.shape_cast %get3A_85 : vector<1x1x1024x64xf32> to vector<1024x64xf32>
    %mul3A_87 = vector.broadcast %div3A_19 : vector<1x64xf32> to vector<1024x64xf32>
    %mul3A_88 = arith.mulf %get3A_86, %mul3A_87 : vector<1024x64xf32>
    %add3A_89 = vector.broadcast %sub3A_24 : vector<1x64xf32> to vector<1024x64xf32>
    %add3A_90 = arith.addf %mul3A_88, %add3A_89 : vector<1024x64xf32>
    %max3A_91 = arith.constant 0.000000e+00 : f32
    %max3A_92 = vector.broadcast %max3A_91 : f32 to vector<1024x64xf32>
    %max3A_93 = arith.maximumf %add3A_90, %max3A_92 : vector<1024x64xf32>
    %get3A_94 = arith.constant 0 : index
    %get3A_95 = arith.constant 1 : index
    %get3A_96 = arith.constant 0 : index
    %get3A_97 = arith.constant 0 : index
    %get3A_98 = vector.load %arg6[%get3A_94, %get3A_95, %get3A_96, %get3A_97] : memref<1x4x1024x128xf32, #tpu.memory_space<vmem>>, vector<1x1x1024x128xf32>
    %get3A_99 = vector.shape_cast %get3A_98 : vector<1x1x1024x128xf32> to vector<1024x128xf32>
    %slice3A_100 = vector.extract_strided_slice %get3A_99 {offsets = [0, 0], sizes = [1024, 64], strides = [1, 1]} : vector<1024x128xf32> to vector<1024x64xf32>
    %get3A_101 = arith.constant 0 : index
    %get3A_102 = arith.constant 0 : index
    %get3A_103 = vector.load %arg7[%get3A_101, %get3A_102] : memref<64x128xf32, #tpu.memory_space<vmem>>, vector<64x128xf32>
    %dot_general3A_104 = arith.constant dense<0.000000e+00> : vector<1024x128xf32>
    %dot_general3A_105 = tpu.matmul %max3A_93, %get3A_103, %dot_general3A_104 {dimension_numbers = #tpu.dot_dimension_numbers<[1], [0], [0], [1], [0, 0, 1, 1], [], []>, transpose_lhs_hint = false} : vector<1024x64xf32>, vector<64x128xf32>, vector<1024x128xf32> -> vector<1024x128xf32>
    %add3A_106 = arith.addf %dot_general3A_105, %dot_general3A_33 : vector<1024x128xf32>
    %get3A_107 = arith.constant 0 : index
    %get3A_108 = arith.constant 0 : index
    %get3A_109 = vector.load %arg9[%get3A_107, %get3A_108] : memref<64x128xf32, #tpu.memory_space<vmem>>, vector<64x128xf32>
    %dot_general3A_110 = arith.constant dense<0.000000e+00> : vector<1024x128xf32>
    %dot_general3A_111 = tpu.matmul %slice3A_100, %get3A_109, %dot_general3A_110 {dimension_numbers = #tpu.dot_dimension_numbers<[1], [0], [0], [1], [0, 0, 1, 1], [], []>, transpose_lhs_hint = false} : vector<1024x64xf32>, vector<64x128xf32>, vector<1024x128xf32> -> vector<1024x128xf32>
    %add3A_112 = arith.addf %add3A_106, %dot_general3A_111 : vector<1024x128xf32>
    %swap3A_113 = arith.constant 0 : index
    %swap3A_114 = arith.constant 1 : index
    %swap3A_115 = arith.constant 0 : index
    %swap3A_116 = arith.constant 0 : index
    %swap3A_117 = vector.load %arg10[%swap3A_113, %swap3A_114, %swap3A_115, %swap3A_116] : memref<1x4x1024x128xf32, #tpu.memory_space<vmem>>, vector<1x1x1024x128xf32>
    %swap3A_118 = vector.shape_cast %swap3A_117 : vector<1x1x1024x128xf32> to vector<1024x128xf32>
    %swap3A_119 = vector.shape_cast %add3A_112 : vector<1024x128xf32> to vector<1x1x1024x128xf32>
    tpu.vector_store %arg10[%swap3A_113, %swap3A_114, %swap3A_115, %swap3A_116], %swap3A_119 {strides = array<i32>} : memref<1x4x1024x128xf32, #tpu.memory_space<vmem>>, vector<1x1x1024x128xf32>,
    %reduce_sum3A_120 = arith.constant dense<0.000000e+00> : vector<128xf32>
    %reduce_sum3A_121 = vector.multi_reduction <add>, %add3A_112, %reduce_sum3A_120 [0] : vector<1024x128xf32> to vector<128xf32>
    %broadcast_in_dim3A_122 = vector.shape_cast %reduce_sum3A_121 : vector<128xf32> to vector<1x128xf32>
    %add3A_123 = arith.addf %add3A_75, %broadcast_in_dim3A_122 : vector<1x128xf32>
    %mul3A_124 = arith.mulf %add3A_112, %add3A_112 : vector<1024x128xf32>
    %reduce_sum3A_125 = arith.constant dense<0.000000e+00> : vector<128xf32>
    %reduce_sum3A_126 = vector.multi_reduction <add>, %mul3A_124, %reduce_sum3A_125 [0] : vector<1024x128xf32> to vector<128xf32>
    %broadcast_in_dim3A_127 = vector.shape_cast %reduce_sum3A_126 : vector<128xf32> to vector<1x128xf32>
    %add3A_128 = arith.addf %add3A_80, %broadcast_in_dim3A_127 : vector<1x128xf32>
    %get3A_129 = arith.constant 0 : index
    %get3A_130 = arith.constant 2 : index
    %get3A_131 = arith.constant 0 : index
    %get3A_132 = arith.constant 0 : index
    %get3A_133 = vector.load %arg2[%get3A_129, %get3A_130, %get3A_131, %get3A_132] : memref<1x4x1024x64xf32, #tpu.memory_space<vmem>>, vector<1x1x1024x64xf32>
    %get3A_134 = vector.shape_cast %get3A_133 : vector<1x1x1024x64xf32> to vector<1024x64xf32>
    %mul3A_135 = vector.broadcast %div3A_19 : vector<1x64xf32> to vector<1024x64xf32>
    %mul3A_136 = arith.mulf %get3A_134, %mul3A_135 : vector<1024x64xf32>
    %add3A_137 = vector.broadcast %sub3A_24 : vector<1x64xf32> to vector<1024x64xf32>
    %add3A_138 = arith.addf %mul3A_136, %add3A_137 : vector<1024x64xf32>
    %max3A_139 = arith.constant 0.000000e+00 : f32
    %max3A_140 = vector.broadcast %max3A_139 : f32 to vector<1024x64xf32>
    %max3A_141 = arith.maximumf %add3A_138, %max3A_140 : vector<1024x64xf32>
    %get3A_142 = arith.constant 0 : index
    %get3A_143 = arith.constant 2 : index
    %get3A_144 = arith.constant 0 : index
    %get3A_145 = arith.constant 0 : index
    %get3A_146 = vector.load %arg6[%get3A_142, %get3A_143, %get3A_144, %get3A_145] : memref<1x4x1024x128xf32, #tpu.memory_space<vmem>>, vector<1x1x1024x128xf32>
    %get3A_147 = vector.shape_cast %get3A_146 : vector<1x1x1024x128xf32> to vector<1024x128xf32>
    %slice3A_148 = vector.extract_strided_slice %get3A_147 {offsets = [0, 0], sizes = [1024, 64], strides = [1, 1]} : vector<1024x128xf32> to vector<1024x64xf32>
    %get3A_149 = arith.constant 0 : index
    %get3A_150 = arith.constant 0 : index
    %get3A_151 = vector.load %arg7[%get3A_149, %get3A_150] : memref<64x128xf32, #tpu.memory_space<vmem>>, vector<64x128xf32>
    %dot_general3A_152 = arith.constant dense<0.000000e+00> : vector<1024x128xf32>
    %dot_general3A_153 = tpu.matmul %max3A_141, %get3A_151, %dot_general3A_152 {dimension_numbers = #tpu.dot_dimension_numbers<[1], [0], [0], [1], [0, 0, 1, 1], [], []>, transpose_lhs_hint = false} : vector<1024x64xf32>, vector<64x128xf32>, vector<1024x128xf32> -> vector<1024x128xf32>
    %add3A_154 = arith.addf %dot_general3A_153, %dot_general3A_33 : vector<1024x128xf32>
    %get3A_155 = arith.constant 0 : index
    %get3A_156 = arith.constant 0 : index
    %get3A_157 = vector.load %arg9[%get3A_155, %get3A_156] : memref<64x128xf32, #tpu.memory_space<vmem>>, vector<64x128xf32>
    %dot_general3A_158 = arith.constant dense<0.000000e+00> : vector<1024x128xf32>
    %dot_general3A_159 = tpu.matmul %slice3A_148, %get3A_157, %dot_general3A_158 {dimension_numbers = #tpu.dot_dimension_numbers<[1], [0], [0], [1], [0, 0, 1, 1], [], []>, transpose_lhs_hint = false} : vector<1024x64xf32>, vector<64x128xf32>, vector<1024x128xf32> -> vector<1024x128xf32>
    %add3A_160 = arith.addf %add3A_154, %dot_general3A_159 : vector<1024x128xf32>
    %swap3A_161 = arith.constant 0 : index
    %swap3A_162 = arith.constant 2 : index
    %swap3A_163 = arith.constant 0 : index
    %swap3A_164 = arith.constant 0 : index
    %swap3A_165 = vector.load %arg10[%swap3A_161, %swap3A_162, %swap3A_163, %swap3A_164] : memref<1x4x1024x128xf32, #tpu.memory_space<vmem>>, vector<1x1x1024x128xf32>
    %swap3A_166 = vector.shape_cast %swap3A_165 : vector<1x1x1024x128xf32> to vector<1024x128xf32>
    %swap3A_167 = vector.shape_cast %add3A_160 : vector<1024x128xf32> to vector<1x1x1024x128xf32>
    tpu.vector_store %arg10[%swap3A_161, %swap3A_162, %swap3A_163, %swap3A_164], %swap3A_167 {strides = array<i32>} : memref<1x4x1024x128xf32, #tpu.memory_space<vmem>>, vector<1x1x1024x128xf32>,
    %reduce_sum3A_168 = arith.constant dense<0.000000e+00> : vector<128xf32>
    %reduce_sum3A_169 = vector.multi_reduction <add>, %add3A_160, %reduce_sum3A_168 [0] : vector<1024x128xf32> to vector<128xf32>
    %broadcast_in_dim3A_170 = vector.shape_cast %reduce_sum3A_169 : vector<128xf32> to vector<1x128xf32>
    %add3A_171 = arith.addf %add3A_123, %broadcast_in_dim3A_170 : vector<1x128xf32>
    %mul3A_172 = arith.mulf %add3A_160, %add3A_160 : vector<1024x128xf32>
    %reduce_sum3A_173 = arith.constant dense<0.000000e+00> : vector<128xf32>
    %reduce_sum3A_174 = vector.multi_reduction <add>, %mul3A_172, %reduce_sum3A_173 [0] : vector<1024x128xf32> to vector<128xf32>
    %broadcast_in_dim3A_175 = vector.shape_cast %reduce_sum3A_174 : vector<128xf32> to vector<1x128xf32>
    %add3A_176 = arith.addf %add3A_128, %broadcast_in_dim3A_175 : vector<1x128xf32>
    %get3A_177 = arith.constant 0 : index
    %get3A_178 = arith.constant 3 : index
    %get3A_179 = arith.constant 0 : index
    %get3A_180 = arith.constant 0 : index
    %get3A_181 = vector.load %arg2[%get3A_177, %get3A_178, %get3A_179, %get3A_180] : memref<1x4x1024x64xf32, #tpu.memory_space<vmem>>, vector<1x1x1024x64xf32>
    %get3A_182 = vector.shape_cast %get3A_181 : vector<1x1x1024x64xf32> to vector<1024x64xf32>
    %mul3A_183 = vector.broadcast %div3A_19 : vector<1x64xf32> to vector<1024x64xf32>
    %mul3A_184 = arith.mulf %get3A_182, %mul3A_183 : vector<1024x64xf32>
    %add3A_185 = vector.broadcast %sub3A_24 : vector<1x64xf32> to vector<1024x64xf32>
    %add3A_186 = arith.addf %mul3A_184, %add3A_185 : vector<1024x64xf32>
    %max3A_187 = arith.constant 0.000000e+00 : f32
    %max3A_188 = vector.broadcast %max3A_187 : f32 to vector<1024x64xf32>
    %max3A_189 = arith.maximumf %add3A_186, %max3A_188 : vector<1024x64xf32>
    %get3A_190 = arith.constant 0 : index
    %get3A_191 = arith.constant 3 : index
    %get3A_192 = arith.constant 0 : index
    %get3A_193 = arith.constant 0 : index
    %get3A_194 = vector.load %arg6[%get3A_190, %get3A_191, %get3A_192, %get3A_193] : memref<1x4x1024x128xf32, #tpu.memory_space<vmem>>, vector<1x1x1024x128xf32>
    %get3A_195 = vector.shape_cast %get3A_194 : vector<1x1x1024x128xf32> to vector<1024x128xf32>
    %slice3A_196 = vector.extract_strided_slice %get3A_195 {offsets = [0, 0], sizes = [1024, 64], strides = [1, 1]} : vector<1024x128xf32> to vector<1024x64xf32>
    %get3A_197 = arith.constant 0 : index
    %get3A_198 = arith.constant 0 : index
    %get3A_199 = vector.load %arg7[%get3A_197, %get3A_198] : memref<64x128xf32, #tpu.memory_space<vmem>>, vector<64x128xf32>
    %dot_general3A_200 = arith.constant dense<0.000000e+00> : vector<1024x128xf32>
    %dot_general3A_201 = tpu.matmul %max3A_189, %get3A_199, %dot_general3A_200 {dimension_numbers = #tpu.dot_dimension_numbers<[1], [0], [0], [1], [0, 0, 1, 1], [], []>, transpose_lhs_hint = false} : vector<1024x64xf32>, vector<64x128xf32>, vector<1024x128xf32> -> vector<1024x128xf32>
    %add3A_202 = arith.addf %dot_general3A_201, %dot_general3A_33 : vector<1024x128xf32>
    %get3A_203 = arith.constant 0 : index
    %get3A_204 = arith.constant 0 : index
    %get3A_205 = vector.load %arg9[%get3A_203, %get3A_204] : memref<64x128xf32, #tpu.memory_space<vmem>>, vector<64x128xf32>
    %dot_general3A_206 = arith.constant dense<0.000000e+00> : vector<1024x128xf32>
    %dot_general3A_207 = tpu.matmul %slice3A_196, %get3A_205, %dot_general3A_206 {dimension_numbers = #tpu.dot_dimension_numbers<[1], [0], [0], [1], [0, 0, 1, 1], [], []>, transpose_lhs_hint = false} : vector<1024x64xf32>, vector<64x128xf32>, vector<1024x128xf32> -> vector<1024x128xf32>
    %add3A_208 = arith.addf %add3A_202, %dot_general3A_207 : vector<1024x128xf32>
    %swap3A_209 = arith.constant 0 : index
    %swap3A_210 = arith.constant 3 : index
    %swap3A_211 = arith.constant 0 : index
    %swap3A_212 = arith.constant 0 : index
    %swap3A_213 = vector.load %arg10[%swap3A_209, %swap3A_210, %swap3A_211, %swap3A_212] : memref<1x4x1024x128xf32, #tpu.memory_space<vmem>>, vector<1x1x1024x128xf32>
    %swap3A_214 = vector.shape_cast %swap3A_213 : vector<1x1x1024x128xf32> to vector<1024x128xf32>
    %swap3A_215 = vector.shape_cast %add3A_208 : vector<1024x128xf32> to vector<1x1x1024x128xf32>
    tpu.vector_store %arg10[%swap3A_209, %swap3A_210, %swap3A_211, %swap3A_212], %swap3A_215 {strides = array<i32>} : memref<1x4x1024x128xf32, #tpu.memory_space<vmem>>, vector<1x1x1024x128xf32>,
    %reduce_sum3A_216 = arith.constant dense<0.000000e+00> : vector<128xf32>
    %reduce_sum3A_217 = vector.multi_reduction <add>, %add3A_208, %reduce_sum3A_216 [0] : vector<1024x128xf32> to vector<128xf32>
    %broadcast_in_dim3A_218 = vector.shape_cast %reduce_sum3A_217 : vector<128xf32> to vector<1x128xf32>
    %add3A_219 = arith.addf %add3A_171, %broadcast_in_dim3A_218 : vector<1x128xf32>
    %mul3A_220 = arith.mulf %add3A_208, %add3A_208 : vector<1024x128xf32>
    %reduce_sum3A_221 = arith.constant dense<0.000000e+00> : vector<128xf32>
    %reduce_sum3A_222 = vector.multi_reduction <add>, %mul3A_220, %reduce_sum3A_221 [0] : vector<1024x128xf32> to vector<128xf32>
    %broadcast_in_dim3A_223 = vector.shape_cast %reduce_sum3A_222 : vector<128xf32> to vector<1x128xf32>
    %add3A_224 = arith.addf %add3A_176, %broadcast_in_dim3A_223 : vector<1x128xf32>
    %get3A_225 = arith.constant 0 : index
    %get3A_226 = arith.constant 0 : index
    %get3A_227 = vector.load %arg11[%get3A_225, %get3A_226] : memref<8x128xf32, #tpu.memory_space<vmem>>, vector<1x128xf32>
    %add3A_228 = arith.addf %get3A_227, %add3A_219 : vector<1x128xf32>
    %swap3A_229 = arith.constant 0 : index
    %swap3A_230 = arith.constant 0 : index
    %swap3A_231 = vector.load %arg11[%swap3A_229, %swap3A_230] : memref<8x128xf32, #tpu.memory_space<vmem>>, vector<1x128xf32>
    tpu.vector_store %arg11[%swap3A_229, %swap3A_230], %add3A_228 {strides = array<i32>} : memref<8x128xf32, #tpu.memory_space<vmem>>, vector<1x128xf32>,
    %get3A_232 = arith.constant 1 : index
    %get3A_233 = arith.constant 0 : index
    %get3A_234 = vector.load %arg11[%get3A_232, %get3A_233] : memref<8x128xf32, #tpu.memory_space<vmem>>, vector<1x128xf32>
    %add3A_235 = arith.addf %get3A_234, %add3A_224 : vector<1x128xf32>
    %swap3A_236 = arith.constant 1 : index
    %swap3A_237 = arith.constant 0 : index
    %swap3A_238 = vector.load %arg11[%swap3A_236, %swap3A_237] : memref<8x128xf32, #tpu.memory_space<vmem>>, vector<1x128xf32>
    tpu.vector_store %arg11[%swap3A_236, %swap3A_237], %add3A_235 {strides = array<i32>} : memref<8x128xf32, #tpu.memory_space<vmem>>, vector<1x128xf32>,
    return
  }
  func.func @transform_0(%arg0: i32, %arg1: i32) -> (i32, i32, i32, i32) {
    %c0_i32 = arith.constant 0 : i32
    %c0_i32_0 = arith.constant 0 : i32
    %c0_i32_1 = arith.constant 0 : i32
    return %arg0, %c0_i32, %arg1, %c0_i32_0 : i32, i32, i32, i32
  }
  func.func @transform_1(%arg0: i32, %arg1: i32) -> (i32, i32) {
    %c0_i32 = arith.constant 0 : i32
    %c0_i32_0 = arith.constant 0 : i32
    %c0_i32_1 = arith.constant 0 : i32
    return %c0_i32, %c0_i32_0 : i32, i32
  }
  func.func @transform_2(%arg0: i32, %arg1: i32) -> (i32, i32) {
    %c0_i32 = arith.constant 0 : i32
    %c0_i32_0 = arith.constant 0 : i32
    %c0_i32_1 = arith.constant 0 : i32
    return %c0_i32, %c0_i32_0 : i32, i32
  }
  func.func @transform_3(%arg0: i32, %arg1: i32) -> (i32, i32, i32) {
    %c0_i32 = arith.constant 0 : i32
    %c0_i32_0 = arith.constant 0 : i32
    return %arg0, %arg1, %c0_i32 : i32, i32, i32
  }
  func.func @transform_4(%arg0: i32, %arg1: i32) -> (i32, i32, i32, i32) {
    %c0_i32 = arith.constant 0 : i32
    %c0_i32_0 = arith.constant 0 : i32
    %c0_i32_1 = arith.constant 0 : i32
    return %arg0, %c0_i32, %arg1, %c0_i32_0 : i32, i32, i32, i32
  }
  func.func @transform_5(%arg0: i32, %arg1: i32) -> (i32, i32) {
    %c0_i32 = arith.constant 0 : i32
    %c0_i32_0 = arith.constant 0 : i32
    %c0_i32_1 = arith.constant 0 : i32
    return %c0_i32, %c0_i32_0 : i32, i32
  }
  func.func @transform_6(%arg0: i32, %arg1: i32) -> (i32, i32) {
    %c0_i32 = arith.constant 0 : i32
    %c0_i32_0 = arith.constant 0 : i32
    %c0_i32_1 = arith.constant 0 : i32
    return %c0_i32, %c0_i32_0 : i32, i32
  }
  func.func @transform_7(%arg0: i32, %arg1: i32) -> (i32, i32) {
    %c0_i32 = arith.constant 0 : i32
    %c0_i32_0 = arith.constant 0 : i32
    %c0_i32_1 = arith.constant 0 : i32
    return %c0_i32, %c0_i32_0 : i32, i32
  }
  func.func @transform_8(%arg0: i32, %arg1: i32) -> (i32, i32, i32, i32) {
    %c0_i32 = arith.constant 0 : i32
    %c0_i32_0 = arith.constant 0 : i32
    %c0_i32_1 = arith.constant 0 : i32
    return %arg0, %c0_i32, %arg1, %c0_i32_0 : i32, i32, i32, i32
  }
  func.func @transform_9(%arg0: i32, %arg1: i32) -> (i32, i32) {
    %c0_i32 = arith.constant 0 : i32
    %c0_i32_0 = arith.constant 0 : i32
    %c0_i32_1 = arith.constant 0 : i32
    return %c0_i32, %c0_i32_0 : i32, i32
  }
}

module attributes {stable_mosaic.version = 14 : i64} {
  func.func @_layer_body(%arg0: i32, %arg1: i32, %arg2: memref<1x4x1024x128xf32, #tpu.memory_space<vmem>>, %arg3: memref<8x128xf32, #tpu.memory_space<vmem>>, %arg4: memref<8x128xf32, #tpu.memory_space<vmem>>, %arg5: memref<128x64xf32, #tpu.memory_space<vmem>>, %arg6: memref<1x4x1024x64xf32, #tpu.memory_space<vmem>>, %arg7: memref<8x64xf32, #tpu.memory_space<vmem>>) attributes {dimension_semantics = [#tpu.dimension_semantics<arbitrary>, #tpu.dimension_semantics<arbitrary>], iteration_bounds = array<i64: 2, 4>, scalar_prefetch = 0 : i64, scratch_operands = 0 : i64, tpu.core_type = #tpu.core_type<tc>, window_params = [{transform_indices = @transform_0, window_bounds = array<i64: 1, 4, 1024, 128>}, {pipeline_mode = #tpu.pipeline_mode<synchronous>, transform_indices = @transform_1, window_bounds = array<i64: 8, 128>}, {pipeline_mode = #tpu.pipeline_mode<synchronous>, transform_indices = @transform_2, window_bounds = array<i64: 8, 128>}, {pipeline_mode = #tpu.pipeline_mode<synchronous>, transform_indices = @transform_3, window_bounds = array<i64: 128, 64>}, {transform_indices = @transform_4, window_bounds = array<i64: 1, 4, 1024, 64>}, {pipeline_mode = #tpu.pipeline_mode<synchronous>, transform_indices = @transform_5, window_bounds = array<i64: 8, 64>}]} {
    %eq3A = arith.constant 0 : i32
    %eq3A_0 = arith.cmpi eq, %arg0, %eq3A : i32
    %eq3A_1 = arith.constant 0 : i32
    %eq3A_2 = arith.cmpi eq, %arg1, %eq3A_1 : i32
    %and3A = arith.andi %eq3A_0, %eq3A_2 : i1
    %convert_element_type3A = arith.extui %and3A : i1 to i32
    %cond3A = arith.constant 0 : i32
    %cond3A_3 = arith.cmpi ne, %convert_element_type3A, %cond3A : i32
    scf.if %cond3A_3 {
      %broadcast_in_dim3A_174 = arith.constant 0.000000e+00 : f32
      %broadcast_in_dim3A_175 = vector.broadcast %broadcast_in_dim3A_174 : f32 to vector<8x64xf32>
      %swap3A_176 = arith.constant 0 : index
      %swap3A_177 = arith.constant 0 : index
      %swap3A_178 = vector.load %arg7[%swap3A_176, %swap3A_177] : memref<8x64xf32, #tpu.memory_space<vmem>>, vector<8x64xf32>
      tpu.vector_store %arg7[%swap3A_176, %swap3A_177], %broadcast_in_dim3A_175 {strides = array<i32>} : memref<8x64xf32, #tpu.memory_space<vmem>>, vector<8x64xf32>,
    } else {
    }
    %get3A = arith.constant 0 : index
    %get3A_4 = arith.constant 0 : index
    %get3A_5 = vector.load %arg3[%get3A, %get3A_4] : memref<8x128xf32, #tpu.memory_space<vmem>>, vector<1x128xf32>
    %div3A = arith.constant 3.276800e+04 : f32
    %div3A_6 = vector.broadcast %div3A : f32 to vector<1x128xf32>
    %div3A_7 = arith.divf %get3A_5, %div3A_6 : vector<1x128xf32>
    %get3A_8 = arith.constant 1 : index
    %get3A_9 = arith.constant 0 : index
    %get3A_10 = vector.load %arg3[%get3A_8, %get3A_9] : memref<8x128xf32, #tpu.memory_space<vmem>>, vector<1x128xf32>
    %div3A_11 = arith.constant 3.276800e+04 : f32
    %div3A_12 = vector.broadcast %div3A_11 : f32 to vector<1x128xf32>
    %div3A_13 = arith.divf %get3A_10, %div3A_12 : vector<1x128xf32>
    %mul3A = arith.mulf %div3A_7, %div3A_7 : vector<1x128xf32>
    %sub3A = arith.subf %div3A_13, %mul3A : vector<1x128xf32>
    %get3A_14 = arith.constant 0 : index
    %get3A_15 = arith.constant 0 : index
    %get3A_16 = vector.load %arg4[%get3A_14, %get3A_15] : memref<8x128xf32, #tpu.memory_space<vmem>>, vector<1x128xf32>
    %add3A = arith.constant 9.99999974E-6 : f32
    %add3A_17 = vector.broadcast %add3A : f32 to vector<1x128xf32>
    %add3A_18 = arith.addf %sub3A, %add3A_17 : vector<1x128xf32>
    %sqrt3A = math.sqrt %add3A_18 : vector<1x128xf32>
    %div3A_19 = arith.divf %get3A_16, %sqrt3A : vector<1x128xf32>
    %get3A_20 = arith.constant 1 : index
    %get3A_21 = arith.constant 0 : index
    %get3A_22 = vector.load %arg4[%get3A_20, %get3A_21] : memref<8x128xf32, #tpu.memory_space<vmem>>, vector<1x128xf32>
    %mul3A_23 = arith.mulf %div3A_7, %div3A_19 : vector<1x128xf32>
    %sub3A_24 = arith.subf %get3A_22, %mul3A_23 : vector<1x128xf32>
    %broadcast_in_dim3A = arith.constant 0.000000e+00 : f32
    %broadcast_in_dim3A_25 = vector.broadcast %broadcast_in_dim3A : f32 to vector<1x64xf32>
    %broadcast_in_dim3A_26 = arith.constant 0.000000e+00 : f32
    %broadcast_in_dim3A_27 = vector.broadcast %broadcast_in_dim3A_26 : f32 to vector<1x64xf32>
    %get3A_28 = arith.constant 0 : index
    %get3A_29 = arith.constant 0 : index
    %get3A_30 = arith.constant 0 : index
    %get3A_31 = arith.constant 0 : index
    %get3A_32 = vector.load %arg2[%get3A_28, %get3A_29, %get3A_30, %get3A_31] : memref<1x4x1024x128xf32, #tpu.memory_space<vmem>>, vector<1x1x1024x128xf32>
    %get3A_33 = vector.shape_cast %get3A_32 : vector<1x1x1024x128xf32> to vector<1024x128xf32>
    %mul3A_34 = vector.broadcast %div3A_19 : vector<1x128xf32> to vector<1024x128xf32>
    %mul3A_35 = arith.mulf %get3A_33, %mul3A_34 : vector<1024x128xf32>
    %add3A_36 = vector.broadcast %sub3A_24 : vector<1x128xf32> to vector<1024x128xf32>
    %add3A_37 = arith.addf %mul3A_35, %add3A_36 : vector<1024x128xf32>
    %max3A = arith.constant 0.000000e+00 : f32
    %max3A_38 = vector.broadcast %max3A : f32 to vector<1024x128xf32>
    %max3A_39 = arith.maximumf %add3A_37, %max3A_38 : vector<1024x128xf32>
    %get3A_40 = arith.constant 0 : index
    %get3A_41 = arith.constant 0 : index
    %get3A_42 = vector.load %arg5[%get3A_40, %get3A_41] : memref<128x64xf32, #tpu.memory_space<vmem>>, vector<128x64xf32>
    %dot_general3A = arith.constant dense<0.000000e+00> : vector<1024x64xf32>
    %dot_general3A_43 = tpu.matmul %max3A_39, %get3A_42, %dot_general3A {dimension_numbers = #tpu.dot_dimension_numbers<[1], [0], [0], [1], [0, 0, 1, 1], [], []>, transpose_lhs_hint = false} : vector<1024x128xf32>, vector<128x64xf32>, vector<1024x64xf32> -> vector<1024x64xf32>
    %swap3A = arith.constant 0 : index
    %swap3A_44 = arith.constant 0 : index
    %swap3A_45 = arith.constant 0 : index
    %swap3A_46 = arith.constant 0 : index
    %swap3A_47 = vector.load %arg6[%swap3A, %swap3A_44, %swap3A_45, %swap3A_46] : memref<1x4x1024x64xf32, #tpu.memory_space<vmem>>, vector<1x1x1024x64xf32>
    %swap3A_48 = vector.shape_cast %swap3A_47 : vector<1x1x1024x64xf32> to vector<1024x64xf32>
    %swap3A_49 = vector.shape_cast %dot_general3A_43 : vector<1024x64xf32> to vector<1x1x1024x64xf32>
    tpu.vector_store %arg6[%swap3A, %swap3A_44, %swap3A_45, %swap3A_46], %swap3A_49 {strides = array<i32>} : memref<1x4x1024x64xf32, #tpu.memory_space<vmem>>, vector<1x1x1024x64xf32>,
    %reduce_sum3A = arith.constant dense<0.000000e+00> : vector<64xf32>
    %reduce_sum3A_50 = vector.multi_reduction <add>, %dot_general3A_43, %reduce_sum3A [0] : vector<1024x64xf32> to vector<64xf32>
    %broadcast_in_dim3A_51 = vector.shape_cast %reduce_sum3A_50 : vector<64xf32> to vector<1x64xf32>
    %add3A_52 = arith.addf %broadcast_in_dim3A_25, %broadcast_in_dim3A_51 : vector<1x64xf32>
    %mul3A_53 = arith.mulf %dot_general3A_43, %dot_general3A_43 : vector<1024x64xf32>
    %reduce_sum3A_54 = arith.constant dense<0.000000e+00> : vector<64xf32>
    %reduce_sum3A_55 = vector.multi_reduction <add>, %mul3A_53, %reduce_sum3A_54 [0] : vector<1024x64xf32> to vector<64xf32>
    %broadcast_in_dim3A_56 = vector.shape_cast %reduce_sum3A_55 : vector<64xf32> to vector<1x64xf32>
    %add3A_57 = arith.addf %broadcast_in_dim3A_27, %broadcast_in_dim3A_56 : vector<1x64xf32>
    %get3A_58 = arith.constant 0 : index
    %get3A_59 = arith.constant 1 : index
    %get3A_60 = arith.constant 0 : index
    %get3A_61 = arith.constant 0 : index
    %get3A_62 = vector.load %arg2[%get3A_58, %get3A_59, %get3A_60, %get3A_61] : memref<1x4x1024x128xf32, #tpu.memory_space<vmem>>, vector<1x1x1024x128xf32>
    %get3A_63 = vector.shape_cast %get3A_62 : vector<1x1x1024x128xf32> to vector<1024x128xf32>
    %mul3A_64 = vector.broadcast %div3A_19 : vector<1x128xf32> to vector<1024x128xf32>
    %mul3A_65 = arith.mulf %get3A_63, %mul3A_64 : vector<1024x128xf32>
    %add3A_66 = vector.broadcast %sub3A_24 : vector<1x128xf32> to vector<1024x128xf32>
    %add3A_67 = arith.addf %mul3A_65, %add3A_66 : vector<1024x128xf32>
    %max3A_68 = arith.constant 0.000000e+00 : f32
    %max3A_69 = vector.broadcast %max3A_68 : f32 to vector<1024x128xf32>
    %max3A_70 = arith.maximumf %add3A_67, %max3A_69 : vector<1024x128xf32>
    %get3A_71 = arith.constant 0 : index
    %get3A_72 = arith.constant 0 : index
    %get3A_73 = vector.load %arg5[%get3A_71, %get3A_72] : memref<128x64xf32, #tpu.memory_space<vmem>>, vector<128x64xf32>
    %dot_general3A_74 = arith.constant dense<0.000000e+00> : vector<1024x64xf32>
    %dot_general3A_75 = tpu.matmul %max3A_70, %get3A_73, %dot_general3A_74 {dimension_numbers = #tpu.dot_dimension_numbers<[1], [0], [0], [1], [0, 0, 1, 1], [], []>, transpose_lhs_hint = false} : vector<1024x128xf32>, vector<128x64xf32>, vector<1024x64xf32> -> vector<1024x64xf32>
    %swap3A_76 = arith.constant 0 : index
    %swap3A_77 = arith.constant 1 : index
    %swap3A_78 = arith.constant 0 : index
    %swap3A_79 = arith.constant 0 : index
    %swap3A_80 = vector.load %arg6[%swap3A_76, %swap3A_77, %swap3A_78, %swap3A_79] : memref<1x4x1024x64xf32, #tpu.memory_space<vmem>>, vector<1x1x1024x64xf32>
    %swap3A_81 = vector.shape_cast %swap3A_80 : vector<1x1x1024x64xf32> to vector<1024x64xf32>
    %swap3A_82 = vector.shape_cast %dot_general3A_75 : vector<1024x64xf32> to vector<1x1x1024x64xf32>
    tpu.vector_store %arg6[%swap3A_76, %swap3A_77, %swap3A_78, %swap3A_79], %swap3A_82 {strides = array<i32>} : memref<1x4x1024x64xf32, #tpu.memory_space<vmem>>, vector<1x1x1024x64xf32>,
    %reduce_sum3A_83 = arith.constant dense<0.000000e+00> : vector<64xf32>
    %reduce_sum3A_84 = vector.multi_reduction <add>, %dot_general3A_75, %reduce_sum3A_83 [0] : vector<1024x64xf32> to vector<64xf32>
    %broadcast_in_dim3A_85 = vector.shape_cast %reduce_sum3A_84 : vector<64xf32> to vector<1x64xf32>
    %add3A_86 = arith.addf %add3A_52, %broadcast_in_dim3A_85 : vector<1x64xf32>
    %mul3A_87 = arith.mulf %dot_general3A_75, %dot_general3A_75 : vector<1024x64xf32>
    %reduce_sum3A_88 = arith.constant dense<0.000000e+00> : vector<64xf32>
    %reduce_sum3A_89 = vector.multi_reduction <add>, %mul3A_87, %reduce_sum3A_88 [0] : vector<1024x64xf32> to vector<64xf32>
    %broadcast_in_dim3A_90 = vector.shape_cast %reduce_sum3A_89 : vector<64xf32> to vector<1x64xf32>
    %add3A_91 = arith.addf %add3A_57, %broadcast_in_dim3A_90 : vector<1x64xf32>
    %get3A_92 = arith.constant 0 : index
    %get3A_93 = arith.constant 2 : index
    %get3A_94 = arith.constant 0 : index
    %get3A_95 = arith.constant 0 : index
    %get3A_96 = vector.load %arg2[%get3A_92, %get3A_93, %get3A_94, %get3A_95] : memref<1x4x1024x128xf32, #tpu.memory_space<vmem>>, vector<1x1x1024x128xf32>
    %get3A_97 = vector.shape_cast %get3A_96 : vector<1x1x1024x128xf32> to vector<1024x128xf32>
    %mul3A_98 = vector.broadcast %div3A_19 : vector<1x128xf32> to vector<1024x128xf32>
    %mul3A_99 = arith.mulf %get3A_97, %mul3A_98 : vector<1024x128xf32>
    %add3A_100 = vector.broadcast %sub3A_24 : vector<1x128xf32> to vector<1024x128xf32>
    %add3A_101 = arith.addf %mul3A_99, %add3A_100 : vector<1024x128xf32>
    %max3A_102 = arith.constant 0.000000e+00 : f32
    %max3A_103 = vector.broadcast %max3A_102 : f32 to vector<1024x128xf32>
    %max3A_104 = arith.maximumf %add3A_101, %max3A_103 : vector<1024x128xf32>
    %get3A_105 = arith.constant 0 : index
    %get3A_106 = arith.constant 0 : index
    %get3A_107 = vector.load %arg5[%get3A_105, %get3A_106] : memref<128x64xf32, #tpu.memory_space<vmem>>, vector<128x64xf32>
    %dot_general3A_108 = arith.constant dense<0.000000e+00> : vector<1024x64xf32>
    %dot_general3A_109 = tpu.matmul %max3A_104, %get3A_107, %dot_general3A_108 {dimension_numbers = #tpu.dot_dimension_numbers<[1], [0], [0], [1], [0, 0, 1, 1], [], []>, transpose_lhs_hint = false} : vector<1024x128xf32>, vector<128x64xf32>, vector<1024x64xf32> -> vector<1024x64xf32>
    %swap3A_110 = arith.constant 0 : index
    %swap3A_111 = arith.constant 2 : index
    %swap3A_112 = arith.constant 0 : index
    %swap3A_113 = arith.constant 0 : index
    %swap3A_114 = vector.load %arg6[%swap3A_110, %swap3A_111, %swap3A_112, %swap3A_113] : memref<1x4x1024x64xf32, #tpu.memory_space<vmem>>, vector<1x1x1024x64xf32>
    %swap3A_115 = vector.shape_cast %swap3A_114 : vector<1x1x1024x64xf32> to vector<1024x64xf32>
    %swap3A_116 = vector.shape_cast %dot_general3A_109 : vector<1024x64xf32> to vector<1x1x1024x64xf32>
    tpu.vector_store %arg6[%swap3A_110, %swap3A_111, %swap3A_112, %swap3A_113], %swap3A_116 {strides = array<i32>} : memref<1x4x1024x64xf32, #tpu.memory_space<vmem>>, vector<1x1x1024x64xf32>,
    %reduce_sum3A_117 = arith.constant dense<0.000000e+00> : vector<64xf32>
    %reduce_sum3A_118 = vector.multi_reduction <add>, %dot_general3A_109, %reduce_sum3A_117 [0] : vector<1024x64xf32> to vector<64xf32>
    %broadcast_in_dim3A_119 = vector.shape_cast %reduce_sum3A_118 : vector<64xf32> to vector<1x64xf32>
    %add3A_120 = arith.addf %add3A_86, %broadcast_in_dim3A_119 : vector<1x64xf32>
    %mul3A_121 = arith.mulf %dot_general3A_109, %dot_general3A_109 : vector<1024x64xf32>
    %reduce_sum3A_122 = arith.constant dense<0.000000e+00> : vector<64xf32>
    %reduce_sum3A_123 = vector.multi_reduction <add>, %mul3A_121, %reduce_sum3A_122 [0] : vector<1024x64xf32> to vector<64xf32>
    %broadcast_in_dim3A_124 = vector.shape_cast %reduce_sum3A_123 : vector<64xf32> to vector<1x64xf32>
    %add3A_125 = arith.addf %add3A_91, %broadcast_in_dim3A_124 : vector<1x64xf32>
    %get3A_126 = arith.constant 0 : index
    %get3A_127 = arith.constant 3 : index
    %get3A_128 = arith.constant 0 : index
    %get3A_129 = arith.constant 0 : index
    %get3A_130 = vector.load %arg2[%get3A_126, %get3A_127, %get3A_128, %get3A_129] : memref<1x4x1024x128xf32, #tpu.memory_space<vmem>>, vector<1x1x1024x128xf32>
    %get3A_131 = vector.shape_cast %get3A_130 : vector<1x1x1024x128xf32> to vector<1024x128xf32>
    %mul3A_132 = vector.broadcast %div3A_19 : vector<1x128xf32> to vector<1024x128xf32>
    %mul3A_133 = arith.mulf %get3A_131, %mul3A_132 : vector<1024x128xf32>
    %add3A_134 = vector.broadcast %sub3A_24 : vector<1x128xf32> to vector<1024x128xf32>
    %add3A_135 = arith.addf %mul3A_133, %add3A_134 : vector<1024x128xf32>
    %max3A_136 = arith.constant 0.000000e+00 : f32
    %max3A_137 = vector.broadcast %max3A_136 : f32 to vector<1024x128xf32>
    %max3A_138 = arith.maximumf %add3A_135, %max3A_137 : vector<1024x128xf32>
    %get3A_139 = arith.constant 0 : index
    %get3A_140 = arith.constant 0 : index
    %get3A_141 = vector.load %arg5[%get3A_139, %get3A_140] : memref<128x64xf32, #tpu.memory_space<vmem>>, vector<128x64xf32>
    %dot_general3A_142 = arith.constant dense<0.000000e+00> : vector<1024x64xf32>
    %dot_general3A_143 = tpu.matmul %max3A_138, %get3A_141, %dot_general3A_142 {dimension_numbers = #tpu.dot_dimension_numbers<[1], [0], [0], [1], [0, 0, 1, 1], [], []>, transpose_lhs_hint = false} : vector<1024x128xf32>, vector<128x64xf32>, vector<1024x64xf32> -> vector<1024x64xf32>
    %swap3A_144 = arith.constant 0 : index
    %swap3A_145 = arith.constant 3 : index
    %swap3A_146 = arith.constant 0 : index
    %swap3A_147 = arith.constant 0 : index
    %swap3A_148 = vector.load %arg6[%swap3A_144, %swap3A_145, %swap3A_146, %swap3A_147] : memref<1x4x1024x64xf32, #tpu.memory_space<vmem>>, vector<1x1x1024x64xf32>
    %swap3A_149 = vector.shape_cast %swap3A_148 : vector<1x1x1024x64xf32> to vector<1024x64xf32>
    %swap3A_150 = vector.shape_cast %dot_general3A_143 : vector<1024x64xf32> to vector<1x1x1024x64xf32>
    tpu.vector_store %arg6[%swap3A_144, %swap3A_145, %swap3A_146, %swap3A_147], %swap3A_150 {strides = array<i32>} : memref<1x4x1024x64xf32, #tpu.memory_space<vmem>>, vector<1x1x1024x64xf32>,
    %reduce_sum3A_151 = arith.constant dense<0.000000e+00> : vector<64xf32>
    %reduce_sum3A_152 = vector.multi_reduction <add>, %dot_general3A_143, %reduce_sum3A_151 [0] : vector<1024x64xf32> to vector<64xf32>
    %broadcast_in_dim3A_153 = vector.shape_cast %reduce_sum3A_152 : vector<64xf32> to vector<1x64xf32>
    %add3A_154 = arith.addf %add3A_120, %broadcast_in_dim3A_153 : vector<1x64xf32>
    %mul3A_155 = arith.mulf %dot_general3A_143, %dot_general3A_143 : vector<1024x64xf32>
    %reduce_sum3A_156 = arith.constant dense<0.000000e+00> : vector<64xf32>
    %reduce_sum3A_157 = vector.multi_reduction <add>, %mul3A_155, %reduce_sum3A_156 [0] : vector<1024x64xf32> to vector<64xf32>
    %broadcast_in_dim3A_158 = vector.shape_cast %reduce_sum3A_157 : vector<64xf32> to vector<1x64xf32>
    %add3A_159 = arith.addf %add3A_125, %broadcast_in_dim3A_158 : vector<1x64xf32>
    %get3A_160 = arith.constant 0 : index
    %get3A_161 = arith.constant 0 : index
    %get3A_162 = vector.load %arg7[%get3A_160, %get3A_161] : memref<8x64xf32, #tpu.memory_space<vmem>>, vector<1x64xf32>
    %add3A_163 = arith.addf %get3A_162, %add3A_154 : vector<1x64xf32>
    %swap3A_164 = arith.constant 0 : index
    %swap3A_165 = arith.constant 0 : index
    %swap3A_166 = vector.load %arg7[%swap3A_164, %swap3A_165] : memref<8x64xf32, #tpu.memory_space<vmem>>, vector<1x64xf32>
    tpu.vector_store %arg7[%swap3A_164, %swap3A_165], %add3A_163 {strides = array<i32>} : memref<8x64xf32, #tpu.memory_space<vmem>>, vector<1x64xf32>,
    %get3A_167 = arith.constant 1 : index
    %get3A_168 = arith.constant 0 : index
    %get3A_169 = vector.load %arg7[%get3A_167, %get3A_168] : memref<8x64xf32, #tpu.memory_space<vmem>>, vector<1x64xf32>
    %add3A_170 = arith.addf %get3A_169, %add3A_159 : vector<1x64xf32>
    %swap3A_171 = arith.constant 1 : index
    %swap3A_172 = arith.constant 0 : index
    %swap3A_173 = vector.load %arg7[%swap3A_171, %swap3A_172] : memref<8x64xf32, #tpu.memory_space<vmem>>, vector<1x64xf32>
    tpu.vector_store %arg7[%swap3A_171, %swap3A_172], %add3A_170 {strides = array<i32>} : memref<8x64xf32, #tpu.memory_space<vmem>>, vector<1x64xf32>,
    return
  }
  func.func @transform_0(%arg0: i32, %arg1: i32) -> (i32, i32, i32, i32) {
    %c0_i32 = arith.constant 0 : i32
    %c0_i32_0 = arith.constant 0 : i32
    %c0_i32_1 = arith.constant 0 : i32
    return %arg0, %c0_i32, %arg1, %c0_i32_0 : i32, i32, i32, i32
  }
  func.func @transform_1(%arg0: i32, %arg1: i32) -> (i32, i32) {
    %c0_i32 = arith.constant 0 : i32
    %c0_i32_0 = arith.constant 0 : i32
    %c0_i32_1 = arith.constant 0 : i32
    return %c0_i32, %c0_i32_0 : i32, i32
  }
  func.func @transform_2(%arg0: i32, %arg1: i32) -> (i32, i32) {
    %c0_i32 = arith.constant 0 : i32
    %c0_i32_0 = arith.constant 0 : i32
    %c0_i32_1 = arith.constant 0 : i32
    return %c0_i32, %c0_i32_0 : i32, i32
  }
  func.func @transform_3(%arg0: i32, %arg1: i32) -> (i32, i32) {
    %c0_i32 = arith.constant 0 : i32
    %c0_i32_0 = arith.constant 0 : i32
    %c0_i32_1 = arith.constant 0 : i32
    return %c0_i32, %c0_i32_0 : i32, i32
  }
  func.func @transform_4(%arg0: i32, %arg1: i32) -> (i32, i32, i32, i32) {
    %c0_i32 = arith.constant 0 : i32
    %c0_i32_0 = arith.constant 0 : i32
    %c0_i32_1 = arith.constant 0 : i32
    return %arg0, %c0_i32, %arg1, %c0_i32_0 : i32, i32, i32, i32
  }
  func.func @transform_5(%arg0: i32, %arg1: i32) -> (i32, i32) {
    %c0_i32 = arith.constant 0 : i32
    %c0_i32_0 = arith.constant 0 : i32
    %c0_i32_1 = arith.constant 0 : i32
    return %c0_i32, %c0_i32_0 : i32, i32
  }
}

module attributes {stable_mosaic.version = 14 : i64} {
  func.func @_q4_body(%arg0: i32, %arg1: i32, %arg2: memref<1x4x1024x64xf32, #tpu.memory_space<vmem>>, %arg3: memref<8x64xf32, #tpu.memory_space<vmem>>, %arg4: memref<8x64xf32, #tpu.memory_space<vmem>>, %arg5: memref<1x4x1024x128xf32, #tpu.memory_space<vmem>>, %arg6: memref<1x1024x64xf32, #tpu.memory_space<vmem>>) attributes {dimension_semantics = [#tpu.dimension_semantics<arbitrary>, #tpu.dimension_semantics<arbitrary>], iteration_bounds = array<i64: 2, 4>, scalar_prefetch = 0 : i64, scratch_operands = 0 : i64, tpu.core_type = #tpu.core_type<tc>, window_params = [{transform_indices = @transform_0, window_bounds = array<i64: 1, 4, 1024, 64>}, {pipeline_mode = #tpu.pipeline_mode<synchronous>, transform_indices = @transform_1, window_bounds = array<i64: 8, 64>}, {pipeline_mode = #tpu.pipeline_mode<synchronous>, transform_indices = @transform_2, window_bounds = array<i64: 8, 64>}, {transform_indices = @transform_3, window_bounds = array<i64: 1, 4, 1024, 128>}, {transform_indices = @transform_4, window_bounds = array<i64: 1, 1024, 64>}]} {
    %get3A = arith.constant 0 : index
    %get3A_0 = arith.constant 0 : index
    %get3A_1 = vector.load %arg3[%get3A, %get3A_0] : memref<8x64xf32, #tpu.memory_space<vmem>>, vector<1x64xf32>
    %div3A = arith.constant 3.276800e+04 : f32
    %div3A_2 = vector.broadcast %div3A : f32 to vector<1x64xf32>
    %div3A_3 = arith.divf %get3A_1, %div3A_2 : vector<1x64xf32>
    %get3A_4 = arith.constant 1 : index
    %get3A_5 = arith.constant 0 : index
    %get3A_6 = vector.load %arg3[%get3A_4, %get3A_5] : memref<8x64xf32, #tpu.memory_space<vmem>>, vector<1x64xf32>
    %div3A_7 = arith.constant 3.276800e+04 : f32
    %div3A_8 = vector.broadcast %div3A_7 : f32 to vector<1x64xf32>
    %div3A_9 = arith.divf %get3A_6, %div3A_8 : vector<1x64xf32>
    %mul3A = arith.mulf %div3A_3, %div3A_3 : vector<1x64xf32>
    %sub3A = arith.subf %div3A_9, %mul3A : vector<1x64xf32>
    %get3A_10 = arith.constant 0 : index
    %get3A_11 = arith.constant 0 : index
    %get3A_12 = vector.load %arg4[%get3A_10, %get3A_11] : memref<8x64xf32, #tpu.memory_space<vmem>>, vector<1x64xf32>
    %add3A = arith.constant 9.99999974E-6 : f32
    %add3A_13 = vector.broadcast %add3A : f32 to vector<1x64xf32>
    %add3A_14 = arith.addf %sub3A, %add3A_13 : vector<1x64xf32>
    %sqrt3A = math.sqrt %add3A_14 : vector<1x64xf32>
    %div3A_15 = arith.divf %get3A_12, %sqrt3A : vector<1x64xf32>
    %get3A_16 = arith.constant 1 : index
    %get3A_17 = arith.constant 0 : index
    %get3A_18 = vector.load %arg4[%get3A_16, %get3A_17] : memref<8x64xf32, #tpu.memory_space<vmem>>, vector<1x64xf32>
    %mul3A_19 = arith.mulf %div3A_3, %div3A_15 : vector<1x64xf32>
    %sub3A_20 = arith.subf %get3A_18, %mul3A_19 : vector<1x64xf32>
    %get3A_21 = arith.constant 0 : index
    %get3A_22 = arith.constant 0 : index
    %get3A_23 = arith.constant 0 : index
    %get3A_24 = arith.constant 0 : index
    %get3A_25 = vector.load %arg2[%get3A_21, %get3A_22, %get3A_23, %get3A_24] : memref<1x4x1024x64xf32, #tpu.memory_space<vmem>>, vector<1x1x1024x64xf32>
    %get3A_26 = vector.shape_cast %get3A_25 : vector<1x1x1024x64xf32> to vector<1024x64xf32>
    %mul3A_27 = vector.broadcast %div3A_15 : vector<1x64xf32> to vector<1024x64xf32>
    %mul3A_28 = arith.mulf %get3A_26, %mul3A_27 : vector<1024x64xf32>
    %add3A_29 = vector.broadcast %sub3A_20 : vector<1x64xf32> to vector<1024x64xf32>
    %add3A_30 = arith.addf %mul3A_28, %add3A_29 : vector<1024x64xf32>
    %max3A = arith.constant 0.000000e+00 : f32
    %max3A_31 = vector.broadcast %max3A : f32 to vector<1024x64xf32>
    %max3A_32 = arith.maximumf %add3A_30, %max3A_31 : vector<1024x64xf32>
    %get3A_33 = arith.constant 0 : index
    %get3A_34 = arith.constant 1 : index
    %get3A_35 = arith.constant 0 : index
    %get3A_36 = arith.constant 0 : index
    %get3A_37 = vector.load %arg2[%get3A_33, %get3A_34, %get3A_35, %get3A_36] : memref<1x4x1024x64xf32, #tpu.memory_space<vmem>>, vector<1x1x1024x64xf32>
    %get3A_38 = vector.shape_cast %get3A_37 : vector<1x1x1024x64xf32> to vector<1024x64xf32>
    %mul3A_39 = vector.broadcast %div3A_15 : vector<1x64xf32> to vector<1024x64xf32>
    %mul3A_40 = arith.mulf %get3A_38, %mul3A_39 : vector<1024x64xf32>
    %add3A_41 = vector.broadcast %sub3A_20 : vector<1x64xf32> to vector<1024x64xf32>
    %add3A_42 = arith.addf %mul3A_40, %add3A_41 : vector<1024x64xf32>
    %max3A_43 = arith.constant 0.000000e+00 : f32
    %max3A_44 = vector.broadcast %max3A_43 : f32 to vector<1024x64xf32>
    %max3A_45 = arith.maximumf %add3A_42, %max3A_44 : vector<1024x64xf32>
    %get3A_46 = arith.constant 0 : index
    %get3A_47 = arith.constant 2 : index
    %get3A_48 = arith.constant 0 : index
    %get3A_49 = arith.constant 0 : index
    %get3A_50 = vector.load %arg2[%get3A_46, %get3A_47, %get3A_48, %get3A_49] : memref<1x4x1024x64xf32, #tpu.memory_space<vmem>>, vector<1x1x1024x64xf32>
    %get3A_51 = vector.shape_cast %get3A_50 : vector<1x1x1024x64xf32> to vector<1024x64xf32>
    %mul3A_52 = vector.broadcast %div3A_15 : vector<1x64xf32> to vector<1024x64xf32>
    %mul3A_53 = arith.mulf %get3A_51, %mul3A_52 : vector<1024x64xf32>
    %add3A_54 = vector.broadcast %sub3A_20 : vector<1x64xf32> to vector<1024x64xf32>
    %add3A_55 = arith.addf %mul3A_53, %add3A_54 : vector<1024x64xf32>
    %max3A_56 = arith.constant 0.000000e+00 : f32
    %max3A_57 = vector.broadcast %max3A_56 : f32 to vector<1024x64xf32>
    %max3A_58 = arith.maximumf %add3A_55, %max3A_57 : vector<1024x64xf32>
    %get3A_59 = arith.constant 0 : index
    %get3A_60 = arith.constant 3 : index
    %get3A_61 = arith.constant 0 : index
    %get3A_62 = arith.constant 0 : index
    %get3A_63 = vector.load %arg2[%get3A_59, %get3A_60, %get3A_61, %get3A_62] : memref<1x4x1024x64xf32, #tpu.memory_space<vmem>>, vector<1x1x1024x64xf32>
    %get3A_64 = vector.shape_cast %get3A_63 : vector<1x1x1024x64xf32> to vector<1024x64xf32>
    %mul3A_65 = vector.broadcast %div3A_15 : vector<1x64xf32> to vector<1024x64xf32>
    %mul3A_66 = arith.mulf %get3A_64, %mul3A_65 : vector<1024x64xf32>
    %add3A_67 = vector.broadcast %sub3A_20 : vector<1x64xf32> to vector<1024x64xf32>
    %add3A_68 = arith.addf %mul3A_66, %add3A_67 : vector<1024x64xf32>
    %max3A_69 = arith.constant 0.000000e+00 : f32
    %max3A_70 = vector.broadcast %max3A_69 : f32 to vector<1024x64xf32>
    %max3A_71 = arith.maximumf %add3A_68, %max3A_70 : vector<1024x64xf32>
    %get3A_72 = arith.constant 0 : index
    %get3A_73 = arith.constant 0 : index
    %get3A_74 = arith.constant 0 : index
    %get3A_75 = arith.constant 0 : index
    %get3A_76 = vector.load %arg5[%get3A_72, %get3A_73, %get3A_74, %get3A_75] : memref<1x4x1024x128xf32, #tpu.memory_space<vmem>>, vector<1x1x1024x128xf32>
    %get3A_77 = vector.shape_cast %get3A_76 : vector<1x1x1024x128xf32> to vector<1024x128xf32>
    %slice3A = vector.extract_strided_slice %get3A_77 {offsets = [0, 0], sizes = [1024, 64], strides = [1, 1]} : vector<1024x128xf32> to vector<1024x64xf32>
    %get3A_78 = arith.constant 0 : index
    %get3A_79 = arith.constant 1 : index
    %get3A_80 = arith.constant 0 : index
    %get3A_81 = arith.constant 0 : index
    %get3A_82 = vector.load %arg5[%get3A_78, %get3A_79, %get3A_80, %get3A_81] : memref<1x4x1024x128xf32, #tpu.memory_space<vmem>>, vector<1x1x1024x128xf32>
    %get3A_83 = vector.shape_cast %get3A_82 : vector<1x1x1024x128xf32> to vector<1024x128xf32>
    %slice3A_84 = vector.extract_strided_slice %get3A_83 {offsets = [0, 0], sizes = [1024, 64], strides = [1, 1]} : vector<1024x128xf32> to vector<1024x64xf32>
    %get3A_85 = arith.constant 0 : index
    %get3A_86 = arith.constant 2 : index
    %get3A_87 = arith.constant 0 : index
    %get3A_88 = arith.constant 0 : index
    %get3A_89 = vector.load %arg5[%get3A_85, %get3A_86, %get3A_87, %get3A_88] : memref<1x4x1024x128xf32, #tpu.memory_space<vmem>>, vector<1x1x1024x128xf32>
    %get3A_90 = vector.shape_cast %get3A_89 : vector<1x1x1024x128xf32> to vector<1024x128xf32>
    %slice3A_91 = vector.extract_strided_slice %get3A_90 {offsets = [0, 0], sizes = [1024, 64], strides = [1, 1]} : vector<1024x128xf32> to vector<1024x64xf32>
    %get3A_92 = arith.constant 0 : index
    %get3A_93 = arith.constant 3 : index
    %get3A_94 = arith.constant 0 : index
    %get3A_95 = arith.constant 0 : index
    %get3A_96 = vector.load %arg5[%get3A_92, %get3A_93, %get3A_94, %get3A_95] : memref<1x4x1024x128xf32, #tpu.memory_space<vmem>>, vector<1x1x1024x128xf32>
    %get3A_97 = vector.shape_cast %get3A_96 : vector<1x1x1024x128xf32> to vector<1024x128xf32>
    %slice3A_98 = vector.extract_strided_slice %get3A_97 {offsets = [0, 0], sizes = [1024, 64], strides = [1, 1]} : vector<1024x128xf32> to vector<1024x64xf32>
    %max3A_99 = arith.maximumf %max3A_32, %max3A_45 : vector<1024x64xf32>
    %max3A_100 = arith.maximumf %max3A_99, %max3A_58 : vector<1024x64xf32>
    %max3A_101 = arith.maximumf %max3A_100, %max3A_71 : vector<1024x64xf32>
    %sub3A_102 = arith.subf %max3A_32, %max3A_101 : vector<1024x64xf32>
    %exp3A = math.exp %sub3A_102 : vector<1024x64xf32>
    %sub3A_103 = arith.subf %max3A_45, %max3A_101 : vector<1024x64xf32>
    %exp3A_104 = math.exp %sub3A_103 : vector<1024x64xf32>
    %sub3A_105 = arith.subf %max3A_58, %max3A_101 : vector<1024x64xf32>
    %exp3A_106 = math.exp %sub3A_105 : vector<1024x64xf32>
    %sub3A_107 = arith.subf %max3A_71, %max3A_101 : vector<1024x64xf32>
    %exp3A_108 = math.exp %sub3A_107 : vector<1024x64xf32>
    %add3A_109 = arith.addf %exp3A, %exp3A_104 : vector<1024x64xf32>
    %add3A_110 = arith.addf %add3A_109, %exp3A_106 : vector<1024x64xf32>
    %add3A_111 = arith.addf %add3A_110, %exp3A_108 : vector<1024x64xf32>
    %mul3A_112 = arith.mulf %exp3A, %slice3A : vector<1024x64xf32>
    %mul3A_113 = arith.mulf %exp3A_104, %slice3A_84 : vector<1024x64xf32>
    %add3A_114 = arith.addf %mul3A_112, %mul3A_113 : vector<1024x64xf32>
    %mul3A_115 = arith.mulf %exp3A_106, %slice3A_91 : vector<1024x64xf32>
    %add3A_116 = arith.addf %add3A_114, %mul3A_115 : vector<1024x64xf32>
    %mul3A_117 = arith.mulf %exp3A_108, %slice3A_98 : vector<1024x64xf32>
    %add3A_118 = arith.addf %add3A_116, %mul3A_117 : vector<1024x64xf32>
    %div3A_119 = arith.divf %add3A_118, %add3A_111 : vector<1024x64xf32>
    %swap3A = arith.constant 0 : index
    %swap3A_120 = arith.constant 0 : index
    %swap3A_121 = arith.constant 0 : index
    %swap3A_122 = vector.load %arg6[%swap3A, %swap3A_120, %swap3A_121] : memref<1x1024x64xf32, #tpu.memory_space<vmem>>, vector<1x1024x64xf32>
    %swap3A_123 = vector.shape_cast %swap3A_122 : vector<1x1024x64xf32> to vector<1024x64xf32>
    %swap3A_124 = vector.shape_cast %div3A_119 : vector<1024x64xf32> to vector<1x1024x64xf32>
    tpu.vector_store %arg6[%swap3A, %swap3A_120, %swap3A_121], %swap3A_124 {strides = array<i32>} : memref<1x1024x64xf32, #tpu.memory_space<vmem>>, vector<1x1024x64xf32>,
    return
  }
  func.func @transform_0(%arg0: i32, %arg1: i32) -> (i32, i32, i32, i32) {
    %c0_i32 = arith.constant 0 : i32
    %c0_i32_0 = arith.constant 0 : i32
    %c0_i32_1 = arith.constant 0 : i32
    return %arg0, %c0_i32, %arg1, %c0_i32_0 : i32, i32, i32, i32
  }
  func.func @transform_1(%arg0: i32, %arg1: i32) -> (i32, i32) {
    %c0_i32 = arith.constant 0 : i32
    %c0_i32_0 = arith.constant 0 : i32
    %c0_i32_1 = arith.constant 0 : i32
    return %c0_i32, %c0_i32_0 : i32, i32
  }
  func.func @transform_2(%arg0: i32, %arg1: i32) -> (i32, i32) {
    %c0_i32 = arith.constant 0 : i32
    %c0_i32_0 = arith.constant 0 : i32
    %c0_i32_1 = arith.constant 0 : i32
    return %c0_i32, %c0_i32_0 : i32, i32
  }
  func.func @transform_3(%arg0: i32, %arg1: i32) -> (i32, i32, i32, i32) {
    %c0_i32 = arith.constant 0 : i32
    %c0_i32_0 = arith.constant 0 : i32
    %c0_i32_1 = arith.constant 0 : i32
    return %arg0, %c0_i32, %arg1, %c0_i32_0 : i32, i32, i32, i32
  }
  func.func @transform_4(%arg0: i32, %arg1: i32) -> (i32, i32, i32) {
    %c0_i32 = arith.constant 0 : i32
    %c0_i32_0 = arith.constant 0 : i32
    return %arg0, %arg1, %c0_i32 : i32, i32, i32
  }
}

</mosaic_0001>

<sc_bundles>
// kernel: kernel.15.cloned.1.call-start
scs
__scs_entry_jumppad:
0x0: {  	(pc) =	sbr.rel $0x88, $3  }
0x1: {  	(tag) =	ssettag $0x0;
	lr =	simm.s32 $0x1  }
0x2: {  	[smem:$0x3F86] =	sst lr;
	_ =	strace $0xD0000000  }
0x3: {  	_ = 	snop  }
0x4: {  	_ = 	snop  }
0x5: {  	_ = 	snop  }
0x6: {  	_ = 	snop  }
0x7: {  	_ = 	snop  }
__scs_overlays_trampoline_lowered:
0x8: {  	[smem:$0x3F95] =	sst s0  }
0x9: {  	[smem:$0x3F96] =	sst s1  }
0xa: {  	[smem:$0x3F97] =	sst s2  }
0xb: {  	[smem:$0x3F98] =	sst s3  }
0xc: {  	[smem:$0x3F99] =	sst s4  }
0xd: {  	[smem:$0x3F9A] =	sst s5  }
0xe: {  	[smem:$0x3F9B] =	sst s6  }
0xf: {  	[smem:$0x3F9C] =	sst s7  }
0x10: {  	[smem:$0x3F9D] =	sst s8  }
0x11: {  	[smem:$0x3F9E] =	sst s9;
	s0 =	simm.s32 @!p0 $0x0  }
0x12: {  	s1 =	sld [smem:$0x3F84];
	s0 =	simm.s32 @p0 $0x1  }
0x13: {  	[smem:$0x3F9F] =	sst s0;
	s0 =	simm.s32 @!p1 $0x0  }
0x14: {  	s2 =	sld [smem:$0x3F83];
	s0 =	simm.s32 @p1 $0x1  }
0x15: {  	[smem:$0x3FA0] =	sst s0;
	s0 =	simm.s32 @!p2 $0x0  }
0x16: {  	s3 =	sld [smem:$0x3FDB];
	s0 =	simm.s32 @p2 $0x1  }
0x17: {  	s4 =	simm.s32 $0x1BF5;
	[smem:$0x3FA2] =	sst s0  }
0x18: {  	s0 =	sld [smem:$0x3F85];
	_ =	swait.ge [sflag:s4], $0x0  }
0x19: {  	s7 =	sld [smem:$0x3F86]  }
0x1a: {  	s8 =	sadd.s32 $0xFFFFE003, lr  }
0x1b: {  	s9 =	sadd.s32 $0xFFFFFEF7, lr;
	s5 =	simm.s32 $0xFFFFFFFF;
	p2 =	slt.u32 s8, $0xFFFFF086  }
0x1c: {  	p1 =	slt.u32 s9, $0xF7A;
	s5 =	simm.s32 @!p2 $0x0  }
0x1d: {  	s5 =	simm.s32 @p1 $0x1;
	p0 =	seq.s32 s7, s2  }
0x1e: {  	s7 =	smul.u32 @!p0 $0xF7A, s2;
	p2 =	seq.s32 @!p0 s5, $0x0  }
0x1f: {  	s9 =	smul.u32 $0xF7A, s1;
	s8 =	simm.s32 @!p0 $0x1BF5;
	p2 =	por !p2, p0  }
0x20: {  	[sflag:s8] =	ssyncset.s32 @!p0 $0xFFFFF086;
	s6 =	sadd.s32 @!p0 s3, s7;
	s7 =	simm.s32 @!p0 $0x108  }
0x21: {  	s3 =	sadd.s32 s3, s9;
	s6 =	sadd.s32 @!p0 $0x88, s6;
	s7 =	simm.s32 @p2 $0x1082  }
0x22: {  	[simem:s7], [sflag:s8] =	dma.local @!p0 [hbm:s6], $0xF7A  }
0x23: {  	s9 =	sor.u32 $0xD0000000, s2;
	s6 =	simm.s32 $0x108;
	_ =	swait.ge @!p0 [sflag:s8], $0x0  }
0x24: {  	s3 =	sadd.s32 $0x88, s3;
	s6 =	simm.s32 @!p1 $0x1082;
	[sflag:s4] =	ssyncset.s32 $0xFFFFF086  }
0x25: {  	[simem:s6], [sflag:s4] =	dma.local [hbm:s3], $0xF7A  }
0x26: {  	[smem:$0x3F86] =	sst s1;
	(tag) =	ssettag s2;
	_ =	strace s9  }
0x27: {  	s1 =	sld [smem:$0x3F96]  }
0x28: {  	s2 =	sld [smem:$0x3F97]  }
0x29: {  	s4 =	sld [smem:$0x3F99]  }
0x2a: {  	p0 =	seq.s32 s5, $0x0;
	s5 =	sld [smem:$0x3F9A]  }
0x2b: {  	s6 =	sld [smem:$0x3F9B]  }
0x2c: {  	s7 =	sld [smem:$0x3F9C]  }
0x2d: {  	s3 =	simm.s32 $0x108;
	s8 =	sld [smem:$0x3F9D]  }
0x2e: {  	s3 =	simm.s32 @!p0 $0x1082;
	s9 =	sld [smem:$0x3F9E]  }
0x2f: {  	lr =	sadd.s32 s0, s3;
	s0 =	sld [smem:$0x3F95]  }
0x30: {  	s3 =	sld [smem:$0x3F98]  }
0x31: {  	[smem:$0x3FA1] =	sst s10  }
0x32: {  	s10 =	sld [smem:$0x3F9F];
	_ =	sdelay $0x3  }
0x33: {  	p0 =	seq.s32 s10, $0x1;
	s10 =	sld [smem:$0x3FA1];
	_ =	sdelay $0x3  }
0x34: {  	[smem:$0x3FA1] =	sst s10  }
0x35: {  	s10 =	sld [smem:$0x3FA0];
	_ =	sdelay $0x3  }
0x36: {  	p1 =	seq.s32 s10, $0x1;
	s10 =	sld [smem:$0x3FA1];
	_ =	sdelay $0x3  }
0x37: {  	[smem:$0x3FA1] =	sst s10  }
0x38: {  	s10 =	sld [smem:$0x3FA2]  }
0x39: {  	_ = 	snop;
	(pc) =	sbr.ind lr, $3  }
0x3a: {  	_ = 	snop  }
0x3b: {  	_ = 	snop  }
0x3c: {  	p2 =	seq.s32 s10, $0x1;
	s10 =	sld [smem:$0x3FA1]  }
0x3d: {  	_ =	shalt  }
0x3e: {  	_ =	shalt  }
0x3f: {  	_ =	shalt  }
0x40: {  	_ =	shalt  }
0x41: {  	_ =	shalt  }
0x42: {  	_ =	shalt  }
0x43: {  	_ =	shalt  }
0x44: {  	_ =	shalt  }
0x45: {  	_ =	shalt  }
0x46: {  	_ =	shalt  }
0x47: {  	_ =	shalt  }
0x48: {  	_ =	shalt  }
0x49: {  	_ =	shalt  }
0x4a: {  	_ =	shalt  }
0x4b: {  	_ =	shalt  }
0x4c: {  	_ =	shalt  }
0x4d: {  	_ =	shalt  }
0x4e: {  	_ =	shalt  }
0x4f: {  	_ =	shalt  }
0x50: {  	_ =	shalt  }
0x51: {  	_ =	shalt  }
0x52: {  	_ =	shalt  }
0x53: {  	_ =	shalt  }
0x54: {  	_ =	shalt  }
0x55: {  	_ =	shalt  }
0x56: {  	_ =	shalt  }
0x57: {  	_ =	shalt  }
0x58: {  	_ =	shalt  }
0x59: {  	_ =	shalt  }
0x5a: {  	_ =	shalt  }
0x5b: {  	_ =	shalt  }
0x5c: {  	_ =	shalt  }
0x5d: {  	_ =	shalt  }
0x5e: {  	_ =	shalt  }
0x5f: {  	_ =	shalt  }
0x60: {  	_ =	shalt  }
0x61: {  	_ =	shalt  }
0x62: {  	_ =	shalt  }
0x63: {  	_ =	shalt  }
0x64: {  	_ =	shalt  }
0x65: {  	_ =	shalt  }
0x66: {  	_ =	shalt  }
0x67: {  	_ =	shalt  }
0x68: {  	_ =	shalt  }
0x69: {  	_ =	shalt  }
0x6a: {  	_ =	shalt  }
0x6b: {  	_ =	shalt  }
0x6c: {  	_ =	shalt  }
0x6d: {  	_ =	shalt  }
0x6e: {  	_ =	shalt  }
0x6f: {  	_ =	shalt  }
0x70: {  	_ =	shalt  }
0x71: {  	_ =	shalt  }
0x72: {  	_ =	shalt  }
0x73: {  	_ =	shalt  }
0x74: {  	_ =	shalt  }
0x75: {  	_ =	shalt  }
0x76: {  	_ =	shalt  }
0x77: {  	_ =	shalt  }
0x78: {  	_ =	shalt  }
0x79: {  	_ =	shalt  }
0x7a: {  	_ =	shalt  }
0x7b: {  	_ =	shalt  }
0x7c: {  	_ =	shalt  }
0x7d: {  	_ =	shalt  }
0x7e: {  	_ =	shalt  }
0x7f: {  	_ =	shalt  }
0x80: {  	_ =	shalt  }
0x81: {  	_ =	shalt  }
0x82: {  	_ =	shalt  }
0x83: {  	_ =	shalt  }
0x84: {  	_ =	shalt  }
0x85: {  	_ =	shalt  }
0x86: {  	_ =	shalt  }
0x87: {  	_ =	shalt  }
.Lfunc_end0:
.L_simem_size_0:
called_computation_lowered:
.L_overlay_start_0:
0x88: {  	s2 =	sld [smem:$0x3FD9]  }
0x89: {  	s3 =	sld [smem:$0x3FFE];
	_ =	sdelay $0x1  }
0x8a: {  	s1 =	srdreg.scid  }
0x8b: {  	s0 =	sand.u32 $0x1, s1  }
0x8c: {  	s17 =	sshll.u32 s0, $0xA;
	s2 =	sadd.s32 s3, s2  }
0x8d: {  	s2 =	sadd.s32 s2, s17  }
0x8e: {  	[smem:$0x3FAD] =	sst s2  }
0x8f: {  	_ = 	snop  }
0x90: {  	s2 =	sld [smem:$0x3FD0];
	(tm) =	ssettm $0x1  }
0x91: {  	s18 =	sld [smem:$0x3FFB];
	_ =	sdelay $0x3  }
0x92: {  	_ =	strace s18  }
0x93: {  	s3 =	sld [smem:$0x3FFC];
	_ =	sdelay $0x3  }
0x94: {  	_ =	strace s3  }
0x95: {  	s3 =	sld [smem:$0x3FFD];
	_ =	sdelay $0x3  }
0x96: {  	_ =	strace s3  }
0x97: {  	_ =	strace $0x8FFFFFFF  }
0x98: {  	s19 =	sld [smem:$0x3FDB];
	_ =	sdelay $0x1  }
0x99: {  	s4 =	simm.s32 $_scs_section_size  }
0x9a: {  	s5 =	simm.s32 $_size__tile_overlayer_lowered;
	s6 =	simm.s32 $_tile_overlayer_lowered  }
0x9b: {  	s22 =	simm.s32 $0x1BFF;
	s21 =	sshll.u32 s6, $0x1;
	s3 =	sadd.s32 s4, s19  }
0x9c: {  	s7 =	simm.s32 $0x0;
	s20 =	sshll.u32 s5, $0x1;
	s5 =	sadd.s32 s21, s3  }
0x9d: {  	[timem:s7], [sflag:s22] =	dma.local [hbm:s5], s20  }
0x9e: {  	_ =	swait.ge [sflag:s22], s20  }
0x9f: {  	s4 =	ssub.s32 $0x0, s20;
	[sflag:s22] =	ssyncset.done $0x0  }
0xa0: {  	[sflag:s22] =	ssyncadd.s32 s4;
	_ =	sdelay $0x1  }
0xa1: {  	s23 =	simm.s32 $0x1B8B  }
0xa2: {  	_ =	swait.ge [sflag:s23], $0x1  }
0xa3: {  	[sflag:s23] =	ssyncset.done $0x0  }
0xa4: {  	s25 =	simm.s32 $0x1B8E;
	s24 =	sld [smem:$0x3FFE];
	[sflag:s23] =	ssyncadd.s32 $0xFFFFFFFF  }
0xa5: {  	s26 =	simm.s32 $execute0_lowered;
	[smem:$0x3FD2] =	sst s25  }
0xa6: {  	s5 =	sshll.u32 s26, $0x1;
	_ =	strace $0x80000046;
	[dreg:$0x1] =	wrdreg $0xFFFFFFFF  }
0xa7: {  	s28 =	simm.s32 $_size_execute0_lowered;
	s3 =	sadd.s32 s3, s5;
	[dreg:$0x0] =	wrdreg $0x0  }
0xa8: {  	s5 =	sshll.u32 s28, $0x1;
	[dreg:$0x2] =	wrdreg s3  }
0xa9: {  	[dreg:$0x3] =	wrdreg s5  }
0xaa: {  	[dreg:$0x4] =	wrdreg $0xC0  }
0xab: {  	_ =	task [dreg:s7], $0x5FFFF  }
0xac: {  	[dreg:$0x1] =	wrdreg $0xFFFFFFFF  }
0xad: {  	[dreg:$0x0] =	wrdreg $0x60  }
0xae: {  	[dreg:$0x2] =	wrdreg s24  }
0xaf: {  	[dreg:$0x3] =	wrdreg s2  }
0xb0: {  	[dreg:$0x4] =	wrdreg $0x9  }
0xb1: {  	_ =	task.clear_ibuf [dreg:s7], $0x5FFFF;
	_ =	strace $0x90000046  }
0xb2: {  	s29 =	simm.s32 $0x9;
	_ =	strace $0x80000048  }
0xb3: {  	_ =	swait.ge [sflag:s29], $0x1  }
0xb4: {  	[sflag:s29] =	ssyncadd.s32 $0xFFFFFFFF  }
0xb5: {  	_ =	strace $0x90000048  }
0xb6: {  	_ =	sfence  }
0xb7: {  	s30 =	sld [smem:$0x0];
	_ =	sdelay $0x2  }
0xb8: {  	s31 =	sshll.u32 s1, $0xD;
	s1 =	sshrl.u32 s1, $0x2  }
0xb9: {  	s3 =	sand.u32 $0x4000, s31;
	s1 =	sadd.s32 s1, s30  }
0xba: {  	s0 =	sor.u32 s3, s0;
	s1 =	sshll.u32 s1, $0x11  }
0xbb: {  	s0 =	sor.u32 s1, s0  }
0xbc: {  	s0 =	sadd.s32 $0x8F2B, s0  }
0xbd: {  	[sflag:s0] =	ssyncadd.remote.s32 $0x1  }
0xbe: {  	_ =	sfence.sel $0xFFFF  }
0xbf: {  	[dreg:$0x0] =	wrdreg $0xFFFFFFFF;
	(pc) =	sbr.abs _section_cstart, $3  }
0xc0: {  	[dreg:$0x1] =	wrdreg $0xFFFFFFFF  }
0xc1: {  	_ =	task.clear_ibuf [dreg:s7], $0x2FFFF;
	_ =	strace $0x9FFFFFFF  }
0xc2: {  	(tm) =	ssettm $0x7FFFFFFF  }
0xc3: {  	_ =	shalt  }
tec
execute0_lowered:
.L_overlay_start_1:
0x0: {  	(tag) =	ssettag $0x1  }
0x1: {  	s1 =	srdreg.scid;
	s0 =	stileid.u32  }
0x2: {  	s5 =	rddreg [dreg:$0x0];
	s1 =	sand.u32 $0x1, s1;
	s4 =	sshll.u32 s0, $0x1  }
0x3: {  	s3 =	rddreg [dreg:$0x1];
	s16 =	sor.u32 s1, s4  }
0x4: {  	s2 =	simm.s32 $0x0;
	s4 =	sshll.u32 s16, $0x8;
	s26 =	smul.u32 $0x6000, s16  }
0x5: {  	[smem:$0x7FF] =	sst s2;
	s17 =	sadd.s32 $0x46800, s5;
	s3 =	sadd.s32 s3, s4  }
0x6: {  	_ =	strace $0x80000047;
	[dreg:$0x3] =	wrdreg s3;
	s3 =	sadd.s32 s17, s26  }
0x7: {  	s6 =	rddreg [dreg:$0x3];
	s4 =	sadd.s32 $0x800, s3  }
0x8: {  	[dreg:$0x4] =	wrdreg s4;
	s4 =	simm.s32 $0x3  }
0x9: {  	[tilespmem:s2], [sflag:$0x3] =	stream.linear.gather [hbm4b:s6+s2], $0x600, $0x38;
	[tilespmem:$0x8800] =	vst v63  }
0xa: {  	_ =	swait.ge [sflag:s4], $0x600  }
0xb: {  	s7 =	simm.s32 $0x800;
	[sflag:s4] =	ssyncset.done $0x0  }
0xc: {  	s5 =	sadd.s32 $0x26800, s5;
	s6 =	simm.s32 $0x80;
	[sflag:s4] =	ssyncadd.s32 $0xFFFFFA00  }
0xd: {  	[tilespmem:s7], [sflag:$0x1] =	stream.indirect.gather [hbm4b:s5+s6], $0x80, s2, s6, $0xb8;
	[tilespmem:$0x8800] =	vst v63  }
0xe: {  	s8 =	simm.s32 $0x4800;
	s9 =	simm.s32 $0x1  }
0xf: {  	[tilespmem:s8], [sflag:$0x2] =	stream.indirect.gather [hbm4b:s5+s6], $0x80, s6, s6, $0xb8;
	[tilespmem:$0x8800] =	vst v63  }
0x10: {  	_ =	swait.ge [sflag:s9], $0x4000  }
0x11: {  	[sflag:s9] =	ssyncset.done $0x0  }
0x12: {  	[sflag:s9] =	ssyncadd.s32 $0xFFFFC000  }
0x13: {  	[hbm4b:s3+s2] =	stream.linear.scatter [tilespmem:s7], [sflag:$0x3], $0x4000, $0x38;
	[tilespmem:$0x8800] =	vst v63  }
0x14: {  	_ =	swait.ge [sflag:s4], $0x4000  }
0x15: {  	[sflag:s4] =	ssyncset.done $0x0  }
0x16: {  	s10 =	simm.s32 $0x100;
	s11 =	simm.s32 $0x2;
	[sflag:s4] =	ssyncadd.s32 $0xFFFFC000  }
0x17: {  	[tilespmem:s7], [sflag:$0x1] =	stream.indirect.gather [hbm4b:s5+s6], $0x80, s10, s6, $0xb8;
	[tilespmem:$0x8800] =	vst v63  }
0x18: {  	_ =	swait.ge [sflag:s11], $0x4000  }
0x19: {  	[sflag:s11] =	ssyncset.done $0x0  }
0x1a: {  	s12 =	rddreg [dreg:$0x4];
	[sflag:s11] =	ssyncadd.s32 $0xFFFFC000  }
0x1b: {  	[hbm4b:s12+s2] =	stream.linear.scatter [tilespmem:s8], [sflag:$0x3], $0x4000, $0x38;
	[tilespmem:$0x8800] =	vst v63  }
0x1c: {  	_ =	swait.ge [sflag:s4], $0x4000  }
0x1d: {  	[sflag:s4] =	ssyncset.done $0x0  }
0x1e: {  	s12 =	simm.s32 $0x180;
	[sflag:s4] =	ssyncadd.s32 $0xFFFFC000  }
0x1f: {  	[tilespmem:s8], [sflag:$0x2] =	stream.indirect.gather [hbm4b:s5+s6], $0x80, s12, s6, $0xb8;
	[tilespmem:$0x8800] =	vst v63  }
0x20: {  	_ =	swait.ge [sflag:s9], $0x4000  }
0x21: {  	[sflag:s9] =	ssyncset.done $0x0  }
0x22: {  	s13 =	sadd.s32 $0x1000, s3;
	[sflag:s9] =	ssyncadd.s32 $0xFFFFC000  }
0x23: {  	[hbm4b:s13+s2] =	stream.linear.scatter [tilespmem:s7], [sflag:$0x3], $0x4000, $0x38;
	[tilespmem:$0x8800] =	vst v63  }
0x24: {  	_ =	swait.ge [sflag:s4], $0x4000  }
0x25: {  	[sflag:s4] =	ssyncset.done $0x0  }
0x26: {  	s14 =	simm.s32 $0x200;
	[sflag:s4] =	ssyncadd.s32 $0xFFFFC000  }
0x27: {  	[tilespmem:s7], [sflag:$0x1] =	stream.indirect.gather [hbm4b:s5+s6], $0x80, s14, s6, $0xb8;
	[tilespmem:$0x8800] =	vst v63  }
0x28: {  	_ =	swait.ge [sflag:s11], $0x4000  }
0x29: {  	[sflag:s11] =	ssyncset.done $0x0  }
0x2a: {  	s15 =	sadd.s32 $0x1800, s3;
	[sflag:s11] =	ssyncadd.s32 $0xFFFFC000  }
0x2b: {  	[hbm4b:s15+s2] =	stream.linear.scatter [tilespmem:s8], [sflag:$0x3], $0x4000, $0x38;
	[tilespmem:$0x8800] =	vst v63  }
0x2c: {  	_ =	swait.ge [sflag:s4], $0x4000  }
0x2d: {  	[sflag:s4] =	ssyncset.done $0x0  }
0x2e: {  	s18 =	smul.u32 $0x30000, s16;
	s16 =	simm.s32 $0x280;
	[sflag:s4] =	ssyncadd.s32 $0xFFFFC000  }
0x2f: {  	[tilespmem:s8], [sflag:$0x2] =	stream.indirect.gather [hbm4b:s5+s6], $0x80, s16, s6, $0xb8;
	[tilespmem:$0x8800] =	vst v63  }
0x30: {  	s18 =	sshrl.u32 s18, $0x3;
	_ =	swait.ge [sflag:s9], $0x4000  }
0x31: {  	s31 =	sadd.s32 s17, s18;
	[sflag:s9] =	ssyncset.done $0x0  }
0x32: {  	s17 =	sadd.s32 $0x2000, s31;
	[sflag:s9] =	ssyncadd.s32 $0xFFFFC000  }
0x33: {  	[hbm4b:s17+s2] =	stream.linear.scatter [tilespmem:s7], [sflag:$0x3], $0x4000, $0x38;
	[tilespmem:$0x8800] =	vst v63  }
0x34: {  	_ =	swait.ge [sflag:s4], $0x4000  }
0x35: {  	[sflag:s4] =	ssyncset.done $0x0  }
0x36: {  	s18 =	simm.s32 $0x300;
	[sflag:s4] =	ssyncadd.s32 $0xFFFFC000  }
0x37: {  	[tilespmem:s7], [sflag:$0x1] =	stream.indirect.gather [hbm4b:s5+s6], $0x80, s18, s6, $0xb8;
	[tilespmem:$0x8800] =	vst v63  }
0x38: {  	_ =	swait.ge [sflag:s11], $0x4000  }
0x39: {  	[sflag:s11] =	ssyncset.done $0x0  }
0x3a: {  	s19 =	sadd.s32 $0x2800, s31;
	[sflag:s11] =	ssyncadd.s32 $0xFFFFC000  }
0x3b: {  	[hbm4b:s19+s2] =	stream.linear.scatter [tilespmem:s8], [sflag:$0x3], $0x4000, $0x38;
	[tilespmem:$0x8800] =	vst v63  }
0x3c: {  	_ =	swait.ge [sflag:s4], $0x4000  }
0x3d: {  	[sflag:s4] =	ssyncset.done $0x0  }
0x3e: {  	s20 =	simm.s32 $0x380;
	[sflag:s4] =	ssyncadd.s32 $0xFFFFC000  }
0x3f: {  	[tilespmem:s8], [sflag:$0x2] =	stream.indirect.gather [hbm4b:s5+s6], $0x80, s20, s6, $0xb8;
	[tilespmem:$0x8800] =	vst v63  }
0x40: {  	_ =	swait.ge [sflag:s9], $0x4000  }
0x41: {  	[sflag:s9] =	ssyncset.done $0x0  }
0x42: {  	s21 =	sadd.s32 $0x3000, s31;
	[sflag:s9] =	ssyncadd.s32 $0xFFFFC000  }
0x43: {  	[hbm4b:s21+s2] =	stream.linear.scatter [tilespmem:s7], [sflag:$0x3], $0x4000, $0x38;
	[tilespmem:$0x8800] =	vst v63  }
0x44: {  	_ =	swait.ge [sflag:s4], $0x4000  }
0x45: {  	[sflag:s4] =	ssyncset.done $0x0  }
0x46: {  	s22 =	simm.s32 $0x400;
	[sflag:s4] =	ssyncadd.s32 $0xFFFFC000  }
0x47: {  	[tilespmem:s7], [sflag:$0x1] =	stream.indirect.gather [hbm4b:s5+s6], $0x80, s22, s6, $0xb8;
	[tilespmem:$0x8800] =	vst v63  }
0x48: {  	_ =	swait.ge [sflag:s11], $0x4000  }
0x49: {  	[sflag:s11] =	ssyncset.done $0x0  }
0x4a: {  	s23 =	sadd.s32 $0x3800, s31;
	[sflag:s11] =	ssyncadd.s32 $0xFFFFC000  }
0x4b: {  	[hbm4b:s23+s2] =	stream.linear.scatter [tilespmem:s8], [sflag:$0x3], $0x4000, $0x38;
	[tilespmem:$0x8800] =	vst v63  }
0x4c: {  	_ =	swait.ge [sflag:s4], $0x4000  }
0x4d: {  	[sflag:s4] =	ssyncset.done $0x0  }
0x4e: {  	s24 =	simm.s32 $0x480;
	[sflag:s4] =	ssyncadd.s32 $0xFFFFC000  }
0x4f: {  	[tilespmem:s8], [sflag:$0x2] =	stream.indirect.gather [hbm4b:s5+s6], $0x80, s24, s6, $0xb8;
	[tilespmem:$0x8800] =	vst v63  }
0x50: {  	_ =	swait.ge [sflag:s9], $0x4000  }
0x51: {  	[sflag:s9] =	ssyncset.done $0x0  }
0x52: {  	s25 =	sadd.s32 $0x4000, s31;
	[sflag:s9] =	ssyncadd.s32 $0xFFFFC000  }
0x53: {  	[hbm4b:s25+s2] =	stream.linear.scatter [tilespmem:s7], [sflag:$0x3], $0x4000, $0x38;
	[tilespmem:$0x8800] =	vst v63  }
0x54: {  	_ =	swait.ge [sflag:s4], $0x4000  }
0x55: {  	[sflag:s4] =	ssyncset.done $0x0  }
0x56: {  	s26 =	simm.s32 $0x500;
	[sflag:s4] =	ssyncadd.s32 $0xFFFFC000  }
0x57: {  	[tilespmem:s7], [sflag:$0x1] =	stream.indirect.gather [hbm4b:s5+s6], $0x80, s26, s6, $0xb8;
	[tilespmem:$0x8800] =	vst v63  }
0x58: {  	_ =	swait.ge [sflag:s11], $0x4000  }
0x59: {  	[sflag:s11] =	ssyncset.done $0x0  }
0x5a: {  	s28 =	sadd.s32 $0x4800, s31;
	[sflag:s11] =	ssyncadd.s32 $0xFFFFC000  }
0x5b: {  	[hbm4b:s28+s2] =	stream.linear.scatter [tilespmem:s8], [sflag:$0x3], $0x4000, $0x38;
	[tilespmem:$0x8800] =	vst v63  }
0x5c: {  	_ =	swait.ge [sflag:s4], $0x4000  }
0x5d: {  	[sflag:s4] =	ssyncset.done $0x0  }
0x5e: {  	s29 =	simm.s32 $0x580;
	[sflag:s4] =	ssyncadd.s32 $0xFFFFC000  }
0x5f: {  	[tilespmem:s8], [sflag:$0x2] =	stream.indirect.gather [hbm4b:s5+s6], $0x80, s29, s6, $0xb8;
	[tilespmem:$0x8800] =	vst v63  }
0x60: {  	_ =	swait.ge [sflag:s9], $0x4000  }
0x61: {  	s1 =	ssub.s32 $0x2, s1;
	[sflag:s9] =	ssyncset.done $0x0  }
0x62: {  	s0 =	sshrl.u32 s1, $0x1;
	s30 =	sadd.s32 $0x5000, s31;
	[sflag:s9] =	ssyncadd.s32 $0xFFFFC000  }
0x63: {  	[hbm4b:s30+s2] =	stream.linear.scatter [tilespmem:s7], [sflag:$0x3], $0x4000, $0x38;
	[tilespmem:$0x8800] =	vst v63  }
0x64: {  	s0 =	ssub.s32 s1, s0;
	_ =	swait.ge [sflag:s4], $0x4000  }
0x65: {  	s0 =	smax.u32 s0, $0x1;
	[sflag:s4] =	ssyncset.done $0x0  }
0x66: {  	p0 =	sne.s32 s0, $0x1;
	[sflag:s4] =	ssyncadd.s32 $0xFFFFC000  }
.Ltmp0:
0x67: {  	_ =	swait.ge [sflag:s11], $0x4000;
	(pc) =	sbr.rel @!p0 .LBB2_2-.Ltmp0, $4  }
0x68: {  	[sflag:s11] =	ssyncset.done $0x0  }
0x69: {  	s31 =	sadd.s32 $0x5800, s31;
	[sflag:s11] =	ssyncadd.s32 $0xFFFFC000  }
0x6a: {  	[hbm4b:s31+s2] =	stream.linear.scatter [tilespmem:s8], [sflag:$0x3], $0x4000, $0x38;
	[tilespmem:$0x8800] =	vst v63  }
0x6b: {  	s1 =	sadd.s32 $0xFFFFFFFF, s0;
	_ =	swait.ge [sflag:s4], $0x4000  }
.LBB2_1:
0x6c: {  	[sflag:s4] =	ssyncset.done $0x0  }
0x6d: {  	s0 =	rddreg [dreg:$0x3];
	[sflag:s4] =	ssyncadd.s32 $0xFFFFC000  }
0x6e: {  	[tilespmem:s2], [sflag:$0x3] =	stream.linear.gather [hbm4b:s0+s2], $0x600, $0x38;
	[tilespmem:$0x8800] =	vst v63  }
0x6f: {  	_ =	swait.ge [sflag:s4], $0x600  }
0x70: {  	[sflag:s4] =	ssyncset.done $0x0  }
0x71: {  	[sflag:s4] =	ssyncadd.s32 $0xFFFFFA00  }
0x72: {  	[tilespmem:s7], [sflag:$0x1] =	stream.indirect.gather [hbm4b:s5+s6], $0x80, s2, s6, $0xb8;
	[tilespmem:$0x8800] =	vst v63  }
0x73: {  	_ = 	snop  }
0x74: {  	[tilespmem:s8], [sflag:$0x2] =	stream.indirect.gather [hbm4b:s5+s6], $0x80, s6, s6, $0xb8;
	[tilespmem:$0x8800] =	vst v63  }
0x75: {  	_ =	swait.ge [sflag:s9], $0x4000  }
0x76: {  	[sflag:s9] =	ssyncset.done $0x0  }
0x77: {  	[sflag:s9] =	ssyncadd.s32 $0xFFFFC000  }
0x78: {  	[hbm4b:s3+s2] =	stream.linear.scatter [tilespmem:s7], [sflag:$0x3], $0x4000, $0x38;
	[tilespmem:$0x8800] =	vst v63  }
0x79: {  	_ =	swait.ge [sflag:s4], $0x4000  }
0x7a: {  	[sflag:s4] =	ssyncset.done $0x0  }
0x7b: {  	[sflag:s4] =	ssyncadd.s32 $0xFFFFC000  }
0x7c: {  	[tilespmem:s7], [sflag:$0x1] =	stream.indirect.gather [hbm4b:s5+s6], $0x80, s10, s6, $0xb8;
	[tilespmem:$0x8800] =	vst v63  }
0x7d: {  	_ =	swait.ge [sflag:s11], $0x4000  }
0x7e: {  	[sflag:s11] =	ssyncset.done $0x0  }
0x7f: {  	s0 =	rddreg [dreg:$0x4];
	[sflag:s11] =	ssyncadd.s32 $0xFFFFC000  }
0x80: {  	[hbm4b:s0+s2] =	stream.linear.scatter [tilespmem:s8], [sflag:$0x3], $0x4000, $0x38;
	[tilespmem:$0x8800] =	vst v63  }
0x81: {  	_ =	swait.ge [sflag:s4], $0x4000  }
0x82: {  	[sflag:s4] =	ssyncset.done $0x0  }
0x83: {  	[sflag:s4] =	ssyncadd.s32 $0xFFFFC000  }
0x84: {  	[tilespmem:s8], [sflag:$0x2] =	stream.indirect.gather [hbm4b:s5+s6], $0x80, s12, s6, $0xb8;
	[tilespmem:$0x8800] =	vst v63  }
0x85: {  	_ =	swait.ge [sflag:s9], $0x4000  }
0x86: {  	[sflag:s9] =	ssyncset.done $0x0  }
0x87: {  	[sflag:s9] =	ssyncadd.s32 $0xFFFFC000  }
0x88: {  	[hbm4b:s13+s2] =	stream.linear.scatter [tilespmem:s7], [sflag:$0x3], $0x4000, $0x38;
	[tilespmem:$0x8800] =	vst v63  }
0x89: {  	_ =	swait.ge [sflag:s4], $0x4000  }
0x8a: {  	[sflag:s4] =	ssyncset.done $0x0  }
0x8b: {  	[sflag:s4] =	ssyncadd.s32 $0xFFFFC000  }
0x8c: {  	[tilespmem:s7], [sflag:$0x1] =	stream.indirect.gather [hbm4b:s5+s6], $0x80, s14, s6, $0xb8;
	[tilespmem:$0x8800] =	vst v63  }
0x8d: {  	_ =	swait.ge [sflag:s11], $0x4000  }
0x8e: {  	[sflag:s11] =	ssyncset.done $0x0  }
0x8f: {  	[sflag:s11] =	ssyncadd.s32 $0xFFFFC000  }
0x90: {  	[hbm4b:s15+s2] =	stream.linear.scatter [tilespmem:s8], [sflag:$0x3], $0x4000, $0x38;
	[tilespmem:$0x8800] =	vst v63  }
0x91: {  	_ =	swait.ge [sflag:s4], $0x4000  }
0x92: {  	[sflag:s4] =	ssyncset.done $0x0  }
0x93: {  	[sflag:s4] =	ssyncadd.s32 $0xFFFFC000  }
0x94: {  	[tilespmem:s8], [sflag:$0x2] =	stream.indirect.gather [hbm4b:s5+s6], $0x80, s16, s6, $0xb8;
	[tilespmem:$0x8800] =	vst v63  }
0x95: {  	_ =	swait.ge [sflag:s9], $0x4000  }
0x96: {  	[sflag:s9] =	ssyncset.done $0x0  }
0x97: {  	[sflag:s9] =	ssyncadd.s32 $0xFFFFC000  }
0x98: {  	[hbm4b:s17+s2] =	stream.linear.scatter [tilespmem:s7], [sflag:$0x3], $0x4000, $0x38;
	[tilespmem:$0x8800] =	vst v63  }
0x99: {  	_ =	swait.ge [sflag:s4], $0x4000  }
0x9a: {  	[sflag:s4] =	ssyncset.done $0x0  }
0x9b: {  	[sflag:s4] =	ssyncadd.s32 $0xFFFFC000  }
0x9c: {  	[tilespmem:s7], [sflag:$0x1] =	stream.indirect.gather [hbm4b:s5+s6], $0x80, s18, s6, $0xb8;
	[tilespmem:$0x8800] =	vst v63  }
0x9d: {  	_ =	swait.ge [sflag:s11], $0x4000  }
0x9e: {  	[sflag:s11] =	ssyncset.done $0x0  }
0x9f: {  	[sflag:s11] =	ssyncadd.s32 $0xFFFFC000  }
0xa0: {  	[hbm4b:s19+s2] =	stream.linear.scatter [tilespmem:s8], [sflag:$0x3], $0x4000, $0x38;
	[tilespmem:$0x8800] =	vst v63  }
0xa1: {  	_ =	swait.ge [sflag:s4], $0x4000  }
0xa2: {  	[sflag:s4] =	ssyncset.done $0x0  }
0xa3: {  	[sflag:s4] =	ssyncadd.s32 $0xFFFFC000  }
0xa4: {  	[tilespmem:s8], [sflag:$0x2] =	stream.indirect.gather [hbm4b:s5+s6], $0x80, s20, s6, $0xb8;
	[tilespmem:$0x8800] =	vst v63  }
0xa5: {  	_ =	swait.ge [sflag:s9], $0x4000  }
0xa6: {  	[sflag:s9] =	ssyncset.done $0x0  }
0xa7: {  	[sflag:s9] =	ssyncadd.s32 $0xFFFFC000  }
0xa8: {  	[hbm4b:s21+s2] =	stream.linear.scatter [tilespmem:s7], [sflag:$0x3], $0x4000, $0x38;
	[tilespmem:$0x8800] =	vst v63  }
0xa9: {  	_ =	swait.ge [sflag:s4], $0x4000  }
0xaa: {  	[sflag:s4] =	ssyncset.done $0x0  }
0xab: {  	[sflag:s4] =	ssyncadd.s32 $0xFFFFC000  }
0xac: {  	[tilespmem:s7], [sflag:$0x1] =	stream.indirect.gather [hbm4b:s5+s6], $0x80, s22, s6, $0xb8;
	[tilespmem:$0x8800] =	vst v63  }
0xad: {  	_ =	swait.ge [sflag:s11], $0x4000  }
0xae: {  	[sflag:s11] =	ssyncset.done $0x0  }
0xaf: {  	[sflag:s11] =	ssyncadd.s32 $0xFFFFC000  }
0xb0: {  	[hbm4b:s23+s2] =	stream.linear.scatter [tilespmem:s8], [sflag:$0x3], $0x4000, $0x38;
	[tilespmem:$0x8800] =	vst v63  }
0xb1: {  	_ =	swait.ge [sflag:s4], $0x4000  }
0xb2: {  	[sflag:s4] =	ssyncset.done $0x0  }
0xb3: {  	[sflag:s4] =	ssyncadd.s32 $0xFFFFC000  }
0xb4: {  	[tilespmem:s8], [sflag:$0x2] =	stream.indirect.gather [hbm4b:s5+s6], $0x80, s24, s6, $0xb8;
	[tilespmem:$0x8800] =	vst v63  }
0xb5: {  	_ =	swait.ge [sflag:s9], $0x4000  }
0xb6: {  	[sflag:s9] =	ssyncset.done $0x0  }
0xb7: {  	[sflag:s9] =	ssyncadd.s32 $0xFFFFC000  }
0xb8: {  	[hbm4b:s25+s2] =	stream.linear.scatter [tilespmem:s7], [sflag:$0x3], $0x4000, $0x38;
	[tilespmem:$0x8800] =	vst v63  }
0xb9: {  	_ =	swait.ge [sflag:s4], $0x4000  }
0xba: {  	[sflag:s4] =	ssyncset.done $0x0  }
0xbb: {  	[sflag:s4] =	ssyncadd.s32 $0xFFFFC000  }
0xbc: {  	[tilespmem:s7], [sflag:$0x1] =	stream.indirect.gather [hbm4b:s5+s6], $0x80, s26, s6, $0xb8;
	[tilespmem:$0x8800] =	vst v63  }
0xbd: {  	_ =	swait.ge [sflag:s11], $0x4000  }
0xbe: {  	[sflag:s11] =	ssyncset.done $0x0  }
0xbf: {  	[sflag:s11] =	ssyncadd.s32 $0xFFFFC000  }
0xc0: {  	[hbm4b:s28+s2] =	stream.linear.scatter [tilespmem:s8], [sflag:$0x3], $0x4000, $0x38;
	[tilespmem:$0x8800] =	vst v63  }
0xc1: {  	_ =	swait.ge [sflag:s4], $0x4000  }
0xc2: {  	[sflag:s4] =	ssyncset.done $0x0  }
0xc3: {  	[sflag:s4] =	ssyncadd.s32 $0xFFFFC000  }
0xc4: {  	[tilespmem:s8], [sflag:$0x2] =	stream.indirect.gather [hbm4b:s5+s6], $0x80, s29, s6, $0xb8;
	[tilespmem:$0x8800] =	vst v63  }
0xc5: {  	_ =	swait.ge [sflag:s9], $0x4000  }
0xc6: {  	[sflag:s9] =	ssyncset.done $0x0  }
0xc7: {  	[sflag:s9] =	ssyncadd.s32 $0xFFFFC000  }
0xc8: {  	[hbm4b:s30+s2] =	stream.linear.scatter [tilespmem:s7], [sflag:$0x3], $0x4000, $0x38;
	[tilespmem:$0x8800] =	vst v63  }
0xc9: {  	_ =	swait.ge [sflag:s4], $0x4000  }
0xca: {  	[sflag:s4] =	ssyncset.done $0x0  }
0xcb: {  	p0 =	sne.s32 s1, $0x1;
	[sflag:s4] =	ssyncadd.s32 $0xFFFFC000  }
.Ltmp1:
0xcc: {  	_ =	swait.ge [sflag:s11], $0x4000;
	(pc) =	sbr.rel @p0 .LBB2_1-.Ltmp1, $4  }
0xcd: {  	[sflag:s11] =	ssyncset.done $0x0  }
0xce: {  	[sflag:s11] =	ssyncadd.s32 $0xFFFFC000  }
0xcf: {  	[hbm4b:s31+s2] =	stream.linear.scatter [tilespmem:s8], [sflag:$0x3], $0x4000, $0x38;
	[tilespmem:$0x8800] =	vst v63  }
0xd0: {  	s1 =	sadd.s32 $0xFFFFFFFF, s1;
	_ =	swait.ge [sflag:s4], $0x4000  }
.LBB2_2:
0xd1: {  	[sflag:s4] =	ssyncset.done $0x0  }
0xd2: {  	[sflag:s4] =	ssyncadd.s32 $0xFFFFC000  }
0xd3: {  	_ =	sfence.sel $0x180000  }
0xd4: {  	[bflag:$0x0] =	sbarrier.arrive $0xFFFF  }
0xd5: {  	_ =	strace $0x90000047  }
0xd6: {  	s0 =	stileid.u32;
	[bflag:$0x2] =	sbarrier.arrive $0xFFFF  }
0xd7: {  	p0 =	sne.s32 s0, $0x0;
	s0 =	rddreg [dreg:$0x2]  }
0xd8: {  	s0 =	sadd.s32 @!p0 $0x100000, s0  }
0xd9: {  	[sflag:s0] =	ssyncadd.tile.s32 @!p0 $0x1;
	_ =	shalt  }
.Lfunc_end2:
_tile_overlayer_lowered:
.L_overlay_start_2:
0xda: {  	(tag) =	ssettag $0x2  }
0xdb: {  	s0 =	rddreg [dreg:$0x0];
	s2 =	stileid.u32  }
0xdc: {  	s1 =	rddreg [dreg:$0x1];
	p0 =	sne.s32 s2, $0x0  }
0xdd: {  	s3 =	rddreg [dreg:$0x2];
	[bflag:$0x3] =	sbarrier.arrive $0xFFFF;
	s2 =	simm.s32 @!p0 $0x1C03  }
0xde: {  	[timem:s3], [sflag:s2] =	dma.local @!p0 [hbm:s0], s1  }
0xdf: {  	s0 =	simm.s32 @!p0 $0x3  }
0xe0: {  	_ =	swait.ge @!p0 [sflag:s0], s1  }
0xe1: {  	s1 =	ssub.s32 @!p0 $0x0, s1;
	[sflag:s0] =	ssyncset.done @!p0 $0x0  }
0xe2: {  	[sflag:s0] =	ssyncadd.s32 @!p0 s1  }
0xe3: {  	[bflag:$0x3] =	sbarrier.arrive $0xFFFF  }
0xe4: {  	_ =	shalt  }

// kernel: kernel.18.cloned.1.call-start
scs
__scs_entry_jumppad:
0x0: {  	(pc) =	sbr.rel $0x88, $3  }
0x1: {  	(tag) =	ssettag $0x0;
	lr =	simm.s32 $0x1  }
0x2: {  	[smem:$0x3F86] =	sst lr;
	_ =	strace $0xD0000000  }
0x3: {  	_ = 	snop  }
0x4: {  	_ = 	snop  }
0x5: {  	_ = 	snop  }
0x6: {  	_ = 	snop  }
0x7: {  	_ = 	snop  }
__scs_overlays_trampoline_lowered:
0x8: {  	[smem:$0x3F95] =	sst s0  }
0x9: {  	[smem:$0x3F96] =	sst s1  }
0xa: {  	[smem:$0x3F97] =	sst s2  }
0xb: {  	[smem:$0x3F98] =	sst s3  }
0xc: {  	[smem:$0x3F99] =	sst s4  }
0xd: {  	[smem:$0x3F9A] =	sst s5  }
0xe: {  	[smem:$0x3F9B] =	sst s6  }
0xf: {  	[smem:$0x3F9C] =	sst s7  }
0x10: {  	[smem:$0x3F9D] =	sst s8  }
0x11: {  	[smem:$0x3F9E] =	sst s9;
	s0 =	simm.s32 @!p0 $0x0  }
0x12: {  	s1 =	sld [smem:$0x3F84];
	s0 =	simm.s32 @p0 $0x1  }
0x13: {  	[smem:$0x3F9F] =	sst s0;
	s0 =	simm.s32 @!p1 $0x0  }
0x14: {  	s2 =	sld [smem:$0x3F83];
	s0 =	simm.s32 @p1 $0x1  }
0x15: {  	[smem:$0x3FA0] =	sst s0;
	s0 =	simm.s32 @!p2 $0x0  }
0x16: {  	s3 =	sld [smem:$0x3FDB];
	s0 =	simm.s32 @p2 $0x1  }
0x17: {  	s4 =	simm.s32 $0x1BF5;
	[smem:$0x3FA2] =	sst s0  }
0x18: {  	s0 =	sld [smem:$0x3F85];
	_ =	swait.ge [sflag:s4], $0x0  }
0x19: {  	s7 =	sld [smem:$0x3F86]  }
0x1a: {  	s8 =	sadd.s32 $0xFFFFE003, lr  }
0x1b: {  	s9 =	sadd.s32 $0xFFFFFEF7, lr;
	s5 =	simm.s32 $0xFFFFFFFF;
	p2 =	slt.u32 s8, $0xFFFFF086  }
0x1c: {  	p1 =	slt.u32 s9, $0xF7A;
	s5 =	simm.s32 @!p2 $0x0  }
0x1d: {  	s5 =	simm.s32 @p1 $0x1;
	p0 =	seq.s32 s7, s2  }
0x1e: {  	s7 =	smul.u32 @!p0 $0xF7A, s2;
	p2 =	seq.s32 @!p0 s5, $0x0  }
0x1f: {  	s9 =	smul.u32 $0xF7A, s1;
	s8 =	simm.s32 @!p0 $0x1BF5;
	p2 =	por !p2, p0  }
0x20: {  	[sflag:s8] =	ssyncset.s32 @!p0 $0xFFFFF086;
	s6 =	sadd.s32 @!p0 s3, s7;
	s7 =	simm.s32 @!p0 $0x108  }
0x21: {  	s3 =	sadd.s32 s3, s9;
	s6 =	sadd.s32 @!p0 $0x88, s6;
	s7 =	simm.s32 @p2 $0x1082  }
0x22: {  	[simem:s7], [sflag:s8] =	dma.local @!p0 [hbm:s6], $0xF7A  }
0x23: {  	s9 =	sor.u32 $0xD0000000, s2;
	s6 =	simm.s32 $0x108;
	_ =	swait.ge @!p0 [sflag:s8], $0x0  }
0x24: {  	s3 =	sadd.s32 $0x88, s3;
	s6 =	simm.s32 @!p1 $0x1082;
	[sflag:s4] =	ssyncset.s32 $0xFFFFF086  }
0x25: {  	[simem:s6], [sflag:s4] =	dma.local [hbm:s3], $0xF7A  }
0x26: {  	[smem:$0x3F86] =	sst s1;
	(tag) =	ssettag s2;
	_ =	strace s9  }
0x27: {  	s1 =	sld [smem:$0x3F96]  }
0x28: {  	s2 =	sld [smem:$0x3F97]  }
0x29: {  	s4 =	sld [smem:$0x3F99]  }
0x2a: {  	p0 =	seq.s32 s5, $0x0;
	s5 =	sld [smem:$0x3F9A]  }
0x2b: {  	s6 =	sld [smem:$0x3F9B]  }
0x2c: {  	s7 =	sld [smem:$0x3F9C]  }
0x2d: {  	s3 =	simm.s32 $0x108;
	s8 =	sld [smem:$0x3F9D]  }
0x2e: {  	s3 =	simm.s32 @!p0 $0x1082;
	s9 =	sld [smem:$0x3F9E]  }
0x2f: {  	lr =	sadd.s32 s0, s3;
	s0 =	sld [smem:$0x3F95]  }
0x30: {  	s3 =	sld [smem:$0x3F98]  }
0x31: {  	[smem:$0x3FA1] =	sst s10  }
0x32: {  	s10 =	sld [smem:$0x3F9F];
	_ =	sdelay $0x3  }
0x33: {  	p0 =	seq.s32 s10, $0x1;
	s10 =	sld [smem:$0x3FA1];
	_ =	sdelay $0x3  }
0x34: {  	[smem:$0x3FA1] =	sst s10  }
0x35: {  	s10 =	sld [smem:$0x3FA0];
	_ =	sdelay $0x3  }
0x36: {  	p1 =	seq.s32 s10, $0x1;
	s10 =	sld [smem:$0x3FA1];
	_ =	sdelay $0x3  }
0x37: {  	[smem:$0x3FA1] =	sst s10  }
0x38: {  	s10 =	sld [smem:$0x3FA2]  }
0x39: {  	_ = 	snop;
	(pc) =	sbr.ind lr, $3  }
0x3a: {  	_ = 	snop  }
0x3b: {  	_ = 	snop  }
0x3c: {  	p2 =	seq.s32 s10, $0x1;
	s10 =	sld [smem:$0x3FA1]  }
0x3d: {  	_ =	shalt  }
0x3e: {  	_ =	shalt  }
0x3f: {  	_ =	shalt  }
0x40: {  	_ =	shalt  }
0x41: {  	_ =	shalt  }
0x42: {  	_ =	shalt  }
0x43: {  	_ =	shalt  }
0x44: {  	_ =	shalt  }
0x45: {  	_ =	shalt  }
0x46: {  	_ =	shalt  }
0x47: {  	_ =	shalt  }
0x48: {  	_ =	shalt  }
0x49: {  	_ =	shalt  }
0x4a: {  	_ =	shalt  }
0x4b: {  	_ =	shalt  }
0x4c: {  	_ =	shalt  }
0x4d: {  	_ =	shalt  }
0x4e: {  	_ =	shalt  }
0x4f: {  	_ =	shalt  }
0x50: {  	_ =	shalt  }
0x51: {  	_ =	shalt  }
0x52: {  	_ =	shalt  }
0x53: {  	_ =	shalt  }
0x54: {  	_ =	shalt  }
0x55: {  	_ =	shalt  }
0x56: {  	_ =	shalt  }
0x57: {  	_ =	shalt  }
0x58: {  	_ =	shalt  }
0x59: {  	_ =	shalt  }
0x5a: {  	_ =	shalt  }
0x5b: {  	_ =	shalt  }
0x5c: {  	_ =	shalt  }
0x5d: {  	_ =	shalt  }
0x5e: {  	_ =	shalt  }
0x5f: {  	_ =	shalt  }
0x60: {  	_ =	shalt  }
0x61: {  	_ =	shalt  }
0x62: {  	_ =	shalt  }
0x63: {  	_ =	shalt  }
0x64: {  	_ =	shalt  }
0x65: {  	_ =	shalt  }
0x66: {  	_ =	shalt  }
0x67: {  	_ =	shalt  }
0x68: {  	_ =	shalt  }
0x69: {  	_ =	shalt  }
0x6a: {  	_ =	shalt  }
0x6b: {  	_ =	shalt  }
0x6c: {  	_ =	shalt  }
0x6d: {  	_ =	shalt  }
0x6e: {  	_ =	shalt  }
0x6f: {  	_ =	shalt  }
0x70: {  	_ =	shalt  }
0x71: {  	_ =	shalt  }
0x72: {  	_ =	shalt  }
0x73: {  	_ =	shalt  }
0x74: {  	_ =	shalt  }
0x75: {  	_ =	shalt  }
0x76: {  	_ =	shalt  }
0x77: {  	_ =	shalt  }
0x78: {  	_ =	shalt  }
0x79: {  	_ =	shalt  }
0x7a: {  	_ =	shalt  }
0x7b: {  	_ =	shalt  }
0x7c: {  	_ =	shalt  }
0x7d: {  	_ =	shalt  }
0x7e: {  	_ =	shalt  }
0x7f: {  	_ =	shalt  }
0x80: {  	_ =	shalt  }
0x81: {  	_ =	shalt  }
0x82: {  	_ =	shalt  }
0x83: {  	_ =	shalt  }
0x84: {  	_ =	shalt  }
0x85: {  	_ =	shalt  }
0x86: {  	_ =	shalt  }
0x87: {  	_ =	shalt  }
.Lfunc_end0:
.L_simem_size_0:
called_computation.1_lowered:
.L_overlay_start_0:
0x88: {  	s2 =	sld [smem:$0x3FD9]  }
0x89: {  	s3 =	sld [smem:$0x3FFE];
	_ =	sdelay $0x1  }
0x8a: {  	s1 =	srdreg.scid  }
0x8b: {  	s0 =	sand.u32 $0x1, s1  }
0x8c: {  	s16 =	sshll.u32 s0, $0xA;
	s2 =	sadd.s32 s3, s2  }
0x8d: {  	s2 =	sadd.s32 s2, s16  }
0x8e: {  	[smem:$0x3FAD] =	sst s2  }
0x8f: {  	_ = 	snop  }
0x90: {  	(tm) =	ssettm $0x1  }
0x91: {  	s17 =	sld [smem:$0x3FFB];
	_ =	sdelay $0x3  }
0x92: {  	_ =	strace s17  }
0x93: {  	s2 =	sld [smem:$0x3FFC];
	_ =	sdelay $0x3  }
0x94: {  	_ =	strace s2  }
0x95: {  	s2 =	sld [smem:$0x3FFD];
	_ =	sdelay $0x3  }
0x96: {  	_ =	strace s2  }
0x97: {  	_ =	strace $0x8FFFFFFF  }
0x98: {  	s18 =	sld [smem:$0x3FDB];
	_ =	sdelay $0x1  }
0x99: {  	s19 =	simm.s32 $_scs_section_size  }
0x9a: {  	s4 =	simm.s32 $_size__tile_overlayer_lowered;
	s5 =	simm.s32 $_tile_overlayer_lowered  }
0x9b: {  	s22 =	simm.s32 $0x1BFF;
	s21 =	sshll.u32 s5, $0x1;
	s2 =	sadd.s32 s19, s18  }
0x9c: {  	s6 =	simm.s32 $0x0;
	s20 =	sshll.u32 s4, $0x1;
	s4 =	sadd.s32 s21, s2  }
0x9d: {  	[timem:s6], [sflag:s22] =	dma.local [hbm:s4], s20  }
0x9e: {  	_ =	swait.ge [sflag:s22], s20  }
0x9f: {  	s3 =	ssub.s32 $0x0, s20;
	[sflag:s22] =	ssyncset.done $0x0  }
0xa0: {  	[sflag:s22] =	ssyncadd.s32 s3;
	_ =	sdelay $0x1  }
0xa1: {  	s23 =	simm.s32 $0x1B8B  }
0xa2: {  	_ =	swait.ge [sflag:s23], $0x1  }
0xa3: {  	[sflag:s23] =	ssyncset.done $0x0  }
0xa4: {  	s25 =	simm.s32 $0x1B8E;
	s24 =	sld [smem:$0x3FFE];
	[sflag:s23] =	ssyncadd.s32 $0xFFFFFFFF  }
0xa5: {  	s26 =	simm.s32 $execute0_lowered;
	[smem:$0x3FD2] =	sst s25  }
0xa6: {  	s4 =	sshll.u32 s26, $0x1;
	_ =	strace $0x80000049;
	[dreg:$0x1] =	wrdreg $0xFFFFFFFF  }
0xa7: {  	s28 =	simm.s32 $_size_execute0_lowered;
	s2 =	sadd.s32 s2, s4;
	[dreg:$0x0] =	wrdreg $0x0  }
0xa8: {  	s4 =	sshll.u32 s28, $0x1;
	[dreg:$0x2] =	wrdreg s2  }
0xa9: {  	[dreg:$0x3] =	wrdreg s4  }
0xaa: {  	[dreg:$0x4] =	wrdreg $0xC0  }
0xab: {  	_ =	task [dreg:s6], $0x5FFFF  }
0xac: {  	[dreg:$0x1] =	wrdreg $0xFFFFFFFF  }
0xad: {  	[dreg:$0x0] =	wrdreg $0x60  }
0xae: {  	[dreg:$0x2] =	wrdreg s24  }
0xaf: {  	[dreg:$0x3] =	wrdreg $0x9  }
0xb0: {  	_ =	task.clear_ibuf [dreg:s6], $0x4FFFF;
	_ =	strace $0x90000049  }
0xb1: {  	s29 =	simm.s32 $0x9;
	_ =	strace $0x8000004B  }
0xb2: {  	_ =	swait.ge [sflag:s29], $0x1  }
0xb3: {  	[sflag:s29] =	ssyncadd.s32 $0xFFFFFFFF  }
0xb4: {  	_ =	strace $0x9000004B  }
0xb5: {  	_ =	sfence  }
0xb6: {  	s30 =	sld [smem:$0x0];
	_ =	sdelay $0x2  }
0xb7: {  	s31 =	sshll.u32 s1, $0xD;
	s1 =	sshrl.u32 s1, $0x2  }
0xb8: {  	s3 =	sand.u32 $0x4000, s31;
	s1 =	sadd.s32 s1, s30  }
0xb9: {  	s0 =	sor.u32 s3, s0;
	s1 =	sshll.u32 s1, $0x11  }
0xba: {  	s0 =	sor.u32 s1, s0  }
0xbb: {  	s0 =	sadd.s32 $0x8F2B, s0  }
0xbc: {  	[sflag:s0] =	ssyncadd.remote.s32 $0x1  }
0xbd: {  	_ =	sfence.sel $0xFFFF  }
0xbe: {  	[dreg:$0x0] =	wrdreg $0xFFFFFFFF;
	(pc) =	sbr.abs _section_cstart, $3  }
0xbf: {  	[dreg:$0x1] =	wrdreg $0xFFFFFFFF  }
0xc0: {  	_ =	task.clear_ibuf [dreg:s6], $0x2FFFF;
	_ =	strace $0x9FFFFFFF  }
0xc1: {  	(tm) =	ssettm $0x7FFFFFFF  }
tec
execute0_lowered:
.L_overlay_start_1:
0x0: {  	(tag) =	ssettag $0x1  }
0x1: {  	s1 =	srdreg.scid  }
0x2: {  	s0 =	stileid.u32;
	s24 =	sand.u32 $0x1, s1  }
0x3: {  	s30 =	sshll.u32 s0, $0xB;
	s2 =	sshll.u32 s24, $0xA  }
0x4: {  	s10 =	rddreg [dreg:$0x0];
	s11 =	sor.u32 s2, s30  }
0x5: {  	s1 =	rddreg [dreg:$0x1];
	s2 =	simm.s32 $0x0;
	s3 =	sshrl.u32 s11, $0x3  }
0x6: {  	[smem:$0x7FF] =	sst s2;
	s3 =	sadd.s32 s3, s10  }
0x7: {  	_ =	strace $0x8000004A;
	s4 =	sadd.s32 $0x106800, s3;
	s3 =	simm.s32 $0x3  }
0x8: {  	[tilespmem:s2], [sflag:$0x3] =	stream.linear.gather [hbm4b:s4+s2], $0x400, $0x38;
	[tilespmem:$0x8400] =	vst v63  }
0x9: {  	_ =	swait.ge [sflag:s3], $0x400  }
0xa: {  	s6 =	simm.s32 $0x80;
	[sflag:s3] =	ssyncset.done $0x0  }
0xb: {  	s7 =	simm.s32 $0x400;
	s5 =	sadd.s32 $0x6800, s10;
	[sflag:s3] =	ssyncadd.s32 $0xFFFFFC00  }
0xc: {  	[tilespmem:s7], [sflag:$0x1] =	stream.indirect.gather [hbm4b:s5+s6], $0x80, s2, s6, $0xb8;
	[tilespmem:$0x8400] =	vst v63  }
0xd: {  	s8 =	simm.s32 $0x4400;
	s9 =	simm.s32 $0x1  }
0xe: {  	[tilespmem:s8], [sflag:$0x2] =	stream.indirect.gather [hbm4b:s5+s6], $0x80, s6, s6, $0xb8;
	[tilespmem:$0x8400] =	vst v63  }
0xf: {  	s11 =	sshll.u32 s11, $0x4;
	_ =	swait.ge [sflag:s9], $0x4000  }
0x10: {  	s25 =	sadd.s32 s11, s10;
	[sflag:s9] =	ssyncset.done $0x0  }
0x11: {  	s10 =	sadd.s32 $0x26800, s25;
	[sflag:s9] =	ssyncadd.s32 $0xFFFFC000  }
0x12: {  	[hbm4b:s10+s2] =	stream.linear.scatter [tilespmem:s7], [sflag:$0x3], $0x4000, $0x38;
	[tilespmem:$0x8400] =	vst v63  }
0x13: {  	_ =	swait.ge [sflag:s3], $0x4000  }
0x14: {  	[sflag:s3] =	ssyncset.done $0x0  }
0x15: {  	s12 =	simm.s32 $0x2;
	s11 =	simm.s32 $0x100;
	[sflag:s3] =	ssyncadd.s32 $0xFFFFC000  }
0x16: {  	[tilespmem:s7], [sflag:$0x1] =	stream.indirect.gather [hbm4b:s5+s6], $0x80, s11, s6, $0xb8;
	[tilespmem:$0x8400] =	vst v63  }
0x17: {  	_ =	swait.ge [sflag:s12], $0x4000  }
0x18: {  	[sflag:s12] =	ssyncset.done $0x0  }
0x19: {  	s13 =	sadd.s32 $0x27000, s25;
	[sflag:s12] =	ssyncadd.s32 $0xFFFFC000  }
0x1a: {  	[hbm4b:s13+s2] =	stream.linear.scatter [tilespmem:s8], [sflag:$0x3], $0x4000, $0x38;
	[tilespmem:$0x8400] =	vst v63  }
0x1b: {  	_ =	swait.ge [sflag:s3], $0x4000  }
0x1c: {  	[sflag:s3] =	ssyncset.done $0x0  }
0x1d: {  	s14 =	simm.s32 $0x180;
	[sflag:s3] =	ssyncadd.s32 $0xFFFFC000  }
0x1e: {  	[tilespmem:s8], [sflag:$0x2] =	stream.indirect.gather [hbm4b:s5+s6], $0x80, s14, s6, $0xb8;
	[tilespmem:$0x8400] =	vst v63  }
0x1f: {  	_ =	swait.ge [sflag:s9], $0x4000  }
0x20: {  	[sflag:s9] =	ssyncset.done $0x0  }
0x21: {  	s15 =	sadd.s32 $0x27800, s25;
	[sflag:s9] =	ssyncadd.s32 $0xFFFFC000  }
0x22: {  	[hbm4b:s15+s2] =	stream.linear.scatter [tilespmem:s7], [sflag:$0x3], $0x4000, $0x38;
	[tilespmem:$0x8400] =	vst v63  }
0x23: {  	_ =	swait.ge [sflag:s3], $0x4000  }
0x24: {  	[sflag:s3] =	ssyncset.done $0x0  }
0x25: {  	s16 =	simm.s32 $0x200;
	[sflag:s3] =	ssyncadd.s32 $0xFFFFC000  }
0x26: {  	[tilespmem:s7], [sflag:$0x1] =	stream.indirect.gather [hbm4b:s5+s6], $0x80, s16, s6, $0xb8;
	[tilespmem:$0x8400] =	vst v63  }
0x27: {  	_ =	swait.ge [sflag:s12], $0x4000  }
0x28: {  	[sflag:s12] =	ssyncset.done $0x0  }
0x29: {  	s17 =	sadd.s32 $0x28000, s25;
	[sflag:s12] =	ssyncadd.s32 $0xFFFFC000  }
0x2a: {  	[hbm4b:s17+s2] =	stream.linear.scatter [tilespmem:s8], [sflag:$0x3], $0x4000, $0x38;
	[tilespmem:$0x8400] =	vst v63  }
0x2b: {  	_ =	swait.ge [sflag:s3], $0x4000  }
0x2c: {  	[sflag:s3] =	ssyncset.done $0x0  }
0x2d: {  	s18 =	simm.s32 $0x280;
	[sflag:s3] =	ssyncadd.s32 $0xFFFFC000  }
0x2e: {  	[tilespmem:s8], [sflag:$0x2] =	stream.indirect.gather [hbm4b:s5+s6], $0x80, s18, s6, $0xb8;
	[tilespmem:$0x8400] =	vst v63  }
0x2f: {  	_ =	swait.ge [sflag:s9], $0x4000  }
0x30: {  	[sflag:s9] =	ssyncset.done $0x0  }
0x31: {  	s19 =	sadd.s32 $0x28800, s25;
	[sflag:s9] =	ssyncadd.s32 $0xFFFFC000  }
0x32: {  	[hbm4b:s19+s2] =	stream.linear.scatter [tilespmem:s7], [sflag:$0x3], $0x4000, $0x38;
	[tilespmem:$0x8400] =	vst v63  }
0x33: {  	_ =	swait.ge [sflag:s3], $0x4000  }
0x34: {  	[sflag:s3] =	ssyncset.done $0x0  }
0x35: {  	s20 =	simm.s32 $0x300;
	[sflag:s3] =	ssyncadd.s32 $0xFFFFC000  }
0x36: {  	[tilespmem:s7], [sflag:$0x1] =	stream.indirect.gather [hbm4b:s5+s6], $0x80, s20, s6, $0xb8;
	[tilespmem:$0x8400] =	vst v63  }
0x37: {  	_ =	swait.ge [sflag:s12], $0x4000  }
0x38: {  	[sflag:s12] =	ssyncset.done $0x0  }
0x39: {  	s21 =	sadd.s32 $0x29000, s25;
	[sflag:s12] =	ssyncadd.s32 $0xFFFFC000  }
0x3a: {  	[hbm4b:s21+s2] =	stream.linear.scatter [tilespmem:s8], [sflag:$0x3], $0x4000, $0x38;
	[tilespmem:$0x8400] =	vst v63  }
0x3b: {  	_ =	swait.ge [sflag:s3], $0x4000  }
0x3c: {  	[sflag:s3] =	ssyncset.done $0x0  }
0x3d: {  	s22 =	simm.s32 $0x380;
	[sflag:s3] =	ssyncadd.s32 $0xFFFFC000  }
0x3e: {  	[tilespmem:s8], [sflag:$0x2] =	stream.indirect.gather [hbm4b:s5+s6], $0x80, s22, s6, $0xb8;
	[tilespmem:$0x8400] =	vst v63  }
0x3f: {  	_ =	swait.ge [sflag:s9], $0x4000  }
0x40: {  	[sflag:s9] =	ssyncset.done $0x0  }
0x41: {  	s24 =	ssub.s32 $0x2, s24;
	s23 =	sadd.s32 $0x29800, s25;
	[sflag:s9] =	ssyncadd.s32 $0xFFFFC000  }
0x42: {  	[hbm4b:s23+s2] =	stream.linear.scatter [tilespmem:s7], [sflag:$0x3], $0x4000, $0x38;
	[tilespmem:$0x8400] =	vst v63  }
0x43: {  	s26 =	sshrl.u32 s24, $0x1;
	_ =	swait.ge [sflag:s3], $0x4000  }
0x44: {  	s26 =	ssub.s32 s24, s26;
	[sflag:s3] =	ssyncset.done $0x0  }
0x45: {  	s31 =	smax.u32 s26, $0x1;
	[sflag:s3] =	ssyncadd.s32 $0xFFFFC000  }
0x46: {  	p0 =	sne.s32 s31, $0x1;
	_ =	swait.ge [sflag:s12], $0x4000  }
.Ltmp0:
0x47: {  	[sflag:s12] =	ssyncset.done $0x0;
	(pc) =	sbr.rel @!p0 .LBB2_2-.Ltmp0, $4  }
0x48: {  	s24 =	sadd.s32 $0x2A000, s25;
	[sflag:s12] =	ssyncadd.s32 $0xFFFFC000  }
0x49: {  	[hbm4b:s24+s2] =	stream.linear.scatter [tilespmem:s8], [sflag:$0x3], $0x4000, $0x38;
	[tilespmem:$0x8400] =	vst v63  }
0x4a: {  	_ =	swait.ge [sflag:s3], $0x4000  }
0x4b: {  	s25 =	sadd.s32 $0xFFFFFFFF, s31;
	[sflag:s3] =	ssyncset.done $0x0  }
.LBB2_1:
0x4c: {  	p0 =	sne.s32 s25, $0x1;
	s25 =	sadd.s32 $0xFFFFFFFF, s25;
	[sflag:s3] =	ssyncadd.s32 $0xFFFFC000  }
0x4d: {  	[tilespmem:s2], [sflag:$0x3] =	stream.linear.gather [hbm4b:s4+s2], $0x400, $0x38;
	[tilespmem:$0x8400] =	vst v63  }
0x4e: {  	_ =	swait.ge [sflag:s3], $0x400  }
0x4f: {  	[sflag:s3] =	ssyncset.done $0x0  }
0x50: {  	[sflag:s3] =	ssyncadd.s32 $0xFFFFFC00  }
0x51: {  	[tilespmem:s7], [sflag:$0x1] =	stream.indirect.gather [hbm4b:s5+s6], $0x80, s2, s6, $0xb8;
	[tilespmem:$0x8400] =	vst v63  }
0x52: {  	_ = 	snop  }
0x53: {  	[tilespmem:s8], [sflag:$0x2] =	stream.indirect.gather [hbm4b:s5+s6], $0x80, s6, s6, $0xb8;
	[tilespmem:$0x8400] =	vst v63  }
0x54: {  	_ =	swait.ge [sflag:s9], $0x4000  }
0x55: {  	[sflag:s9] =	ssyncset.done $0x0  }
0x56: {  	[sflag:s9] =	ssyncadd.s32 $0xFFFFC000  }
0x57: {  	[hbm4b:s10+s2] =	stream.linear.scatter [tilespmem:s7], [sflag:$0x3], $0x4000, $0x38;
	[tilespmem:$0x8400] =	vst v63  }
0x58: {  	_ =	swait.ge [sflag:s3], $0x4000  }
0x59: {  	[sflag:s3] =	ssyncset.done $0x0  }
0x5a: {  	[sflag:s3] =	ssyncadd.s32 $0xFFFFC000  }
0x5b: {  	[tilespmem:s7], [sflag:$0x1] =	stream.indirect.gather [hbm4b:s5+s6], $0x80, s11, s6, $0xb8;
	[tilespmem:$0x8400] =	vst v63  }
0x5c: {  	_ =	swait.ge [sflag:s12], $0x4000  }
0x5d: {  	[sflag:s12] =	ssyncset.done $0x0  }
0x5e: {  	[sflag:s12] =	ssyncadd.s32 $0xFFFFC000  }
0x5f: {  	[hbm4b:s13+s2] =	stream.linear.scatter [tilespmem:s8], [sflag:$0x3], $0x4000, $0x38;
	[tilespmem:$0x8400] =	vst v63  }
0x60: {  	_ =	swait.ge [sflag:s3], $0x4000  }
0x61: {  	[sflag:s3] =	ssyncset.done $0x0  }
0x62: {  	[sflag:s3] =	ssyncadd.s32 $0xFFFFC000  }
0x63: {  	[tilespmem:s8], [sflag:$0x2] =	stream.indirect.gather [hbm4b:s5+s6], $0x80, s14, s6, $0xb8;
	[tilespmem:$0x8400] =	vst v63  }
0x64: {  	_ =	swait.ge [sflag:s9], $0x4000  }
0x65: {  	[sflag:s9] =	ssyncset.done $0x0  }
0x66: {  	[sflag:s9] =	ssyncadd.s32 $0xFFFFC000  }
0x67: {  	[hbm4b:s15+s2] =	stream.linear.scatter [tilespmem:s7], [sflag:$0x3], $0x4000, $0x38;
	[tilespmem:$0x8400] =	vst v63  }
0x68: {  	_ =	swait.ge [sflag:s3], $0x4000  }
0x69: {  	[sflag:s3] =	ssyncset.done $0x0  }
0x6a: {  	[sflag:s3] =	ssyncadd.s32 $0xFFFFC000  }
0x6b: {  	[tilespmem:s7], [sflag:$0x1] =	stream.indirect.gather [hbm4b:s5+s6], $0x80, s16, s6, $0xb8;
	[tilespmem:$0x8400] =	vst v63  }
0x6c: {  	_ =	swait.ge [sflag:s12], $0x4000  }
0x6d: {  	[sflag:s12] =	ssyncset.done $0x0  }
0x6e: {  	[sflag:s12] =	ssyncadd.s32 $0xFFFFC000  }
0x6f: {  	[hbm4b:s17+s2] =	stream.linear.scatter [tilespmem:s8], [sflag:$0x3], $0x4000, $0x38;
	[tilespmem:$0x8400] =	vst v63  }
0x70: {  	_ =	swait.ge [sflag:s3], $0x4000  }
0x71: {  	[sflag:s3] =	ssyncset.done $0x0  }
0x72: {  	[sflag:s3] =	ssyncadd.s32 $0xFFFFC000  }
0x73: {  	[tilespmem:s8], [sflag:$0x2] =	stream.indirect.gather [hbm4b:s5+s6], $0x80, s18, s6, $0xb8;
	[tilespmem:$0x8400] =	vst v63  }
0x74: {  	_ =	swait.ge [sflag:s9], $0x4000  }
0x75: {  	[sflag:s9] =	ssyncset.done $0x0  }
0x76: {  	[sflag:s9] =	ssyncadd.s32 $0xFFFFC000  }
0x77: {  	[hbm4b:s19+s2] =	stream.linear.scatter [tilespmem:s7], [sflag:$0x3], $0x4000, $0x38;
	[tilespmem:$0x8400] =	vst v63  }
0x78: {  	_ =	swait.ge [sflag:s3], $0x4000  }
0x79: {  	[sflag:s3] =	ssyncset.done $0x0  }
0x7a: {  	[sflag:s3] =	ssyncadd.s32 $0xFFFFC000  }
0x7b: {  	[tilespmem:s7], [sflag:$0x1] =	stream.indirect.gather [hbm4b:s5+s6], $0x80, s20, s6, $0xb8;
	[tilespmem:$0x8400] =	vst v63  }
0x7c: {  	_ =	swait.ge [sflag:s12], $0x4000  }
0x7d: {  	[sflag:s12] =	ssyncset.done $0x0  }
0x7e: {  	[sflag:s12] =	ssyncadd.s32 $0xFFFFC000  }
0x7f: {  	[hbm4b:s21+s2] =	stream.linear.scatter [tilespmem:s8], [sflag:$0x3], $0x4000, $0x38;
	[tilespmem:$0x8400] =	vst v63  }
0x80: {  	_ =	swait.ge [sflag:s3], $0x4000  }
0x81: {  	[sflag:s3] =	ssyncset.done $0x0  }
0x82: {  	[sflag:s3] =	ssyncadd.s32 $0xFFFFC000  }
0x83: {  	[tilespmem:s8], [sflag:$0x2] =	stream.indirect.gather [hbm4b:s5+s6], $0x80, s22, s6, $0xb8;
	[tilespmem:$0x8400] =	vst v63  }
0x84: {  	_ =	swait.ge [sflag:s9], $0x4000  }
0x85: {  	[sflag:s9] =	ssyncset.done $0x0  }
0x86: {  	[sflag:s9] =	ssyncadd.s32 $0xFFFFC000  }
0x87: {  	[hbm4b:s23+s2] =	stream.linear.scatter [tilespmem:s7], [sflag:$0x3], $0x4000, $0x38;
	[tilespmem:$0x8400] =	vst v63  }
0x88: {  	_ =	swait.ge [sflag:s3], $0x4000  }
0x89: {  	[sflag:s3] =	ssyncset.done $0x0  }
0x8a: {  	[sflag:s3] =	ssyncadd.s32 $0xFFFFC000  }
0x8b: {  	_ =	swait.ge [sflag:s12], $0x4000  }
.Ltmp1:
0x8c: {  	[sflag:s12] =	ssyncset.done $0x0;
	(pc) =	sbr.rel @p0 .LBB2_1-.Ltmp1, $4  }
0x8d: {  	[sflag:s12] =	ssyncadd.s32 $0xFFFFC000  }
0x8e: {  	[hbm4b:s24+s2] =	stream.linear.scatter [tilespmem:s8], [sflag:$0x3], $0x4000, $0x38;
	[tilespmem:$0x8400] =	vst v63  }
0x8f: {  	_ =	swait.ge [sflag:s3], $0x4000  }
0x90: {  	[sflag:s3] =	ssyncset.done $0x0  }
.LBB2_2:
0x91: {  	[sflag:s3] =	ssyncadd.s32 $0xFFFFC000  }
0x92: {  	_ =	sfence.sel $0x180000  }
0x93: {  	[bflag:$0x0] =	sbarrier.arrive $0xFFFF  }
0x94: {  	p0 =	sne.s32 s0, $0x0;
	_ =	strace $0x9000004A  }
0x95: {  	s0 =	sadd.s32 @!p0 $0x100000, s1;
	[bflag:$0x2] =	sbarrier.arrive $0xFFFF  }
0x96: {  	[sflag:s0] =	ssyncadd.tile.s32 @!p0 $0x1;
	_ =	shalt  }
.Lfunc_end2:
_tile_overlayer_lowered:
.L_overlay_start_2:
0x97: {  	(tag) =	ssettag $0x2  }
0x98: {  	s0 =	rddreg [dreg:$0x0];
	s2 =	stileid.u32  }
0x99: {  	s1 =	rddreg [dreg:$0x1];
	p0 =	sne.s32 s2, $0x0  }
0x9a: {  	s3 =	rddreg [dreg:$0x2];
	[bflag:$0x3] =	sbarrier.arrive $0xFFFF;
	s2 =	simm.s32 @!p0 $0x1C03  }
0x9b: {  	[timem:s3], [sflag:s2] =	dma.local @!p0 [hbm:s0], s1  }
0x9c: {  	s0 =	simm.s32 @!p0 $0x3  }
0x9d: {  	_ =	swait.ge @!p0 [sflag:s0], s1  }
0x9e: {  	s1 =	ssub.s32 @!p0 $0x0, s1;
	[sflag:s0] =	ssyncset.done @!p0 $0x0  }
0x9f: {  	[sflag:s0] =	ssyncadd.s32 @!p0 s1  }
0xa0: {  	[bflag:$0x3] =	sbarrier.arrive $0xFFFF  }
0xa1: {  	_ =	shalt  }

</sc_bundles>
